<compile_context>
chip_gen: v7x
topology: tpu7x:2x2x1
jax: 0.10.2.dev20260603
libtpu: 0.0.44.dev20260713+nightly
codegen_flags: <defaults>
</compile_context>

<pallas_src>
import functools

import jax
import jax.numpy as jnp
from jax import lax
from jax.experimental import pallas as pl
from jax.experimental.pallas import tpu as pltpu
from jax.experimental.pallas import tpu_sc as plsc

N = 10000
E = 320000
G = 64
VIN = 128
EIN = 16
UIN = 16
H = 128

NW = 32
EPW = E // NW
CH = 80
NCH = EPW // CH
EPC = E // 2
ZR = 624
ZTAIL = N - 16 * ZR


def _tables_body(x_ref, u_ref, batch_ref, We1_ref, be1_ref, P2_ref, Q_ref):
    x = x_ref[...]
    A = We1_ref[0:VIN, :]
    B = We1_ref[VIN:2 * VIN, :]
    D = We1_ref[2 * VIN + EIN:, :]
    uD = jnp.dot(u_ref[...], D, preferred_element_type=jnp.float32)
    gid = lax.broadcasted_iota(jnp.int32, (N, G), 1)
    onehot = (batch_ref[...] == gid).astype(jnp.float32)
    P2_ref[...] = (jnp.dot(x, A, preferred_element_type=jnp.float32)
                   + jnp.dot(onehot, uD, preferred_element_type=jnp.float32)
                   + be1_ref[...])
    Q_ref[...] = jnp.dot(x, B, preferred_element_type=jnp.float32)


def _node_tables(x, u, batch_col, We1, be1_row):
    return pl.pallas_call(
        _tables_body,
        out_shape=(jax.ShapeDtypeStruct((N, H), jnp.float32),
                   jax.ShapeDtypeStruct((N, H), jnp.float32)),
    )(x, u, batch_col, We1, be1_row)


def _gather_body(P2_hbm, Q_hbm, src_hbm, dst_hbm, out_hbm,
                 sidx, didx, bufA, bufB, semA, semB, semO):
    wid = lax.axis_index("s") * 2 + lax.axis_index("c")
    base = wid * EPW
    pltpu.sync_copy(src_hbm.at[pl.ds(base, EPW)], sidx)
    pltpu.sync_copy(dst_hbm.at[pl.ds(base, EPW)], didx)

    def start(i, b):
        pltpu.async_copy(P2_hbm.at[sidx.at[pl.ds(i * CH, CH)]], bufA[b],
                         semA[b])
        pltpu.async_copy(Q_hbm.at[didx.at[pl.ds(i * CH, CH)]], bufB[b],
                         semB[b])

    def finish(i, b):
        pltpu.make_async_copy(P2_hbm.at[sidx.at[pl.ds(i * CH, CH)]], bufA[b],
                              semA[b]).wait()
        pltpu.make_async_copy(Q_hbm.at[didx.at[pl.ds(i * CH, CH)]], bufB[b],
                              semB[b]).wait()

        def add_row(r2, c2):
            for rr in range(2):
                r = r2 * 2 + rr
                for k in range(H // 16):
                    v = bufB[b][r, pl.ds(k * 16, 16)]
                    plsc.addupdate(bufA[b].at[r, pl.ds(k * 16, 16)], v)
            return c2

        lax.fori_loop(0, CH // 2, add_row, 0)
        pltpu.async_copy(bufA[b], out_hbm.at[pl.ds(base + i * CH, CH)],
                         semO[b])

    def wait_out(i, b):
        pltpu.make_async_copy(
            bufA[b], out_hbm.at[pl.ds(base + i * CH, CH)], semO[b]).wait()

    start(0, 0)
    start(1, 1)
    start(2, 2)

    def triple(jj, carry):
        i = 3 * jj
        finish(i, 0)
        finish(i + 1, 1)
        finish(i + 2, 2)
        for b in range(3):
            @pl.when(i + 3 + b < NCH)
            def _():
                wait_out(i + b, b)
                start(i + 3 + b, b)
        return carry

    lax.fori_loop(0, NCH // 3, triple, 0)
    wait_out(NCH - 3, 2)
    finish(NCH - 2, 0)
    finish(NCH - 1, 1)
    wait_out(NCH - 2, 0)
    wait_out(NCH - 1, 1)


def _edge_gather(P2, Q, src, dst):
    mesh = plsc.VectorSubcoreMesh(core_axis_name="c", subcore_axis_name="s")
    return pl.kernel(
        _gather_body,
        out_type=jax.ShapeDtypeStruct((E, H), jnp.float32),
        mesh=mesh,
        scratch_types=[
            pltpu.VMEM((EPW,), jnp.int32),
            pltpu.VMEM((EPW,), jnp.int32),
            [pltpu.VMEM((CH, H), jnp.float32)] * 3,
            [pltpu.VMEM((CH, H), jnp.float32)] * 3,
            [pltpu.SemaphoreType.DMA] * 3,
            [pltpu.SemaphoreType.DMA] * 3,
            [pltpu.SemaphoreType.DMA] * 3,
        ],
    )(P2, Q, src, dst)


EBLK = 2000


def _edge_mlp_body(pre_ref, ea_ref, C_ref, We2_ref, be2_ref, eh_ref):
    h = jnp.maximum(
        pre_ref[...] + jnp.dot(ea_ref[...], C_ref[...],
                               preferred_element_type=jnp.float32), 0.0)
    eh_ref[...] = (jnp.dot(h, We2_ref[...], preferred_element_type=jnp.float32)
                   + be2_ref[...])


def _edge_mlp(pre, edge_attr, C, We2, be2_row):
    nblk = E // EBLK
    return pl.pallas_call(
        _edge_mlp_body,
        grid=(nblk,),
        in_specs=[
            pl.BlockSpec((EBLK, H), lambda i: (i, 0)),
            pl.BlockSpec((EBLK, EIN), lambda i: (i, 0)),
            pl.BlockSpec((EIN, H), lambda i: (0, 0)),
            pl.BlockSpec((H, H), lambda i: (0, 0)),
            pl.BlockSpec((1, H), lambda i: (0, 0)),
        ],
        out_specs=pl.BlockSpec((EBLK, H), lambda i: (i, 0)),
        out_shape=jax.ShapeDtypeStruct((E, H), jnp.float32),
    )(pre, edge_attr, C, We2, be2_row)


def _scatter_body(eh_hbm, dst3_hbm, out_hbm, didx, rows, shared, semR, semS):
    cid = lax.axis_index("c")
    sid = lax.axis_index("s")
    wid = cid * 16 + sid
    base = cid * EPC + sid * EPW
    pltpu.sync_copy(dst3_hbm.at[wid], didx)

    def zero_row(r, c2):
        for k in range(H // 16):
            rows[0][r, pl.ds(k * 16, 16)] = jnp.zeros((16,), jnp.float32)
        return c2

    lax.fori_loop(0, CH, zero_row, 0)
    for z in range(ZR // CH):
        pltpu.sync_copy(rows[0], shared.at[pl.ds(sid * ZR + z * CH, CH)])
    pltpu.sync_copy(rows[0].at[pl.ds(0, ZR % CH)],
                    shared.at[pl.ds(sid * ZR + (ZR // CH) * CH, ZR % CH)])

    @pl.when(sid == 15)
    def _():
        pltpu.sync_copy(rows[0].at[pl.ds(0, ZTAIL)],
                        shared.at[pl.ds(16 * ZR, ZTAIL)])

    plsc.subcore_barrier()

    def start(i, b):
        pltpu.async_copy(eh_hbm.at[pl.ds(base + i * CH, CH)], rows[b],
                         semR[b])

    def finish(i, b):
        pltpu.make_async_copy(eh_hbm.at[pl.ds(base + i * CH, CH)], rows[b],
                              semR[b]).wait()
        pltpu.async_copy(rows[b], shared.at[didx.at[i]], semS[b], add=True)

    def wait_scat(i, b):
        pltpu.make_async_copy(rows[b], shared.at[didx.at[i]],
                              semS[b]).wait()

    start(0, 0)
    start(1, 1)

    def pair(jj, carry):
        i = 2 * jj
        finish(i, 0)
        finish(i + 1, 1)

        @pl.when(jj < NCH // 2 - 1)
        def _():
            wait_scat(i, 0)
            start(i + 2, 0)
            wait_scat(i + 1, 1)
            start(i + 3, 1)

        return carry

    lax.fori_loop(0, NCH // 2, pair, 0)
    wait_scat(NCH - 3, 0)
    start(NCH - 1, 0)
    wait_scat(NCH - 2, 1)
    finish(NCH - 1, 0)
    wait_scat(NCH - 1, 0)

    plsc.subcore_barrier()
    pltpu.sync_copy(shared.at[pl.ds(sid * ZR, ZR)],
                    out_hbm.at[cid, pl.ds(sid * ZR, ZR)])

    @pl.when(sid == 15)
    def _():
        pltpu.sync_copy(shared.at[pl.ds(16 * ZR, ZTAIL)],
                        out_hbm.at[cid, pl.ds(16 * ZR, ZTAIL)])


def _edge_scatter(e_h, dst3):
    mesh = plsc.VectorSubcoreMesh(core_axis_name="c", subcore_axis_name="s")
    return pl.kernel(
        _scatter_body,
        out_type=jax.ShapeDtypeStruct((2, N, H), jnp.float32),
        mesh=mesh,
        scratch_types=[
            pltpu.VMEM((NCH, CH), jnp.int32),
            [pltpu.VMEM((CH, H), jnp.float32)] * 2,
            pltpu.VMEM_SHARED((N, H), jnp.float32),
            [pltpu.SemaphoreType.DMA] * 2,
            [pltpu.SemaphoreType.DMA] * 2,
        ],
    )(e_h, dst3)


DROWS = 160
DCOLS = E // DROWS


def _dot_nt(a, b):
    return lax.dot_general(a, b, (((1,), (1,)), ((), ())),
                           preferred_element_type=jnp.float32)


def _node_global_body(x_ref, u_ref, bcol_ref, brow_ref, aggp_ref, dfl_ref,
                      Mk_ref, Mv_ref, Wn1_ref, bn1_ref, Wn2_ref, bn2_ref,
                      Wg1_ref, bg1_ref, Wg2_ref, bg2_ref,
                      node_out_ref, u_out_ref):
    f32 = jnp.float32
    x = x_ref[...]
    u = u_ref[...]
    agg = aggp_ref[0] + aggp_ref[1]

    gid = lax.broadcasted_iota(jnp.int32, (N, G), 1)
    onehot = (bcol_ref[...] == gid).astype(f32)
    ub = jnp.dot(onehot, u, preferred_element_type=f32)

    logits = (_dot_nt(x, Mk_ref[:, 0:VIN])
              + _dot_nt(agg, Mk_ref[:, VIN:2 * VIN])
              + _dot_nt(ub, Mk_ref[:, 2 * VIN:]))
    m = jnp.max(logits, axis=0, keepdims=True)
    ex = jnp.exp(logits - m)
    attn = ex / jnp.sum(ex, axis=0, keepdims=True)
    attn = attn / jnp.sum(attn, axis=1, keepdims=True)
    attn_out = jnp.dot(attn, Mv_ref[...], preferred_element_type=f32)
    node_out = (jnp.dot(
        jnp.maximum(jnp.dot(attn_out, Wn1_ref[...], preferred_element_type=f32)
                    + bn1_ref[...], 0.0),
        Wn2_ref[...], preferred_element_type=f32) + bn2_ref[...])
    node_out_ref[...] = node_out

    nid = lax.broadcasted_iota(jnp.int32, (G, N), 0)
    onehotT = (nid == brow_ref[...]).astype(f32)
    node_cnt = jnp.sum(onehotT, axis=1, keepdims=True)
    node_agg = (jnp.dot(onehotT, node_out, preferred_element_type=f32)
                / jnp.maximum(node_cnt, 1.0))
    edge_agg_num = jnp.dot(onehotT, agg, preferred_element_type=f32)

    i72 = lax.broadcasted_iota(jnp.int32, (72, G), 0)
    j64 = lax.broadcasted_iota(jnp.int32, (72, G), 1)
    tri = (j64 < i72).astype(f32)
    starts = jnp.dot(tri, node_cnt, preferred_element_type=f32)

    acc = jnp.zeros((72, DCOLS), f32)
    for r in range(DROWS):
        drow = dfl_ref[pl.ds(r, 1), :]
        acc = acc + (drow < starts).astype(f32)
    F = jnp.sum(acc, axis=1, keepdims=True)
    edge_cnt = F[1:G + 1, :] - F[0:G, :]
    edge_agg = edge_agg_num / jnp.maximum(edge_cnt, 1.0)

    gcat = (jnp.dot(u, Wg1_ref[0:UIN, :], preferred_element_type=f32)
            + jnp.dot(node_agg, Wg1_ref[UIN:UIN + H, :], preferred_element_type=f32)
            + jnp.dot(edge_agg, Wg1_ref[UIN + H:, :], preferred_element_type=f32)
            + bg1_ref[...])
    u_out_ref[...] = (jnp.dot(jnp.maximum(gcat, 0.0), Wg2_ref[...],
                              preferred_element_type=f32) + bg2_ref[...])


def _node_global(x, u, batch_col, batch_row, aggp, dfl, Mk, Mv,
                 Wn1, bn1_row, Wn2, bn2_row, Wg1, bg1_row, Wg2, bg2_row):
    return pl.pallas_call(
        _node_global_body,
        out_shape=(jax.ShapeDtypeStruct((N, H), jnp.float32),
                   jax.ShapeDtypeStruct((G, H), jnp.float32)),
    )(x, u, batch_col, batch_row, aggp, dfl, Mk, Mv,
      Wn1, bn1_row, Wn2, bn2_row, Wg1, bg1_row, Wg2, bg2_row)


def kernel(x, edge_index, edge_attr, u, batch, We1, be1, We2, be2, Mk, Mv,
           Wn1, bn1, Wn2, bn2, Wg1, bg1, Wg2, bg2):
    src = edge_index[0]
    dst = edge_index[1]
    dst3 = dst.reshape(NW, NCH, CH)
    batch_col = batch.reshape(N, 1)
    batch_row = batch.reshape(1, N)
    dfl = dst.astype(jnp.float32).reshape(DROWS, DCOLS)

    P2, Q = _node_tables(x, u, batch_col, We1, be1.reshape(1, H))
    pre = _edge_gather(P2, Q, src, dst)
    e_h = _edge_mlp(pre, edge_attr, We1[2 * VIN:2 * VIN + EIN],
                    We2, be2.reshape(1, H))
    aggp = _edge_scatter(e_h, dst3)
    node_out, u_out = _node_global(
        x, u, batch_col, batch_row, aggp, dfl, Mk, Mv,
        Wn1, bn1.reshape(1, H), Wn2, bn2.reshape(1, H),
        Wg1, bg1.reshape(1, H), Wg2, bg2.reshape(1, H))
    return node_out, e_h, u_out

# --- scband reference (transcript-rebuilt; emitter-appended) ---
"""Pipeline reference for scband-ghgeat-no-gh-75471165325601 (READ-ONLY COPY).

The authoritative reference and input builder live on the scoring server;
editing this copy changes nothing except your own understanding.
"""

import jax, jax.numpy as jnp
import numpy as np

N = 10000
E = 320000
G = 64
VIN = 128
EIN = 16
UIN = 16
H = 128
MEM = 128


def _lin_init(key, fan_in, fan_out):
    k1, k2 = jax.random.split(key)
    s = 1.0 / np.sqrt(fan_in)
    W = jax.random.uniform(k1, (fan_in, fan_out), jnp.float32, -s, s)
    b = jax.random.uniform(k2, (fan_out,), jnp.float32, -s, s)
    return W, b


def setup_inputs(seed: int = 0) -> dict:
    key = jax.random.key(seed)
    ks = jax.random.split(key, 16)
    x = jax.random.normal(ks[0], (N, VIN), jnp.float32)
    edge_index = jax.random.randint(ks[1], (2, E), 0, N)
    edge_attr = jax.random.normal(ks[2], (E, EIN), jnp.float32)
    u = jax.random.normal(ks[3], (G, UIN), jnp.float32)
    batch = jnp.sort(jax.random.randint(ks[4], (N,), 0, G))
    d_edge_in = 2 * VIN + EIN + UIN  # 288
    d_comb = VIN + H + UIN           # 272 == 2*H + UIN since VIN == H
    We1, be1 = _lin_init(ks[5], d_edge_in, H)
    We2, be2 = _lin_init(ks[6], H, H)
    Mk = jax.random.normal(ks[7], (MEM, 2 * H + UIN), jnp.float32)
    Mv = jax.random.normal(ks[8], (MEM, 2 * H + UIN), jnp.float32)
    Wn1, bn1 = _lin_init(ks[9], d_comb, H)
    Wn2, bn2 = _lin_init(ks[10], H, H)
    Wg1, bg1 = _lin_init(ks[11], UIN + 2 * H, H)
    Wg2, bg2 = _lin_init(ks[12], H, H)
    return {"x": x, "edge_index": edge_index, "edge_attr": edge_attr, "u": u, "batch": batch,
            "We1": We1, "be1": be1, "We2": We2, "be2": be2,
            "Mk": Mk, "Mv": Mv,
            "Wn1": Wn1, "bn1": bn1, "Wn2": Wn2, "bn2": bn2,
            "Wg1": Wg1, "bg1": bg1, "Wg2": Wg2, "bg2": bg2}


def reference(x, edge_index, edge_attr, u, batch,
              We1, be1, We2, be2, Mk, Mv,
              Wn1, bn1, Wn2, bn2, Wg1, bg1, Wg2, bg2):
    src = edge_index[0]
    dst = edge_index[1]
    # --- EdgeModel ---
    e_batch = batch[src]
    e_in = jnp.concatenate([x[src], x[dst], edge_attr, u[e_batch]], axis=1)
    e_h = jax.nn.relu(e_in @ We1 + be1) @ We2 + be2
    # --- NodeModel (attention_weight >= 1.0 path) ---
    agg = jax.ops.segment_sum(e_h, dst, num_segments=N)
    combined = jnp.concatenate([x, agg, u[batch]], axis=1)
    attn = combined @ Mk.T                      # [N, MEM]
    attn = jax.nn.softmax(attn, axis=0)         # torch softmax(dim=1) on [1,N,MEM]
    attn = attn / jnp.sum(attn, axis=1, keepdims=True)
    attn_out = attn @ Mv                        # [N, 2H+UIN]
    node_out = jax.nn.relu(attn_out @ Wn1 + bn1) @ Wn2 + bn2
    # --- GlobalModel ---
    node_cnt = jax.ops.segment_sum(jnp.ones((N,), jnp.float32), batch, num_segments=G)
    node_agg = jax.ops.segment_sum(node_out, batch, num_segments=G) / jnp.clip(node_cnt, 1.0)[:, None]
    e_seg = batch[dst]
    edge_cnt = jax.ops.segment_sum(jnp.ones((E,), jnp.float32), e_seg, num_segments=G)
    edge_agg = jax.ops.segment_sum(e_h, e_seg, num_segments=G) / jnp.clip(edge_cnt, 1.0)[:, None]
    gcat = jnp.concatenate([u, node_agg, edge_agg], axis=1)
    u_out = jax.nn.relu(gcat @ Wg1 + bg1) @ Wg2 + bg2
    return node_out, e_h, u_out

if __name__ == "__main__":
    import jax
    _d = setup_inputs()
    print(jax.jit(kernel)(*tuple(_d.values())))

</pallas_src>

<mosaic_0001>
#map = affine_map<(d0, d1) -> (0, 0)>
#map1 = affine_map<(d0, d1) -> (0, 0, 0)>
module attributes {stable_mosaic.version = 14 : i64} {
  func.func @_scatter_body(%arg0: i32, %arg1: i32, %arg2: memref<320000x128xf32, #tpu.memory_space<hbm>>, %arg3: memref<32x125x80xi32, #tpu.memory_space<hbm>>, %arg4: memref<2x10000x128xf32, #tpu.memory_space<hbm>>, %arg5: memref<125x80xi32, #tpu.memory_space<vmem>>, %arg6: memref<80x128xf32, #tpu.memory_space<vmem>>, %arg7: memref<80x128xf32, #tpu.memory_space<vmem>>, %arg8: memref<10000x128xf32, #tpu.memory_space<vmem_shared>>, %arg9: memref<!tpu.dma_semaphore, #tpu.memory_space<semaphore_mem>>, %arg10: memref<!tpu.dma_semaphore, #tpu.memory_space<semaphore_mem>>, %arg11: memref<!tpu.dma_semaphore, #tpu.memory_space<semaphore_mem>>, %arg12: memref<!tpu.dma_semaphore, #tpu.memory_space<semaphore_mem>>) attributes {dimension_semantics = [#tpu.dimension_semantics<core_parallel>, #tpu.dimension_semantics<subcore_parallel>], iteration_bounds = array<i64: 2, 16>, scalar_prefetch = 0 : i64, scratch_operands = 8 : i64, tpu.core_type = #tpu.core_type<sc_vector_subcore>, window_params = [{transform_indices = #map}, {transform_indices = #map1}, {transform_indices = #map1}]} {
    %mul3A = arith.constant 16 : i32
    %mul3A_0 = arith.muli %arg0, %mul3A : i32
    %add3A = arith.addi %mul3A_0, %arg1 : i32
    %mul3A_1 = arith.constant 160000 : i32
    %mul3A_2 = arith.muli %arg0, %mul3A_1 : i32
    %mul3A_3 = arith.constant 10000 : i32
    %mul3A_4 = arith.muli %arg1, %mul3A_3 : i32
    %add3A_5 = arith.addi %mul3A_2, %mul3A_4 : i32
    "tpu.region"() ({
      %run_scoped3A = tpu.sem_alloc : memref<!tpu.dma_semaphore, #tpu.memory_space<semaphore_mem>>
      %dma_start3A_111 = arith.constant 0 : i32
      %dma_start3A_112 = arith.constant 0 : i32
      %dma_start3A_113 = tpu.memref_slice %arg3[%add3A, %dma_start3A_111, %dma_start3A_112] : memref<32x125x80xi32, #tpu.memory_space<hbm>> -> memref<1x125x80xi32, #tpu.memory_space<hbm>>
      %dma_start3A_114 = tpu.memref_squeeze %dma_start3A_113 : memref<1x125x80xi32, #tpu.memory_space<hbm>> -> memref<125x80xi32, #tpu.memory_space<hbm>>
      %dma_start3A_115 = arith.constant 0 : i32
      %dma_start3A_116 = arith.constant 0 : i32
      %dma_start3A_117 = tpu.memref_slice %arg3[%add3A, %dma_start3A_115, %dma_start3A_116] : memref<32x125x80xi32, #tpu.memory_space<hbm>> -> memref<1x125x80xi32, #tpu.memory_space<hbm>>
      %dma_start3A_118 = tpu.memref_squeeze %dma_start3A_117 : memref<1x125x80xi32, #tpu.memory_space<hbm>> -> memref<125x80xi32, #tpu.memory_space<hbm>>
      tpu.enqueue_dma source(%dma_start3A_118 : memref<125x80xi32, #tpu.memory_space<hbm>>) target(%arg5 : memref<125x80xi32, #tpu.memory_space<vmem>>) target_semaphore(%run_scoped3A : memref<!tpu.dma_semaphore, #tpu.memory_space<semaphore_mem>>)
      %dma_wait3A_119 = arith.constant 0 : i32
      %dma_wait3A_120 = arith.constant 0 : i32
      %dma_wait3A_121 = tpu.memref_slice %arg3[%add3A, %dma_wait3A_119, %dma_wait3A_120] : memref<32x125x80xi32, #tpu.memory_space<hbm>> -> memref<1x125x80xi32, #tpu.memory_space<hbm>>
      %dma_wait3A_122 = tpu.memref_squeeze %dma_wait3A_121 : memref<1x125x80xi32, #tpu.memory_space<hbm>> -> memref<125x80xi32, #tpu.memory_space<hbm>>
      %dma_wait3A_123 = arith.constant 0 : i32
      %dma_wait3A_124 = arith.constant 0 : i32
      %dma_wait3A_125 = tpu.memref_slice %arg3[%add3A, %dma_wait3A_123, %dma_wait3A_124] : memref<32x125x80xi32, #tpu.memory_space<hbm>> -> memref<1x125x80xi32, #tpu.memory_space<hbm>>
      %dma_wait3A_126 = tpu.memref_squeeze %dma_wait3A_125 : memref<1x125x80xi32, #tpu.memory_space<hbm>> -> memref<125x80xi32, #tpu.memory_space<hbm>>
      tpu.wait_dma2 semaphore(%run_scoped3A : memref<!tpu.dma_semaphore, #tpu.memory_space<semaphore_mem>>) src(%dma_wait3A_126 : memref<125x80xi32, #tpu.memory_space<hbm>>) dst(%arg5 : memref<125x80xi32, #tpu.memory_space<vmem>>)
      tpu.yield
    }) : () -> ()
    %scan3A = arith.constant 0 : i32
    %scan3A_6 = arith.constant 0 : i32
    %scan3A_7 = arith.constant 80 : i32
    %scan3A_8 = arith.addi %scan3A_6, %scan3A_7 : i32
    %scan3A_9 = arith.constant 1 : i32
    scf.for %scan3A_111 = %scan3A_6 to %scan3A_8 step %scan3A_9  : i32 {
      %broadcast_in_dim3A = arith.constant 0.000000e+00 : f32
      %broadcast_in_dim3A_112 = vector.broadcast %broadcast_in_dim3A : f32 to vector<16xf32>
      %swap3A = arith.index_cast %scan3A_111 : i32 to index
      %swap3A_113 = arith.constant 0 : index
      %swap3A_114 = tpu.vector_load %arg6[%swap3A, %swap3A_113] {strides = array<i32>} : memref<80x128xf32, #tpu.memory_space<vmem>>, vector<1x16xf32>,
      %swap3A_115 = vector.shape_cast %swap3A_114 : vector<1x16xf32> to vector<16xf32>
      %swap3A_116 = vector.shape_cast %broadcast_in_dim3A_112 : vector<16xf32> to vector<1x16xf32>
      tpu.vector_store %arg6[%swap3A, %swap3A_113], %swap3A_116 {strides = array<i32>} : memref<80x128xf32, #tpu.memory_space<vmem>>, vector<1x16xf32>,
      %broadcast_in_dim3A_117 = arith.constant 0.000000e+00 : f32
      %broadcast_in_dim3A_118 = vector.broadcast %broadcast_in_dim3A_117 : f32 to vector<16xf32>
      %swap3A_119 = arith.index_cast %scan3A_111 : i32 to index
      %swap3A_120 = arith.constant 16 : index
      %swap3A_121 = tpu.vector_load %arg6[%swap3A_119, %swap3A_120] {strides = array<i32>} : memref<80x128xf32, #tpu.memory_space<vmem>>, vector<1x16xf32>,
      %swap3A_122 = vector.shape_cast %swap3A_121 : vector<1x16xf32> to vector<16xf32>
      %swap3A_123 = vector.shape_cast %broadcast_in_dim3A_118 : vector<16xf32> to vector<1x16xf32>
      tpu.vector_store %arg6[%swap3A_119, %swap3A_120], %swap3A_123 {strides = array<i32>} : memref<80x128xf32, #tpu.memory_space<vmem>>, vector<1x16xf32>,
      %broadcast_in_dim3A_124 = arith.constant 0.000000e+00 : f32
      %broadcast_in_dim3A_125 = vector.broadcast %broadcast_in_dim3A_124 : f32 to vector<16xf32>
      %swap3A_126 = arith.index_cast %scan3A_111 : i32 to index
      %swap3A_127 = arith.constant 32 : index
      %swap3A_128 = tpu.vector_load %arg6[%swap3A_126, %swap3A_127] {strides = array<i32>} : memref<80x128xf32, #tpu.memory_space<vmem>>, vector<1x16xf32>,
      %swap3A_129 = vector.shape_cast %swap3A_128 : vector<1x16xf32> to vector<16xf32>
      %swap3A_130 = vector.shape_cast %broadcast_in_dim3A_125 : vector<16xf32> to vector<1x16xf32>
      tpu.vector_store %arg6[%swap3A_126, %swap3A_127], %swap3A_130 {strides = array<i32>} : memref<80x128xf32, #tpu.memory_space<vmem>>, vector<1x16xf32>,
      %broadcast_in_dim3A_131 = arith.constant 0.000000e+00 : f32
      %broadcast_in_dim3A_132 = vector.broadcast %broadcast_in_dim3A_131 : f32 to vector<16xf32>
      %swap3A_133 = arith.index_cast %scan3A_111 : i32 to index
      %swap3A_134 = arith.constant 48 : index
      %swap3A_135 = tpu.vector_load %arg6[%swap3A_133, %swap3A_134] {strides = array<i32>} : memref<80x128xf32, #tpu.memory_space<vmem>>, vector<1x16xf32>,
      %swap3A_136 = vector.shape_cast %swap3A_135 : vector<1x16xf32> to vector<16xf32>
      %swap3A_137 = vector.shape_cast %broadcast_in_dim3A_132 : vector<16xf32> to vector<1x16xf32>
      tpu.vector_store %arg6[%swap3A_133, %swap3A_134], %swap3A_137 {strides = array<i32>} : memref<80x128xf32, #tpu.memory_space<vmem>>, vector<1x16xf32>,
      %broadcast_in_dim3A_138 = arith.constant 0.000000e+00 : f32
      %broadcast_in_dim3A_139 = vector.broadcast %broadcast_in_dim3A_138 : f32 to vector<16xf32>
      %swap3A_140 = arith.index_cast %scan3A_111 : i32 to index
      %swap3A_141 = arith.constant 64 : index
      %swap3A_142 = tpu.vector_load %arg6[%swap3A_140, %swap3A_141] {strides = array<i32>} : memref<80x128xf32, #tpu.memory_space<vmem>>, vector<1x16xf32>,
      %swap3A_143 = vector.shape_cast %swap3A_142 : vector<1x16xf32> to vector<16xf32>
      %swap3A_144 = vector.shape_cast %broadcast_in_dim3A_139 : vector<16xf32> to vector<1x16xf32>
      tpu.vector_store %arg6[%swap3A_140, %swap3A_141], %swap3A_144 {strides = array<i32>} : memref<80x128xf32, #tpu.memory_space<vmem>>, vector<1x16xf32>,
      %broadcast_in_dim3A_145 = arith.constant 0.000000e+00 : f32
      %broadcast_in_dim3A_146 = vector.broadcast %broadcast_in_dim3A_145 : f32 to vector<16xf32>
      %swap3A_147 = arith.index_cast %scan3A_111 : i32 to index
      %swap3A_148 = arith.constant 80 : index
      %swap3A_149 = tpu.vector_load %arg6[%swap3A_147, %swap3A_148] {strides = array<i32>} : memref<80x128xf32, #tpu.memory_space<vmem>>, vector<1x16xf32>,
      %swap3A_150 = vector.shape_cast %swap3A_149 : vector<1x16xf32> to vector<16xf32>
      %swap3A_151 = vector.shape_cast %broadcast_in_dim3A_146 : vector<16xf32> to vector<1x16xf32>
      tpu.vector_store %arg6[%swap3A_147, %swap3A_148], %swap3A_151 {strides = array<i32>} : memref<80x128xf32, #tpu.memory_space<vmem>>, vector<1x16xf32>,
      %broadcast_in_dim3A_152 = arith.constant 0.000000e+00 : f32
      %broadcast_in_dim3A_153 = vector.broadcast %broadcast_in_dim3A_152 : f32 to vector<16xf32>
      %swap3A_154 = arith.index_cast %scan3A_111 : i32 to index
      %swap3A_155 = arith.constant 96 : index
      %swap3A_156 = tpu.vector_load %arg6[%swap3A_154, %swap3A_155] {strides = array<i32>} : memref<80x128xf32, #tpu.memory_space<vmem>>, vector<1x16xf32>,
      %swap3A_157 = vector.shape_cast %swap3A_156 : vector<1x16xf32> to vector<16xf32>
      %swap3A_158 = vector.shape_cast %broadcast_in_dim3A_153 : vector<16xf32> to vector<1x16xf32>
      tpu.vector_store %arg6[%swap3A_154, %swap3A_155], %swap3A_158 {strides = array<i32>} : memref<80x128xf32, #tpu.memory_space<vmem>>, vector<1x16xf32>,
      %broadcast_in_dim3A_159 = arith.constant 0.000000e+00 : f32
      %broadcast_in_dim3A_160 = vector.broadcast %broadcast_in_dim3A_159 : f32 to vector<16xf32>
      %swap3A_161 = arith.index_cast %scan3A_111 : i32 to index
      %swap3A_162 = arith.constant 112 : index
      %swap3A_163 = tpu.vector_load %arg6[%swap3A_161, %swap3A_162] {strides = array<i32>} : memref<80x128xf32, #tpu.memory_space<vmem>>, vector<1x16xf32>,
      %swap3A_164 = vector.shape_cast %swap3A_163 : vector<1x16xf32> to vector<16xf32>
      %swap3A_165 = vector.shape_cast %broadcast_in_dim3A_160 : vector<16xf32> to vector<1x16xf32>
      tpu.vector_store %arg6[%swap3A_161, %swap3A_162], %swap3A_165 {strides = array<i32>} : memref<80x128xf32, #tpu.memory_space<vmem>>, vector<1x16xf32>,
    }
    %scan3A_10 = arith.constant 80 : i32
    %mul3A_11 = arith.constant 624 : i32
    %mul3A_12 = arith.muli %arg1, %mul3A_11 : i32
    %add3A_13 = arith.constant 0 : i32
    %add3A_14 = arith.addi %mul3A_12, %add3A_13 : i32
    "tpu.region"() ({
      %run_scoped3A = tpu.sem_alloc : memref<!tpu.dma_semaphore, #tpu.memory_space<semaphore_mem>>
      %dma_start3A_111 = arith.constant 0 : i32
      %dma_start3A_112 = tpu.memref_slice %arg8[%add3A_14, %dma_start3A_111] : memref<10000x128xf32, #tpu.memory_space<vmem_shared>> -> memref<80x128xf32, #tpu.memory_space<vmem_shared>>
      %dma_start3A_113 = arith.constant 0 : i32
      %dma_start3A_114 = tpu.memref_slice %arg8[%add3A_14, %dma_start3A_113] : memref<10000x128xf32, #tpu.memory_space<vmem_shared>> -> memref<80x128xf32, #tpu.memory_space<vmem_shared>>
      tpu.enqueue_dma source(%arg6 : memref<80x128xf32, #tpu.memory_space<vmem>>) target(%dma_start3A_114 : memref<80x128xf32, #tpu.memory_space<vmem_shared>>) target_semaphore(%run_scoped3A : memref<!tpu.dma_semaphore, #tpu.memory_space<semaphore_mem>>)
      %dma_wait3A_115 = arith.constant 0 : i32
      %dma_wait3A_116 = tpu.memref_slice %arg8[%add3A_14, %dma_wait3A_115] : memref<10000x128xf32, #tpu.memory_space<vmem_shared>> -> memref<80x128xf32, #tpu.memory_space<vmem_shared>>
      %dma_wait3A_117 = arith.constant 0 : i32
      %dma_wait3A_118 = tpu.memref_slice %arg8[%add3A_14, %dma_wait3A_117] : memref<10000x128xf32, #tpu.memory_space<vmem_shared>> -> memref<80x128xf32, #tpu.memory_space<vmem_shared>>
      tpu.wait_dma2 semaphore(%run_scoped3A : memref<!tpu.dma_semaphore, #tpu.memory_space<semaphore_mem>>) src(%arg6 : memref<80x128xf32, #tpu.memory_space<vmem>>) dst(%dma_wait3A_118 : memref<80x128xf32, #tpu.memory_space<vmem_shared>>)
      tpu.yield
    }) : () -> ()
    %mul3A_15 = arith.constant 624 : i32
    %mul3A_16 = arith.muli %arg1, %mul3A_15 : i32
    %add3A_17 = arith.constant 80 : i32
    %add3A_18 = arith.addi %mul3A_16, %add3A_17 : i32
    "tpu.region"() ({
      %run_scoped3A = tpu.sem_alloc : memref<!tpu.dma_semaphore, #tpu.memory_space<semaphore_mem>>
      %dma_start3A_111 = arith.constant 0 : i32
      %dma_start3A_112 = tpu.memref_slice %arg8[%add3A_18, %dma_start3A_111] : memref<10000x128xf32, #tpu.memory_space<vmem_shared>> -> memref<80x128xf32, #tpu.memory_space<vmem_shared>>
      %dma_start3A_113 = arith.constant 0 : i32
      %dma_start3A_114 = tpu.memref_slice %arg8[%add3A_18, %dma_start3A_113] : memref<10000x128xf32, #tpu.memory_space<vmem_shared>> -> memref<80x128xf32, #tpu.memory_space<vmem_shared>>
      tpu.enqueue_dma source(%arg6 : memref<80x128xf32, #tpu.memory_space<vmem>>) target(%dma_start3A_114 : memref<80x128xf32, #tpu.memory_space<vmem_shared>>) target_semaphore(%run_scoped3A : memref<!tpu.dma_semaphore, #tpu.memory_space<semaphore_mem>>)
      %dma_wait3A_115 = arith.constant 0 : i32
      %dma_wait3A_116 = tpu.memref_slice %arg8[%add3A_18, %dma_wait3A_115] : memref<10000x128xf32, #tpu.memory_space<vmem_shared>> -> memref<80x128xf32, #tpu.memory_space<vmem_shared>>
      %dma_wait3A_117 = arith.constant 0 : i32
      %dma_wait3A_118 = tpu.memref_slice %arg8[%add3A_18, %dma_wait3A_117] : memref<10000x128xf32, #tpu.memory_space<vmem_shared>> -> memref<80x128xf32, #tpu.memory_space<vmem_shared>>
      tpu.wait_dma2 semaphore(%run_scoped3A : memref<!tpu.dma_semaphore, #tpu.memory_space<semaphore_mem>>) src(%arg6 : memref<80x128xf32, #tpu.memory_space<vmem>>) dst(%dma_wait3A_118 : memref<80x128xf32, #tpu.memory_space<vmem_shared>>)
      tpu.yield
    }) : () -> ()
    %mul3A_19 = arith.constant 624 : i32
    %mul3A_20 = arith.muli %arg1, %mul3A_19 : i32
    %add3A_21 = arith.constant 160 : i32
    %add3A_22 = arith.addi %mul3A_20, %add3A_21 : i32
    "tpu.region"() ({
      %run_scoped3A = tpu.sem_alloc : memref<!tpu.dma_semaphore, #tpu.memory_space<semaphore_mem>>
      %dma_start3A_111 = arith.constant 0 : i32
      %dma_start3A_112 = tpu.memref_slice %arg8[%add3A_22, %dma_start3A_111] : memref<10000x128xf32, #tpu.memory_space<vmem_shared>> -> memref<80x128xf32, #tpu.memory_space<vmem_shared>>
      %dma_start3A_113 = arith.constant 0 : i32
      %dma_start3A_114 = tpu.memref_slice %arg8[%add3A_22, %dma_start3A_113] : memref<10000x128xf32, #tpu.memory_space<vmem_shared>> -> memref<80x128xf32, #tpu.memory_space<vmem_shared>>
      tpu.enqueue_dma source(%arg6 : memref<80x128xf32, #tpu.memory_space<vmem>>) target(%dma_start3A_114 : memref<80x128xf32, #tpu.memory_space<vmem_shared>>) target_semaphore(%run_scoped3A : memref<!tpu.dma_semaphore, #tpu.memory_space<semaphore_mem>>)
      %dma_wait3A_115 = arith.constant 0 : i32
      %dma_wait3A_116 = tpu.memref_slice %arg8[%add3A_22, %dma_wait3A_115] : memref<10000x128xf32, #tpu.memory_space<vmem_shared>> -> memref<80x128xf32, #tpu.memory_space<vmem_shared>>
      %dma_wait3A_117 = arith.constant 0 : i32
      %dma_wait3A_118 = tpu.memref_slice %arg8[%add3A_22, %dma_wait3A_117] : memref<10000x128xf32, #tpu.memory_space<vmem_shared>> -> memref<80x128xf32, #tpu.memory_space<vmem_shared>>
      tpu.wait_dma2 semaphore(%run_scoped3A : memref<!tpu.dma_semaphore, #tpu.memory_space<semaphore_mem>>) src(%arg6 : memref<80x128xf32, #tpu.memory_space<vmem>>) dst(%dma_wait3A_118 : memref<80x128xf32, #tpu.memory_space<vmem_shared>>)
      tpu.yield
    }) : () -> ()
    %mul3A_23 = arith.constant 624 : i32
    %mul3A_24 = arith.muli %arg1, %mul3A_23 : i32
    %add3A_25 = arith.constant 240 : i32
    %add3A_26 = arith.addi %mul3A_24, %add3A_25 : i32
    "tpu.region"() ({
      %run_scoped3A = tpu.sem_alloc : memref<!tpu.dma_semaphore, #tpu.memory_space<semaphore_mem>>
      %dma_start3A_111 = arith.constant 0 : i32
      %dma_start3A_112 = tpu.memref_slice %arg8[%add3A_26, %dma_start3A_111] : memref<10000x128xf32, #tpu.memory_space<vmem_shared>> -> memref<80x128xf32, #tpu.memory_space<vmem_shared>>
      %dma_start3A_113 = arith.constant 0 : i32
      %dma_start3A_114 = tpu.memref_slice %arg8[%add3A_26, %dma_start3A_113] : memref<10000x128xf32, #tpu.memory_space<vmem_shared>> -> memref<80x128xf32, #tpu.memory_space<vmem_shared>>
      tpu.enqueue_dma source(%arg6 : memref<80x128xf32, #tpu.memory_space<vmem>>) target(%dma_start3A_114 : memref<80x128xf32, #tpu.memory_space<vmem_shared>>) target_semaphore(%run_scoped3A : memref<!tpu.dma_semaphore, #tpu.memory_space<semaphore_mem>>)
      %dma_wait3A_115 = arith.constant 0 : i32
      %dma_wait3A_116 = tpu.memref_slice %arg8[%add3A_26, %dma_wait3A_115] : memref<10000x128xf32, #tpu.memory_space<vmem_shared>> -> memref<80x128xf32, #tpu.memory_space<vmem_shared>>
      %dma_wait3A_117 = arith.constant 0 : i32
      %dma_wait3A_118 = tpu.memref_slice %arg8[%add3A_26, %dma_wait3A_117] : memref<10000x128xf32, #tpu.memory_space<vmem_shared>> -> memref<80x128xf32, #tpu.memory_space<vmem_shared>>
      tpu.wait_dma2 semaphore(%run_scoped3A : memref<!tpu.dma_semaphore, #tpu.memory_space<semaphore_mem>>) src(%arg6 : memref<80x128xf32, #tpu.memory_space<vmem>>) dst(%dma_wait3A_118 : memref<80x128xf32, #tpu.memory_space<vmem_shared>>)
      tpu.yield
    }) : () -> ()
    %mul3A_27 = arith.constant 624 : i32
    %mul3A_28 = arith.muli %arg1, %mul3A_27 : i32
    %add3A_29 = arith.constant 320 : i32
    %add3A_30 = arith.addi %mul3A_28, %add3A_29 : i32
    "tpu.region"() ({
      %run_scoped3A = tpu.sem_alloc : memref<!tpu.dma_semaphore, #tpu.memory_space<semaphore_mem>>
      %dma_start3A_111 = arith.constant 0 : i32
      %dma_start3A_112 = tpu.memref_slice %arg8[%add3A_30, %dma_start3A_111] : memref<10000x128xf32, #tpu.memory_space<vmem_shared>> -> memref<80x128xf32, #tpu.memory_space<vmem_shared>>
      %dma_start3A_113 = arith.constant 0 : i32
      %dma_start3A_114 = tpu.memref_slice %arg8[%add3A_30, %dma_start3A_113] : memref<10000x128xf32, #tpu.memory_space<vmem_shared>> -> memref<80x128xf32, #tpu.memory_space<vmem_shared>>
      tpu.enqueue_dma source(%arg6 : memref<80x128xf32, #tpu.memory_space<vmem>>) target(%dma_start3A_114 : memref<80x128xf32, #tpu.memory_space<vmem_shared>>) target_semaphore(%run_scoped3A : memref<!tpu.dma_semaphore, #tpu.memory_space<semaphore_mem>>)
      %dma_wait3A_115 = arith.constant 0 : i32
      %dma_wait3A_116 = tpu.memref_slice %arg8[%add3A_30, %dma_wait3A_115] : memref<10000x128xf32, #tpu.memory_space<vmem_shared>> -> memref<80x128xf32, #tpu.memory_space<vmem_shared>>
      %dma_wait3A_117 = arith.constant 0 : i32
      %dma_wait3A_118 = tpu.memref_slice %arg8[%add3A_30, %dma_wait3A_117] : memref<10000x128xf32, #tpu.memory_space<vmem_shared>> -> memref<80x128xf32, #tpu.memory_space<vmem_shared>>
      tpu.wait_dma2 semaphore(%run_scoped3A : memref<!tpu.dma_semaphore, #tpu.memory_space<semaphore_mem>>) src(%arg6 : memref<80x128xf32, #tpu.memory_space<vmem>>) dst(%dma_wait3A_118 : memref<80x128xf32, #tpu.memory_space<vmem_shared>>)
      tpu.yield
    }) : () -> ()
    %mul3A_31 = arith.constant 624 : i32
    %mul3A_32 = arith.muli %arg1, %mul3A_31 : i32
    %add3A_33 = arith.constant 400 : i32
    %add3A_34 = arith.addi %mul3A_32, %add3A_33 : i32
    "tpu.region"() ({
      %run_scoped3A = tpu.sem_alloc : memref<!tpu.dma_semaphore, #tpu.memory_space<semaphore_mem>>
      %dma_start3A_111 = arith.constant 0 : i32
      %dma_start3A_112 = tpu.memref_slice %arg8[%add3A_34, %dma_start3A_111] : memref<10000x128xf32, #tpu.memory_space<vmem_shared>> -> memref<80x128xf32, #tpu.memory_space<vmem_shared>>
      %dma_start3A_113 = arith.constant 0 : i32
      %dma_start3A_114 = tpu.memref_slice %arg8[%add3A_34, %dma_start3A_113] : memref<10000x128xf32, #tpu.memory_space<vmem_shared>> -> memref<80x128xf32, #tpu.memory_space<vmem_shared>>
      tpu.enqueue_dma source(%arg6 : memref<80x128xf32, #tpu.memory_space<vmem>>) target(%dma_start3A_114 : memref<80x128xf32, #tpu.memory_space<vmem_shared>>) target_semaphore(%run_scoped3A : memref<!tpu.dma_semaphore, #tpu.memory_space<semaphore_mem>>)
      %dma_wait3A_115 = arith.constant 0 : i32
      %dma_wait3A_116 = tpu.memref_slice %arg8[%add3A_34, %dma_wait3A_115] : memref<10000x128xf32, #tpu.memory_space<vmem_shared>> -> memref<80x128xf32, #tpu.memory_space<vmem_shared>>
      %dma_wait3A_117 = arith.constant 0 : i32
      %dma_wait3A_118 = tpu.memref_slice %arg8[%add3A_34, %dma_wait3A_117] : memref<10000x128xf32, #tpu.memory_space<vmem_shared>> -> memref<80x128xf32, #tpu.memory_space<vmem_shared>>
      tpu.wait_dma2 semaphore(%run_scoped3A : memref<!tpu.dma_semaphore, #tpu.memory_space<semaphore_mem>>) src(%arg6 : memref<80x128xf32, #tpu.memory_space<vmem>>) dst(%dma_wait3A_118 : memref<80x128xf32, #tpu.memory_space<vmem_shared>>)
      tpu.yield
    }) : () -> ()
    %mul3A_35 = arith.constant 624 : i32
    %mul3A_36 = arith.muli %arg1, %mul3A_35 : i32
    %add3A_37 = arith.constant 480 : i32
    %add3A_38 = arith.addi %mul3A_36, %add3A_37 : i32
    "tpu.region"() ({
      %run_scoped3A = tpu.sem_alloc : memref<!tpu.dma_semaphore, #tpu.memory_space<semaphore_mem>>
      %dma_start3A_111 = arith.constant 0 : i32
      %dma_start3A_112 = tpu.memref_slice %arg8[%add3A_38, %dma_start3A_111] : memref<10000x128xf32, #tpu.memory_space<vmem_shared>> -> memref<80x128xf32, #tpu.memory_space<vmem_shared>>
      %dma_start3A_113 = arith.constant 0 : i32
      %dma_start3A_114 = tpu.memref_slice %arg8[%add3A_38, %dma_start3A_113] : memref<10000x128xf32, #tpu.memory_space<vmem_shared>> -> memref<80x128xf32, #tpu.memory_space<vmem_shared>>
      tpu.enqueue_dma source(%arg6 : memref<80x128xf32, #tpu.memory_space<vmem>>) target(%dma_start3A_114 : memref<80x128xf32, #tpu.memory_space<vmem_shared>>) target_semaphore(%run_scoped3A : memref<!tpu.dma_semaphore, #tpu.memory_space<semaphore_mem>>)
      %dma_wait3A_115 = arith.constant 0 : i32
      %dma_wait3A_116 = tpu.memref_slice %arg8[%add3A_38, %dma_wait3A_115] : memref<10000x128xf32, #tpu.memory_space<vmem_shared>> -> memref<80x128xf32, #tpu.memory_space<vmem_shared>>
      %dma_wait3A_117 = arith.constant 0 : i32
      %dma_wait3A_118 = tpu.memref_slice %arg8[%add3A_38, %dma_wait3A_117] : memref<10000x128xf32, #tpu.memory_space<vmem_shared>> -> memref<80x128xf32, #tpu.memory_space<vmem_shared>>
      tpu.wait_dma2 semaphore(%run_scoped3A : memref<!tpu.dma_semaphore, #tpu.memory_space<semaphore_mem>>) src(%arg6 : memref<80x128xf32, #tpu.memory_space<vmem>>) dst(%dma_wait3A_118 : memref<80x128xf32, #tpu.memory_space<vmem_shared>>)
      tpu.yield
    }) : () -> ()
    %mul3A_39 = arith.constant 624 : i32
    %mul3A_40 = arith.muli %arg1, %mul3A_39 : i32
    %add3A_41 = arith.constant 560 : i32
    %add3A_42 = arith.addi %mul3A_40, %add3A_41 : i32
    "tpu.region"() ({
      %run_scoped3A = tpu.sem_alloc : memref<!tpu.dma_semaphore, #tpu.memory_space<semaphore_mem>>
      %dma_start3A_111 = arith.constant 0 : i32
      %dma_start3A_112 = arith.constant 0 : i32
      %dma_start3A_113 = tpu.memref_slice %arg6[%dma_start3A_111, %dma_start3A_112] : memref<80x128xf32, #tpu.memory_space<vmem>> -> memref<64x128xf32, #tpu.memory_space<vmem>>
      %dma_start3A_114 = arith.constant 0 : i32
      %dma_start3A_115 = tpu.memref_slice %arg8[%add3A_42, %dma_start3A_114] : memref<10000x128xf32, #tpu.memory_space<vmem_shared>> -> memref<64x128xf32, #tpu.memory_space<vmem_shared>>
      %dma_start3A_116 = arith.constant 0 : i32
      %dma_start3A_117 = tpu.memref_slice %arg8[%add3A_42, %dma_start3A_116] : memref<10000x128xf32, #tpu.memory_space<vmem_shared>> -> memref<64x128xf32, #tpu.memory_space<vmem_shared>>
      %dma_start3A_118 = arith.constant 0 : i32
      %dma_start3A_119 = arith.constant 0 : i32
      %dma_start3A_120 = tpu.memref_slice %arg6[%dma_start3A_118, %dma_start3A_119] : memref<80x128xf32, #tpu.memory_space<vmem>> -> memref<64x128xf32, #tpu.memory_space<vmem>>
      tpu.enqueue_dma source(%dma_start3A_120 : memref<64x128xf32, #tpu.memory_space<vmem>>) target(%dma_start3A_117 : memref<64x128xf32, #tpu.memory_space<vmem_shared>>) target_semaphore(%run_scoped3A : memref<!tpu.dma_semaphore, #tpu.memory_space<semaphore_mem>>)
      %dma_wait3A_121 = arith.constant 0 : i32
      %dma_wait3A_122 = arith.constant 0 : i32
      %dma_wait3A_123 = tpu.memref_slice %arg6[%dma_wait3A_121, %dma_wait3A_122] : memref<80x128xf32, #tpu.memory_space<vmem>> -> memref<64x128xf32, #tpu.memory_space<vmem>>
      %dma_wait3A_124 = arith.constant 0 : i32
      %dma_wait3A_125 = tpu.memref_slice %arg8[%add3A_42, %dma_wait3A_124] : memref<10000x128xf32, #tpu.memory_space<vmem_shared>> -> memref<64x128xf32, #tpu.memory_space<vmem_shared>>
      %dma_wait3A_126 = arith.constant 0 : i32
      %dma_wait3A_127 = tpu.memref_slice %arg8[%add3A_42, %dma_wait3A_126] : memref<10000x128xf32, #tpu.memory_space<vmem_shared>> -> memref<64x128xf32, #tpu.memory_space<vmem_shared>>
      %dma_wait3A_128 = arith.constant 0 : i32
      %dma_wait3A_129 = arith.constant 0 : i32
      %dma_wait3A_130 = tpu.memref_slice %arg6[%dma_wait3A_128, %dma_wait3A_129] : memref<80x128xf32, #tpu.memory_space<vmem>> -> memref<64x128xf32, #tpu.memory_space<vmem>>
      tpu.wait_dma2 semaphore(%run_scoped3A : memref<!tpu.dma_semaphore, #tpu.memory_space<semaphore_mem>>) src(%dma_wait3A_130 : memref<64x128xf32, #tpu.memory_space<vmem>>) dst(%dma_wait3A_127 : memref<64x128xf32, #tpu.memory_space<vmem_shared>>)
      tpu.yield
    }) : () -> ()
    %eq3A = arith.constant 15 : i32
    %eq3A_43 = arith.cmpi eq, %arg1, %eq3A : i32
    %convert_element_type3A = arith.extui %eq3A_43 : i1 to i32
    %cond3A = arith.constant 0 : i32
    %cond3A_44 = arith.cmpi ne, %convert_element_type3A, %cond3A : i32
    scf.if %cond3A_44 {
      "tpu.region"() ({
        %run_scoped3A = tpu.sem_alloc : memref<!tpu.dma_semaphore, #tpu.memory_space<semaphore_mem>>
        %dma_start3A_111 = arith.constant 0 : i32
        %dma_start3A_112 = arith.constant 0 : i32
        %dma_start3A_113 = tpu.memref_slice %arg6[%dma_start3A_111, %dma_start3A_112] : memref<80x128xf32, #tpu.memory_space<vmem>> -> memref<16x128xf32, #tpu.memory_space<vmem>>
        %dma_start3A_114 = arith.constant 9984 : i32
        %dma_start3A_115 = arith.constant 0 : i32
        %dma_start3A_116 = tpu.memref_slice %arg8[%dma_start3A_114, %dma_start3A_115] : memref<10000x128xf32, #tpu.memory_space<vmem_shared>> -> memref<16x128xf32, #tpu.memory_space<vmem_shared>>
        %dma_start3A_117 = arith.constant 9984 : i32
        %dma_start3A_118 = arith.constant 0 : i32
        %dma_start3A_119 = tpu.memref_slice %arg8[%dma_start3A_117, %dma_start3A_118] : memref<10000x128xf32, #tpu.memory_space<vmem_shared>> -> memref<16x128xf32, #tpu.memory_space<vmem_shared>>
        %dma_start3A_120 = arith.constant 0 : i32
        %dma_start3A_121 = arith.constant 0 : i32
        %dma_start3A_122 = tpu.memref_slice %arg6[%dma_start3A_120, %dma_start3A_121] : memref<80x128xf32, #tpu.memory_space<vmem>> -> memref<16x128xf32, #tpu.memory_space<vmem>>
        tpu.enqueue_dma source(%dma_start3A_122 : memref<16x128xf32, #tpu.memory_space<vmem>>) target(%dma_start3A_119 : memref<16x128xf32, #tpu.memory_space<vmem_shared>>) target_semaphore(%run_scoped3A : memref<!tpu.dma_semaphore, #tpu.memory_space<semaphore_mem>>)
        %dma_wait3A_123 = arith.constant 0 : i32
        %dma_wait3A_124 = arith.constant 0 : i32
        %dma_wait3A_125 = tpu.memref_slice %arg6[%dma_wait3A_123, %dma_wait3A_124] : memref<80x128xf32, #tpu.memory_space<vmem>> -> memref<16x128xf32, #tpu.memory_space<vmem>>
        %dma_wait3A_126 = arith.constant 9984 : i32
        %dma_wait3A_127 = arith.constant 0 : i32
        %dma_wait3A_128 = tpu.memref_slice %arg8[%dma_wait3A_126, %dma_wait3A_127] : memref<10000x128xf32, #tpu.memory_space<vmem_shared>> -> memref<16x128xf32, #tpu.memory_space<vmem_shared>>
        %dma_wait3A_129 = arith.constant 9984 : i32
        %dma_wait3A_130 = arith.constant 0 : i32
        %dma_wait3A_131 = tpu.memref_slice %arg8[%dma_wait3A_129, %dma_wait3A_130] : memref<10000x128xf32, #tpu.memory_space<vmem_shared>> -> memref<16x128xf32, #tpu.memory_space<vmem_shared>>
        %dma_wait3A_132 = arith.constant 0 : i32
        %dma_wait3A_133 = arith.constant 0 : i32
        %dma_wait3A_134 = tpu.memref_slice %arg6[%dma_wait3A_132, %dma_wait3A_133] : memref<80x128xf32, #tpu.memory_space<vmem>> -> memref<16x128xf32, #tpu.memory_space<vmem>>
        tpu.wait_dma2 semaphore(%run_scoped3A : memref<!tpu.dma_semaphore, #tpu.memory_space<semaphore_mem>>) src(%dma_wait3A_134 : memref<16x128xf32, #tpu.memory_space<vmem>>) dst(%dma_wait3A_131 : memref<16x128xf32, #tpu.memory_space<vmem_shared>>)
        tpu.yield
      }) : () -> ()
    } else {
    }
    %barrier3A = arith.constant 0 : index
    tpu.barrier barrier_id(%barrier3A)
    %add3A_45 = arith.constant 0 : i32
    %add3A_46 = arith.addi %add3A_5, %add3A_45 : i32
    %dma_start3A = arith.constant 0 : i32
    %dma_start3A_47 = tpu.memref_slice %arg2[%add3A_46, %dma_start3A] : memref<320000x128xf32, #tpu.memory_space<hbm>> -> memref<80x128xf32, #tpu.memory_space<hbm>>
    %dma_start3A_48 = arith.constant 0 : i32
    %dma_start3A_49 = tpu.memref_slice %arg2[%add3A_46, %dma_start3A_48] : memref<320000x128xf32, #tpu.memory_space<hbm>> -> memref<80x128xf32, #tpu.memory_space<hbm>>
    tpu.enqueue_dma source(%dma_start3A_49 : memref<80x128xf32, #tpu.memory_space<hbm>>) target(%arg6 : memref<80x128xf32, #tpu.memory_space<vmem>>) target_semaphore(%arg9 : memref<!tpu.dma_semaphore, #tpu.memory_space<semaphore_mem>>)
    %add3A_50 = arith.constant 80 : i32
    %add3A_51 = arith.addi %add3A_5, %add3A_50 : i32
    %dma_start3A_52 = arith.constant 0 : i32
    %dma_start3A_53 = tpu.memref_slice %arg2[%add3A_51, %dma_start3A_52] : memref<320000x128xf32, #tpu.memory_space<hbm>> -> memref<80x128xf32, #tpu.memory_space<hbm>>
    %dma_start3A_54 = arith.constant 0 : i32
    %dma_start3A_55 = tpu.memref_slice %arg2[%add3A_51, %dma_start3A_54] : memref<320000x128xf32, #tpu.memory_space<hbm>> -> memref<80x128xf32, #tpu.memory_space<hbm>>
    tpu.enqueue_dma source(%dma_start3A_55 : memref<80x128xf32, #tpu.memory_space<hbm>>) target(%arg7 : memref<80x128xf32, #tpu.memory_space<vmem>>) target_semaphore(%arg10 : memref<!tpu.dma_semaphore, #tpu.memory_space<semaphore_mem>>)
    %scan3A_56 = arith.constant 0 : i32
    %scan3A_57 = arith.constant 0 : i32
    %scan3A_58 = arith.constant 62 : i32
    %scan3A_59 = arith.addi %scan3A_57, %scan3A_58 : i32
    %scan3A_60 = arith.constant 1 : i32
    scf.for %scan3A_111 = %scan3A_57 to %scan3A_59 step %scan3A_60  : i32 {
      %mul3A_112 = arith.constant 2 : i32
      %mul3A_113 = arith.muli %mul3A_112, %scan3A_111 : i32
      %mul3A_114 = arith.constant 80 : i32
      %mul3A_115 = arith.muli %mul3A_113, %mul3A_114 : i32
      %add3A_116 = arith.addi %add3A_5, %mul3A_115 : i32
      %dma_wait3A_117 = arith.constant 0 : i32
      %dma_wait3A_118 = tpu.memref_slice %arg2[%add3A_116, %dma_wait3A_117] : memref<320000x128xf32, #tpu.memory_space<hbm>> -> memref<80x128xf32, #tpu.memory_space<hbm>>
      %dma_wait3A_119 = arith.constant 0 : i32
      %dma_wait3A_120 = tpu.memref_slice %arg2[%add3A_116, %dma_wait3A_119] : memref<320000x128xf32, #tpu.memory_space<hbm>> -> memref<80x128xf32, #tpu.memory_space<hbm>>
      tpu.wait_dma2 semaphore(%arg9 : memref<!tpu.dma_semaphore, #tpu.memory_space<semaphore_mem>>) src(%dma_wait3A_120 : memref<80x128xf32, #tpu.memory_space<hbm>>) dst(%arg6 : memref<80x128xf32, #tpu.memory_space<vmem>>)
      %dma_start3A_121 = arith.constant 0 : i32
      %dma_start3A_122 = tpu.memref_slice %arg5[%mul3A_113, %dma_start3A_121] : memref<125x80xi32, #tpu.memory_space<vmem>> -> memref<1x80xi32, #tpu.memory_space<vmem>>
      %dma_start3A_123 = tpu.memref_squeeze %dma_start3A_122 : memref<1x80xi32, #tpu.memory_space<vmem>> -> memref<80xi32, #tpu.memory_space<vmem>>
      %dma_start3A_124 = arith.constant 0 : i32
      %dma_start3A_125 = arith.constant 0 : i32
      %dma_start3A_126 = tpu.memref_slice %arg8[%dma_start3A_124, %dma_start3A_125] : memref<10000x128xf32, #tpu.memory_space<vmem_shared>> -> memref<10000x128xf32, #tpu.memory_space<vmem_shared>>
      tpu.enqueue_indirect_dma source(%arg6 : memref<80x128xf32, #tpu.memory_space<vmem>>) target(%dma_start3A_126 : memref<10000x128xf32, #tpu.memory_space<vmem_shared>>) offsets(%dma_start3A_123 : memref<80xi32, #tpu.memory_space<vmem>>) semaphore(%arg11 : memref<!tpu.dma_semaphore, #tpu.memory_space<semaphore_mem>>) {add = true}
      %add3A_127 = arith.constant 1 : i32
      %add3A_128 = arith.addi %mul3A_113, %add3A_127 : i32
      %mul3A_129 = arith.constant 80 : i32
      %mul3A_130 = arith.muli %add3A_128, %mul3A_129 : i32
      %add3A_131 = arith.addi %add3A_5, %mul3A_130 : i32
      %dma_wait3A_132 = arith.constant 0 : i32
      %dma_wait3A_133 = tpu.memref_slice %arg2[%add3A_131, %dma_wait3A_132] : memref<320000x128xf32, #tpu.memory_space<hbm>> -> memref<80x128xf32, #tpu.memory_space<hbm>>
      %dma_wait3A_134 = arith.constant 0 : i32
      %dma_wait3A_135 = tpu.memref_slice %arg2[%add3A_131, %dma_wait3A_134] : memref<320000x128xf32, #tpu.memory_space<hbm>> -> memref<80x128xf32, #tpu.memory_space<hbm>>
      tpu.wait_dma2 semaphore(%arg10 : memref<!tpu.dma_semaphore, #tpu.memory_space<semaphore_mem>>) src(%dma_wait3A_135 : memref<80x128xf32, #tpu.memory_space<hbm>>) dst(%arg7 : memref<80x128xf32, #tpu.memory_space<vmem>>)
      %dma_start3A_136 = arith.constant 0 : i32
      %dma_start3A_137 = tpu.memref_slice %arg5[%add3A_128, %dma_start3A_136] : memref<125x80xi32, #tpu.memory_space<vmem>> -> memref<1x80xi32, #tpu.memory_space<vmem>>
      %dma_start3A_138 = tpu.memref_squeeze %dma_start3A_137 : memref<1x80xi32, #tpu.memory_space<vmem>> -> memref<80xi32, #tpu.memory_space<vmem>>
      %dma_start3A_139 = arith.constant 0 : i32
      %dma_start3A_140 = arith.constant 0 : i32
      %dma_start3A_141 = tpu.memref_slice %arg8[%dma_start3A_139, %dma_start3A_140] : memref<10000x128xf32, #tpu.memory_space<vmem_shared>> -> memref<10000x128xf32, #tpu.memory_space<vmem_shared>>
      tpu.enqueue_indirect_dma source(%arg7 : memref<80x128xf32, #tpu.memory_space<vmem>>) target(%dma_start3A_141 : memref<10000x128xf32, #tpu.memory_space<vmem_shared>>) offsets(%dma_start3A_138 : memref<80xi32, #tpu.memory_space<vmem>>) semaphore(%arg12 : memref<!tpu.dma_semaphore, #tpu.memory_space<semaphore_mem>>) {add = true}
      %lt3A = arith.constant 61 : i32
      %lt3A_142 = arith.cmpi slt, %scan3A_111, %lt3A : i32
      %convert_element_type3A_143 = arith.extui %lt3A_142 : i1 to i32
      %cond3A_144 = arith.constant 0 : i32
      %cond3A_145 = arith.cmpi ne, %convert_element_type3A_143, %cond3A_144 : i32
      scf.if %cond3A_145 {
        %dma_wait3A_146 = arith.constant 0 : i32
        %dma_wait3A_147 = tpu.memref_slice %arg5[%mul3A_113, %dma_wait3A_146] : memref<125x80xi32, #tpu.memory_space<vmem>> -> memref<1x80xi32, #tpu.memory_space<vmem>>
        %dma_wait3A_148 = tpu.memref_squeeze %dma_wait3A_147 : memref<1x80xi32, #tpu.memory_space<vmem>> -> memref<80xi32, #tpu.memory_space<vmem>>
        %dma_wait3A_149 = arith.constant 0 : i32
        %dma_wait3A_150 = arith.constant 0 : i32
        %dma_wait3A_151 = tpu.memref_slice %arg8[%dma_wait3A_149, %dma_wait3A_150] : memref<10000x128xf32, #tpu.memory_space<vmem_shared>> -> memref<10000x128xf32, #tpu.memory_space<vmem_shared>>
        tpu.wait_indirect_dma semaphore(%arg11 : memref<!tpu.dma_semaphore, #tpu.memory_space<semaphore_mem>>) src(%arg6 : memref<80x128xf32, #tpu.memory_space<vmem>>) dst(%dma_wait3A_151 : memref<10000x128xf32, #tpu.memory_space<vmem_shared>>)
        %add3A_152 = arith.constant 2 : i32
        %add3A_153 = arith.addi %mul3A_113, %add3A_152 : i32
        %mul3A_154 = arith.constant 80 : i32
        %mul3A_155 = arith.muli %add3A_153, %mul3A_154 : i32
        %add3A_156 = arith.addi %add3A_5, %mul3A_155 : i32
        %dma_start3A_157 = arith.constant 0 : i32
        %dma_start3A_158 = tpu.memref_slice %arg2[%add3A_156, %dma_start3A_157] : memref<320000x128xf32, #tpu.memory_space<hbm>> -> memref<80x128xf32, #tpu.memory_space<hbm>>
        %dma_start3A_159 = arith.constant 0 : i32
        %dma_start3A_160 = tpu.memref_slice %arg2[%add3A_156, %dma_start3A_159] : memref<320000x128xf32, #tpu.memory_space<hbm>> -> memref<80x128xf32, #tpu.memory_space<hbm>>
        tpu.enqueue_dma source(%dma_start3A_160 : memref<80x128xf32, #tpu.memory_space<hbm>>) target(%arg6 : memref<80x128xf32, #tpu.memory_space<vmem>>) target_semaphore(%arg9 : memref<!tpu.dma_semaphore, #tpu.memory_space<semaphore_mem>>)
        %add3A_161 = arith.constant 1 : i32
        %add3A_162 = arith.addi %mul3A_113, %add3A_161 : i32
        %dma_wait3A_163 = arith.constant 0 : i32
        %dma_wait3A_164 = tpu.memref_slice %arg5[%add3A_162, %dma_wait3A_163] : memref<125x80xi32, #tpu.memory_space<vmem>> -> memref<1x80xi32, #tpu.memory_space<vmem>>
        %dma_wait3A_165 = tpu.memref_squeeze %dma_wait3A_164 : memref<1x80xi32, #tpu.memory_space<vmem>> -> memref<80xi32, #tpu.memory_space<vmem>>
        %dma_wait3A_166 = arith.constant 0 : i32
        %dma_wait3A_167 = arith.constant 0 : i32
        %dma_wait3A_168 = tpu.memref_slice %arg8[%dma_wait3A_166, %dma_wait3A_167] : memref<10000x128xf32, #tpu.memory_space<vmem_shared>> -> memref<10000x128xf32, #tpu.memory_space<vmem_shared>>
        tpu.wait_indirect_dma semaphore(%arg12 : memref<!tpu.dma_semaphore, #tpu.memory_space<semaphore_mem>>) src(%arg7 : memref<80x128xf32, #tpu.memory_space<vmem>>) dst(%dma_wait3A_168 : memref<10000x128xf32, #tpu.memory_space<vmem_shared>>)
        %add3A_169 = arith.constant 3 : i32
        %add3A_170 = arith.addi %mul3A_113, %add3A_169 : i32
        %mul3A_171 = arith.constant 80 : i32
        %mul3A_172 = arith.muli %add3A_170, %mul3A_171 : i32
        %add3A_173 = arith.addi %add3A_5, %mul3A_172 : i32
        %dma_start3A_174 = arith.constant 0 : i32
        %dma_start3A_175 = tpu.memref_slice %arg2[%add3A_173, %dma_start3A_174] : memref<320000x128xf32, #tpu.memory_space<hbm>> -> memref<80x128xf32, #tpu.memory_space<hbm>>
        %dma_start3A_176 = arith.constant 0 : i32
        %dma_start3A_177 = tpu.memref_slice %arg2[%add3A_173, %dma_start3A_176] : memref<320000x128xf32, #tpu.memory_space<hbm>> -> memref<80x128xf32, #tpu.memory_space<hbm>>
        tpu.enqueue_dma source(%dma_start3A_177 : memref<80x128xf32, #tpu.memory_space<hbm>>) target(%arg7 : memref<80x128xf32, #tpu.memory_space<vmem>>) target_semaphore(%arg10 : memref<!tpu.dma_semaphore, #tpu.memory_space<semaphore_mem>>)
      } else {
      }
    }
    %scan3A_61 = arith.constant 62 : i32
    %dma_wait3A = arith.constant 122 : i32
    %dma_wait3A_62 = arith.constant 0 : i32
    %dma_wait3A_63 = tpu.memref_slice %arg5[%dma_wait3A, %dma_wait3A_62] : memref<125x80xi32, #tpu.memory_space<vmem>> -> memref<1x80xi32, #tpu.memory_space<vmem>>
    %dma_wait3A_64 = tpu.memref_squeeze %dma_wait3A_63 : memref<1x80xi32, #tpu.memory_space<vmem>> -> memref<80xi32, #tpu.memory_space<vmem>>
    %dma_wait3A_65 = arith.constant 0 : i32
    %dma_wait3A_66 = arith.constant 0 : i32
    %dma_wait3A_67 = tpu.memref_slice %arg8[%dma_wait3A_65, %dma_wait3A_66] : memref<10000x128xf32, #tpu.memory_space<vmem_shared>> -> memref<10000x128xf32, #tpu.memory_space<vmem_shared>>
    tpu.wait_indirect_dma semaphore(%arg11 : memref<!tpu.dma_semaphore, #tpu.memory_space<semaphore_mem>>) src(%arg6 : memref<80x128xf32, #tpu.memory_space<vmem>>) dst(%dma_wait3A_67 : memref<10000x128xf32, #tpu.memory_space<vmem_shared>>)
    %add3A_68 = arith.constant 9920 : i32
    %add3A_69 = arith.addi %add3A_5, %add3A_68 : i32
    %dma_start3A_70 = arith.constant 0 : i32
    %dma_start3A_71 = tpu.memref_slice %arg2[%add3A_69, %dma_start3A_70] : memref<320000x128xf32, #tpu.memory_space<hbm>> -> memref<80x128xf32, #tpu.memory_space<hbm>>
    %dma_start3A_72 = arith.constant 0 : i32
    %dma_start3A_73 = tpu.memref_slice %arg2[%add3A_69, %dma_start3A_72] : memref<320000x128xf32, #tpu.memory_space<hbm>> -> memref<80x128xf32, #tpu.memory_space<hbm>>
    tpu.enqueue_dma source(%dma_start3A_73 : memref<80x128xf32, #tpu.memory_space<hbm>>) target(%arg6 : memref<80x128xf32, #tpu.memory_space<vmem>>) target_semaphore(%arg9 : memref<!tpu.dma_semaphore, #tpu.memory_space<semaphore_mem>>)
    %dma_wait3A_74 = arith.constant 123 : i32
    %dma_wait3A_75 = arith.constant 0 : i32
    %dma_wait3A_76 = tpu.memref_slice %arg5[%dma_wait3A_74, %dma_wait3A_75] : memref<125x80xi32, #tpu.memory_space<vmem>> -> memref<1x80xi32, #tpu.memory_space<vmem>>
    %dma_wait3A_77 = tpu.memref_squeeze %dma_wait3A_76 : memref<1x80xi32, #tpu.memory_space<vmem>> -> memref<80xi32, #tpu.memory_space<vmem>>
    %dma_wait3A_78 = arith.constant 0 : i32
    %dma_wait3A_79 = arith.constant 0 : i32
    %dma_wait3A_80 = tpu.memref_slice %arg8[%dma_wait3A_78, %dma_wait3A_79] : memref<10000x128xf32, #tpu.memory_space<vmem_shared>> -> memref<10000x128xf32, #tpu.memory_space<vmem_shared>>
    tpu.wait_indirect_dma semaphore(%arg12 : memref<!tpu.dma_semaphore, #tpu.memory_space<semaphore_mem>>) src(%arg7 : memref<80x128xf32, #tpu.memory_space<vmem>>) dst(%dma_wait3A_80 : memref<10000x128xf32, #tpu.memory_space<vmem_shared>>)
    %add3A_81 = arith.constant 9920 : i32
    %add3A_82 = arith.addi %add3A_5, %add3A_81 : i32
    %dma_wait3A_83 = arith.constant 0 : i32
    %dma_wait3A_84 = tpu.memref_slice %arg2[%add3A_82, %dma_wait3A_83] : memref<320000x128xf32, #tpu.memory_space<hbm>> -> memref<80x128xf32, #tpu.memory_space<hbm>>
    %dma_wait3A_85 = arith.constant 0 : i32
    %dma_wait3A_86 = tpu.memref_slice %arg2[%add3A_82, %dma_wait3A_85] : memref<320000x128xf32, #tpu.memory_space<hbm>> -> memref<80x128xf32, #tpu.memory_space<hbm>>
    tpu.wait_dma2 semaphore(%arg9 : memref<!tpu.dma_semaphore, #tpu.memory_space<semaphore_mem>>) src(%dma_wait3A_86 : memref<80x128xf32, #tpu.memory_space<hbm>>) dst(%arg6 : memref<80x128xf32, #tpu.memory_space<vmem>>)
    %dma_start3A_87 = arith.constant 124 : i32
    %dma_start3A_88 = arith.constant 0 : i32
    %dma_start3A_89 = tpu.memref_slice %arg5[%dma_start3A_87, %dma_start3A_88] : memref<125x80xi32, #tpu.memory_space<vmem>> -> memref<1x80xi32, #tpu.memory_space<vmem>>
    %dma_start3A_90 = tpu.memref_squeeze %dma_start3A_89 : memref<1x80xi32, #tpu.memory_space<vmem>> -> memref<80xi32, #tpu.memory_space<vmem>>
    %dma_start3A_91 = arith.constant 0 : i32
    %dma_start3A_92 = arith.constant 0 : i32
    %dma_start3A_93 = tpu.memref_slice %arg8[%dma_start3A_91, %dma_start3A_92] : memref<10000x128xf32, #tpu.memory_space<vmem_shared>> -> memref<10000x128xf32, #tpu.memory_space<vmem_shared>>
    tpu.enqueue_indirect_dma source(%arg6 : memref<80x128xf32, #tpu.memory_space<vmem>>) target(%dma_start3A_93 : memref<10000x128xf32, #tpu.memory_space<vmem_shared>>) offsets(%dma_start3A_90 : memref<80xi32, #tpu.memory_space<vmem>>) semaphore(%arg11 : memref<!tpu.dma_semaphore, #tpu.memory_space<semaphore_mem>>) {add = true}
    %dma_wait3A_94 = arith.constant 124 : i32
    %dma_wait3A_95 = arith.constant 0 : i32
    %dma_wait3A_96 = tpu.memref_slice %arg5[%dma_wait3A_94, %dma_wait3A_95] : memref<125x80xi32, #tpu.memory_space<vmem>> -> memref<1x80xi32, #tpu.memory_space<vmem>>
    %dma_wait3A_97 = tpu.memref_squeeze %dma_wait3A_96 : memref<1x80xi32, #tpu.memory_space<vmem>> -> memref<80xi32, #tpu.memory_space<vmem>>
    %dma_wait3A_98 = arith.constant 0 : i32
    %dma_wait3A_99 = arith.constant 0 : i32
    %dma_wait3A_100 = tpu.memref_slice %arg8[%dma_wait3A_98, %dma_wait3A_99] : memref<10000x128xf32, #tpu.memory_space<vmem_shared>> -> memref<10000x128xf32, #tpu.memory_space<vmem_shared>>
    tpu.wait_indirect_dma semaphore(%arg11 : memref<!tpu.dma_semaphore, #tpu.memory_space<semaphore_mem>>) src(%arg6 : memref<80x128xf32, #tpu.memory_space<vmem>>) dst(%dma_wait3A_100 : memref<10000x128xf32, #tpu.memory_space<vmem_shared>>)
    %barrier3A_101 = arith.constant 0 : index
    tpu.barrier barrier_id(%barrier3A_101)
    %mul3A_102 = arith.constant 624 : i32
    %mul3A_103 = arith.muli %arg1, %mul3A_102 : i32
    %mul3A_104 = arith.constant 624 : i32
    %mul3A_105 = arith.muli %arg1, %mul3A_104 : i32
    "tpu.region"() ({
      %run_scoped3A = tpu.sem_alloc : memref<!tpu.dma_semaphore, #tpu.memory_space<semaphore_mem>>
      %dma_start3A_111 = arith.constant 0 : i32
      %dma_start3A_112 = tpu.memref_slice %arg4[%arg0, %mul3A_105, %dma_start3A_111] : memref<2x10000x128xf32, #tpu.memory_space<hbm>> -> memref<1x624x128xf32, #tpu.memory_space<hbm>>
      %dma_start3A_113 = tpu.memref_squeeze %dma_start3A_112 : memref<1x624x128xf32, #tpu.memory_space<hbm>> -> memref<624x128xf32, #tpu.memory_space<hbm>>
      %dma_start3A_114 = arith.constant 0 : i32
      %dma_start3A_115 = tpu.memref_slice %arg8[%mul3A_103, %dma_start3A_114] : memref<10000x128xf32, #tpu.memory_space<vmem_shared>> -> memref<624x128xf32, #tpu.memory_space<vmem_shared>>
      tpu.enqueue_dma source(%dma_start3A_115 : memref<624x128xf32, #tpu.memory_space<vmem_shared>>) target(%dma_start3A_113 : memref<624x128xf32, #tpu.memory_space<hbm>>) target_semaphore(%run_scoped3A : memref<!tpu.dma_semaphore, #tpu.memory_space<semaphore_mem>>)
      %dma_wait3A_116 = arith.constant 0 : i32
      %dma_wait3A_117 = tpu.memref_slice %arg4[%arg0, %mul3A_105, %dma_wait3A_116] : memref<2x10000x128xf32, #tpu.memory_space<hbm>> -> memref<1x624x128xf32, #tpu.memory_space<hbm>>
      %dma_wait3A_118 = tpu.memref_squeeze %dma_wait3A_117 : memref<1x624x128xf32, #tpu.memory_space<hbm>> -> memref<624x128xf32, #tpu.memory_space<hbm>>
      %dma_wait3A_119 = arith.constant 0 : i32
      %dma_wait3A_120 = tpu.memref_slice %arg8[%mul3A_103, %dma_wait3A_119] : memref<10000x128xf32, #tpu.memory_space<vmem_shared>> -> memref<624x128xf32, #tpu.memory_space<vmem_shared>>
      tpu.wait_dma2 semaphore(%run_scoped3A : memref<!tpu.dma_semaphore, #tpu.memory_space<semaphore_mem>>) src(%dma_wait3A_120 : memref<624x128xf32, #tpu.memory_space<vmem_shared>>) dst(%dma_wait3A_118 : memref<624x128xf32, #tpu.memory_space<hbm>>)
      tpu.yield
    }) : () -> ()
    %eq3A_106 = arith.constant 15 : i32
    %eq3A_107 = arith.cmpi eq, %arg1, %eq3A_106 : i32
    %convert_element_type3A_108 = arith.extui %eq3A_107 : i1 to i32
    %cond3A_109 = arith.constant 0 : i32
    %cond3A_110 = arith.cmpi ne, %convert_element_type3A_108, %cond3A_109 : i32
    scf.if %cond3A_110 {
      "tpu.region"() ({
        %run_scoped3A = tpu.sem_alloc : memref<!tpu.dma_semaphore, #tpu.memory_space<semaphore_mem>>
        %dma_start3A_111 = arith.constant 9984 : i32
        %dma_start3A_112 = arith.constant 0 : i32
        %dma_start3A_113 = tpu.memref_slice %arg4[%arg0, %dma_start3A_111, %dma_start3A_112] : memref<2x10000x128xf32, #tpu.memory_space<hbm>> -> memref<1x16x128xf32, #tpu.memory_space<hbm>>
        %dma_start3A_114 = tpu.memref_squeeze %dma_start3A_113 : memref<1x16x128xf32, #tpu.memory_space<hbm>> -> memref<16x128xf32, #tpu.memory_space<hbm>>
        %dma_start3A_115 = arith.constant 9984 : i32
        %dma_start3A_116 = arith.constant 0 : i32
        %dma_start3A_117 = tpu.memref_slice %arg8[%dma_start3A_115, %dma_start3A_116] : memref<10000x128xf32, #tpu.memory_space<vmem_shared>> -> memref<16x128xf32, #tpu.memory_space<vmem_shared>>
        tpu.enqueue_dma source(%dma_start3A_117 : memref<16x128xf32, #tpu.memory_space<vmem_shared>>) target(%dma_start3A_114 : memref<16x128xf32, #tpu.memory_space<hbm>>) target_semaphore(%run_scoped3A : memref<!tpu.dma_semaphore, #tpu.memory_space<semaphore_mem>>)
        %dma_wait3A_118 = arith.constant 9984 : i32
        %dma_wait3A_119 = arith.constant 0 : i32
        %dma_wait3A_120 = tpu.memref_slice %arg4[%arg0, %dma_wait3A_118, %dma_wait3A_119] : memref<2x10000x128xf32, #tpu.memory_space<hbm>> -> memref<1x16x128xf32, #tpu.memory_space<hbm>>
        %dma_wait3A_121 = tpu.memref_squeeze %dma_wait3A_120 : memref<1x16x128xf32, #tpu.memory_space<hbm>> -> memref<16x128xf32, #tpu.memory_space<hbm>>
        %dma_wait3A_122 = arith.constant 9984 : i32
        %dma_wait3A_123 = arith.constant 0 : i32
        %dma_wait3A_124 = tpu.memref_slice %arg8[%dma_wait3A_122, %dma_wait3A_123] : memref<10000x128xf32, #tpu.memory_space<vmem_shared>> -> memref<16x128xf32, #tpu.memory_space<vmem_shared>>
        tpu.wait_dma2 semaphore(%run_scoped3A : memref<!tpu.dma_semaphore, #tpu.memory_space<semaphore_mem>>) src(%dma_wait3A_124 : memref<16x128xf32, #tpu.memory_space<vmem_shared>>) dst(%dma_wait3A_121 : memref<16x128xf32, #tpu.memory_space<hbm>>)
        tpu.yield
      }) : () -> ()
    } else {
    }
    return
  }
}

#map = affine_map<(d0, d1) -> (0, 0)>
#map1 = affine_map<(d0, d1) -> (0)>
module attributes {stable_mosaic.version = 14 : i64} {
  func.func @_gather_body(%arg0: i32, %arg1: i32, %arg2: memref<10000x128xf32, #tpu.memory_space<hbm>>, %arg3: memref<10000x128xf32, #tpu.memory_space<hbm>>, %arg4: memref<320000xi32, #tpu.memory_space<hbm>>, %arg5: memref<320000xi32, #tpu.memory_space<hbm>>, %arg6: memref<320000x128xf32, #tpu.memory_space<hbm>>, %arg7: memref<10000xi32, #tpu.memory_space<vmem>>, %arg8: memref<10000xi32, #tpu.memory_space<vmem>>, %arg9: memref<80x128xf32, #tpu.memory_space<vmem>>, %arg10: memref<80x128xf32, #tpu.memory_space<vmem>>, %arg11: memref<80x128xf32, #tpu.memory_space<vmem>>, %arg12: memref<80x128xf32, #tpu.memory_space<vmem>>, %arg13: memref<80x128xf32, #tpu.memory_space<vmem>>, %arg14: memref<80x128xf32, #tpu.memory_space<vmem>>, %arg15: memref<!tpu.dma_semaphore, #tpu.memory_space<semaphore_mem>>, %arg16: memref<!tpu.dma_semaphore, #tpu.memory_space<semaphore_mem>>, %arg17: memref<!tpu.dma_semaphore, #tpu.memory_space<semaphore_mem>>, %arg18: memref<!tpu.dma_semaphore, #tpu.memory_space<semaphore_mem>>, %arg19: memref<!tpu.dma_semaphore, #tpu.memory_space<semaphore_mem>>, %arg20: memref<!tpu.dma_semaphore, #tpu.memory_space<semaphore_mem>>, %arg21: memref<!tpu.dma_semaphore, #tpu.memory_space<semaphore_mem>>, %arg22: memref<!tpu.dma_semaphore, #tpu.memory_space<semaphore_mem>>, %arg23: memref<!tpu.dma_semaphore, #tpu.memory_space<semaphore_mem>>) attributes {dimension_semantics = [#tpu.dimension_semantics<core_parallel>, #tpu.dimension_semantics<subcore_parallel>], iteration_bounds = array<i64: 2, 16>, scalar_prefetch = 0 : i64, scratch_operands = 17 : i64, tpu.core_type = #tpu.core_type<sc_vector_subcore>, window_params = [{transform_indices = #map}, {transform_indices = #map}, {transform_indices = #map1}, {transform_indices = #map1}, {transform_indices = #map}]} {
    %mul3A = arith.constant 2 : i32
    %mul3A_0 = arith.muli %arg1, %mul3A : i32
    %add3A = arith.addi %mul3A_0, %arg0 : i32
    %mul3A_1 = arith.constant 10000 : i32
    %mul3A_2 = arith.muli %add3A, %mul3A_1 : i32
    "tpu.region"() ({
      %run_scoped3A = tpu.sem_alloc : memref<!tpu.dma_semaphore, #tpu.memory_space<semaphore_mem>>
      %dma_start3A_98 = tpu.memref_slice %arg4[%mul3A_2] : memref<320000xi32, #tpu.memory_space<hbm>> -> memref<10000xi32, #tpu.memory_space<hbm>>
      %dma_start3A_99 = tpu.memref_slice %arg4[%mul3A_2] : memref<320000xi32, #tpu.memory_space<hbm>> -> memref<10000xi32, #tpu.memory_space<hbm>>
      tpu.enqueue_dma source(%dma_start3A_99 : memref<10000xi32, #tpu.memory_space<hbm>>) target(%arg7 : memref<10000xi32, #tpu.memory_space<vmem>>) target_semaphore(%run_scoped3A : memref<!tpu.dma_semaphore, #tpu.memory_space<semaphore_mem>>)
      %dma_wait3A_100 = tpu.memref_slice %arg4[%mul3A_2] : memref<320000xi32, #tpu.memory_space<hbm>> -> memref<10000xi32, #tpu.memory_space<hbm>>
      %dma_wait3A_101 = tpu.memref_slice %arg4[%mul3A_2] : memref<320000xi32, #tpu.memory_space<hbm>> -> memref<10000xi32, #tpu.memory_space<hbm>>
      tpu.wait_dma2 semaphore(%run_scoped3A : memref<!tpu.dma_semaphore, #tpu.memory_space<semaphore_mem>>) src(%dma_wait3A_101 : memref<10000xi32, #tpu.memory_space<hbm>>) dst(%arg7 : memref<10000xi32, #tpu.memory_space<vmem>>)
      tpu.yield
    }) : () -> ()
    "tpu.region"() ({
      %run_scoped3A = tpu.sem_alloc : memref<!tpu.dma_semaphore, #tpu.memory_space<semaphore_mem>>
      %dma_start3A_98 = tpu.memref_slice %arg5[%mul3A_2] : memref<320000xi32, #tpu.memory_space<hbm>> -> memref<10000xi32, #tpu.memory_space<hbm>>
      %dma_start3A_99 = tpu.memref_slice %arg5[%mul3A_2] : memref<320000xi32, #tpu.memory_space<hbm>> -> memref<10000xi32, #tpu.memory_space<hbm>>
      tpu.enqueue_dma source(%dma_start3A_99 : memref<10000xi32, #tpu.memory_space<hbm>>) target(%arg8 : memref<10000xi32, #tpu.memory_space<vmem>>) target_semaphore(%run_scoped3A : memref<!tpu.dma_semaphore, #tpu.memory_space<semaphore_mem>>)
      %dma_wait3A_100 = tpu.memref_slice %arg5[%mul3A_2] : memref<320000xi32, #tpu.memory_space<hbm>> -> memref<10000xi32, #tpu.memory_space<hbm>>
      %dma_wait3A_101 = tpu.memref_slice %arg5[%mul3A_2] : memref<320000xi32, #tpu.memory_space<hbm>> -> memref<10000xi32, #tpu.memory_space<hbm>>
      tpu.wait_dma2 semaphore(%run_scoped3A : memref<!tpu.dma_semaphore, #tpu.memory_space<semaphore_mem>>) src(%dma_wait3A_101 : memref<10000xi32, #tpu.memory_space<hbm>>) dst(%arg8 : memref<10000xi32, #tpu.memory_space<vmem>>)
      tpu.yield
    }) : () -> ()
    %dma_start3A = arith.constant 0 : i32
    %dma_start3A_3 = tpu.memref_slice %arg7[%dma_start3A] : memref<10000xi32, #tpu.memory_space<vmem>> -> memref<80xi32, #tpu.memory_space<vmem>>
    %dma_start3A_4 = arith.constant 0 : i32
    %dma_start3A_5 = arith.constant 0 : i32
    %dma_start3A_6 = tpu.memref_slice %arg2[%dma_start3A_4, %dma_start3A_5] : memref<10000x128xf32, #tpu.memory_space<hbm>> -> memref<10000x128xf32, #tpu.memory_space<hbm>>
    tpu.enqueue_indirect_dma source(%dma_start3A_6 : memref<10000x128xf32, #tpu.memory_space<hbm>>) target(%arg9 : memref<80x128xf32, #tpu.memory_space<vmem>>) offsets(%dma_start3A_3 : memref<80xi32, #tpu.memory_space<vmem>>) semaphore(%arg15 : memref<!tpu.dma_semaphore, #tpu.memory_space<semaphore_mem>>)
    %dma_start3A_7 = arith.constant 0 : i32
    %dma_start3A_8 = tpu.memref_slice %arg8[%dma_start3A_7] : memref<10000xi32, #tpu.memory_space<vmem>> -> memref<80xi32, #tpu.memory_space<vmem>>
    %dma_start3A_9 = arith.constant 0 : i32
    %dma_start3A_10 = arith.constant 0 : i32
    %dma_start3A_11 = tpu.memref_slice %arg3[%dma_start3A_9, %dma_start3A_10] : memref<10000x128xf32, #tpu.memory_space<hbm>> -> memref<10000x128xf32, #tpu.memory_space<hbm>>
    tpu.enqueue_indirect_dma source(%dma_start3A_11 : memref<10000x128xf32, #tpu.memory_space<hbm>>) target(%arg12 : memref<80x128xf32, #tpu.memory_space<vmem>>) offsets(%dma_start3A_8 : memref<80xi32, #tpu.memory_space<vmem>>) semaphore(%arg18 : memref<!tpu.dma_semaphore, #tpu.memory_space<semaphore_mem>>)
    %dma_start3A_12 = arith.constant 80 : i32
    %dma_start3A_13 = tpu.memref_slice %arg7[%dma_start3A_12] : memref<10000xi32, #tpu.memory_space<vmem>> -> memref<80xi32, #tpu.memory_space<vmem>>
    %dma_start3A_14 = arith.constant 0 : i32
    %dma_start3A_15 = arith.constant 0 : i32
    %dma_start3A_16 = tpu.memref_slice %arg2[%dma_start3A_14, %dma_start3A_15] : memref<10000x128xf32, #tpu.memory_space<hbm>> -> memref<10000x128xf32, #tpu.memory_space<hbm>>
    tpu.enqueue_indirect_dma source(%dma_start3A_16 : memref<10000x128xf32, #tpu.memory_space<hbm>>) target(%arg10 : memref<80x128xf32, #tpu.memory_space<vmem>>) offsets(%dma_start3A_13 : memref<80xi32, #tpu.memory_space<vmem>>) semaphore(%arg16 : memref<!tpu.dma_semaphore, #tpu.memory_space<semaphore_mem>>)
    %dma_start3A_17 = arith.constant 80 : i32
    %dma_start3A_18 = tpu.memref_slice %arg8[%dma_start3A_17] : memref<10000xi32, #tpu.memory_space<vmem>> -> memref<80xi32, #tpu.memory_space<vmem>>
    %dma_start3A_19 = arith.constant 0 : i32
    %dma_start3A_20 = arith.constant 0 : i32
    %dma_start3A_21 = tpu.memref_slice %arg3[%dma_start3A_19, %dma_start3A_20] : memref<10000x128xf32, #tpu.memory_space<hbm>> -> memref<10000x128xf32, #tpu.memory_space<hbm>>
    tpu.enqueue_indirect_dma source(%dma_start3A_21 : memref<10000x128xf32, #tpu.memory_space<hbm>>) target(%arg13 : memref<80x128xf32, #tpu.memory_space<vmem>>) offsets(%dma_start3A_18 : memref<80xi32, #tpu.memory_space<vmem>>) semaphore(%arg19 : memref<!tpu.dma_semaphore, #tpu.memory_space<semaphore_mem>>)
    %dma_start3A_22 = arith.constant 160 : i32
    %dma_start3A_23 = tpu.memref_slice %arg7[%dma_start3A_22] : memref<10000xi32, #tpu.memory_space<vmem>> -> memref<80xi32, #tpu.memory_space<vmem>>
    %dma_start3A_24 = arith.constant 0 : i32
    %dma_start3A_25 = arith.constant 0 : i32
    %dma_start3A_26 = tpu.memref_slice %arg2[%dma_start3A_24, %dma_start3A_25] : memref<10000x128xf32, #tpu.memory_space<hbm>> -> memref<10000x128xf32, #tpu.memory_space<hbm>>
    tpu.enqueue_indirect_dma source(%dma_start3A_26 : memref<10000x128xf32, #tpu.memory_space<hbm>>) target(%arg11 : memref<80x128xf32, #tpu.memory_space<vmem>>) offsets(%dma_start3A_23 : memref<80xi32, #tpu.memory_space<vmem>>) semaphore(%arg17 : memref<!tpu.dma_semaphore, #tpu.memory_space<semaphore_mem>>)
    %dma_start3A_27 = arith.constant 160 : i32
    %dma_start3A_28 = tpu.memref_slice %arg8[%dma_start3A_27] : memref<10000xi32, #tpu.memory_space<vmem>> -> memref<80xi32, #tpu.memory_space<vmem>>
    %dma_start3A_29 = arith.constant 0 : i32
    %dma_start3A_30 = arith.constant 0 : i32
    %dma_start3A_31 = tpu.memref_slice %arg3[%dma_start3A_29, %dma_start3A_30] : memref<10000x128xf32, #tpu.memory_space<hbm>> -> memref<10000x128xf32, #tpu.memory_space<hbm>>
    tpu.enqueue_indirect_dma source(%dma_start3A_31 : memref<10000x128xf32, #tpu.memory_space<hbm>>) target(%arg14 : memref<80x128xf32, #tpu.memory_space<vmem>>) offsets(%dma_start3A_28 : memref<80xi32, #tpu.memory_space<vmem>>) semaphore(%arg20 : memref<!tpu.dma_semaphore, #tpu.memory_space<semaphore_mem>>)
    %scan3A = arith.constant 0 : i32
    %scan3A_32 = arith.constant 0 : i32
    %scan3A_33 = arith.constant 41 : i32
    %scan3A_34 = arith.addi %scan3A_32, %scan3A_33 : i32
    %scan3A_35 = arith.constant 1 : i32
    scf.for %scan3A_98 = %scan3A_32 to %scan3A_34 step %scan3A_35  : i32 {
      %mul3A_99 = arith.constant 3 : i32
      %mul3A_100 = arith.muli %mul3A_99, %scan3A_98 : i32
      %mul3A_101 = arith.constant 80 : i32
      %mul3A_102 = arith.muli %mul3A_100, %mul3A_101 : i32
      %dma_wait3A_103 = tpu.memref_slice %arg7[%mul3A_102] : memref<10000xi32, #tpu.memory_space<vmem>> -> memref<80xi32, #tpu.memory_space<vmem>>
      %dma_wait3A_104 = arith.constant 0 : i32
      %dma_wait3A_105 = arith.constant 0 : i32
      %dma_wait3A_106 = tpu.memref_slice %arg2[%dma_wait3A_104, %dma_wait3A_105] : memref<10000x128xf32, #tpu.memory_space<hbm>> -> memref<10000x128xf32, #tpu.memory_space<hbm>>
      tpu.wait_indirect_dma semaphore(%arg15 : memref<!tpu.dma_semaphore, #tpu.memory_space<semaphore_mem>>) src(%dma_wait3A_106 : memref<10000x128xf32, #tpu.memory_space<hbm>>) dst(%arg9 : memref<80x128xf32, #tpu.memory_space<vmem>>)
      %mul3A_107 = arith.constant 80 : i32
      %mul3A_108 = arith.muli %mul3A_100, %mul3A_107 : i32
      %dma_wait3A_109 = tpu.memref_slice %arg8[%mul3A_108] : memref<10000xi32, #tpu.memory_space<vmem>> -> memref<80xi32, #tpu.memory_space<vmem>>
      %dma_wait3A_110 = arith.constant 0 : i32
      %dma_wait3A_111 = arith.constant 0 : i32
      %dma_wait3A_112 = tpu.memref_slice %arg3[%dma_wait3A_110, %dma_wait3A_111] : memref<10000x128xf32, #tpu.memory_space<hbm>> -> memref<10000x128xf32, #tpu.memory_space<hbm>>
      tpu.wait_indirect_dma semaphore(%arg18 : memref<!tpu.dma_semaphore, #tpu.memory_space<semaphore_mem>>) src(%dma_wait3A_112 : memref<10000x128xf32, #tpu.memory_space<hbm>>) dst(%arg12 : memref<80x128xf32, #tpu.memory_space<vmem>>)
      %scan3A_113 = arith.constant 0 : i32
      %scan3A_114 = arith.constant 0 : i32
      %scan3A_115 = arith.constant 40 : i32
      %scan3A_116 = arith.addi %scan3A_114, %scan3A_115 : i32
      %scan3A_117 = arith.constant 1 : i32
      scf.for %scan3A_204 = %scan3A_114 to %scan3A_116 step %scan3A_117  : i32 {
        %mul3A_205 = arith.constant 2 : i32
        %mul3A_206 = arith.muli %scan3A_204, %mul3A_205 : i32
        %add3A_207 = arith.constant 0 : i32
        %add3A_208 = arith.addi %mul3A_206, %add3A_207 : i32
        %get3A = arith.index_cast %add3A_208 : i32 to index
        %get3A_209 = arith.constant 0 : index
        %get3A_210 = tpu.vector_load %arg12[%get3A, %get3A_209] {strides = array<i32>} : memref<80x128xf32, #tpu.memory_space<vmem>>, vector<1x16xf32>,
        %get3A_211 = vector.shape_cast %get3A_210 : vector<1x16xf32> to vector<16xf32>
        %swap3A = arith.index_cast %add3A_208 : i32 to index
        %swap3A_212 = arith.constant 0 : index
        %swap3A_213 = tpu.vector_load %arg9[%swap3A, %swap3A_212] {strides = array<i32>} : memref<80x128xf32, #tpu.memory_space<vmem>>, vector<1x16xf32>,
        %swap3A_214 = vector.shape_cast %swap3A_213 : vector<1x16xf32> to vector<16xf32>
        %swap3A_215 = vector.shape_cast %get3A_211 : vector<16xf32> to vector<1x16xf32>
        tpu.vector_store %arg9[%swap3A, %swap3A_212], %swap3A_215 {add = true, strides = array<i32>} : memref<80x128xf32, #tpu.memory_space<vmem>>, vector<1x16xf32>,
        %get3A_216 = arith.index_cast %add3A_208 : i32 to index
        %get3A_217 = arith.constant 16 : index
        %get3A_218 = tpu.vector_load %arg12[%get3A_216, %get3A_217] {strides = array<i32>} : memref<80x128xf32, #tpu.memory_space<vmem>>, vector<1x16xf32>,
        %get3A_219 = vector.shape_cast %get3A_218 : vector<1x16xf32> to vector<16xf32>
        %swap3A_220 = arith.index_cast %add3A_208 : i32 to index
        %swap3A_221 = arith.constant 16 : index
        %swap3A_222 = tpu.vector_load %arg9[%swap3A_220, %swap3A_221] {strides = array<i32>} : memref<80x128xf32, #tpu.memory_space<vmem>>, vector<1x16xf32>,
        %swap3A_223 = vector.shape_cast %swap3A_222 : vector<1x16xf32> to vector<16xf32>
        %swap3A_224 = vector.shape_cast %get3A_219 : vector<16xf32> to vector<1x16xf32>
        tpu.vector_store %arg9[%swap3A_220, %swap3A_221], %swap3A_224 {add = true, strides = array<i32>} : memref<80x128xf32, #tpu.memory_space<vmem>>, vector<1x16xf32>,
        %get3A_225 = arith.index_cast %add3A_208 : i32 to index
        %get3A_226 = arith.constant 32 : index
        %get3A_227 = tpu.vector_load %arg12[%get3A_225, %get3A_226] {strides = array<i32>} : memref<80x128xf32, #tpu.memory_space<vmem>>, vector<1x16xf32>,
        %get3A_228 = vector.shape_cast %get3A_227 : vector<1x16xf32> to vector<16xf32>
        %swap3A_229 = arith.index_cast %add3A_208 : i32 to index
        %swap3A_230 = arith.constant 32 : index
        %swap3A_231 = tpu.vector_load %arg9[%swap3A_229, %swap3A_230] {strides = array<i32>} : memref<80x128xf32, #tpu.memory_space<vmem>>, vector<1x16xf32>,
        %swap3A_232 = vector.shape_cast %swap3A_231 : vector<1x16xf32> to vector<16xf32>
        %swap3A_233 = vector.shape_cast %get3A_228 : vector<16xf32> to vector<1x16xf32>
        tpu.vector_store %arg9[%swap3A_229, %swap3A_230], %swap3A_233 {add = true, strides = array<i32>} : memref<80x128xf32, #tpu.memory_space<vmem>>, vector<1x16xf32>,
        %get3A_234 = arith.index_cast %add3A_208 : i32 to index
        %get3A_235 = arith.constant 48 : index
        %get3A_236 = tpu.vector_load %arg12[%get3A_234, %get3A_235] {strides = array<i32>} : memref<80x128xf32, #tpu.memory_space<vmem>>, vector<1x16xf32>,
        %get3A_237 = vector.shape_cast %get3A_236 : vector<1x16xf32> to vector<16xf32>
        %swap3A_238 = arith.index_cast %add3A_208 : i32 to index
        %swap3A_239 = arith.constant 48 : index
        %swap3A_240 = tpu.vector_load %arg9[%swap3A_238, %swap3A_239] {strides = array<i32>} : memref<80x128xf32, #tpu.memory_space<vmem>>, vector<1x16xf32>,
        %swap3A_241 = vector.shape_cast %swap3A_240 : vector<1x16xf32> to vector<16xf32>
        %swap3A_242 = vector.shape_cast %get3A_237 : vector<16xf32> to vector<1x16xf32>
        tpu.vector_store %arg9[%swap3A_238, %swap3A_239], %swap3A_242 {add = true, strides = array<i32>} : memref<80x128xf32, #tpu.memory_space<vmem>>, vector<1x16xf32>,
        %get3A_243 = arith.index_cast %add3A_208 : i32 to index
        %get3A_244 = arith.constant 64 : index
        %get3A_245 = tpu.vector_load %arg12[%get3A_243, %get3A_244] {strides = array<i32>} : memref<80x128xf32, #tpu.memory_space<vmem>>, vector<1x16xf32>,
        %get3A_246 = vector.shape_cast %get3A_245 : vector<1x16xf32> to vector<16xf32>
        %swap3A_247 = arith.index_cast %add3A_208 : i32 to index
        %swap3A_248 = arith.constant 64 : index
        %swap3A_249 = tpu.vector_load %arg9[%swap3A_247, %swap3A_248] {strides = array<i32>} : memref<80x128xf32, #tpu.memory_space<vmem>>, vector<1x16xf32>,
        %swap3A_250 = vector.shape_cast %swap3A_249 : vector<1x16xf32> to vector<16xf32>
        %swap3A_251 = vector.shape_cast %get3A_246 : vector<16xf32> to vector<1x16xf32>
        tpu.vector_store %arg9[%swap3A_247, %swap3A_248], %swap3A_251 {add = true, strides = array<i32>} : memref<80x128xf32, #tpu.memory_space<vmem>>, vector<1x16xf32>,
        %get3A_252 = arith.index_cast %add3A_208 : i32 to index
        %get3A_253 = arith.constant 80 : index
        %get3A_254 = tpu.vector_load %arg12[%get3A_252, %get3A_253] {strides = array<i32>} : memref<80x128xf32, #tpu.memory_space<vmem>>, vector<1x16xf32>,
        %get3A_255 = vector.shape_cast %get3A_254 : vector<1x16xf32> to vector<16xf32>
        %swap3A_256 = arith.index_cast %add3A_208 : i32 to index
        %swap3A_257 = arith.constant 80 : index
        %swap3A_258 = tpu.vector_load %arg9[%swap3A_256, %swap3A_257] {strides = array<i32>} : memref<80x128xf32, #tpu.memory_space<vmem>>, vector<1x16xf32>,
        %swap3A_259 = vector.shape_cast %swap3A_258 : vector<1x16xf32> to vector<16xf32>
        %swap3A_260 = vector.shape_cast %get3A_255 : vector<16xf32> to vector<1x16xf32>
        tpu.vector_store %arg9[%swap3A_256, %swap3A_257], %swap3A_260 {add = true, strides = array<i32>} : memref<80x128xf32, #tpu.memory_space<vmem>>, vector<1x16xf32>,
        %get3A_261 = arith.index_cast %add3A_208 : i32 to index
        %get3A_262 = arith.constant 96 : index
        %get3A_263 = tpu.vector_load %arg12[%get3A_261, %get3A_262] {strides = array<i32>} : memref<80x128xf32, #tpu.memory_space<vmem>>, vector<1x16xf32>,
        %get3A_264 = vector.shape_cast %get3A_263 : vector<1x16xf32> to vector<16xf32>
        %swap3A_265 = arith.index_cast %add3A_208 : i32 to index
        %swap3A_266 = arith.constant 96 : index
        %swap3A_267 = tpu.vector_load %arg9[%swap3A_265, %swap3A_266] {strides = array<i32>} : memref<80x128xf32, #tpu.memory_space<vmem>>, vector<1x16xf32>,
        %swap3A_268 = vector.shape_cast %swap3A_267 : vector<1x16xf32> to vector<16xf32>
        %swap3A_269 = vector.shape_cast %get3A_264 : vector<16xf32> to vector<1x16xf32>
        tpu.vector_store %arg9[%swap3A_265, %swap3A_266], %swap3A_269 {add = true, strides = array<i32>} : memref<80x128xf32, #tpu.memory_space<vmem>>, vector<1x16xf32>,
        %get3A_270 = arith.index_cast %add3A_208 : i32 to index
        %get3A_271 = arith.constant 112 : index
        %get3A_272 = tpu.vector_load %arg12[%get3A_270, %get3A_271] {strides = array<i32>} : memref<80x128xf32, #tpu.memory_space<vmem>>, vector<1x16xf32>,
        %get3A_273 = vector.shape_cast %get3A_272 : vector<1x16xf32> to vector<16xf32>
        %swap3A_274 = arith.index_cast %add3A_208 : i32 to index
        %swap3A_275 = arith.constant 112 : index
        %swap3A_276 = tpu.vector_load %arg9[%swap3A_274, %swap3A_275] {strides = array<i32>} : memref<80x128xf32, #tpu.memory_space<vmem>>, vector<1x16xf32>,
        %swap3A_277 = vector.shape_cast %swap3A_276 : vector<1x16xf32> to vector<16xf32>
        %swap3A_278 = vector.shape_cast %get3A_273 : vector<16xf32> to vector<1x16xf32>
        tpu.vector_store %arg9[%swap3A_274, %swap3A_275], %swap3A_278 {add = true, strides = array<i32>} : memref<80x128xf32, #tpu.memory_space<vmem>>, vector<1x16xf32>,
        %mul3A_279 = arith.constant 2 : i32
        %mul3A_280 = arith.muli %scan3A_204, %mul3A_279 : i32
        %add3A_281 = arith.constant 1 : i32
        %add3A_282 = arith.addi %mul3A_280, %add3A_281 : i32
        %get3A_283 = arith.index_cast %add3A_282 : i32 to index
        %get3A_284 = arith.constant 0 : index
        %get3A_285 = tpu.vector_load %arg12[%get3A_283, %get3A_284] {strides = array<i32>} : memref<80x128xf32, #tpu.memory_space<vmem>>, vector<1x16xf32>,
        %get3A_286 = vector.shape_cast %get3A_285 : vector<1x16xf32> to vector<16xf32>
        %swap3A_287 = arith.index_cast %add3A_282 : i32 to index
        %swap3A_288 = arith.constant 0 : index
        %swap3A_289 = tpu.vector_load %arg9[%swap3A_287, %swap3A_288] {strides = array<i32>} : memref<80x128xf32, #tpu.memory_space<vmem>>, vector<1x16xf32>,
        %swap3A_290 = vector.shape_cast %swap3A_289 : vector<1x16xf32> to vector<16xf32>
        %swap3A_291 = vector.shape_cast %get3A_286 : vector<16xf32> to vector<1x16xf32>
        tpu.vector_store %arg9[%swap3A_287, %swap3A_288], %swap3A_291 {add = true, strides = array<i32>} : memref<80x128xf32, #tpu.memory_space<vmem>>, vector<1x16xf32>,
        %get3A_292 = arith.index_cast %add3A_282 : i32 to index
        %get3A_293 = arith.constant 16 : index
        %get3A_294 = tpu.vector_load %arg12[%get3A_292, %get3A_293] {strides = array<i32>} : memref<80x128xf32, #tpu.memory_space<vmem>>, vector<1x16xf32>,
        %get3A_295 = vector.shape_cast %get3A_294 : vector<1x16xf32> to vector<16xf32>
        %swap3A_296 = arith.index_cast %add3A_282 : i32 to index
        %swap3A_297 = arith.constant 16 : index
        %swap3A_298 = tpu.vector_load %arg9[%swap3A_296, %swap3A_297] {strides = array<i32>} : memref<80x128xf32, #tpu.memory_space<vmem>>, vector<1x16xf32>,
        %swap3A_299 = vector.shape_cast %swap3A_298 : vector<1x16xf32> to vector<16xf32>
        %swap3A_300 = vector.shape_cast %get3A_295 : vector<16xf32> to vector<1x16xf32>
        tpu.vector_store %arg9[%swap3A_296, %swap3A_297], %swap3A_300 {add = true, strides = array<i32>} : memref<80x128xf32, #tpu.memory_space<vmem>>, vector<1x16xf32>,
        %get3A_301 = arith.index_cast %add3A_282 : i32 to index
        %get3A_302 = arith.constant 32 : index
        %get3A_303 = tpu.vector_load %arg12[%get3A_301, %get3A_302] {strides = array<i32>} : memref<80x128xf32, #tpu.memory_space<vmem>>, vector<1x16xf32>,
        %get3A_304 = vector.shape_cast %get3A_303 : vector<1x16xf32> to vector<16xf32>
        %swap3A_305 = arith.index_cast %add3A_282 : i32 to index
        %swap3A_306 = arith.constant 32 : index
        %swap3A_307 = tpu.vector_load %arg9[%swap3A_305, %swap3A_306] {strides = array<i32>} : memref<80x128xf32, #tpu.memory_space<vmem>>, vector<1x16xf32>,
        %swap3A_308 = vector.shape_cast %swap3A_307 : vector<1x16xf32> to vector<16xf32>
        %swap3A_309 = vector.shape_cast %get3A_304 : vector<16xf32> to vector<1x16xf32>
        tpu.vector_store %arg9[%swap3A_305, %swap3A_306], %swap3A_309 {add = true, strides = array<i32>} : memref<80x128xf32, #tpu.memory_space<vmem>>, vector<1x16xf32>,
        %get3A_310 = arith.index_cast %add3A_282 : i32 to index
        %get3A_311 = arith.constant 48 : index
        %get3A_312 = tpu.vector_load %arg12[%get3A_310, %get3A_311] {strides = array<i32>} : memref<80x128xf32, #tpu.memory_space<vmem>>, vector<1x16xf32>,
        %get3A_313 = vector.shape_cast %get3A_312 : vector<1x16xf32> to vector<16xf32>
        %swap3A_314 = arith.index_cast %add3A_282 : i32 to index
        %swap3A_315 = arith.constant 48 : index
        %swap3A_316 = tpu.vector_load %arg9[%swap3A_314, %swap3A_315] {strides = array<i32>} : memref<80x128xf32, #tpu.memory_space<vmem>>, vector<1x16xf32>,
        %swap3A_317 = vector.shape_cast %swap3A_316 : vector<1x16xf32> to vector<16xf32>
        %swap3A_318 = vector.shape_cast %get3A_313 : vector<16xf32> to vector<1x16xf32>
        tpu.vector_store %arg9[%swap3A_314, %swap3A_315], %swap3A_318 {add = true, strides = array<i32>} : memref<80x128xf32, #tpu.memory_space<vmem>>, vector<1x16xf32>,
        %get3A_319 = arith.index_cast %add3A_282 : i32 to index
        %get3A_320 = arith.constant 64 : index
        %get3A_321 = tpu.vector_load %arg12[%get3A_319, %get3A_320] {strides = array<i32>} : memref<80x128xf32, #tpu.memory_space<vmem>>, vector<1x16xf32>,
        %get3A_322 = vector.shape_cast %get3A_321 : vector<1x16xf32> to vector<16xf32>
        %swap3A_323 = arith.index_cast %add3A_282 : i32 to index
        %swap3A_324 = arith.constant 64 : index
        %swap3A_325 = tpu.vector_load %arg9[%swap3A_323, %swap3A_324] {strides = array<i32>} : memref<80x128xf32, #tpu.memory_space<vmem>>, vector<1x16xf32>,
        %swap3A_326 = vector.shape_cast %swap3A_325 : vector<1x16xf32> to vector<16xf32>
        %swap3A_327 = vector.shape_cast %get3A_322 : vector<16xf32> to vector<1x16xf32>
        tpu.vector_store %arg9[%swap3A_323, %swap3A_324], %swap3A_327 {add = true, strides = array<i32>} : memref<80x128xf32, #tpu.memory_space<vmem>>, vector<1x16xf32>,
        %get3A_328 = arith.index_cast %add3A_282 : i32 to index
        %get3A_329 = arith.constant 80 : index
        %get3A_330 = tpu.vector_load %arg12[%get3A_328, %get3A_329] {strides = array<i32>} : memref<80x128xf32, #tpu.memory_space<vmem>>, vector<1x16xf32>,
        %get3A_331 = vector.shape_cast %get3A_330 : vector<1x16xf32> to vector<16xf32>
        %swap3A_332 = arith.index_cast %add3A_282 : i32 to index
        %swap3A_333 = arith.constant 80 : index
        %swap3A_334 = tpu.vector_load %arg9[%swap3A_332, %swap3A_333] {strides = array<i32>} : memref<80x128xf32, #tpu.memory_space<vmem>>, vector<1x16xf32>,
        %swap3A_335 = vector.shape_cast %swap3A_334 : vector<1x16xf32> to vector<16xf32>
        %swap3A_336 = vector.shape_cast %get3A_331 : vector<16xf32> to vector<1x16xf32>
        tpu.vector_store %arg9[%swap3A_332, %swap3A_333], %swap3A_336 {add = true, strides = array<i32>} : memref<80x128xf32, #tpu.memory_space<vmem>>, vector<1x16xf32>,
        %get3A_337 = arith.index_cast %add3A_282 : i32 to index
        %get3A_338 = arith.constant 96 : index
        %get3A_339 = tpu.vector_load %arg12[%get3A_337, %get3A_338] {strides = array<i32>} : memref<80x128xf32, #tpu.memory_space<vmem>>, vector<1x16xf32>,
        %get3A_340 = vector.shape_cast %get3A_339 : vector<1x16xf32> to vector<16xf32>
        %swap3A_341 = arith.index_cast %add3A_282 : i32 to index
        %swap3A_342 = arith.constant 96 : index
        %swap3A_343 = tpu.vector_load %arg9[%swap3A_341, %swap3A_342] {strides = array<i32>} : memref<80x128xf32, #tpu.memory_space<vmem>>, vector<1x16xf32>,
        %swap3A_344 = vector.shape_cast %swap3A_343 : vector<1x16xf32> to vector<16xf32>
        %swap3A_345 = vector.shape_cast %get3A_340 : vector<16xf32> to vector<1x16xf32>
        tpu.vector_store %arg9[%swap3A_341, %swap3A_342], %swap3A_345 {add = true, strides = array<i32>} : memref<80x128xf32, #tpu.memory_space<vmem>>, vector<1x16xf32>,
        %get3A_346 = arith.index_cast %add3A_282 : i32 to index
        %get3A_347 = arith.constant 112 : index
        %get3A_348 = tpu.vector_load %arg12[%get3A_346, %get3A_347] {strides = array<i32>} : memref<80x128xf32, #tpu.memory_space<vmem>>, vector<1x16xf32>,
        %get3A_349 = vector.shape_cast %get3A_348 : vector<1x16xf32> to vector<16xf32>
        %swap3A_350 = arith.index_cast %add3A_282 : i32 to index
        %swap3A_351 = arith.constant 112 : index
        %swap3A_352 = tpu.vector_load %arg9[%swap3A_350, %swap3A_351] {strides = array<i32>} : memref<80x128xf32, #tpu.memory_space<vmem>>, vector<1x16xf32>,
        %swap3A_353 = vector.shape_cast %swap3A_352 : vector<1x16xf32> to vector<16xf32>
        %swap3A_354 = vector.shape_cast %get3A_349 : vector<16xf32> to vector<1x16xf32>
        tpu.vector_store %arg9[%swap3A_350, %swap3A_351], %swap3A_354 {add = true, strides = array<i32>} : memref<80x128xf32, #tpu.memory_space<vmem>>, vector<1x16xf32>,
      }
      %scan3A_118 = arith.constant 40 : i32
      %mul3A_119 = arith.constant 80 : i32
      %mul3A_120 = arith.muli %mul3A_100, %mul3A_119 : i32
      %add3A_121 = arith.addi %mul3A_2, %mul3A_120 : i32
      %dma_start3A_122 = arith.constant 0 : i32
      %dma_start3A_123 = tpu.memref_slice %arg6[%add3A_121, %dma_start3A_122] : memref<320000x128xf32, #tpu.memory_space<hbm>> -> memref<80x128xf32, #tpu.memory_space<hbm>>
      %dma_start3A_124 = arith.constant 0 : i32
      %dma_start3A_125 = tpu.memref_slice %arg6[%add3A_121, %dma_start3A_124] : memref<320000x128xf32, #tpu.memory_space<hbm>> -> memref<80x128xf32, #tpu.memory_space<hbm>>
      tpu.enqueue_dma source(%arg9 : memref<80x128xf32, #tpu.memory_space<vmem>>) target(%dma_start3A_125 : memref<80x128xf32, #tpu.memory_space<hbm>>) target_semaphore(%arg21 : memref<!tpu.dma_semaphore, #tpu.memory_space<semaphore_mem>>)
      %add3A_126 = arith.constant 1 : i32
      %add3A_127 = arith.addi %mul3A_100, %add3A_126 : i32
      %mul3A_128 = arith.constant 80 : i32
      %mul3A_129 = arith.muli %add3A_127, %mul3A_128 : i32
      %dma_wait3A_130 = tpu.memref_slice %arg7[%mul3A_129] : memref<10000xi32, #tpu.memory_space<vmem>> -> memref<80xi32, #tpu.memory_space<vmem>>
      %dma_wait3A_131 = arith.constant 0 : i32
      %dma_wait3A_132 = arith.constant 0 : i32
      %dma_wait3A_133 = tpu.memref_slice %arg2[%dma_wait3A_131, %dma_wait3A_132] : memref<10000x128xf32, #tpu.memory_space<hbm>> -> memref<10000x128xf32, #tpu.memory_space<hbm>>
      tpu.wait_indirect_dma semaphore(%arg16 : memref<!tpu.dma_semaphore, #tpu.memory_space<semaphore_mem>>) src(%dma_wait3A_133 : memref<10000x128xf32, #tpu.memory_space<hbm>>) dst(%arg10 : memref<80x128xf32, #tpu.memory_space<vmem>>)
      %mul3A_134 = arith.constant 80 : i32
      %mul3A_135 = arith.muli %add3A_127, %mul3A_134 : i32
      %dma_wait3A_136 = tpu.memref_slice %arg8[%mul3A_135] : memref<10000xi32, #tpu.memory_space<vmem>> -> memref<80xi32, #tpu.memory_space<vmem>>
      %dma_wait3A_137 = arith.constant 0 : i32
      %dma_wait3A_138 = arith.constant 0 : i32
      %dma_wait3A_139 = tpu.memref_slice %arg3[%dma_wait3A_137, %dma_wait3A_138] : memref<10000x128xf32, #tpu.memory_space<hbm>> -> memref<10000x128xf32, #tpu.memory_space<hbm>>
      tpu.wait_indirect_dma semaphore(%arg19 : memref<!tpu.dma_semaphore, #tpu.memory_space<semaphore_mem>>) src(%dma_wait3A_139 : memref<10000x128xf32, #tpu.memory_space<hbm>>) dst(%arg13 : memref<80x128xf32, #tpu.memory_space<vmem>>)
      %scan3A_140 = arith.constant 0 : i32
      %scan3A_141 = arith.constant 0 : i32
      %scan3A_142 = arith.constant 40 : i32
      %scan3A_143 = arith.addi %scan3A_141, %scan3A_142 : i32
      %scan3A_144 = arith.constant 1 : i32
      scf.for %scan3A_204 = %scan3A_141 to %scan3A_143 step %scan3A_144  : i32 {
        %mul3A_205 = arith.constant 2 : i32
        %mul3A_206 = arith.muli %scan3A_204, %mul3A_205 : i32
        %add3A_207 = arith.constant 0 : i32
        %add3A_208 = arith.addi %mul3A_206, %add3A_207 : i32
        %get3A = arith.index_cast %add3A_208 : i32 to index
        %get3A_209 = arith.constant 0 : index
        %get3A_210 = tpu.vector_load %arg13[%get3A, %get3A_209] {strides = array<i32>} : memref<80x128xf32, #tpu.memory_space<vmem>>, vector<1x16xf32>,
        %get3A_211 = vector.shape_cast %get3A_210 : vector<1x16xf32> to vector<16xf32>
        %swap3A = arith.index_cast %add3A_208 : i32 to index
        %swap3A_212 = arith.constant 0 : index
        %swap3A_213 = tpu.vector_load %arg10[%swap3A, %swap3A_212] {strides = array<i32>} : memref<80x128xf32, #tpu.memory_space<vmem>>, vector<1x16xf32>,
        %swap3A_214 = vector.shape_cast %swap3A_213 : vector<1x16xf32> to vector<16xf32>
        %swap3A_215 = vector.shape_cast %get3A_211 : vector<16xf32> to vector<1x16xf32>
        tpu.vector_store %arg10[%swap3A, %swap3A_212], %swap3A_215 {add = true, strides = array<i32>} : memref<80x128xf32, #tpu.memory_space<vmem>>, vector<1x16xf32>,
        %get3A_216 = arith.index_cast %add3A_208 : i32 to index
        %get3A_217 = arith.constant 16 : index
        %get3A_218 = tpu.vector_load %arg13[%get3A_216, %get3A_217] {strides = array<i32>} : memref<80x128xf32, #tpu.memory_space<vmem>>, vector<1x16xf32>,
        %get3A_219 = vector.shape_cast %get3A_218 : vector<1x16xf32> to vector<16xf32>
        %swap3A_220 = arith.index_cast %add3A_208 : i32 to index
        %swap3A_221 = arith.constant 16 : index
        %swap3A_222 = tpu.vector_load %arg10[%swap3A_220, %swap3A_221] {strides = array<i32>} : memref<80x128xf32, #tpu.memory_space<vmem>>, vector<1x16xf32>,
        %swap3A_223 = vector.shape_cast %swap3A_222 : vector<1x16xf32> to vector<16xf32>
        %swap3A_224 = vector.shape_cast %get3A_219 : vector<16xf32> to vector<1x16xf32>
        tpu.vector_store %arg10[%swap3A_220, %swap3A_221], %swap3A_224 {add = true, strides = array<i32>} : memref<80x128xf32, #tpu.memory_space<vmem>>, vector<1x16xf32>,
        %get3A_225 = arith.index_cast %add3A_208 : i32 to index
        %get3A_226 = arith.constant 32 : index
        %get3A_227 = tpu.vector_load %arg13[%get3A_225, %get3A_226] {strides = array<i32>} : memref<80x128xf32, #tpu.memory_space<vmem>>, vector<1x16xf32>,
        %get3A_228 = vector.shape_cast %get3A_227 : vector<1x16xf32> to vector<16xf32>
        %swap3A_229 = arith.index_cast %add3A_208 : i32 to index
        %swap3A_230 = arith.constant 32 : index
        %swap3A_231 = tpu.vector_load %arg10[%swap3A_229, %swap3A_230] {strides = array<i32>} : memref<80x128xf32, #tpu.memory_space<vmem>>, vector<1x16xf32>,
        %swap3A_232 = vector.shape_cast %swap3A_231 : vector<1x16xf32> to vector<16xf32>
        %swap3A_233 = vector.shape_cast %get3A_228 : vector<16xf32> to vector<1x16xf32>
        tpu.vector_store %arg10[%swap3A_229, %swap3A_230], %swap3A_233 {add = true, strides = array<i32>} : memref<80x128xf32, #tpu.memory_space<vmem>>, vector<1x16xf32>,
        %get3A_234 = arith.index_cast %add3A_208 : i32 to index
        %get3A_235 = arith.constant 48 : index
        %get3A_236 = tpu.vector_load %arg13[%get3A_234, %get3A_235] {strides = array<i32>} : memref<80x128xf32, #tpu.memory_space<vmem>>, vector<1x16xf32>,
        %get3A_237 = vector.shape_cast %get3A_236 : vector<1x16xf32> to vector<16xf32>
        %swap3A_238 = arith.index_cast %add3A_208 : i32 to index
        %swap3A_239 = arith.constant 48 : index
        %swap3A_240 = tpu.vector_load %arg10[%swap3A_238, %swap3A_239] {strides = array<i32>} : memref<80x128xf32, #tpu.memory_space<vmem>>, vector<1x16xf32>,
        %swap3A_241 = vector.shape_cast %swap3A_240 : vector<1x16xf32> to vector<16xf32>
        %swap3A_242 = vector.shape_cast %get3A_237 : vector<16xf32> to vector<1x16xf32>
        tpu.vector_store %arg10[%swap3A_238, %swap3A_239], %swap3A_242 {add = true, strides = array<i32>} : memref<80x128xf32, #tpu.memory_space<vmem>>, vector<1x16xf32>,
        %get3A_243 = arith.index_cast %add3A_208 : i32 to index
        %get3A_244 = arith.constant 64 : index
        %get3A_245 = tpu.vector_load %arg13[%get3A_243, %get3A_244] {strides = array<i32>} : memref<80x128xf32, #tpu.memory_space<vmem>>, vector<1x16xf32>,
        %get3A_246 = vector.shape_cast %get3A_245 : vector<1x16xf32> to vector<16xf32>
        %swap3A_247 = arith.index_cast %add3A_208 : i32 to index
        %swap3A_248 = arith.constant 64 : index
        %swap3A_249 = tpu.vector_load %arg10[%swap3A_247, %swap3A_248] {strides = array<i32>} : memref<80x128xf32, #tpu.memory_space<vmem>>, vector<1x16xf32>,
        %swap3A_250 = vector.shape_cast %swap3A_249 : vector<1x16xf32> to vector<16xf32>
        %swap3A_251 = vector.shape_cast %get3A_246 : vector<16xf32> to vector<1x16xf32>
        tpu.vector_store %arg10[%swap3A_247, %swap3A_248], %swap3A_251 {add = true, strides = array<i32>} : memref<80x128xf32, #tpu.memory_space<vmem>>, vector<1x16xf32>,
        %get3A_252 = arith.index_cast %add3A_208 : i32 to index
        %get3A_253 = arith.constant 80 : index
        %get3A_254 = tpu.vector_load %arg13[%get3A_252, %get3A_253] {strides = array<i32>} : memref<80x128xf32, #tpu.memory_space<vmem>>, vector<1x16xf32>,
        %get3A_255 = vector.shape_cast %get3A_254 : vector<1x16xf32> to vector<16xf32>
        %swap3A_256 = arith.index_cast %add3A_208 : i32 to index
        %swap3A_257 = arith.constant 80 : index
        %swap3A_258 = tpu.vector_load %arg10[%swap3A_256, %swap3A_257] {strides = array<i32>} : memref<80x128xf32, #tpu.memory_space<vmem>>, vector<1x16xf32>,
        %swap3A_259 = vector.shape_cast %swap3A_258 : vector<1x16xf32> to vector<16xf32>
        %swap3A_260 = vector.shape_cast %get3A_255 : vector<16xf32> to vector<1x16xf32>
        tpu.vector_store %arg10[%swap3A_256, %swap3A_257], %swap3A_260 {add = true, strides = array<i32>} : memref<80x128xf32, #tpu.memory_space<vmem>>, vector<1x16xf32>,
        %get3A_261 = arith.index_cast %add3A_208 : i32 to index
        %get3A_262 = arith.constant 96 : index
        %get3A_263 = tpu.vector_load %arg13[%get3A_261, %get3A_262] {strides = array<i32>} : memref<80x128xf32, #tpu.memory_space<vmem>>, vector<1x16xf32>,
        %get3A_264 = vector.shape_cast %get3A_263 : vector<1x16xf32> to vector<16xf32>
        %swap3A_265 = arith.index_cast %add3A_208 : i32 to index
        %swap3A_266 = arith.constant 96 : index
        %swap3A_267 = tpu.vector_load %arg10[%swap3A_265, %swap3A_266] {strides = array<i32>} : memref<80x128xf32, #tpu.memory_space<vmem>>, vector<1x16xf32>,
        %swap3A_268 = vector.shape_cast %swap3A_267 : vector<1x16xf32> to vector<16xf32>
        %swap3A_269 = vector.shape_cast %get3A_264 : vector<16xf32> to vector<1x16xf32>
        tpu.vector_store %arg10[%swap3A_265, %swap3A_266], %swap3A_269 {add = true, strides = array<i32>} : memref<80x128xf32, #tpu.memory_space<vmem>>, vector<1x16xf32>,
        %get3A_270 = arith.index_cast %add3A_208 : i32 to index
        %get3A_271 = arith.constant 112 : index
        %get3A_272 = tpu.vector_load %arg13[%get3A_270, %get3A_271] {strides = array<i32>} : memref<80x128xf32, #tpu.memory_space<vmem>>, vector<1x16xf32>,
        %get3A_273 = vector.shape_cast %get3A_272 : vector<1x16xf32> to vector<16xf32>
        %swap3A_274 = arith.index_cast %add3A_208 : i32 to index
        %swap3A_275 = arith.constant 112 : index
        %swap3A_276 = tpu.vector_load %arg10[%swap3A_274, %swap3A_275] {strides = array<i32>} : memref<80x128xf32, #tpu.memory_space<vmem>>, vector<1x16xf32>,
        %swap3A_277 = vector.shape_cast %swap3A_276 : vector<1x16xf32> to vector<16xf32>
        %swap3A_278 = vector.shape_cast %get3A_273 : vector<16xf32> to vector<1x16xf32>
        tpu.vector_store %arg10[%swap3A_274, %swap3A_275], %swap3A_278 {add = true, strides = array<i32>} : memref<80x128xf32, #tpu.memory_space<vmem>>, vector<1x16xf32>,
        %mul3A_279 = arith.constant 2 : i32
        %mul3A_280 = arith.muli %scan3A_204, %mul3A_279 : i32
        %add3A_281 = arith.constant 1 : i32
        %add3A_282 = arith.addi %mul3A_280, %add3A_281 : i32
        %get3A_283 = arith.index_cast %add3A_282 : i32 to index
        %get3A_284 = arith.constant 0 : index
        %get3A_285 = tpu.vector_load %arg13[%get3A_283, %get3A_284] {strides = array<i32>} : memref<80x128xf32, #tpu.memory_space<vmem>>, vector<1x16xf32>,
        %get3A_286 = vector.shape_cast %get3A_285 : vector<1x16xf32> to vector<16xf32>
        %swap3A_287 = arith.index_cast %add3A_282 : i32 to index
        %swap3A_288 = arith.constant 0 : index
        %swap3A_289 = tpu.vector_load %arg10[%swap3A_287, %swap3A_288] {strides = array<i32>} : memref<80x128xf32, #tpu.memory_space<vmem>>, vector<1x16xf32>,
        %swap3A_290 = vector.shape_cast %swap3A_289 : vector<1x16xf32> to vector<16xf32>
        %swap3A_291 = vector.shape_cast %get3A_286 : vector<16xf32> to vector<1x16xf32>
        tpu.vector_store %arg10[%swap3A_287, %swap3A_288], %swap3A_291 {add = true, strides = array<i32>} : memref<80x128xf32, #tpu.memory_space<vmem>>, vector<1x16xf32>,
        %get3A_292 = arith.index_cast %add3A_282 : i32 to index
        %get3A_293 = arith.constant 16 : index
        %get3A_294 = tpu.vector_load %arg13[%get3A_292, %get3A_293] {strides = array<i32>} : memref<80x128xf32, #tpu.memory_space<vmem>>, vector<1x16xf32>,
        %get3A_295 = vector.shape_cast %get3A_294 : vector<1x16xf32> to vector<16xf32>
        %swap3A_296 = arith.index_cast %add3A_282 : i32 to index
        %swap3A_297 = arith.constant 16 : index
        %swap3A_298 = tpu.vector_load %arg10[%swap3A_296, %swap3A_297] {strides = array<i32>} : memref<80x128xf32, #tpu.memory_space<vmem>>, vector<1x16xf32>,
        %swap3A_299 = vector.shape_cast %swap3A_298 : vector<1x16xf32> to vector<16xf32>
        %swap3A_300 = vector.shape_cast %get3A_295 : vector<16xf32> to vector<1x16xf32>
        tpu.vector_store %arg10[%swap3A_296, %swap3A_297], %swap3A_300 {add = true, strides = array<i32>} : memref<80x128xf32, #tpu.memory_space<vmem>>, vector<1x16xf32>,
        %get3A_301 = arith.index_cast %add3A_282 : i32 to index
        %get3A_302 = arith.constant 32 : index
        %get3A_303 = tpu.vector_load %arg13[%get3A_301, %get3A_302] {strides = array<i32>} : memref<80x128xf32, #tpu.memory_space<vmem>>, vector<1x16xf32>,
        %get3A_304 = vector.shape_cast %get3A_303 : vector<1x16xf32> to vector<16xf32>
        %swap3A_305 = arith.index_cast %add3A_282 : i32 to index
        %swap3A_306 = arith.constant 32 : index
        %swap3A_307 = tpu.vector_load %arg10[%swap3A_305, %swap3A_306] {strides = array<i32>} : memref<80x128xf32, #tpu.memory_space<vmem>>, vector<1x16xf32>,
        %swap3A_308 = vector.shape_cast %swap3A_307 : vector<1x16xf32> to vector<16xf32>
        %swap3A_309 = vector.shape_cast %get3A_304 : vector<16xf32> to vector<1x16xf32>
        tpu.vector_store %arg10[%swap3A_305, %swap3A_306], %swap3A_309 {add = true, strides = array<i32>} : memref<80x128xf32, #tpu.memory_space<vmem>>, vector<1x16xf32>,
        %get3A_310 = arith.index_cast %add3A_282 : i32 to index
        %get3A_311 = arith.constant 48 : index
        %get3A_312 = tpu.vector_load %arg13[%get3A_310, %get3A_311] {strides = array<i32>} : memref<80x128xf32, #tpu.memory_space<vmem>>, vector<1x16xf32>,
        %get3A_313 = vector.shape_cast %get3A_312 : vector<1x16xf32> to vector<16xf32>
        %swap3A_314 = arith.index_cast %add3A_282 : i32 to index
        %swap3A_315 = arith.constant 48 : index
        %swap3A_316 = tpu.vector_load %arg10[%swap3A_314, %swap3A_315] {strides = array<i32>} : memref<80x128xf32, #tpu.memory_space<vmem>>, vector<1x16xf32>,
        %swap3A_317 = vector.shape_cast %swap3A_316 : vector<1x16xf32> to vector<16xf32>
        %swap3A_318 = vector.shape_cast %get3A_313 : vector<16xf32> to vector<1x16xf32>
        tpu.vector_store %arg10[%swap3A_314, %swap3A_315], %swap3A_318 {add = true, strides = array<i32>} : memref<80x128xf32, #tpu.memory_space<vmem>>, vector<1x16xf32>,
        %get3A_319 = arith.index_cast %add3A_282 : i32 to index
        %get3A_320 = arith.constant 64 : index
        %get3A_321 = tpu.vector_load %arg13[%get3A_319, %get3A_320] {strides = array<i32>} : memref<80x128xf32, #tpu.memory_space<vmem>>, vector<1x16xf32>,
        %get3A_322 = vector.shape_cast %get3A_321 : vector<1x16xf32> to vector<16xf32>
        %swap3A_323 = arith.index_cast %add3A_282 : i32 to index
        %swap3A_324 = arith.constant 64 : index
        %swap3A_325 = tpu.vector_load %arg10[%swap3A_323, %swap3A_324] {strides = array<i32>} : memref<80x128xf32, #tpu.memory_space<vmem>>, vector<1x16xf32>,
        %swap3A_326 = vector.shape_cast %swap3A_325 : vector<1x16xf32> to vector<16xf32>
        %swap3A_327 = vector.shape_cast %get3A_322 : vector<16xf32> to vector<1x16xf32>
        tpu.vector_store %arg10[%swap3A_323, %swap3A_324], %swap3A_327 {add = true, strides = array<i32>} : memref<80x128xf32, #tpu.memory_space<vmem>>, vector<1x16xf32>,
        %get3A_328 = arith.index_cast %add3A_282 : i32 to index
        %get3A_329 = arith.constant 80 : index
        %get3A_330 = tpu.vector_load %arg13[%get3A_328, %get3A_329] {strides = array<i32>} : memref<80x128xf32, #tpu.memory_space<vmem>>, vector<1x16xf32>,
        %get3A_331 = vector.shape_cast %get3A_330 : vector<1x16xf32> to vector<16xf32>
        %swap3A_332 = arith.index_cast %add3A_282 : i32 to index
        %swap3A_333 = arith.constant 80 : index
        %swap3A_334 = tpu.vector_load %arg10[%swap3A_332, %swap3A_333] {strides = array<i32>} : memref<80x128xf32, #tpu.memory_space<vmem>>, vector<1x16xf32>,
        %swap3A_335 = vector.shape_cast %swap3A_334 : vector<1x16xf32> to vector<16xf32>
        %swap3A_336 = vector.shape_cast %get3A_331 : vector<16xf32> to vector<1x16xf32>
        tpu.vector_store %arg10[%swap3A_332, %swap3A_333], %swap3A_336 {add = true, strides = array<i32>} : memref<80x128xf32, #tpu.memory_space<vmem>>, vector<1x16xf32>,
        %get3A_337 = arith.index_cast %add3A_282 : i32 to index
        %get3A_338 = arith.constant 96 : index
        %get3A_339 = tpu.vector_load %arg13[%get3A_337, %get3A_338] {strides = array<i32>} : memref<80x128xf32, #tpu.memory_space<vmem>>, vector<1x16xf32>,
        %get3A_340 = vector.shape_cast %get3A_339 : vector<1x16xf32> to vector<16xf32>
        %swap3A_341 = arith.index_cast %add3A_282 : i32 to index
        %swap3A_342 = arith.constant 96 : index
        %swap3A_343 = tpu.vector_load %arg10[%swap3A_341, %swap3A_342] {strides = array<i32>} : memref<80x128xf32, #tpu.memory_space<vmem>>, vector<1x16xf32>,
        %swap3A_344 = vector.shape_cast %swap3A_343 : vector<1x16xf32> to vector<16xf32>
        %swap3A_345 = vector.shape_cast %get3A_340 : vector<16xf32> to vector<1x16xf32>
        tpu.vector_store %arg10[%swap3A_341, %swap3A_342], %swap3A_345 {add = true, strides = array<i32>} : memref<80x128xf32, #tpu.memory_space<vmem>>, vector<1x16xf32>,
        %get3A_346 = arith.index_cast %add3A_282 : i32 to index
        %get3A_347 = arith.constant 112 : index
        %get3A_348 = tpu.vector_load %arg13[%get3A_346, %get3A_347] {strides = array<i32>} : memref<80x128xf32, #tpu.memory_space<vmem>>, vector<1x16xf32>,
        %get3A_349 = vector.shape_cast %get3A_348 : vector<1x16xf32> to vector<16xf32>
        %swap3A_350 = arith.index_cast %add3A_282 : i32 to index
        %swap3A_351 = arith.constant 112 : index
        %swap3A_352 = tpu.vector_load %arg10[%swap3A_350, %swap3A_351] {strides = array<i32>} : memref<80x128xf32, #tpu.memory_space<vmem>>, vector<1x16xf32>,
        %swap3A_353 = vector.shape_cast %swap3A_352 : vector<1x16xf32> to vector<16xf32>
        %swap3A_354 = vector.shape_cast %get3A_349 : vector<16xf32> to vector<1x16xf32>
        tpu.vector_store %arg10[%swap3A_350, %swap3A_351], %swap3A_354 {add = true, strides = array<i32>} : memref<80x128xf32, #tpu.memory_space<vmem>>, vector<1x16xf32>,
      }
      %scan3A_145 = arith.constant 40 : i32
      %mul3A_146 = arith.constant 80 : i32
      %mul3A_147 = arith.muli %add3A_127, %mul3A_146 : i32
      %add3A_148 = arith.addi %mul3A_2, %mul3A_147 : i32
      %dma_start3A_149 = arith.constant 0 : i32
      %dma_start3A_150 = tpu.memref_slice %arg6[%add3A_148, %dma_start3A_149] : memref<320000x128xf32, #tpu.memory_space<hbm>> -> memref<80x128xf32, #tpu.memory_space<hbm>>
      %dma_start3A_151 = arith.constant 0 : i32
      %dma_start3A_152 = tpu.memref_slice %arg6[%add3A_148, %dma_start3A_151] : memref<320000x128xf32, #tpu.memory_space<hbm>> -> memref<80x128xf32, #tpu.memory_space<hbm>>
      tpu.enqueue_dma source(%arg10 : memref<80x128xf32, #tpu.memory_space<vmem>>) target(%dma_start3A_152 : memref<80x128xf32, #tpu.memory_space<hbm>>) target_semaphore(%arg22 : memref<!tpu.dma_semaphore, #tpu.memory_space<semaphore_mem>>)
      %add3A_153 = arith.constant 2 : i32
      %add3A_154 = arith.addi %mul3A_100, %add3A_153 : i32
      %mul3A_155 = arith.constant 80 : i32
      %mul3A_156 = arith.muli %add3A_154, %mul3A_155 : i32
      %dma_wait3A_157 = tpu.memref_slice %arg7[%mul3A_156] : memref<10000xi32, #tpu.memory_space<vmem>> -> memref<80xi32, #tpu.memory_space<vmem>>
      %dma_wait3A_158 = arith.constant 0 : i32
      %dma_wait3A_159 = arith.constant 0 : i32
      %dma_wait3A_160 = tpu.memref_slice %arg2[%dma_wait3A_158, %dma_wait3A_159] : memref<10000x128xf32, #tpu.memory_space<hbm>> -> memref<10000x128xf32, #tpu.memory_space<hbm>>
      tpu.wait_indirect_dma semaphore(%arg17 : memref<!tpu.dma_semaphore, #tpu.memory_space<semaphore_mem>>) src(%dma_wait3A_160 : memref<10000x128xf32, #tpu.memory_space<hbm>>) dst(%arg11 : memref<80x128xf32, #tpu.memory_space<vmem>>)
      %mul3A_161 = arith.constant 80 : i32
      %mul3A_162 = arith.muli %add3A_154, %mul3A_161 : i32
      %dma_wait3A_163 = tpu.memref_slice %arg8[%mul3A_162] : memref<10000xi32, #tpu.memory_space<vmem>> -> memref<80xi32, #tpu.memory_space<vmem>>
      %dma_wait3A_164 = arith.constant 0 : i32
      %dma_wait3A_165 = arith.constant 0 : i32
      %dma_wait3A_166 = tpu.memref_slice %arg3[%dma_wait3A_164, %dma_wait3A_165] : memref<10000x128xf32, #tpu.memory_space<hbm>> -> memref<10000x128xf32, #tpu.memory_space<hbm>>
      tpu.wait_indirect_dma semaphore(%arg20 : memref<!tpu.dma_semaphore, #tpu.memory_space<semaphore_mem>>) src(%dma_wait3A_166 : memref<10000x128xf32, #tpu.memory_space<hbm>>) dst(%arg14 : memref<80x128xf32, #tpu.memory_space<vmem>>)
      %scan3A_167 = arith.constant 0 : i32
      %scan3A_168 = arith.constant 0 : i32
      %scan3A_169 = arith.constant 40 : i32
      %scan3A_170 = arith.addi %scan3A_168, %scan3A_169 : i32
      %scan3A_171 = arith.constant 1 : i32
      scf.for %scan3A_204 = %scan3A_168 to %scan3A_170 step %scan3A_171  : i32 {
        %mul3A_205 = arith.constant 2 : i32
        %mul3A_206 = arith.muli %scan3A_204, %mul3A_205 : i32
        %add3A_207 = arith.constant 0 : i32
        %add3A_208 = arith.addi %mul3A_206, %add3A_207 : i32
        %get3A = arith.index_cast %add3A_208 : i32 to index
        %get3A_209 = arith.constant 0 : index
        %get3A_210 = tpu.vector_load %arg14[%get3A, %get3A_209] {strides = array<i32>} : memref<80x128xf32, #tpu.memory_space<vmem>>, vector<1x16xf32>,
        %get3A_211 = vector.shape_cast %get3A_210 : vector<1x16xf32> to vector<16xf32>
        %swap3A = arith.index_cast %add3A_208 : i32 to index
        %swap3A_212 = arith.constant 0 : index
        %swap3A_213 = tpu.vector_load %arg11[%swap3A, %swap3A_212] {strides = array<i32>} : memref<80x128xf32, #tpu.memory_space<vmem>>, vector<1x16xf32>,
        %swap3A_214 = vector.shape_cast %swap3A_213 : vector<1x16xf32> to vector<16xf32>
        %swap3A_215 = vector.shape_cast %get3A_211 : vector<16xf32> to vector<1x16xf32>
        tpu.vector_store %arg11[%swap3A, %swap3A_212], %swap3A_215 {add = true, strides = array<i32>} : memref<80x128xf32, #tpu.memory_space<vmem>>, vector<1x16xf32>,
        %get3A_216 = arith.index_cast %add3A_208 : i32 to index
        %get3A_217 = arith.constant 16 : index
        %get3A_218 = tpu.vector_load %arg14[%get3A_216, %get3A_217] {strides = array<i32>} : memref<80x128xf32, #tpu.memory_space<vmem>>, vector<1x16xf32>,
        %get3A_219 = vector.shape_cast %get3A_218 : vector<1x16xf32> to vector<16xf32>
        %swap3A_220 = arith.index_cast %add3A_208 : i32 to index
        %swap3A_221 = arith.constant 16 : index
        %swap3A_222 = tpu.vector_load %arg11[%swap3A_220, %swap3A_221] {strides = array<i32>} : memref<80x128xf32, #tpu.memory_space<vmem>>, vector<1x16xf32>,
        %swap3A_223 = vector.shape_cast %swap3A_222 : vector<1x16xf32> to vector<16xf32>
        %swap3A_224 = vector.shape_cast %get3A_219 : vector<16xf32> to vector<1x16xf32>
        tpu.vector_store %arg11[%swap3A_220, %swap3A_221], %swap3A_224 {add = true, strides = array<i32>} : memref<80x128xf32, #tpu.memory_space<vmem>>, vector<1x16xf32>,
        %get3A_225 = arith.index_cast %add3A_208 : i32 to index
        %get3A_226 = arith.constant 32 : index
        %get3A_227 = tpu.vector_load %arg14[%get3A_225, %get3A_226] {strides = array<i32>} : memref<80x128xf32, #tpu.memory_space<vmem>>, vector<1x16xf32>,
        %get3A_228 = vector.shape_cast %get3A_227 : vector<1x16xf32> to vector<16xf32>
        %swap3A_229 = arith.index_cast %add3A_208 : i32 to index
        %swap3A_230 = arith.constant 32 : index
        %swap3A_231 = tpu.vector_load %arg11[%swap3A_229, %swap3A_230] {strides = array<i32>} : memref<80x128xf32, #tpu.memory_space<vmem>>, vector<1x16xf32>,
        %swap3A_232 = vector.shape_cast %swap3A_231 : vector<1x16xf32> to vector<16xf32>
        %swap3A_233 = vector.shape_cast %get3A_228 : vector<16xf32> to vector<1x16xf32>
        tpu.vector_store %arg11[%swap3A_229, %swap3A_230], %swap3A_233 {add = true, strides = array<i32>} : memref<80x128xf32, #tpu.memory_space<vmem>>, vector<1x16xf32>,
        %get3A_234 = arith.index_cast %add3A_208 : i32 to index
        %get3A_235 = arith.constant 48 : index
        %get3A_236 = tpu.vector_load %arg14[%get3A_234, %get3A_235] {strides = array<i32>} : memref<80x128xf32, #tpu.memory_space<vmem>>, vector<1x16xf32>,
        %get3A_237 = vector.shape_cast %get3A_236 : vector<1x16xf32> to vector<16xf32>
        %swap3A_238 = arith.index_cast %add3A_208 : i32 to index
        %swap3A_239 = arith.constant 48 : index
        %swap3A_240 = tpu.vector_load %arg11[%swap3A_238, %swap3A_239] {strides = array<i32>} : memref<80x128xf32, #tpu.memory_space<vmem>>, vector<1x16xf32>,
        %swap3A_241 = vector.shape_cast %swap3A_240 : vector<1x16xf32> to vector<16xf32>
        %swap3A_242 = vector.shape_cast %get3A_237 : vector<16xf32> to vector<1x16xf32>
        tpu.vector_store %arg11[%swap3A_238, %swap3A_239], %swap3A_242 {add = true, strides = array<i32>} : memref<80x128xf32, #tpu.memory_space<vmem>>, vector<1x16xf32>,
        %get3A_243 = arith.index_cast %add3A_208 : i32 to index
        %get3A_244 = arith.constant 64 : index
        %get3A_245 = tpu.vector_load %arg14[%get3A_243, %get3A_244] {strides = array<i32>} : memref<80x128xf32, #tpu.memory_space<vmem>>, vector<1x16xf32>,
        %get3A_246 = vector.shape_cast %get3A_245 : vector<1x16xf32> to vector<16xf32>
        %swap3A_247 = arith.index_cast %add3A_208 : i32 to index
        %swap3A_248 = arith.constant 64 : index
        %swap3A_249 = tpu.vector_load %arg11[%swap3A_247, %swap3A_248] {strides = array<i32>} : memref<80x128xf32, #tpu.memory_space<vmem>>, vector<1x16xf32>,
        %swap3A_250 = vector.shape_cast %swap3A_249 : vector<1x16xf32> to vector<16xf32>
        %swap3A_251 = vector.shape_cast %get3A_246 : vector<16xf32> to vector<1x16xf32>
        tpu.vector_store %arg11[%swap3A_247, %swap3A_248], %swap3A_251 {add = true, strides = array<i32>} : memref<80x128xf32, #tpu.memory_space<vmem>>, vector<1x16xf32>,
        %get3A_252 = arith.index_cast %add3A_208 : i32 to index
        %get3A_253 = arith.constant 80 : index
        %get3A_254 = tpu.vector_load %arg14[%get3A_252, %get3A_253] {strides = array<i32>} : memref<80x128xf32, #tpu.memory_space<vmem>>, vector<1x16xf32>,
        %get3A_255 = vector.shape_cast %get3A_254 : vector<1x16xf32> to vector<16xf32>
        %swap3A_256 = arith.index_cast %add3A_208 : i32 to index
        %swap3A_257 = arith.constant 80 : index
        %swap3A_258 = tpu.vector_load %arg11[%swap3A_256, %swap3A_257] {strides = array<i32>} : memref<80x128xf32, #tpu.memory_space<vmem>>, vector<1x16xf32>,
        %swap3A_259 = vector.shape_cast %swap3A_258 : vector<1x16xf32> to vector<16xf32>
        %swap3A_260 = vector.shape_cast %get3A_255 : vector<16xf32> to vector<1x16xf32>
        tpu.vector_store %arg11[%swap3A_256, %swap3A_257], %swap3A_260 {add = true, strides = array<i32>} : memref<80x128xf32, #tpu.memory_space<vmem>>, vector<1x16xf32>,
        %get3A_261 = arith.index_cast %add3A_208 : i32 to index
        %get3A_262 = arith.constant 96 : index
        %get3A_263 = tpu.vector_load %arg14[%get3A_261, %get3A_262] {strides = array<i32>} : memref<80x128xf32, #tpu.memory_space<vmem>>, vector<1x16xf32>,
        %get3A_264 = vector.shape_cast %get3A_263 : vector<1x16xf32> to vector<16xf32>
        %swap3A_265 = arith.index_cast %add3A_208 : i32 to index
        %swap3A_266 = arith.constant 96 : index
        %swap3A_267 = tpu.vector_load %arg11[%swap3A_265, %swap3A_266] {strides = array<i32>} : memref<80x128xf32, #tpu.memory_space<vmem>>, vector<1x16xf32>,
        %swap3A_268 = vector.shape_cast %swap3A_267 : vector<1x16xf32> to vector<16xf32>
        %swap3A_269 = vector.shape_cast %get3A_264 : vector<16xf32> to vector<1x16xf32>
        tpu.vector_store %arg11[%swap3A_265, %swap3A_266], %swap3A_269 {add = true, strides = array<i32>} : memref<80x128xf32, #tpu.memory_space<vmem>>, vector<1x16xf32>,
        %get3A_270 = arith.index_cast %add3A_208 : i32 to index
        %get3A_271 = arith.constant 112 : index
        %get3A_272 = tpu.vector_load %arg14[%get3A_270, %get3A_271] {strides = array<i32>} : memref<80x128xf32, #tpu.memory_space<vmem>>, vector<1x16xf32>,
        %get3A_273 = vector.shape_cast %get3A_272 : vector<1x16xf32> to vector<16xf32>
        %swap3A_274 = arith.index_cast %add3A_208 : i32 to index
        %swap3A_275 = arith.constant 112 : index
        %swap3A_276 = tpu.vector_load %arg11[%swap3A_274, %swap3A_275] {strides = array<i32>} : memref<80x128xf32, #tpu.memory_space<vmem>>, vector<1x16xf32>,
        %swap3A_277 = vector.shape_cast %swap3A_276 : vector<1x16xf32> to vector<16xf32>
        %swap3A_278 = vector.shape_cast %get3A_273 : vector<16xf32> to vector<1x16xf32>
        tpu.vector_store %arg11[%swap3A_274, %swap3A_275], %swap3A_278 {add = true, strides = array<i32>} : memref<80x128xf32, #tpu.memory_space<vmem>>, vector<1x16xf32>,
        %mul3A_279 = arith.constant 2 : i32
        %mul3A_280 = arith.muli %scan3A_204, %mul3A_279 : i32
        %add3A_281 = arith.constant 1 : i32
        %add3A_282 = arith.addi %mul3A_280, %add3A_281 : i32
        %get3A_283 = arith.index_cast %add3A_282 : i32 to index
        %get3A_284 = arith.constant 0 : index
        %get3A_285 = tpu.vector_load %arg14[%get3A_283, %get3A_284] {strides = array<i32>} : memref<80x128xf32, #tpu.memory_space<vmem>>, vector<1x16xf32>,
        %get3A_286 = vector.shape_cast %get3A_285 : vector<1x16xf32> to vector<16xf32>
        %swap3A_287 = arith.index_cast %add3A_282 : i32 to index
        %swap3A_288 = arith.constant 0 : index
        %swap3A_289 = tpu.vector_load %arg11[%swap3A_287, %swap3A_288] {strides = array<i32>} : memref<80x128xf32, #tpu.memory_space<vmem>>, vector<1x16xf32>,
        %swap3A_290 = vector.shape_cast %swap3A_289 : vector<1x16xf32> to vector<16xf32>
        %swap3A_291 = vector.shape_cast %get3A_286 : vector<16xf32> to vector<1x16xf32>
        tpu.vector_store %arg11[%swap3A_287, %swap3A_288], %swap3A_291 {add = true, strides = array<i32>} : memref<80x128xf32, #tpu.memory_space<vmem>>, vector<1x16xf32>,
        %get3A_292 = arith.index_cast %add3A_282 : i32 to index
        %get3A_293 = arith.constant 16 : index
        %get3A_294 = tpu.vector_load %arg14[%get3A_292, %get3A_293] {strides = array<i32>} : memref<80x128xf32, #tpu.memory_space<vmem>>, vector<1x16xf32>,
        %get3A_295 = vector.shape_cast %get3A_294 : vector<1x16xf32> to vector<16xf32>
        %swap3A_296 = arith.index_cast %add3A_282 : i32 to index
        %swap3A_297 = arith.constant 16 : index
        %swap3A_298 = tpu.vector_load %arg11[%swap3A_296, %swap3A_297] {strides = array<i32>} : memref<80x128xf32, #tpu.memory_space<vmem>>, vector<1x16xf32>,
        %swap3A_299 = vector.shape_cast %swap3A_298 : vector<1x16xf32> to vector<16xf32>
        %swap3A_300 = vector.shape_cast %get3A_295 : vector<16xf32> to vector<1x16xf32>
        tpu.vector_store %arg11[%swap3A_296, %swap3A_297], %swap3A_300 {add = true, strides = array<i32>} : memref<80x128xf32, #tpu.memory_space<vmem>>, vector<1x16xf32>,
        %get3A_301 = arith.index_cast %add3A_282 : i32 to index
        %get3A_302 = arith.constant 32 : index
        %get3A_303 = tpu.vector_load %arg14[%get3A_301, %get3A_302] {strides = array<i32>} : memref<80x128xf32, #tpu.memory_space<vmem>>, vector<1x16xf32>,
        %get3A_304 = vector.shape_cast %get3A_303 : vector<1x16xf32> to vector<16xf32>
        %swap3A_305 = arith.index_cast %add3A_282 : i32 to index
        %swap3A_306 = arith.constant 32 : index
        %swap3A_307 = tpu.vector_load %arg11[%swap3A_305, %swap3A_306] {strides = array<i32>} : memref<80x128xf32, #tpu.memory_space<vmem>>, vector<1x16xf32>,
        %swap3A_308 = vector.shape_cast %swap3A_307 : vector<1x16xf32> to vector<16xf32>
        %swap3A_309 = vector.shape_cast %get3A_304 : vector<16xf32> to vector<1x16xf32>
        tpu.vector_store %arg11[%swap3A_305, %swap3A_306], %swap3A_309 {add = true, strides = array<i32>} : memref<80x128xf32, #tpu.memory_space<vmem>>, vector<1x16xf32>,
        %get3A_310 = arith.index_cast %add3A_282 : i32 to index
        %get3A_311 = arith.constant 48 : index
        %get3A_312 = tpu.vector_load %arg14[%get3A_310, %get3A_311] {strides = array<i32>} : memref<80x128xf32, #tpu.memory_space<vmem>>, vector<1x16xf32>,
        %get3A_313 = vector.shape_cast %get3A_312 : vector<1x16xf32> to vector<16xf32>
        %swap3A_314 = arith.index_cast %add3A_282 : i32 to index
        %swap3A_315 = arith.constant 48 : index
        %swap3A_316 = tpu.vector_load %arg11[%swap3A_314, %swap3A_315] {strides = array<i32>} : memref<80x128xf32, #tpu.memory_space<vmem>>, vector<1x16xf32>,
        %swap3A_317 = vector.shape_cast %swap3A_316 : vector<1x16xf32> to vector<16xf32>
        %swap3A_318 = vector.shape_cast %get3A_313 : vector<16xf32> to vector<1x16xf32>
        tpu.vector_store %arg11[%swap3A_314, %swap3A_315], %swap3A_318 {add = true, strides = array<i32>} : memref<80x128xf32, #tpu.memory_space<vmem>>, vector<1x16xf32>,
        %get3A_319 = arith.index_cast %add3A_282 : i32 to index
        %get3A_320 = arith.constant 64 : index
        %get3A_321 = tpu.vector_load %arg14[%get3A_319, %get3A_320] {strides = array<i32>} : memref<80x128xf32, #tpu.memory_space<vmem>>, vector<1x16xf32>,
        %get3A_322 = vector.shape_cast %get3A_321 : vector<1x16xf32> to vector<16xf32>
        %swap3A_323 = arith.index_cast %add3A_282 : i32 to index
        %swap3A_324 = arith.constant 64 : index
        %swap3A_325 = tpu.vector_load %arg11[%swap3A_323, %swap3A_324] {strides = array<i32>} : memref<80x128xf32, #tpu.memory_space<vmem>>, vector<1x16xf32>,
        %swap3A_326 = vector.shape_cast %swap3A_325 : vector<1x16xf32> to vector<16xf32>
        %swap3A_327 = vector.shape_cast %get3A_322 : vector<16xf32> to vector<1x16xf32>
        tpu.vector_store %arg11[%swap3A_323, %swap3A_324], %swap3A_327 {add = true, strides = array<i32>} : memref<80x128xf32, #tpu.memory_space<vmem>>, vector<1x16xf32>,
        %get3A_328 = arith.index_cast %add3A_282 : i32 to index
        %get3A_329 = arith.constant 80 : index
        %get3A_330 = tpu.vector_load %arg14[%get3A_328, %get3A_329] {strides = array<i32>} : memref<80x128xf32, #tpu.memory_space<vmem>>, vector<1x16xf32>,
        %get3A_331 = vector.shape_cast %get3A_330 : vector<1x16xf32> to vector<16xf32>
        %swap3A_332 = arith.index_cast %add3A_282 : i32 to index
        %swap3A_333 = arith.constant 80 : index
        %swap3A_334 = tpu.vector_load %arg11[%swap3A_332, %swap3A_333] {strides = array<i32>} : memref<80x128xf32, #tpu.memory_space<vmem>>, vector<1x16xf32>,
        %swap3A_335 = vector.shape_cast %swap3A_334 : vector<1x16xf32> to vector<16xf32>
        %swap3A_336 = vector.shape_cast %get3A_331 : vector<16xf32> to vector<1x16xf32>
        tpu.vector_store %arg11[%swap3A_332, %swap3A_333], %swap3A_336 {add = true, strides = array<i32>} : memref<80x128xf32, #tpu.memory_space<vmem>>, vector<1x16xf32>,
        %get3A_337 = arith.index_cast %add3A_282 : i32 to index
        %get3A_338 = arith.constant 96 : index
        %get3A_339 = tpu.vector_load %arg14[%get3A_337, %get3A_338] {strides = array<i32>} : memref<80x128xf32, #tpu.memory_space<vmem>>, vector<1x16xf32>,
        %get3A_340 = vector.shape_cast %get3A_339 : vector<1x16xf32> to vector<16xf32>
        %swap3A_341 = arith.index_cast %add3A_282 : i32 to index
        %swap3A_342 = arith.constant 96 : index
        %swap3A_343 = tpu.vector_load %arg11[%swap3A_341, %swap3A_342] {strides = array<i32>} : memref<80x128xf32, #tpu.memory_space<vmem>>, vector<1x16xf32>,
        %swap3A_344 = vector.shape_cast %swap3A_343 : vector<1x16xf32> to vector<16xf32>
        %swap3A_345 = vector.shape_cast %get3A_340 : vector<16xf32> to vector<1x16xf32>
        tpu.vector_store %arg11[%swap3A_341, %swap3A_342], %swap3A_345 {add = true, strides = array<i32>} : memref<80x128xf32, #tpu.memory_space<vmem>>, vector<1x16xf32>,
        %get3A_346 = arith.index_cast %add3A_282 : i32 to index
        %get3A_347 = arith.constant 112 : index
        %get3A_348 = tpu.vector_load %arg14[%get3A_346, %get3A_347] {strides = array<i32>} : memref<80x128xf32, #tpu.memory_space<vmem>>, vector<1x16xf32>,
        %get3A_349 = vector.shape_cast %get3A_348 : vector<1x16xf32> to vector<16xf32>
        %swap3A_350 = arith.index_cast %add3A_282 : i32 to index
        %swap3A_351 = arith.constant 112 : index
        %swap3A_352 = tpu.vector_load %arg11[%swap3A_350, %swap3A_351] {strides = array<i32>} : memref<80x128xf32, #tpu.memory_space<vmem>>, vector<1x16xf32>,
        %swap3A_353 = vector.shape_cast %swap3A_352 : vector<1x16xf32> to vector<16xf32>
        %swap3A_354 = vector.shape_cast %get3A_349 : vector<16xf32> to vector<1x16xf32>
        tpu.vector_store %arg11[%swap3A_350, %swap3A_351], %swap3A_354 {add = true, strides = array<i32>} : memref<80x128xf32, #tpu.memory_space<vmem>>, vector<1x16xf32>,
      }
      %scan3A_172 = arith.constant 40 : i32
      %mul3A_173 = arith.constant 80 : i32
      %mul3A_174 = arith.muli %add3A_154, %mul3A_173 : i32
      %add3A_175 = arith.addi %mul3A_2, %mul3A_174 : i32
      %dma_start3A_176 = arith.constant 0 : i32
      %dma_start3A_177 = tpu.memref_slice %arg6[%add3A_175, %dma_start3A_176] : memref<320000x128xf32, #tpu.memory_space<hbm>> -> memref<80x128xf32, #tpu.memory_space<hbm>>
      %dma_start3A_178 = arith.constant 0 : i32
      %dma_start3A_179 = tpu.memref_slice %arg6[%add3A_175, %dma_start3A_178] : memref<320000x128xf32, #tpu.memory_space<hbm>> -> memref<80x128xf32, #tpu.memory_space<hbm>>
      tpu.enqueue_dma source(%arg11 : memref<80x128xf32, #tpu.memory_space<vmem>>) target(%dma_start3A_179 : memref<80x128xf32, #tpu.memory_space<hbm>>) target_semaphore(%arg23 : memref<!tpu.dma_semaphore, #tpu.memory_space<semaphore_mem>>)
      %add3A_180 = arith.constant 3 : i32
      %add3A_181 = arith.addi %mul3A_100, %add3A_180 : i32
      %add3A_182 = arith.constant 0 : i32
      %add3A_183 = arith.addi %add3A_181, %add3A_182 : i32
      %lt3A = arith.constant 125 : i32
      %lt3A_184 = arith.cmpi slt, %add3A_183, %lt3A : i32
      %convert_element_type3A = arith.extui %lt3A_184 : i1 to i32
      %cond3A = arith.constant 0 : i32
      %cond3A_185 = arith.cmpi ne, %convert_element_type3A, %cond3A : i32
      scf.if %cond3A_185 {
        %add3A_204 = arith.constant 0 : i32
        %add3A_205 = arith.addi %mul3A_100, %add3A_204 : i32
        %mul3A_206 = arith.constant 80 : i32
        %mul3A_207 = arith.muli %add3A_205, %mul3A_206 : i32
        %add3A_208 = arith.addi %mul3A_2, %mul3A_207 : i32
        %dma_wait3A_209 = arith.constant 0 : i32
        %dma_wait3A_210 = tpu.memref_slice %arg6[%add3A_208, %dma_wait3A_209] : memref<320000x128xf32, #tpu.memory_space<hbm>> -> memref<80x128xf32, #tpu.memory_space<hbm>>
        %dma_wait3A_211 = arith.constant 0 : i32
        %dma_wait3A_212 = tpu.memref_slice %arg6[%add3A_208, %dma_wait3A_211] : memref<320000x128xf32, #tpu.memory_space<hbm>> -> memref<80x128xf32, #tpu.memory_space<hbm>>
        tpu.wait_dma2 semaphore(%arg21 : memref<!tpu.dma_semaphore, #tpu.memory_space<semaphore_mem>>) src(%arg9 : memref<80x128xf32, #tpu.memory_space<vmem>>) dst(%dma_wait3A_212 : memref<80x128xf32, #tpu.memory_space<hbm>>)
        %add3A_213 = arith.constant 3 : i32
        %add3A_214 = arith.addi %mul3A_100, %add3A_213 : i32
        %add3A_215 = arith.constant 0 : i32
        %add3A_216 = arith.addi %add3A_214, %add3A_215 : i32
        %mul3A_217 = arith.constant 80 : i32
        %mul3A_218 = arith.muli %add3A_216, %mul3A_217 : i32
        %dma_start3A_219 = tpu.memref_slice %arg7[%mul3A_218] : memref<10000xi32, #tpu.memory_space<vmem>> -> memref<80xi32, #tpu.memory_space<vmem>>
        %dma_start3A_220 = arith.constant 0 : i32
        %dma_start3A_221 = arith.constant 0 : i32
        %dma_start3A_222 = tpu.memref_slice %arg2[%dma_start3A_220, %dma_start3A_221] : memref<10000x128xf32, #tpu.memory_space<hbm>> -> memref<10000x128xf32, #tpu.memory_space<hbm>>
        tpu.enqueue_indirect_dma source(%dma_start3A_222 : memref<10000x128xf32, #tpu.memory_space<hbm>>) target(%arg9 : memref<80x128xf32, #tpu.memory_space<vmem>>) offsets(%dma_start3A_219 : memref<80xi32, #tpu.memory_space<vmem>>) semaphore(%arg15 : memref<!tpu.dma_semaphore, #tpu.memory_space<semaphore_mem>>)
        %mul3A_223 = arith.constant 80 : i32
        %mul3A_224 = arith.muli %add3A_216, %mul3A_223 : i32
        %dma_start3A_225 = tpu.memref_slice %arg8[%mul3A_224] : memref<10000xi32, #tpu.memory_space<vmem>> -> memref<80xi32, #tpu.memory_space<vmem>>
        %dma_start3A_226 = arith.constant 0 : i32
        %dma_start3A_227 = arith.constant 0 : i32
        %dma_start3A_228 = tpu.memref_slice %arg3[%dma_start3A_226, %dma_start3A_227] : memref<10000x128xf32, #tpu.memory_space<hbm>> -> memref<10000x128xf32, #tpu.memory_space<hbm>>
        tpu.enqueue_indirect_dma source(%dma_start3A_228 : memref<10000x128xf32, #tpu.memory_space<hbm>>) target(%arg12 : memref<80x128xf32, #tpu.memory_space<vmem>>) offsets(%dma_start3A_225 : memref<80xi32, #tpu.memory_space<vmem>>) semaphore(%arg18 : memref<!tpu.dma_semaphore, #tpu.memory_space<semaphore_mem>>)
      } else {
      }
      %add3A_186 = arith.constant 3 : i32
      %add3A_187 = arith.addi %mul3A_100, %add3A_186 : i32
      %add3A_188 = arith.constant 1 : i32
      %add3A_189 = arith.addi %add3A_187, %add3A_188 : i32
      %lt3A_190 = arith.constant 125 : i32
      %lt3A_191 = arith.cmpi slt, %add3A_189, %lt3A_190 : i32
      %convert_element_type3A_192 = arith.extui %lt3A_191 : i1 to i32
      %cond3A_193 = arith.constant 0 : i32
      %cond3A_194 = arith.cmpi ne, %convert_element_type3A_192, %cond3A_193 : i32
      scf.if %cond3A_194 {
        %add3A_204 = arith.constant 1 : i32
        %add3A_205 = arith.addi %mul3A_100, %add3A_204 : i32
        %mul3A_206 = arith.constant 80 : i32
        %mul3A_207 = arith.muli %add3A_205, %mul3A_206 : i32
        %add3A_208 = arith.addi %mul3A_2, %mul3A_207 : i32
        %dma_wait3A_209 = arith.constant 0 : i32
        %dma_wait3A_210 = tpu.memref_slice %arg6[%add3A_208, %dma_wait3A_209] : memref<320000x128xf32, #tpu.memory_space<hbm>> -> memref<80x128xf32, #tpu.memory_space<hbm>>
        %dma_wait3A_211 = arith.constant 0 : i32
        %dma_wait3A_212 = tpu.memref_slice %arg6[%add3A_208, %dma_wait3A_211] : memref<320000x128xf32, #tpu.memory_space<hbm>> -> memref<80x128xf32, #tpu.memory_space<hbm>>
        tpu.wait_dma2 semaphore(%arg22 : memref<!tpu.dma_semaphore, #tpu.memory_space<semaphore_mem>>) src(%arg10 : memref<80x128xf32, #tpu.memory_space<vmem>>) dst(%dma_wait3A_212 : memref<80x128xf32, #tpu.memory_space<hbm>>)
        %add3A_213 = arith.constant 3 : i32
        %add3A_214 = arith.addi %mul3A_100, %add3A_213 : i32
        %add3A_215 = arith.constant 1 : i32
        %add3A_216 = arith.addi %add3A_214, %add3A_215 : i32
        %mul3A_217 = arith.constant 80 : i32
        %mul3A_218 = arith.muli %add3A_216, %mul3A_217 : i32
        %dma_start3A_219 = tpu.memref_slice %arg7[%mul3A_218] : memref<10000xi32, #tpu.memory_space<vmem>> -> memref<80xi32, #tpu.memory_space<vmem>>
        %dma_start3A_220 = arith.constant 0 : i32
        %dma_start3A_221 = arith.constant 0 : i32
        %dma_start3A_222 = tpu.memref_slice %arg2[%dma_start3A_220, %dma_start3A_221] : memref<10000x128xf32, #tpu.memory_space<hbm>> -> memref<10000x128xf32, #tpu.memory_space<hbm>>
        tpu.enqueue_indirect_dma source(%dma_start3A_222 : memref<10000x128xf32, #tpu.memory_space<hbm>>) target(%arg10 : memref<80x128xf32, #tpu.memory_space<vmem>>) offsets(%dma_start3A_219 : memref<80xi32, #tpu.memory_space<vmem>>) semaphore(%arg16 : memref<!tpu.dma_semaphore, #tpu.memory_space<semaphore_mem>>)
        %mul3A_223 = arith.constant 80 : i32
        %mul3A_224 = arith.muli %add3A_216, %mul3A_223 : i32
        %dma_start3A_225 = tpu.memref_slice %arg8[%mul3A_224] : memref<10000xi32, #tpu.memory_space<vmem>> -> memref<80xi32, #tpu.memory_space<vmem>>
        %dma_start3A_226 = arith.constant 0 : i32
        %dma_start3A_227 = arith.constant 0 : i32
        %dma_start3A_228 = tpu.memref_slice %arg3[%dma_start3A_226, %dma_start3A_227] : memref<10000x128xf32, #tpu.memory_space<hbm>> -> memref<10000x128xf32, #tpu.memory_space<hbm>>
        tpu.enqueue_indirect_dma source(%dma_start3A_228 : memref<10000x128xf32, #tpu.memory_space<hbm>>) target(%arg13 : memref<80x128xf32, #tpu.memory_space<vmem>>) offsets(%dma_start3A_225 : memref<80xi32, #tpu.memory_space<vmem>>) semaphore(%arg19 : memref<!tpu.dma_semaphore, #tpu.memory_space<semaphore_mem>>)
      } else {
      }
      %add3A_195 = arith.constant 3 : i32
      %add3A_196 = arith.addi %mul3A_100, %add3A_195 : i32
      %add3A_197 = arith.constant 2 : i32
      %add3A_198 = arith.addi %add3A_196, %add3A_197 : i32
      %lt3A_199 = arith.constant 125 : i32
      %lt3A_200 = arith.cmpi slt, %add3A_198, %lt3A_199 : i32
      %convert_element_type3A_201 = arith.extui %lt3A_200 : i1 to i32
      %cond3A_202 = arith.constant 0 : i32
      %cond3A_203 = arith.cmpi ne, %convert_element_type3A_201, %cond3A_202 : i32
      scf.if %cond3A_203 {
        %add3A_204 = arith.constant 2 : i32
        %add3A_205 = arith.addi %mul3A_100, %add3A_204 : i32
        %mul3A_206 = arith.constant 80 : i32
        %mul3A_207 = arith.muli %add3A_205, %mul3A_206 : i32
        %add3A_208 = arith.addi %mul3A_2, %mul3A_207 : i32
        %dma_wait3A_209 = arith.constant 0 : i32
        %dma_wait3A_210 = tpu.memref_slice %arg6[%add3A_208, %dma_wait3A_209] : memref<320000x128xf32, #tpu.memory_space<hbm>> -> memref<80x128xf32, #tpu.memory_space<hbm>>
        %dma_wait3A_211 = arith.constant 0 : i32
        %dma_wait3A_212 = tpu.memref_slice %arg6[%add3A_208, %dma_wait3A_211] : memref<320000x128xf32, #tpu.memory_space<hbm>> -> memref<80x128xf32, #tpu.memory_space<hbm>>
        tpu.wait_dma2 semaphore(%arg23 : memref<!tpu.dma_semaphore, #tpu.memory_space<semaphore_mem>>) src(%arg11 : memref<80x128xf32, #tpu.memory_space<vmem>>) dst(%dma_wait3A_212 : memref<80x128xf32, #tpu.memory_space<hbm>>)
        %add3A_213 = arith.constant 3 : i32
        %add3A_214 = arith.addi %mul3A_100, %add3A_213 : i32
        %add3A_215 = arith.constant 2 : i32
        %add3A_216 = arith.addi %add3A_214, %add3A_215 : i32
        %mul3A_217 = arith.constant 80 : i32
        %mul3A_218 = arith.muli %add3A_216, %mul3A_217 : i32
        %dma_start3A_219 = tpu.memref_slice %arg7[%mul3A_218] : memref<10000xi32, #tpu.memory_space<vmem>> -> memref<80xi32, #tpu.memory_space<vmem>>
        %dma_start3A_220 = arith.constant 0 : i32
        %dma_start3A_221 = arith.constant 0 : i32
        %dma_start3A_222 = tpu.memref_slice %arg2[%dma_start3A_220, %dma_start3A_221] : memref<10000x128xf32, #tpu.memory_space<hbm>> -> memref<10000x128xf32, #tpu.memory_space<hbm>>
        tpu.enqueue_indirect_dma source(%dma_start3A_222 : memref<10000x128xf32, #tpu.memory_space<hbm>>) target(%arg11 : memref<80x128xf32, #tpu.memory_space<vmem>>) offsets(%dma_start3A_219 : memref<80xi32, #tpu.memory_space<vmem>>) semaphore(%arg17 : memref<!tpu.dma_semaphore, #tpu.memory_space<semaphore_mem>>)
        %mul3A_223 = arith.constant 80 : i32
        %mul3A_224 = arith.muli %add3A_216, %mul3A_223 : i32
        %dma_start3A_225 = tpu.memref_slice %arg8[%mul3A_224] : memref<10000xi32, #tpu.memory_space<vmem>> -> memref<80xi32, #tpu.memory_space<vmem>>
        %dma_start3A_226 = arith.constant 0 : i32
        %dma_start3A_227 = arith.constant 0 : i32
        %dma_start3A_228 = tpu.memref_slice %arg3[%dma_start3A_226, %dma_start3A_227] : memref<10000x128xf32, #tpu.memory_space<hbm>> -> memref<10000x128xf32, #tpu.memory_space<hbm>>
        tpu.enqueue_indirect_dma source(%dma_start3A_228 : memref<10000x128xf32, #tpu.memory_space<hbm>>) target(%arg14 : memref<80x128xf32, #tpu.memory_space<vmem>>) offsets(%dma_start3A_225 : memref<80xi32, #tpu.memory_space<vmem>>) semaphore(%arg20 : memref<!tpu.dma_semaphore, #tpu.memory_space<semaphore_mem>>)
      } else {
      }
    }
    %scan3A_36 = arith.constant 41 : i32
    %add3A_37 = arith.constant 9760 : i32
    %add3A_38 = arith.addi %mul3A_2, %add3A_37 : i32
    %dma_wait3A = arith.constant 0 : i32
    %dma_wait3A_39 = tpu.memref_slice %arg6[%add3A_38, %dma_wait3A] : memref<320000x128xf32, #tpu.memory_space<hbm>> -> memref<80x128xf32, #tpu.memory_space<hbm>>
    %dma_wait3A_40 = arith.constant 0 : i32
    %dma_wait3A_41 = tpu.memref_slice %arg6[%add3A_38, %dma_wait3A_40] : memref<320000x128xf32, #tpu.memory_space<hbm>> -> memref<80x128xf32, #tpu.memory_space<hbm>>
    tpu.wait_dma2 semaphore(%arg23 : memref<!tpu.dma_semaphore, #tpu.memory_space<semaphore_mem>>) src(%arg11 : memref<80x128xf32, #tpu.memory_space<vmem>>) dst(%dma_wait3A_41 : memref<80x128xf32, #tpu.memory_space<hbm>>)
    %dma_wait3A_42 = arith.constant 9840 : i32
    %dma_wait3A_43 = tpu.memref_slice %arg7[%dma_wait3A_42] : memref<10000xi32, #tpu.memory_space<vmem>> -> memref<80xi32, #tpu.memory_space<vmem>>
    %dma_wait3A_44 = arith.constant 0 : i32
    %dma_wait3A_45 = arith.constant 0 : i32
    %dma_wait3A_46 = tpu.memref_slice %arg2[%dma_wait3A_44, %dma_wait3A_45] : memref<10000x128xf32, #tpu.memory_space<hbm>> -> memref<10000x128xf32, #tpu.memory_space<hbm>>
    tpu.wait_indirect_dma semaphore(%arg15 : memref<!tpu.dma_semaphore, #tpu.memory_space<semaphore_mem>>) src(%dma_wait3A_46 : memref<10000x128xf32, #tpu.memory_space<hbm>>) dst(%arg9 : memref<80x128xf32, #tpu.memory_space<vmem>>)
    %dma_wait3A_47 = arith.constant 9840 : i32
    %dma_wait3A_48 = tpu.memref_slice %arg8[%dma_wait3A_47] : memref<10000xi32, #tpu.memory_space<vmem>> -> memref<80xi32, #tpu.memory_space<vmem>>
    %dma_wait3A_49 = arith.constant 0 : i32
    %dma_wait3A_50 = arith.constant 0 : i32
    %dma_wait3A_51 = tpu.memref_slice %arg3[%dma_wait3A_49, %dma_wait3A_50] : memref<10000x128xf32, #tpu.memory_space<hbm>> -> memref<10000x128xf32, #tpu.memory_space<hbm>>
    tpu.wait_indirect_dma semaphore(%arg18 : memref<!tpu.dma_semaphore, #tpu.memory_space<semaphore_mem>>) src(%dma_wait3A_51 : memref<10000x128xf32, #tpu.memory_space<hbm>>) dst(%arg12 : memref<80x128xf32, #tpu.memory_space<vmem>>)
    %scan3A_52 = arith.constant 0 : i32
    %scan3A_53 = arith.constant 0 : i32
    %scan3A_54 = arith.constant 40 : i32
    %scan3A_55 = arith.addi %scan3A_53, %scan3A_54 : i32
    %scan3A_56 = arith.constant 1 : i32
    scf.for %scan3A_98 = %scan3A_53 to %scan3A_55 step %scan3A_56  : i32 {
      %mul3A_99 = arith.constant 2 : i32
      %mul3A_100 = arith.muli %scan3A_98, %mul3A_99 : i32
      %add3A_101 = arith.constant 0 : i32
      %add3A_102 = arith.addi %mul3A_100, %add3A_101 : i32
      %get3A = arith.index_cast %add3A_102 : i32 to index
      %get3A_103 = arith.constant 0 : index
      %get3A_104 = tpu.vector_load %arg12[%get3A, %get3A_103] {strides = array<i32>} : memref<80x128xf32, #tpu.memory_space<vmem>>, vector<1x16xf32>,
      %get3A_105 = vector.shape_cast %get3A_104 : vector<1x16xf32> to vector<16xf32>
      %swap3A = arith.index_cast %add3A_102 : i32 to index
      %swap3A_106 = arith.constant 0 : index
      %swap3A_107 = tpu.vector_load %arg9[%swap3A, %swap3A_106] {strides = array<i32>} : memref<80x128xf32, #tpu.memory_space<vmem>>, vector<1x16xf32>,
      %swap3A_108 = vector.shape_cast %swap3A_107 : vector<1x16xf32> to vector<16xf32>
      %swap3A_109 = vector.shape_cast %get3A_105 : vector<16xf32> to vector<1x16xf32>
      tpu.vector_store %arg9[%swap3A, %swap3A_106], %swap3A_109 {add = true, strides = array<i32>} : memref<80x128xf32, #tpu.memory_space<vmem>>, vector<1x16xf32>,
      %get3A_110 = arith.index_cast %add3A_102 : i32 to index
      %get3A_111 = arith.constant 16 : index
      %get3A_112 = tpu.vector_load %arg12[%get3A_110, %get3A_111] {strides = array<i32>} : memref<80x128xf32, #tpu.memory_space<vmem>>, vector<1x16xf32>,
      %get3A_113 = vector.shape_cast %get3A_112 : vector<1x16xf32> to vector<16xf32>
      %swap3A_114 = arith.index_cast %add3A_102 : i32 to index
      %swap3A_115 = arith.constant 16 : index
      %swap3A_116 = tpu.vector_load %arg9[%swap3A_114, %swap3A_115] {strides = array<i32>} : memref<80x128xf32, #tpu.memory_space<vmem>>, vector<1x16xf32>,
      %swap3A_117 = vector.shape_cast %swap3A_116 : vector<1x16xf32> to vector<16xf32>
      %swap3A_118 = vector.shape_cast %get3A_113 : vector<16xf32> to vector<1x16xf32>
      tpu.vector_store %arg9[%swap3A_114, %swap3A_115], %swap3A_118 {add = true, strides = array<i32>} : memref<80x128xf32, #tpu.memory_space<vmem>>, vector<1x16xf32>,
      %get3A_119 = arith.index_cast %add3A_102 : i32 to index
      %get3A_120 = arith.constant 32 : index
      %get3A_121 = tpu.vector_load %arg12[%get3A_119, %get3A_120] {strides = array<i32>} : memref<80x128xf32, #tpu.memory_space<vmem>>, vector<1x16xf32>,
      %get3A_122 = vector.shape_cast %get3A_121 : vector<1x16xf32> to vector<16xf32>
      %swap3A_123 = arith.index_cast %add3A_102 : i32 to index
      %swap3A_124 = arith.constant 32 : index
      %swap3A_125 = tpu.vector_load %arg9[%swap3A_123, %swap3A_124] {strides = array<i32>} : memref<80x128xf32, #tpu.memory_space<vmem>>, vector<1x16xf32>,
      %swap3A_126 = vector.shape_cast %swap3A_125 : vector<1x16xf32> to vector<16xf32>
      %swap3A_127 = vector.shape_cast %get3A_122 : vector<16xf32> to vector<1x16xf32>
      tpu.vector_store %arg9[%swap3A_123, %swap3A_124], %swap3A_127 {add = true, strides = array<i32>} : memref<80x128xf32, #tpu.memory_space<vmem>>, vector<1x16xf32>,
      %get3A_128 = arith.index_cast %add3A_102 : i32 to index
      %get3A_129 = arith.constant 48 : index
      %get3A_130 = tpu.vector_load %arg12[%get3A_128, %get3A_129] {strides = array<i32>} : memref<80x128xf32, #tpu.memory_space<vmem>>, vector<1x16xf32>,
      %get3A_131 = vector.shape_cast %get3A_130 : vector<1x16xf32> to vector<16xf32>
      %swap3A_132 = arith.index_cast %add3A_102 : i32 to index
      %swap3A_133 = arith.constant 48 : index
      %swap3A_134 = tpu.vector_load %arg9[%swap3A_132, %swap3A_133] {strides = array<i32>} : memref<80x128xf32, #tpu.memory_space<vmem>>, vector<1x16xf32>,
      %swap3A_135 = vector.shape_cast %swap3A_134 : vector<1x16xf32> to vector<16xf32>
      %swap3A_136 = vector.shape_cast %get3A_131 : vector<16xf32> to vector<1x16xf32>
      tpu.vector_store %arg9[%swap3A_132, %swap3A_133], %swap3A_136 {add = true, strides = array<i32>} : memref<80x128xf32, #tpu.memory_space<vmem>>, vector<1x16xf32>,
      %get3A_137 = arith.index_cast %add3A_102 : i32 to index
      %get3A_138 = arith.constant 64 : index
      %get3A_139 = tpu.vector_load %arg12[%get3A_137, %get3A_138] {strides = array<i32>} : memref<80x128xf32, #tpu.memory_space<vmem>>, vector<1x16xf32>,
      %get3A_140 = vector.shape_cast %get3A_139 : vector<1x16xf32> to vector<16xf32>
      %swap3A_141 = arith.index_cast %add3A_102 : i32 to index
      %swap3A_142 = arith.constant 64 : index
      %swap3A_143 = tpu.vector_load %arg9[%swap3A_141, %swap3A_142] {strides = array<i32>} : memref<80x128xf32, #tpu.memory_space<vmem>>, vector<1x16xf32>,
      %swap3A_144 = vector.shape_cast %swap3A_143 : vector<1x16xf32> to vector<16xf32>
      %swap3A_145 = vector.shape_cast %get3A_140 : vector<16xf32> to vector<1x16xf32>
      tpu.vector_store %arg9[%swap3A_141, %swap3A_142], %swap3A_145 {add = true, strides = array<i32>} : memref<80x128xf32, #tpu.memory_space<vmem>>, vector<1x16xf32>,
      %get3A_146 = arith.index_cast %add3A_102 : i32 to index
      %get3A_147 = arith.constant 80 : index
      %get3A_148 = tpu.vector_load %arg12[%get3A_146, %get3A_147] {strides = array<i32>} : memref<80x128xf32, #tpu.memory_space<vmem>>, vector<1x16xf32>,
      %get3A_149 = vector.shape_cast %get3A_148 : vector<1x16xf32> to vector<16xf32>
      %swap3A_150 = arith.index_cast %add3A_102 : i32 to index
      %swap3A_151 = arith.constant 80 : index
      %swap3A_152 = tpu.vector_load %arg9[%swap3A_150, %swap3A_151] {strides = array<i32>} : memref<80x128xf32, #tpu.memory_space<vmem>>, vector<1x16xf32>,
      %swap3A_153 = vector.shape_cast %swap3A_152 : vector<1x16xf32> to vector<16xf32>
      %swap3A_154 = vector.shape_cast %get3A_149 : vector<16xf32> to vector<1x16xf32>
      tpu.vector_store %arg9[%swap3A_150, %swap3A_151], %swap3A_154 {add = true, strides = array<i32>} : memref<80x128xf32, #tpu.memory_space<vmem>>, vector<1x16xf32>,
      %get3A_155 = arith.index_cast %add3A_102 : i32 to index
      %get3A_156 = arith.constant 96 : index
      %get3A_157 = tpu.vector_load %arg12[%get3A_155, %get3A_156] {strides = array<i32>} : memref<80x128xf32, #tpu.memory_space<vmem>>, vector<1x16xf32>,
      %get3A_158 = vector.shape_cast %get3A_157 : vector<1x16xf32> to vector<16xf32>
      %swap3A_159 = arith.index_cast %add3A_102 : i32 to index
      %swap3A_160 = arith.constant 96 : index
      %swap3A_161 = tpu.vector_load %arg9[%swap3A_159, %swap3A_160] {strides = array<i32>} : memref<80x128xf32, #tpu.memory_space<vmem>>, vector<1x16xf32>,
      %swap3A_162 = vector.shape_cast %swap3A_161 : vector<1x16xf32> to vector<16xf32>
      %swap3A_163 = vector.shape_cast %get3A_158 : vector<16xf32> to vector<1x16xf32>
      tpu.vector_store %arg9[%swap3A_159, %swap3A_160], %swap3A_163 {add = true, strides = array<i32>} : memref<80x128xf32, #tpu.memory_space<vmem>>, vector<1x16xf32>,
      %get3A_164 = arith.index_cast %add3A_102 : i32 to index
      %get3A_165 = arith.constant 112 : index
      %get3A_166 = tpu.vector_load %arg12[%get3A_164, %get3A_165] {strides = array<i32>} : memref<80x128xf32, #tpu.memory_space<vmem>>, vector<1x16xf32>,
      %get3A_167 = vector.shape_cast %get3A_166 : vector<1x16xf32> to vector<16xf32>
      %swap3A_168 = arith.index_cast %add3A_102 : i32 to index
      %swap3A_169 = arith.constant 112 : index
      %swap3A_170 = tpu.vector_load %arg9[%swap3A_168, %swap3A_169] {strides = array<i32>} : memref<80x128xf32, #tpu.memory_space<vmem>>, vector<1x16xf32>,
      %swap3A_171 = vector.shape_cast %swap3A_170 : vector<1x16xf32> to vector<16xf32>
      %swap3A_172 = vector.shape_cast %get3A_167 : vector<16xf32> to vector<1x16xf32>
      tpu.vector_store %arg9[%swap3A_168, %swap3A_169], %swap3A_172 {add = true, strides = array<i32>} : memref<80x128xf32, #tpu.memory_space<vmem>>, vector<1x16xf32>,
      %mul3A_173 = arith.constant 2 : i32
      %mul3A_174 = arith.muli %scan3A_98, %mul3A_173 : i32
      %add3A_175 = arith.constant 1 : i32
      %add3A_176 = arith.addi %mul3A_174, %add3A_175 : i32
      %get3A_177 = arith.index_cast %add3A_176 : i32 to index
      %get3A_178 = arith.constant 0 : index
      %get3A_179 = tpu.vector_load %arg12[%get3A_177, %get3A_178] {strides = array<i32>} : memref<80x128xf32, #tpu.memory_space<vmem>>, vector<1x16xf32>,
      %get3A_180 = vector.shape_cast %get3A_179 : vector<1x16xf32> to vector<16xf32>
      %swap3A_181 = arith.index_cast %add3A_176 : i32 to index
      %swap3A_182 = arith.constant 0 : index
      %swap3A_183 = tpu.vector_load %arg9[%swap3A_181, %swap3A_182] {strides = array<i32>} : memref<80x128xf32, #tpu.memory_space<vmem>>, vector<1x16xf32>,
      %swap3A_184 = vector.shape_cast %swap3A_183 : vector<1x16xf32> to vector<16xf32>
      %swap3A_185 = vector.shape_cast %get3A_180 : vector<16xf32> to vector<1x16xf32>
      tpu.vector_store %arg9[%swap3A_181, %swap3A_182], %swap3A_185 {add = true, strides = array<i32>} : memref<80x128xf32, #tpu.memory_space<vmem>>, vector<1x16xf32>,
      %get3A_186 = arith.index_cast %add3A_176 : i32 to index
      %get3A_187 = arith.constant 16 : index
      %get3A_188 = tpu.vector_load %arg12[%get3A_186, %get3A_187] {strides = array<i32>} : memref<80x128xf32, #tpu.memory_space<vmem>>, vector<1x16xf32>,
      %get3A_189 = vector.shape_cast %get3A_188 : vector<1x16xf32> to vector<16xf32>
      %swap3A_190 = arith.index_cast %add3A_176 : i32 to index
      %swap3A_191 = arith.constant 16 : index
      %swap3A_192 = tpu.vector_load %arg9[%swap3A_190, %swap3A_191] {strides = array<i32>} : memref<80x128xf32, #tpu.memory_space<vmem>>, vector<1x16xf32>,
      %swap3A_193 = vector.shape_cast %swap3A_192 : vector<1x16xf32> to vector<16xf32>
      %swap3A_194 = vector.shape_cast %get3A_189 : vector<16xf32> to vector<1x16xf32>
      tpu.vector_store %arg9[%swap3A_190, %swap3A_191], %swap3A_194 {add = true, strides = array<i32>} : memref<80x128xf32, #tpu.memory_space<vmem>>, vector<1x16xf32>,
      %get3A_195 = arith.index_cast %add3A_176 : i32 to index
      %get3A_196 = arith.constant 32 : index
      %get3A_197 = tpu.vector_load %arg12[%get3A_195, %get3A_196] {strides = array<i32>} : memref<80x128xf32, #tpu.memory_space<vmem>>, vector<1x16xf32>,
      %get3A_198 = vector.shape_cast %get3A_197 : vector<1x16xf32> to vector<16xf32>
      %swap3A_199 = arith.index_cast %add3A_176 : i32 to index
      %swap3A_200 = arith.constant 32 : index
      %swap3A_201 = tpu.vector_load %arg9[%swap3A_199, %swap3A_200] {strides = array<i32>} : memref<80x128xf32, #tpu.memory_space<vmem>>, vector<1x16xf32>,
      %swap3A_202 = vector.shape_cast %swap3A_201 : vector<1x16xf32> to vector<16xf32>
      %swap3A_203 = vector.shape_cast %get3A_198 : vector<16xf32> to vector<1x16xf32>
      tpu.vector_store %arg9[%swap3A_199, %swap3A_200], %swap3A_203 {add = true, strides = array<i32>} : memref<80x128xf32, #tpu.memory_space<vmem>>, vector<1x16xf32>,
      %get3A_204 = arith.index_cast %add3A_176 : i32 to index
      %get3A_205 = arith.constant 48 : index
      %get3A_206 = tpu.vector_load %arg12[%get3A_204, %get3A_205] {strides = array<i32>} : memref<80x128xf32, #tpu.memory_space<vmem>>, vector<1x16xf32>,
      %get3A_207 = vector.shape_cast %get3A_206 : vector<1x16xf32> to vector<16xf32>
      %swap3A_208 = arith.index_cast %add3A_176 : i32 to index
      %swap3A_209 = arith.constant 48 : index
      %swap3A_210 = tpu.vector_load %arg9[%swap3A_208, %swap3A_209] {strides = array<i32>} : memref<80x128xf32, #tpu.memory_space<vmem>>, vector<1x16xf32>,
      %swap3A_211 = vector.shape_cast %swap3A_210 : vector<1x16xf32> to vector<16xf32>
      %swap3A_212 = vector.shape_cast %get3A_207 : vector<16xf32> to vector<1x16xf32>
      tpu.vector_store %arg9[%swap3A_208, %swap3A_209], %swap3A_212 {add = true, strides = array<i32>} : memref<80x128xf32, #tpu.memory_space<vmem>>, vector<1x16xf32>,
      %get3A_213 = arith.index_cast %add3A_176 : i32 to index
      %get3A_214 = arith.constant 64 : index
      %get3A_215 = tpu.vector_load %arg12[%get3A_213, %get3A_214] {strides = array<i32>} : memref<80x128xf32, #tpu.memory_space<vmem>>, vector<1x16xf32>,
      %get3A_216 = vector.shape_cast %get3A_215 : vector<1x16xf32> to vector<16xf32>
      %swap3A_217 = arith.index_cast %add3A_176 : i32 to index
      %swap3A_218 = arith.constant 64 : index
      %swap3A_219 = tpu.vector_load %arg9[%swap3A_217, %swap3A_218] {strides = array<i32>} : memref<80x128xf32, #tpu.memory_space<vmem>>, vector<1x16xf32>,
      %swap3A_220 = vector.shape_cast %swap3A_219 : vector<1x16xf32> to vector<16xf32>
      %swap3A_221 = vector.shape_cast %get3A_216 : vector<16xf32> to vector<1x16xf32>
      tpu.vector_store %arg9[%swap3A_217, %swap3A_218], %swap3A_221 {add = true, strides = array<i32>} : memref<80x128xf32, #tpu.memory_space<vmem>>, vector<1x16xf32>,
      %get3A_222 = arith.index_cast %add3A_176 : i32 to index
      %get3A_223 = arith.constant 80 : index
      %get3A_224 = tpu.vector_load %arg12[%get3A_222, %get3A_223] {strides = array<i32>} : memref<80x128xf32, #tpu.memory_space<vmem>>, vector<1x16xf32>,
      %get3A_225 = vector.shape_cast %get3A_224 : vector<1x16xf32> to vector<16xf32>
      %swap3A_226 = arith.index_cast %add3A_176 : i32 to index
      %swap3A_227 = arith.constant 80 : index
      %swap3A_228 = tpu.vector_load %arg9[%swap3A_226, %swap3A_227] {strides = array<i32>} : memref<80x128xf32, #tpu.memory_space<vmem>>, vector<1x16xf32>,
      %swap3A_229 = vector.shape_cast %swap3A_228 : vector<1x16xf32> to vector<16xf32>
      %swap3A_230 = vector.shape_cast %get3A_225 : vector<16xf32> to vector<1x16xf32>
      tpu.vector_store %arg9[%swap3A_226, %swap3A_227], %swap3A_230 {add = true, strides = array<i32>} : memref<80x128xf32, #tpu.memory_space<vmem>>, vector<1x16xf32>,
      %get3A_231 = arith.index_cast %add3A_176 : i32 to index
      %get3A_232 = arith.constant 96 : index
      %get3A_233 = tpu.vector_load %arg12[%get3A_231, %get3A_232] {strides = array<i32>} : memref<80x128xf32, #tpu.memory_space<vmem>>, vector<1x16xf32>,
      %get3A_234 = vector.shape_cast %get3A_233 : vector<1x16xf32> to vector<16xf32>
      %swap3A_235 = arith.index_cast %add3A_176 : i32 to index
      %swap3A_236 = arith.constant 96 : index
      %swap3A_237 = tpu.vector_load %arg9[%swap3A_235, %swap3A_236] {strides = array<i32>} : memref<80x128xf32, #tpu.memory_space<vmem>>, vector<1x16xf32>,
      %swap3A_238 = vector.shape_cast %swap3A_237 : vector<1x16xf32> to vector<16xf32>
      %swap3A_239 = vector.shape_cast %get3A_234 : vector<16xf32> to vector<1x16xf32>
      tpu.vector_store %arg9[%swap3A_235, %swap3A_236], %swap3A_239 {add = true, strides = array<i32>} : memref<80x128xf32, #tpu.memory_space<vmem>>, vector<1x16xf32>,
      %get3A_240 = arith.index_cast %add3A_176 : i32 to index
      %get3A_241 = arith.constant 112 : index
      %get3A_242 = tpu.vector_load %arg12[%get3A_240, %get3A_241] {strides = array<i32>} : memref<80x128xf32, #tpu.memory_space<vmem>>, vector<1x16xf32>,
      %get3A_243 = vector.shape_cast %get3A_242 : vector<1x16xf32> to vector<16xf32>
      %swap3A_244 = arith.index_cast %add3A_176 : i32 to index
      %swap3A_245 = arith.constant 112 : index
      %swap3A_246 = tpu.vector_load %arg9[%swap3A_244, %swap3A_245] {strides = array<i32>} : memref<80x128xf32, #tpu.memory_space<vmem>>, vector<1x16xf32>,
      %swap3A_247 = vector.shape_cast %swap3A_246 : vector<1x16xf32> to vector<16xf32>
      %swap3A_248 = vector.shape_cast %get3A_243 : vector<16xf32> to vector<1x16xf32>
      tpu.vector_store %arg9[%swap3A_244, %swap3A_245], %swap3A_248 {add = true, strides = array<i32>} : memref<80x128xf32, #tpu.memory_space<vmem>>, vector<1x16xf32>,
    }
    %scan3A_57 = arith.constant 40 : i32
    %add3A_58 = arith.constant 9840 : i32
    %add3A_59 = arith.addi %mul3A_2, %add3A_58 : i32
    %dma_start3A_60 = arith.constant 0 : i32
    %dma_start3A_61 = tpu.memref_slice %arg6[%add3A_59, %dma_start3A_60] : memref<320000x128xf32, #tpu.memory_space<hbm>> -> memref<80x128xf32, #tpu.memory_space<hbm>>
    %dma_start3A_62 = arith.constant 0 : i32
    %dma_start3A_63 = tpu.memref_slice %arg6[%add3A_59, %dma_start3A_62] : memref<320000x128xf32, #tpu.memory_space<hbm>> -> memref<80x128xf32, #tpu.memory_space<hbm>>
    tpu.enqueue_dma source(%arg9 : memref<80x128xf32, #tpu.memory_space<vmem>>) target(%dma_start3A_63 : memref<80x128xf32, #tpu.memory_space<hbm>>) target_semaphore(%arg21 : memref<!tpu.dma_semaphore, #tpu.memory_space<semaphore_mem>>)
    %dma_wait3A_64 = arith.constant 9920 : i32
    %dma_wait3A_65 = tpu.memref_slice %arg7[%dma_wait3A_64] : memref<10000xi32, #tpu.memory_space<vmem>> -> memref<80xi32, #tpu.memory_space<vmem>>
    %dma_wait3A_66 = arith.constant 0 : i32
    %dma_wait3A_67 = arith.constant 0 : i32
    %dma_wait3A_68 = tpu.memref_slice %arg2[%dma_wait3A_66, %dma_wait3A_67] : memref<10000x128xf32, #tpu.memory_space<hbm>> -> memref<10000x128xf32, #tpu.memory_space<hbm>>
    tpu.wait_indirect_dma semaphore(%arg16 : memref<!tpu.dma_semaphore, #tpu.memory_space<semaphore_mem>>) src(%dma_wait3A_68 : memref<10000x128xf32, #tpu.memory_space<hbm>>) dst(%arg10 : memref<80x128xf32, #tpu.memory_space<vmem>>)
    %dma_wait3A_69 = arith.constant 9920 : i32
    %dma_wait3A_70 = tpu.memref_slice %arg8[%dma_wait3A_69] : memref<10000xi32, #tpu.memory_space<vmem>> -> memref<80xi32, #tpu.memory_space<vmem>>
    %dma_wait3A_71 = arith.constant 0 : i32
    %dma_wait3A_72 = arith.constant 0 : i32
    %dma_wait3A_73 = tpu.memref_slice %arg3[%dma_wait3A_71, %dma_wait3A_72] : memref<10000x128xf32, #tpu.memory_space<hbm>> -> memref<10000x128xf32, #tpu.memory_space<hbm>>
    tpu.wait_indirect_dma semaphore(%arg19 : memref<!tpu.dma_semaphore, #tpu.memory_space<semaphore_mem>>) src(%dma_wait3A_73 : memref<10000x128xf32, #tpu.memory_space<hbm>>) dst(%arg13 : memref<80x128xf32, #tpu.memory_space<vmem>>)
    %scan3A_74 = arith.constant 0 : i32
    %scan3A_75 = arith.constant 0 : i32
    %scan3A_76 = arith.constant 40 : i32
    %scan3A_77 = arith.addi %scan3A_75, %scan3A_76 : i32
    %scan3A_78 = arith.constant 1 : i32
    scf.for %scan3A_98 = %scan3A_75 to %scan3A_77 step %scan3A_78  : i32 {
      %mul3A_99 = arith.constant 2 : i32
      %mul3A_100 = arith.muli %scan3A_98, %mul3A_99 : i32
      %add3A_101 = arith.constant 0 : i32
      %add3A_102 = arith.addi %mul3A_100, %add3A_101 : i32
      %get3A = arith.index_cast %add3A_102 : i32 to index
      %get3A_103 = arith.constant 0 : index
      %get3A_104 = tpu.vector_load %arg13[%get3A, %get3A_103] {strides = array<i32>} : memref<80x128xf32, #tpu.memory_space<vmem>>, vector<1x16xf32>,
      %get3A_105 = vector.shape_cast %get3A_104 : vector<1x16xf32> to vector<16xf32>
      %swap3A = arith.index_cast %add3A_102 : i32 to index
      %swap3A_106 = arith.constant 0 : index
      %swap3A_107 = tpu.vector_load %arg10[%swap3A, %swap3A_106] {strides = array<i32>} : memref<80x128xf32, #tpu.memory_space<vmem>>, vector<1x16xf32>,
      %swap3A_108 = vector.shape_cast %swap3A_107 : vector<1x16xf32> to vector<16xf32>
      %swap3A_109 = vector.shape_cast %get3A_105 : vector<16xf32> to vector<1x16xf32>
      tpu.vector_store %arg10[%swap3A, %swap3A_106], %swap3A_109 {add = true, strides = array<i32>} : memref<80x128xf32, #tpu.memory_space<vmem>>, vector<1x16xf32>,
      %get3A_110 = arith.index_cast %add3A_102 : i32 to index
      %get3A_111 = arith.constant 16 : index
      %get3A_112 = tpu.vector_load %arg13[%get3A_110, %get3A_111] {strides = array<i32>} : memref<80x128xf32, #tpu.memory_space<vmem>>, vector<1x16xf32>,
      %get3A_113 = vector.shape_cast %get3A_112 : vector<1x16xf32> to vector<16xf32>
      %swap3A_114 = arith.index_cast %add3A_102 : i32 to index
      %swap3A_115 = arith.constant 16 : index
      %swap3A_116 = tpu.vector_load %arg10[%swap3A_114, %swap3A_115] {strides = array<i32>} : memref<80x128xf32, #tpu.memory_space<vmem>>, vector<1x16xf32>,
      %swap3A_117 = vector.shape_cast %swap3A_116 : vector<1x16xf32> to vector<16xf32>
      %swap3A_118 = vector.shape_cast %get3A_113 : vector<16xf32> to vector<1x16xf32>
      tpu.vector_store %arg10[%swap3A_114, %swap3A_115], %swap3A_118 {add = true, strides = array<i32>} : memref<80x128xf32, #tpu.memory_space<vmem>>, vector<1x16xf32>,
      %get3A_119 = arith.index_cast %add3A_102 : i32 to index
      %get3A_120 = arith.constant 32 : index
      %get3A_121 = tpu.vector_load %arg13[%get3A_119, %get3A_120] {strides = array<i32>} : memref<80x128xf32, #tpu.memory_space<vmem>>, vector<1x16xf32>,
      %get3A_122 = vector.shape_cast %get3A_121 : vector<1x16xf32> to vector<16xf32>
      %swap3A_123 = arith.index_cast %add3A_102 : i32 to index
      %swap3A_124 = arith.constant 32 : index
      %swap3A_125 = tpu.vector_load %arg10[%swap3A_123, %swap3A_124] {strides = array<i32>} : memref<80x128xf32, #tpu.memory_space<vmem>>, vector<1x16xf32>,
      %swap3A_126 = vector.shape_cast %swap3A_125 : vector<1x16xf32> to vector<16xf32>
      %swap3A_127 = vector.shape_cast %get3A_122 : vector<16xf32> to vector<1x16xf32>
      tpu.vector_store %arg10[%swap3A_123, %swap3A_124], %swap3A_127 {add = true, strides = array<i32>} : memref<80x128xf32, #tpu.memory_space<vmem>>, vector<1x16xf32>,
      %get3A_128 = arith.index_cast %add3A_102 : i32 to index
      %get3A_129 = arith.constant 48 : index
      %get3A_130 = tpu.vector_load %arg13[%get3A_128, %get3A_129] {strides = array<i32>} : memref<80x128xf32, #tpu.memory_space<vmem>>, vector<1x16xf32>,
      %get3A_131 = vector.shape_cast %get3A_130 : vector<1x16xf32> to vector<16xf32>
      %swap3A_132 = arith.index_cast %add3A_102 : i32 to index
      %swap3A_133 = arith.constant 48 : index
      %swap3A_134 = tpu.vector_load %arg10[%swap3A_132, %swap3A_133] {strides = array<i32>} : memref<80x128xf32, #tpu.memory_space<vmem>>, vector<1x16xf32>,
      %swap3A_135 = vector.shape_cast %swap3A_134 : vector<1x16xf32> to vector<16xf32>
      %swap3A_136 = vector.shape_cast %get3A_131 : vector<16xf32> to vector<1x16xf32>
      tpu.vector_store %arg10[%swap3A_132, %swap3A_133], %swap3A_136 {add = true, strides = array<i32>} : memref<80x128xf32, #tpu.memory_space<vmem>>, vector<1x16xf32>,
      %get3A_137 = arith.index_cast %add3A_102 : i32 to index
      %get3A_138 = arith.constant 64 : index
      %get3A_139 = tpu.vector_load %arg13[%get3A_137, %get3A_138] {strides = array<i32>} : memref<80x128xf32, #tpu.memory_space<vmem>>, vector<1x16xf32>,
      %get3A_140 = vector.shape_cast %get3A_139 : vector<1x16xf32> to vector<16xf32>
      %swap3A_141 = arith.index_cast %add3A_102 : i32 to index
      %swap3A_142 = arith.constant 64 : index
      %swap3A_143 = tpu.vector_load %arg10[%swap3A_141, %swap3A_142] {strides = array<i32>} : memref<80x128xf32, #tpu.memory_space<vmem>>, vector<1x16xf32>,
      %swap3A_144 = vector.shape_cast %swap3A_143 : vector<1x16xf32> to vector<16xf32>
      %swap3A_145 = vector.shape_cast %get3A_140 : vector<16xf32> to vector<1x16xf32>
      tpu.vector_store %arg10[%swap3A_141, %swap3A_142], %swap3A_145 {add = true, strides = array<i32>} : memref<80x128xf32, #tpu.memory_space<vmem>>, vector<1x16xf32>,
      %get3A_146 = arith.index_cast %add3A_102 : i32 to index
      %get3A_147 = arith.constant 80 : index
      %get3A_148 = tpu.vector_load %arg13[%get3A_146, %get3A_147] {strides = array<i32>} : memref<80x128xf32, #tpu.memory_space<vmem>>, vector<1x16xf32>,
      %get3A_149 = vector.shape_cast %get3A_148 : vector<1x16xf32> to vector<16xf32>
      %swap3A_150 = arith.index_cast %add3A_102 : i32 to index
      %swap3A_151 = arith.constant 80 : index
      %swap3A_152 = tpu.vector_load %arg10[%swap3A_150, %swap3A_151] {strides = array<i32>} : memref<80x128xf32, #tpu.memory_space<vmem>>, vector<1x16xf32>,
      %swap3A_153 = vector.shape_cast %swap3A_152 : vector<1x16xf32> to vector<16xf32>
      %swap3A_154 = vector.shape_cast %get3A_149 : vector<16xf32> to vector<1x16xf32>
      tpu.vector_store %arg10[%swap3A_150, %swap3A_151], %swap3A_154 {add = true, strides = array<i32>} : memref<80x128xf32, #tpu.memory_space<vmem>>, vector<1x16xf32>,
      %get3A_155 = arith.index_cast %add3A_102 : i32 to index
      %get3A_156 = arith.constant 96 : index
      %get3A_157 = tpu.vector_load %arg13[%get3A_155, %get3A_156] {strides = array<i32>} : memref<80x128xf32, #tpu.memory_space<vmem>>, vector<1x16xf32>,
      %get3A_158 = vector.shape_cast %get3A_157 : vector<1x16xf32> to vector<16xf32>
      %swap3A_159 = arith.index_cast %add3A_102 : i32 to index
      %swap3A_160 = arith.constant 96 : index
      %swap3A_161 = tpu.vector_load %arg10[%swap3A_159, %swap3A_160] {strides = array<i32>} : memref<80x128xf32, #tpu.memory_space<vmem>>, vector<1x16xf32>,
      %swap3A_162 = vector.shape_cast %swap3A_161 : vector<1x16xf32> to vector<16xf32>
      %swap3A_163 = vector.shape_cast %get3A_158 : vector<16xf32> to vector<1x16xf32>
      tpu.vector_store %arg10[%swap3A_159, %swap3A_160], %swap3A_163 {add = true, strides = array<i32>} : memref<80x128xf32, #tpu.memory_space<vmem>>, vector<1x16xf32>,
      %get3A_164 = arith.index_cast %add3A_102 : i32 to index
      %get3A_165 = arith.constant 112 : index
      %get3A_166 = tpu.vector_load %arg13[%get3A_164, %get3A_165] {strides = array<i32>} : memref<80x128xf32, #tpu.memory_space<vmem>>, vector<1x16xf32>,
      %get3A_167 = vector.shape_cast %get3A_166 : vector<1x16xf32> to vector<16xf32>
      %swap3A_168 = arith.index_cast %add3A_102 : i32 to index
      %swap3A_169 = arith.constant 112 : index
      %swap3A_170 = tpu.vector_load %arg10[%swap3A_168, %swap3A_169] {strides = array<i32>} : memref<80x128xf32, #tpu.memory_space<vmem>>, vector<1x16xf32>,
      %swap3A_171 = vector.shape_cast %swap3A_170 : vector<1x16xf32> to vector<16xf32>
      %swap3A_172 = vector.shape_cast %get3A_167 : vector<16xf32> to vector<1x16xf32>
      tpu.vector_store %arg10[%swap3A_168, %swap3A_169], %swap3A_172 {add = true, strides = array<i32>} : memref<80x128xf32, #tpu.memory_space<vmem>>, vector<1x16xf32>,
      %mul3A_173 = arith.constant 2 : i32
      %mul3A_174 = arith.muli %scan3A_98, %mul3A_173 : i32
      %add3A_175 = arith.constant 1 : i32
      %add3A_176 = arith.addi %mul3A_174, %add3A_175 : i32
      %get3A_177 = arith.index_cast %add3A_176 : i32 to index
      %get3A_178 = arith.constant 0 : index
      %get3A_179 = tpu.vector_load %arg13[%get3A_177, %get3A_178] {strides = array<i32>} : memref<80x128xf32, #tpu.memory_space<vmem>>, vector<1x16xf32>,
      %get3A_180 = vector.shape_cast %get3A_179 : vector<1x16xf32> to vector<16xf32>
      %swap3A_181 = arith.index_cast %add3A_176 : i32 to index
      %swap3A_182 = arith.constant 0 : index
      %swap3A_183 = tpu.vector_load %arg10[%swap3A_181, %swap3A_182] {strides = array<i32>} : memref<80x128xf32, #tpu.memory_space<vmem>>, vector<1x16xf32>,
      %swap3A_184 = vector.shape_cast %swap3A_183 : vector<1x16xf32> to vector<16xf32>
      %swap3A_185 = vector.shape_cast %get3A_180 : vector<16xf32> to vector<1x16xf32>
      tpu.vector_store %arg10[%swap3A_181, %swap3A_182], %swap3A_185 {add = true, strides = array<i32>} : memref<80x128xf32, #tpu.memory_space<vmem>>, vector<1x16xf32>,
      %get3A_186 = arith.index_cast %add3A_176 : i32 to index
      %get3A_187 = arith.constant 16 : index
      %get3A_188 = tpu.vector_load %arg13[%get3A_186, %get3A_187] {strides = array<i32>} : memref<80x128xf32, #tpu.memory_space<vmem>>, vector<1x16xf32>,
      %get3A_189 = vector.shape_cast %get3A_188 : vector<1x16xf32> to vector<16xf32>
      %swap3A_190 = arith.index_cast %add3A_176 : i32 to index
      %swap3A_191 = arith.constant 16 : index
      %swap3A_192 = tpu.vector_load %arg10[%swap3A_190, %swap3A_191] {strides = array<i32>} : memref<80x128xf32, #tpu.memory_space<vmem>>, vector<1x16xf32>,
      %swap3A_193 = vector.shape_cast %swap3A_192 : vector<1x16xf32> to vector<16xf32>
      %swap3A_194 = vector.shape_cast %get3A_189 : vector<16xf32> to vector<1x16xf32>
      tpu.vector_store %arg10[%swap3A_190, %swap3A_191], %swap3A_194 {add = true, strides = array<i32>} : memref<80x128xf32, #tpu.memory_space<vmem>>, vector<1x16xf32>,
      %get3A_195 = arith.index_cast %add3A_176 : i32 to index
      %get3A_196 = arith.constant 32 : index
      %get3A_197 = tpu.vector_load %arg13[%get3A_195, %get3A_196] {strides = array<i32>} : memref<80x128xf32, #tpu.memory_space<vmem>>, vector<1x16xf32>,
      %get3A_198 = vector.shape_cast %get3A_197 : vector<1x16xf32> to vector<16xf32>
      %swap3A_199 = arith.index_cast %add3A_176 : i32 to index
      %swap3A_200 = arith.constant 32 : index
      %swap3A_201 = tpu.vector_load %arg10[%swap3A_199, %swap3A_200] {strides = array<i32>} : memref<80x128xf32, #tpu.memory_space<vmem>>, vector<1x16xf32>,
      %swap3A_202 = vector.shape_cast %swap3A_201 : vector<1x16xf32> to vector<16xf32>
      %swap3A_203 = vector.shape_cast %get3A_198 : vector<16xf32> to vector<1x16xf32>
      tpu.vector_store %arg10[%swap3A_199, %swap3A_200], %swap3A_203 {add = true, strides = array<i32>} : memref<80x128xf32, #tpu.memory_space<vmem>>, vector<1x16xf32>,
      %get3A_204 = arith.index_cast %add3A_176 : i32 to index
      %get3A_205 = arith.constant 48 : index
      %get3A_206 = tpu.vector_load %arg13[%get3A_204, %get3A_205] {strides = array<i32>} : memref<80x128xf32, #tpu.memory_space<vmem>>, vector<1x16xf32>,
      %get3A_207 = vector.shape_cast %get3A_206 : vector<1x16xf32> to vector<16xf32>
      %swap3A_208 = arith.index_cast %add3A_176 : i32 to index
      %swap3A_209 = arith.constant 48 : index
      %swap3A_210 = tpu.vector_load %arg10[%swap3A_208, %swap3A_209] {strides = array<i32>} : memref<80x128xf32, #tpu.memory_space<vmem>>, vector<1x16xf32>,
      %swap3A_211 = vector.shape_cast %swap3A_210 : vector<1x16xf32> to vector<16xf32>
      %swap3A_212 = vector.shape_cast %get3A_207 : vector<16xf32> to vector<1x16xf32>
      tpu.vector_store %arg10[%swap3A_208, %swap3A_209], %swap3A_212 {add = true, strides = array<i32>} : memref<80x128xf32, #tpu.memory_space<vmem>>, vector<1x16xf32>,
      %get3A_213 = arith.index_cast %add3A_176 : i32 to index
      %get3A_214 = arith.constant 64 : index
      %get3A_215 = tpu.vector_load %arg13[%get3A_213, %get3A_214] {strides = array<i32>} : memref<80x128xf32, #tpu.memory_space<vmem>>, vector<1x16xf32>,
      %get3A_216 = vector.shape_cast %get3A_215 : vector<1x16xf32> to vector<16xf32>
      %swap3A_217 = arith.index_cast %add3A_176 : i32 to index
      %swap3A_218 = arith.constant 64 : index
      %swap3A_219 = tpu.vector_load %arg10[%swap3A_217, %swap3A_218] {strides = array<i32>} : memref<80x128xf32, #tpu.memory_space<vmem>>, vector<1x16xf32>,
      %swap3A_220 = vector.shape_cast %swap3A_219 : vector<1x16xf32> to vector<16xf32>
      %swap3A_221 = vector.shape_cast %get3A_216 : vector<16xf32> to vector<1x16xf32>
      tpu.vector_store %arg10[%swap3A_217, %swap3A_218], %swap3A_221 {add = true, strides = array<i32>} : memref<80x128xf32, #tpu.memory_space<vmem>>, vector<1x16xf32>,
      %get3A_222 = arith.index_cast %add3A_176 : i32 to index
      %get3A_223 = arith.constant 80 : index
      %get3A_224 = tpu.vector_load %arg13[%get3A_222, %get3A_223] {strides = array<i32>} : memref<80x128xf32, #tpu.memory_space<vmem>>, vector<1x16xf32>,
      %get3A_225 = vector.shape_cast %get3A_224 : vector<1x16xf32> to vector<16xf32>
      %swap3A_226 = arith.index_cast %add3A_176 : i32 to index
      %swap3A_227 = arith.constant 80 : index
      %swap3A_228 = tpu.vector_load %arg10[%swap3A_226, %swap3A_227] {strides = array<i32>} : memref<80x128xf32, #tpu.memory_space<vmem>>, vector<1x16xf32>,
      %swap3A_229 = vector.shape_cast %swap3A_228 : vector<1x16xf32> to vector<16xf32>
      %swap3A_230 = vector.shape_cast %get3A_225 : vector<16xf32> to vector<1x16xf32>
      tpu.vector_store %arg10[%swap3A_226, %swap3A_227], %swap3A_230 {add = true, strides = array<i32>} : memref<80x128xf32, #tpu.memory_space<vmem>>, vector<1x16xf32>,
      %get3A_231 = arith.index_cast %add3A_176 : i32 to index
      %get3A_232 = arith.constant 96 : index
      %get3A_233 = tpu.vector_load %arg13[%get3A_231, %get3A_232] {strides = array<i32>} : memref<80x128xf32, #tpu.memory_space<vmem>>, vector<1x16xf32>,
      %get3A_234 = vector.shape_cast %get3A_233 : vector<1x16xf32> to vector<16xf32>
      %swap3A_235 = arith.index_cast %add3A_176 : i32 to index
      %swap3A_236 = arith.constant 96 : index
      %swap3A_237 = tpu.vector_load %arg10[%swap3A_235, %swap3A_236] {strides = array<i32>} : memref<80x128xf32, #tpu.memory_space<vmem>>, vector<1x16xf32>,
      %swap3A_238 = vector.shape_cast %swap3A_237 : vector<1x16xf32> to vector<16xf32>
      %swap3A_239 = vector.shape_cast %get3A_234 : vector<16xf32> to vector<1x16xf32>
      tpu.vector_store %arg10[%swap3A_235, %swap3A_236], %swap3A_239 {add = true, strides = array<i32>} : memref<80x128xf32, #tpu.memory_space<vmem>>, vector<1x16xf32>,
      %get3A_240 = arith.index_cast %add3A_176 : i32 to index
      %get3A_241 = arith.constant 112 : index
      %get3A_242 = tpu.vector_load %arg13[%get3A_240, %get3A_241] {strides = array<i32>} : memref<80x128xf32, #tpu.memory_space<vmem>>, vector<1x16xf32>,
      %get3A_243 = vector.shape_cast %get3A_242 : vector<1x16xf32> to vector<16xf32>
      %swap3A_244 = arith.index_cast %add3A_176 : i32 to index
      %swap3A_245 = arith.constant 112 : index
      %swap3A_246 = tpu.vector_load %arg10[%swap3A_244, %swap3A_245] {strides = array<i32>} : memref<80x128xf32, #tpu.memory_space<vmem>>, vector<1x16xf32>,
      %swap3A_247 = vector.shape_cast %swap3A_246 : vector<1x16xf32> to vector<16xf32>
      %swap3A_248 = vector.shape_cast %get3A_243 : vector<16xf32> to vector<1x16xf32>
      tpu.vector_store %arg10[%swap3A_244, %swap3A_245], %swap3A_248 {add = true, strides = array<i32>} : memref<80x128xf32, #tpu.memory_space<vmem>>, vector<1x16xf32>,
    }
    %scan3A_79 = arith.constant 40 : i32
    %add3A_80 = arith.constant 9920 : i32
    %add3A_81 = arith.addi %mul3A_2, %add3A_80 : i32
    %dma_start3A_82 = arith.constant 0 : i32
    %dma_start3A_83 = tpu.memref_slice %arg6[%add3A_81, %dma_start3A_82] : memref<320000x128xf32, #tpu.memory_space<hbm>> -> memref<80x128xf32, #tpu.memory_space<hbm>>
    %dma_start3A_84 = arith.constant 0 : i32
    %dma_start3A_85 = tpu.memref_slice %arg6[%add3A_81, %dma_start3A_84] : memref<320000x128xf32, #tpu.memory_space<hbm>> -> memref<80x128xf32, #tpu.memory_space<hbm>>
    tpu.enqueue_dma source(%arg10 : memref<80x128xf32, #tpu.memory_space<vmem>>) target(%dma_start3A_85 : memref<80x128xf32, #tpu.memory_space<hbm>>) target_semaphore(%arg22 : memref<!tpu.dma_semaphore, #tpu.memory_space<semaphore_mem>>)
    %add3A_86 = arith.constant 9840 : i32
    %add3A_87 = arith.addi %mul3A_2, %add3A_86 : i32
    %dma_wait3A_88 = arith.constant 0 : i32
    %dma_wait3A_89 = tpu.memref_slice %arg6[%add3A_87, %dma_wait3A_88] : memref<320000x128xf32, #tpu.memory_space<hbm>> -> memref<80x128xf32, #tpu.memory_space<hbm>>
    %dma_wait3A_90 = arith.constant 0 : i32
    %dma_wait3A_91 = tpu.memref_slice %arg6[%add3A_87, %dma_wait3A_90] : memref<320000x128xf32, #tpu.memory_space<hbm>> -> memref<80x128xf32, #tpu.memory_space<hbm>>
    tpu.wait_dma2 semaphore(%arg21 : memref<!tpu.dma_semaphore, #tpu.memory_space<semaphore_mem>>) src(%arg9 : memref<80x128xf32, #tpu.memory_space<vmem>>) dst(%dma_wait3A_91 : memref<80x128xf32, #tpu.memory_space<hbm>>)
    %add3A_92 = arith.constant 9920 : i32
    %add3A_93 = arith.addi %mul3A_2, %add3A_92 : i32
    %dma_wait3A_94 = arith.constant 0 : i32
    %dma_wait3A_95 = tpu.memref_slice %arg6[%add3A_93, %dma_wait3A_94] : memref<320000x128xf32, #tpu.memory_space<hbm>> -> memref<80x128xf32, #tpu.memory_space<hbm>>
    %dma_wait3A_96 = arith.constant 0 : i32
    %dma_wait3A_97 = tpu.memref_slice %arg6[%add3A_93, %dma_wait3A_96] : memref<320000x128xf32, #tpu.memory_space<hbm>> -> memref<80x128xf32, #tpu.memory_space<hbm>>
    tpu.wait_dma2 semaphore(%arg22 : memref<!tpu.dma_semaphore, #tpu.memory_space<semaphore_mem>>) src(%arg10 : memref<80x128xf32, #tpu.memory_space<vmem>>) dst(%dma_wait3A_97 : memref<80x128xf32, #tpu.memory_space<hbm>>)
    return
  }
}

module attributes {stable_mosaic.version = 14 : i64} {
  func.func @_tables_body(%arg0: memref<10000x128xf32, #tpu.memory_space<vmem>>, %arg1: memref<64x16xf32, #tpu.memory_space<vmem>>, %arg2: memref<10000x1xi32, #tpu.memory_space<vmem>>, %arg3: memref<288x128xf32, #tpu.memory_space<vmem>>, %arg4: memref<1x128xf32, #tpu.memory_space<vmem>>, %arg5: memref<10000x128xf32, #tpu.memory_space<vmem>>, %arg6: memref<10000x128xf32, #tpu.memory_space<vmem>>) attributes {dimension_semantics = [], scalar_prefetch = 0 : i64, scratch_operands = 0 : i64, tpu.core_type = #tpu.core_type<tc>} {
    %get3A = arith.constant 0 : index
    %get3A_0 = arith.constant 0 : index
    %get3A_1 = vector.load %arg0[%get3A, %get3A_0] : memref<10000x128xf32, #tpu.memory_space<vmem>>, vector<10000x128xf32>
    %get3A_2 = arith.constant 0 : index
    %get3A_3 = arith.constant 0 : index
    %get3A_4 = vector.load %arg3[%get3A_2, %get3A_3] : memref<288x128xf32, #tpu.memory_space<vmem>>, vector<128x128xf32>
    %get3A_5 = arith.constant 128 : index
    %get3A_6 = arith.constant 0 : index
    %get3A_7 = vector.load %arg3[%get3A_5, %get3A_6] : memref<288x128xf32, #tpu.memory_space<vmem>>, vector<128x128xf32>
    %get3A_8 = arith.constant 272 : index
    %get3A_9 = arith.constant 0 : index
    %get3A_10 = vector.load %arg3[%get3A_8, %get3A_9] : memref<288x128xf32, #tpu.memory_space<vmem>>, vector<16x128xf32>
    %get3A_11 = arith.constant 0 : index
    %get3A_12 = arith.constant 0 : index
    %get3A_13 = vector.load %arg1[%get3A_11, %get3A_12] : memref<64x16xf32, #tpu.memory_space<vmem>>, vector<64x16xf32>
    %dot_general3A = arith.constant dense<0.000000e+00> : vector<64x128xf32>
    %dot_general3A_14 = tpu.matmul %get3A_13, %get3A_10, %dot_general3A {dimension_numbers = #tpu.dot_dimension_numbers<[1], [0], [0], [1], [0, 0, 1, 1], [], []>, transpose_lhs_hint = false} : vector<64x16xf32>, vector<16x128xf32>, vector<64x128xf32> -> vector<64x128xf32>
    %iota3A = tpu.iota {dimensions = array<i32: 1>} : vector<10000x64xi32>
    %get3A_15 = arith.constant 0 : index
    %get3A_16 = arith.constant 0 : index
    %get3A_17 = vector.load %arg2[%get3A_15, %get3A_16] : memref<10000x1xi32, #tpu.memory_space<vmem>>, vector<10000x1xi32>
    %eq3A = vector.broadcast %get3A_17 : vector<10000x1xi32> to vector<10000x64xi32>
    %eq3A_18 = arith.cmpi eq, %eq3A, %iota3A : vector<10000x64xi32>
    %convert_element_type3A = arith.extui %eq3A_18 : vector<10000x64xi1> to vector<10000x64xi32>
    %convert_element_type3A_19 = arith.sitofp %convert_element_type3A : vector<10000x64xi32> to vector<10000x64xf32>
    %dot_general3A_20 = arith.constant dense<0.000000e+00> : vector<10000x128xf32>
    %dot_general3A_21 = tpu.matmul %get3A_1, %get3A_4, %dot_general3A_20 {dimension_numbers = #tpu.dot_dimension_numbers<[1], [0], [0], [1], [0, 0, 1, 1], [], []>, transpose_lhs_hint = false} : vector<10000x128xf32>, vector<128x128xf32>, vector<10000x128xf32> -> vector<10000x128xf32>
    %dot_general3A_22 = arith.constant dense<0.000000e+00> : vector<10000x128xf32>
    %dot_general3A_23 = tpu.matmul %convert_element_type3A_19, %dot_general3A_14, %dot_general3A_22 {dimension_numbers = #tpu.dot_dimension_numbers<[1], [0], [0], [1], [0, 0, 1, 1], [], []>, transpose_lhs_hint = false} : vector<10000x64xf32>, vector<64x128xf32>, vector<10000x128xf32> -> vector<10000x128xf32>
    %add3A = arith.addf %dot_general3A_21, %dot_general3A_23 : vector<10000x128xf32>
    %get3A_24 = arith.constant 0 : index
    %get3A_25 = arith.constant 0 : index
    %get3A_26 = vector.load %arg4[%get3A_24, %get3A_25] : memref<1x128xf32, #tpu.memory_space<vmem>>, vector<1x128xf32>
    %add3A_27 = vector.broadcast %get3A_26 : vector<1x128xf32> to vector<10000x128xf32>
    %add3A_28 = arith.addf %add3A, %add3A_27 : vector<10000x128xf32>
    %swap3A = arith.constant 0 : index
    %swap3A_29 = arith.constant 0 : index
    %swap3A_30 = vector.load %arg5[%swap3A, %swap3A_29] : memref<10000x128xf32, #tpu.memory_space<vmem>>, vector<10000x128xf32>
    tpu.vector_store %arg5[%swap3A, %swap3A_29], %add3A_28 {strides = array<i32>} : memref<10000x128xf32, #tpu.memory_space<vmem>>, vector<10000x128xf32>,
    %dot_general3A_31 = arith.constant dense<0.000000e+00> : vector<10000x128xf32>
    %dot_general3A_32 = tpu.matmul %get3A_1, %get3A_7, %dot_general3A_31 {dimension_numbers = #tpu.dot_dimension_numbers<[1], [0], [0], [1], [0, 0, 1, 1], [], []>, transpose_lhs_hint = false} : vector<10000x128xf32>, vector<128x128xf32>, vector<10000x128xf32> -> vector<10000x128xf32>
    %swap3A_33 = arith.constant 0 : index
    %swap3A_34 = arith.constant 0 : index
    %swap3A_35 = vector.load %arg6[%swap3A_33, %swap3A_34] : memref<10000x128xf32, #tpu.memory_space<vmem>>, vector<10000x128xf32>
    tpu.vector_store %arg6[%swap3A_33, %swap3A_34], %dot_general3A_32 {strides = array<i32>} : memref<10000x128xf32, #tpu.memory_space<vmem>>, vector<10000x128xf32>,
    return
  }
}

module attributes {stable_mosaic.version = 14 : i64} {
  func.func @_edge_mlp_body(%arg0: i32, %arg1: memref<2000x128xf32, #tpu.memory_space<vmem>>, %arg2: memref<2000x16xf32, #tpu.memory_space<vmem>>, %arg3: memref<16x128xf32, #tpu.memory_space<vmem>>, %arg4: memref<128x128xf32, #tpu.memory_space<vmem>>, %arg5: memref<1x128xf32, #tpu.memory_space<vmem>>, %arg6: memref<2000x128xf32, #tpu.memory_space<vmem>>) attributes {dimension_semantics = [#tpu.dimension_semantics<arbitrary>], iteration_bounds = array<i64: 160>, scalar_prefetch = 0 : i64, scratch_operands = 0 : i64, tpu.core_type = #tpu.core_type<tc>, window_params = [{transform_indices = @transform_0, window_bounds = array<i64: 2000, 128>}, {transform_indices = @transform_1, window_bounds = array<i64: 2000, 16>}, {pipeline_mode = #tpu.pipeline_mode<synchronous>, transform_indices = @transform_2, window_bounds = array<i64: 16, 128>}, {pipeline_mode = #tpu.pipeline_mode<synchronous>, transform_indices = @transform_3, window_bounds = array<i64: 128, 128>}, {pipeline_mode = #tpu.pipeline_mode<synchronous>, transform_indices = @transform_4, window_bounds = array<i64: 1, 128>}, {transform_indices = @transform_5, window_bounds = array<i64: 2000, 128>}]} {
    %get3A = arith.constant 0 : index
    %get3A_0 = arith.constant 0 : index
    %get3A_1 = vector.load %arg1[%get3A, %get3A_0] : memref<2000x128xf32, #tpu.memory_space<vmem>>, vector<2000x128xf32>
    %get3A_2 = arith.constant 0 : index
    %get3A_3 = arith.constant 0 : index
    %get3A_4 = vector.load %arg2[%get3A_2, %get3A_3] : memref<2000x16xf32, #tpu.memory_space<vmem>>, vector<2000x16xf32>
    %get3A_5 = arith.constant 0 : index
    %get3A_6 = arith.constant 0 : index
    %get3A_7 = vector.load %arg3[%get3A_5, %get3A_6] : memref<16x128xf32, #tpu.memory_space<vmem>>, vector<16x128xf32>
    %dot_general3A = arith.constant dense<0.000000e+00> : vector<2000x128xf32>
    %dot_general3A_8 = tpu.matmul %get3A_4, %get3A_7, %dot_general3A {dimension_numbers = #tpu.dot_dimension_numbers<[1], [0], [0], [1], [0, 0, 1, 1], [], []>, transpose_lhs_hint = false} : vector<2000x16xf32>, vector<16x128xf32>, vector<2000x128xf32> -> vector<2000x128xf32>
    %add3A = arith.addf %get3A_1, %dot_general3A_8 : vector<2000x128xf32>
    %max3A = arith.constant 0.000000e+00 : f32
    %max3A_9 = vector.broadcast %max3A : f32 to vector<2000x128xf32>
    %max3A_10 = arith.maximumf %add3A, %max3A_9 : vector<2000x128xf32>
    %get3A_11 = arith.constant 0 : index
    %get3A_12 = arith.constant 0 : index
    %get3A_13 = vector.load %arg4[%get3A_11, %get3A_12] : memref<128x128xf32, #tpu.memory_space<vmem>>, vector<128x128xf32>
    %dot_general3A_14 = arith.constant dense<0.000000e+00> : vector<2000x128xf32>
    %dot_general3A_15 = tpu.matmul %max3A_10, %get3A_13, %dot_general3A_14 {dimension_numbers = #tpu.dot_dimension_numbers<[1], [0], [0], [1], [0, 0, 1, 1], [], []>, transpose_lhs_hint = false} : vector<2000x128xf32>, vector<128x128xf32>, vector<2000x128xf32> -> vector<2000x128xf32>
    %get3A_16 = arith.constant 0 : index
    %get3A_17 = arith.constant 0 : index
    %get3A_18 = vector.load %arg5[%get3A_16, %get3A_17] : memref<1x128xf32, #tpu.memory_space<vmem>>, vector<1x128xf32>
    %add3A_19 = vector.broadcast %get3A_18 : vector<1x128xf32> to vector<2000x128xf32>
    %add3A_20 = arith.addf %dot_general3A_15, %add3A_19 : vector<2000x128xf32>
    %swap3A = arith.constant 0 : index
    %swap3A_21 = arith.constant 0 : index
    %swap3A_22 = vector.load %arg6[%swap3A, %swap3A_21] : memref<2000x128xf32, #tpu.memory_space<vmem>>, vector<2000x128xf32>
    tpu.vector_store %arg6[%swap3A, %swap3A_21], %add3A_20 {strides = array<i32>} : memref<2000x128xf32, #tpu.memory_space<vmem>>, vector<2000x128xf32>,
    return
  }
  func.func @transform_0(%arg0: i32) -> (i32, i32) {
    %c0_i32 = arith.constant 0 : i32
    %c0_i32_0 = arith.constant 0 : i32
    return %arg0, %c0_i32 : i32, i32
  }
  func.func @transform_1(%arg0: i32) -> (i32, i32) {
    %c0_i32 = arith.constant 0 : i32
    %c0_i32_0 = arith.constant 0 : i32
    return %arg0, %c0_i32 : i32, i32
  }
  func.func @transform_2(%arg0: i32) -> (i32, i32) {
    %c0_i32 = arith.constant 0 : i32
    %c0_i32_0 = arith.constant 0 : i32
    %c0_i32_1 = arith.constant 0 : i32
    return %c0_i32, %c0_i32_0 : i32, i32
  }
  func.func @transform_3(%arg0: i32) -> (i32, i32) {
    %c0_i32 = arith.constant 0 : i32
    %c0_i32_0 = arith.constant 0 : i32
    %c0_i32_1 = arith.constant 0 : i32
    return %c0_i32, %c0_i32_0 : i32, i32
  }
  func.func @transform_4(%arg0: i32) -> (i32, i32) {
    %c0_i32 = arith.constant 0 : i32
    %c0_i32_0 = arith.constant 0 : i32
    %c0_i32_1 = arith.constant 0 : i32
    return %c0_i32, %c0_i32_0 : i32, i32
  }
  func.func @transform_5(%arg0: i32) -> (i32, i32) {
    %c0_i32 = arith.constant 0 : i32
    %c0_i32_0 = arith.constant 0 : i32
    return %arg0, %c0_i32 : i32, i32
  }
}

module attributes {stable_mosaic.version = 14 : i64} {
  func.func @_node_global_body(%arg0: memref<10000x128xf32, #tpu.memory_space<vmem>>, %arg1: memref<64x16xf32, #tpu.memory_space<vmem>>, %arg2: memref<10000x1xi32, #tpu.memory_space<vmem>>, %arg3: memref<1x10000xi32, #tpu.memory_space<vmem>>, %arg4: memref<2x10000x128xf32, #tpu.memory_space<vmem>>, %arg5: memref<160x2000xf32, #tpu.memory_space<vmem>>, %arg6: memref<128x272xf32, #tpu.memory_space<vmem>>, %arg7: memref<128x272xf32, #tpu.memory_space<vmem>>, %arg8: memref<272x128xf32, #tpu.memory_space<vmem>>, %arg9: memref<1x128xf32, #tpu.memory_space<vmem>>, %arg10: memref<128x128xf32, #tpu.memory_space<vmem>>, %arg11: memref<1x128xf32, #tpu.memory_space<vmem>>, %arg12: memref<272x128xf32, #tpu.memory_space<vmem>>, %arg13: memref<1x128xf32, #tpu.memory_space<vmem>>, %arg14: memref<128x128xf32, #tpu.memory_space<vmem>>, %arg15: memref<1x128xf32, #tpu.memory_space<vmem>>, %arg16: memref<10000x128xf32, #tpu.memory_space<vmem>>, %arg17: memref<64x128xf32, #tpu.memory_space<vmem>>) attributes {dimension_semantics = [], scalar_prefetch = 0 : i64, scratch_operands = 0 : i64, tpu.core_type = #tpu.core_type<tc>} {
    %get3A = arith.constant 0 : index
    %get3A_0 = arith.constant 0 : index
    %get3A_1 = vector.load %arg0[%get3A, %get3A_0] : memref<10000x128xf32, #tpu.memory_space<vmem>>, vector<10000x128xf32>
    %get3A_2 = arith.constant 0 : index
    %get3A_3 = arith.constant 0 : index
    %get3A_4 = vector.load %arg1[%get3A_2, %get3A_3] : memref<64x16xf32, #tpu.memory_space<vmem>>, vector<64x16xf32>
    %get3A_5 = arith.constant 0 : index
    %get3A_6 = arith.constant 0 : index
    %get3A_7 = arith.constant 0 : index
    %get3A_8 = vector.load %arg4[%get3A_5, %get3A_6, %get3A_7] : memref<2x10000x128xf32, #tpu.memory_space<vmem>>, vector<1x10000x128xf32>
    %get3A_9 = vector.shape_cast %get3A_8 : vector<1x10000x128xf32> to vector<10000x128xf32>
    %get3A_10 = arith.constant 1 : index
    %get3A_11 = arith.constant 0 : index
    %get3A_12 = arith.constant 0 : index
    %get3A_13 = vector.load %arg4[%get3A_10, %get3A_11, %get3A_12] : memref<2x10000x128xf32, #tpu.memory_space<vmem>>, vector<1x10000x128xf32>
    %get3A_14 = vector.shape_cast %get3A_13 : vector<1x10000x128xf32> to vector<10000x128xf32>
    %add3A = arith.addf %get3A_9, %get3A_14 : vector<10000x128xf32>
    %iota3A = tpu.iota {dimensions = array<i32: 1>} : vector<10000x64xi32>
    %get3A_15 = arith.constant 0 : index
    %get3A_16 = arith.constant 0 : index
    %get3A_17 = vector.load %arg2[%get3A_15, %get3A_16] : memref<10000x1xi32, #tpu.memory_space<vmem>>, vector<10000x1xi32>
    %eq3A = vector.broadcast %get3A_17 : vector<10000x1xi32> to vector<10000x64xi32>
    %eq3A_18 = arith.cmpi eq, %eq3A, %iota3A : vector<10000x64xi32>
    %convert_element_type3A = arith.extui %eq3A_18 : vector<10000x64xi1> to vector<10000x64xi32>
    %convert_element_type3A_19 = arith.sitofp %convert_element_type3A : vector<10000x64xi32> to vector<10000x64xf32>
    %dot_general3A = arith.constant dense<0.000000e+00> : vector<10000x16xf32>
    %dot_general3A_20 = tpu.matmul %convert_element_type3A_19, %get3A_4, %dot_general3A {dimension_numbers = #tpu.dot_dimension_numbers<[1], [0], [0], [1], [0, 0, 1, 1], [], []>, transpose_lhs_hint = false} : vector<10000x64xf32>, vector<64x16xf32>, vector<10000x16xf32> -> vector<10000x16xf32>
    %get3A_21 = arith.constant 0 : index
    %get3A_22 = arith.constant 0 : index
    %get3A_23 = vector.load %arg6[%get3A_21, %get3A_22] : memref<128x272xf32, #tpu.memory_space<vmem>>, vector<128x128xf32>
    %dot_general3A_24 = arith.constant dense<0.000000e+00> : vector<10000x128xf32>
    %dot_general3A_25 = tpu.matmul %get3A_1, %get3A_23, %dot_general3A_24 {dimension_numbers = #tpu.dot_dimension_numbers<[1], [1], [0], [0], [0, 0, 1, 0], [], []>, transpose_lhs_hint = false} : vector<10000x128xf32>, vector<128x128xf32>, vector<10000x128xf32> -> vector<10000x128xf32>
    %get3A_26 = arith.constant 0 : index
    %get3A_27 = arith.constant 128 : index
    %get3A_28 = vector.load %arg6[%get3A_26, %get3A_27] : memref<128x272xf32, #tpu.memory_space<vmem>>, vector<128x128xf32>
    %dot_general3A_29 = arith.constant dense<0.000000e+00> : vector<10000x128xf32>
    %dot_general3A_30 = tpu.matmul %add3A, %get3A_28, %dot_general3A_29 {dimension_numbers = #tpu.dot_dimension_numbers<[1], [1], [0], [0], [0, 0, 1, 0], [], []>, transpose_lhs_hint = false} : vector<10000x128xf32>, vector<128x128xf32>, vector<10000x128xf32> -> vector<10000x128xf32>
    %add3A_31 = arith.addf %dot_general3A_25, %dot_general3A_30 : vector<10000x128xf32>
    %get3A_32 = arith.constant 0 : index
    %get3A_33 = arith.constant 256 : index
    %get3A_34 = vector.load %arg6[%get3A_32, %get3A_33] : memref<128x272xf32, #tpu.memory_space<vmem>>, vector<128x16xf32>
    %dot_general3A_35 = arith.constant dense<0.000000e+00> : vector<10000x128xf32>
    %dot_general3A_36 = tpu.matmul %dot_general3A_20, %get3A_34, %dot_general3A_35 {dimension_numbers = #tpu.dot_dimension_numbers<[1], [1], [0], [0], [0, 0, 1, 0], [], []>, transpose_lhs_hint = false} : vector<10000x16xf32>, vector<128x16xf32>, vector<10000x128xf32> -> vector<10000x128xf32>
    %add3A_37 = arith.addf %add3A_31, %dot_general3A_36 : vector<10000x128xf32>
    %reduce_max3A = arith.constant dense<0xFF800000> : vector<128xf32>
    %reduce_max3A_38 = vector.multi_reduction <maximumf>, %add3A_37, %reduce_max3A [0] : vector<10000x128xf32> to vector<128xf32>
    %broadcast_in_dim3A = vector.shape_cast %reduce_max3A_38 : vector<128xf32> to vector<1x128xf32>
    %sub3A = vector.broadcast %broadcast_in_dim3A : vector<1x128xf32> to vector<10000x128xf32>
    %sub3A_39 = arith.subf %add3A_37, %sub3A : vector<10000x128xf32>
    %exp3A = math.exp %sub3A_39 : vector<10000x128xf32>
    %reduce_sum3A = arith.constant dense<0.000000e+00> : vector<128xf32>
    %reduce_sum3A_40 = vector.multi_reduction <add>, %exp3A, %reduce_sum3A [0] : vector<10000x128xf32> to vector<128xf32>
    %broadcast_in_dim3A_41 = vector.shape_cast %reduce_sum3A_40 : vector<128xf32> to vector<1x128xf32>
    %div3A = vector.broadcast %broadcast_in_dim3A_41 : vector<1x128xf32> to vector<10000x128xf32>
    %div3A_42 = arith.divf %exp3A, %div3A : vector<10000x128xf32>
    %reduce_sum3A_43 = arith.constant dense<0.000000e+00> : vector<10000xf32>
    %reduce_sum3A_44 = vector.multi_reduction <add>, %div3A_42, %reduce_sum3A_43 [1] : vector<10000x128xf32> to vector<10000xf32>
    %broadcast_in_dim3A_45 = vector.shape_cast %reduce_sum3A_44 : vector<10000xf32> to vector<10000x1xf32>
    %div3A_46 = vector.broadcast %broadcast_in_dim3A_45 : vector<10000x1xf32> to vector<10000x128xf32>
    %div3A_47 = arith.divf %div3A_42, %div3A_46 : vector<10000x128xf32>
    %get3A_48 = arith.constant 0 : index
    %get3A_49 = arith.constant 0 : index
    %get3A_50 = vector.load %arg7[%get3A_48, %get3A_49] : memref<128x272xf32, #tpu.memory_space<vmem>>, vector<128x272xf32>
    %dot_general3A_51 = arith.constant dense<0.000000e+00> : vector<10000x272xf32>
    %dot_general3A_52 = tpu.matmul %div3A_47, %get3A_50, %dot_general3A_51 {dimension_numbers = #tpu.dot_dimension_numbers<[1], [0], [0], [1], [0, 0, 1, 1], [], []>, transpose_lhs_hint = false} : vector<10000x128xf32>, vector<128x272xf32>, vector<10000x272xf32> -> vector<10000x272xf32>
    %get3A_53 = arith.constant 0 : index
    %get3A_54 = arith.constant 0 : index
    %get3A_55 = vector.load %arg8[%get3A_53, %get3A_54] : memref<272x128xf32, #tpu.memory_space<vmem>>, vector<272x128xf32>
    %dot_general3A_56 = arith.constant dense<0.000000e+00> : vector<10000x128xf32>
    %dot_general3A_57 = tpu.matmul %dot_general3A_52, %get3A_55, %dot_general3A_56 {dimension_numbers = #tpu.dot_dimension_numbers<[1], [0], [0], [1], [0, 0, 1, 1], [], []>, transpose_lhs_hint = false} : vector<10000x272xf32>, vector<272x128xf32>, vector<10000x128xf32> -> vector<10000x128xf32>
    %get3A_58 = arith.constant 0 : index
    %get3A_59 = arith.constant 0 : index
    %get3A_60 = vector.load %arg9[%get3A_58, %get3A_59] : memref<1x128xf32, #tpu.memory_space<vmem>>, vector<1x128xf32>
    %add3A_61 = vector.broadcast %get3A_60 : vector<1x128xf32> to vector<10000x128xf32>
    %add3A_62 = arith.addf %dot_general3A_57, %add3A_61 : vector<10000x128xf32>
    %max3A = arith.constant 0.000000e+00 : f32
    %max3A_63 = vector.broadcast %max3A : f32 to vector<10000x128xf32>
    %max3A_64 = arith.maximumf %add3A_62, %max3A_63 : vector<10000x128xf32>
    %get3A_65 = arith.constant 0 : index
    %get3A_66 = arith.constant 0 : index
    %get3A_67 = vector.load %arg10[%get3A_65, %get3A_66] : memref<128x128xf32, #tpu.memory_space<vmem>>, vector<128x128xf32>
    %dot_general3A_68 = arith.constant dense<0.000000e+00> : vector<10000x128xf32>
    %dot_general3A_69 = tpu.matmul %max3A_64, %get3A_67, %dot_general3A_68 {dimension_numbers = #tpu.dot_dimension_numbers<[1], [0], [0], [1], [0, 0, 1, 1], [], []>, transpose_lhs_hint = false} : vector<10000x128xf32>, vector<128x128xf32>, vector<10000x128xf32> -> vector<10000x128xf32>
    %get3A_70 = arith.constant 0 : index
    %get3A_71 = arith.constant 0 : index
    %get3A_72 = vector.load %arg11[%get3A_70, %get3A_71] : memref<1x128xf32, #tpu.memory_space<vmem>>, vector<1x128xf32>
    %add3A_73 = vector.broadcast %get3A_72 : vector<1x128xf32> to vector<10000x128xf32>
    %add3A_74 = arith.addf %dot_general3A_69, %add3A_73 : vector<10000x128xf32>
    %swap3A = arith.constant 0 : index
    %swap3A_75 = arith.constant 0 : index
    %swap3A_76 = vector.load %arg16[%swap3A, %swap3A_75] : memref<10000x128xf32, #tpu.memory_space<vmem>>, vector<10000x128xf32>
    tpu.vector_store %arg16[%swap3A, %swap3A_75], %add3A_74 {strides = array<i32>} : memref<10000x128xf32, #tpu.memory_space<vmem>>, vector<10000x128xf32>,
    %iota3A_77 = tpu.iota {dimensions = array<i32: 0>} : vector<64x10000xi32>
    %get3A_78 = arith.constant 0 : index
    %get3A_79 = arith.constant 0 : index
    %get3A_80 = vector.load %arg3[%get3A_78, %get3A_79] : memref<1x10000xi32, #tpu.memory_space<vmem>>, vector<1x10000xi32>
    %eq3A_81 = vector.broadcast %get3A_80 : vector<1x10000xi32> to vector<64x10000xi32>
    %eq3A_82 = arith.cmpi eq, %iota3A_77, %eq3A_81 : vector<64x10000xi32>
    %convert_element_type3A_83 = arith.extui %eq3A_82 : vector<64x10000xi1> to vector<64x10000xi32>
    %convert_element_type3A_84 = arith.sitofp %convert_element_type3A_83 : vector<64x10000xi32> to vector<64x10000xf32>
    %reduce_sum3A_85 = arith.constant dense<0.000000e+00> : vector<64xf32>
    %reduce_sum3A_86 = vector.multi_reduction <add>, %convert_element_type3A_84, %reduce_sum3A_85 [1] : vector<64x10000xf32> to vector<64xf32>
    %broadcast_in_dim3A_87 = vector.shape_cast %reduce_sum3A_86 : vector<64xf32> to vector<64x1xf32>
    %dot_general3A_88 = arith.constant dense<0.000000e+00> : vector<64x128xf32>
    %dot_general3A_89 = tpu.matmul %convert_element_type3A_84, %add3A_74, %dot_general3A_88 {dimension_numbers = #tpu.dot_dimension_numbers<[1], [0], [0], [1], [0, 0, 1, 1], [], []>, transpose_lhs_hint = false} : vector<64x10000xf32>, vector<10000x128xf32>, vector<64x128xf32> -> vector<64x128xf32>
    %max3A_90 = arith.constant 1.000000e+00 : f32
    %max3A_91 = vector.broadcast %max3A_90 : f32 to vector<64x1xf32>
    %max3A_92 = arith.maximumf %broadcast_in_dim3A_87, %max3A_91 : vector<64x1xf32>
    %div3A_93 = vector.broadcast %max3A_92 : vector<64x1xf32> to vector<64x128xf32>
    %div3A_94 = arith.divf %dot_general3A_89, %div3A_93 : vector<64x128xf32>
    %dot_general3A_95 = arith.constant dense<0.000000e+00> : vector<64x128xf32>
    %dot_general3A_96 = tpu.matmul %convert_element_type3A_84, %add3A, %dot_general3A_95 {dimension_numbers = #tpu.dot_dimension_numbers<[1], [0], [0], [1], [0, 0, 1, 1], [], []>, transpose_lhs_hint = false} : vector<64x10000xf32>, vector<10000x128xf32>, vector<64x128xf32> -> vector<64x128xf32>
    %iota3A_97 = tpu.iota {dimensions = array<i32: 0>} : vector<72x64xi32>
    %iota3A_98 = tpu.iota {dimensions = array<i32: 1>} : vector<72x64xi32>
    %lt3A = arith.cmpi slt, %iota3A_98, %iota3A_97 : vector<72x64xi32>
    %convert_element_type3A_99 = arith.extui %lt3A : vector<72x64xi1> to vector<72x64xi32>
    %convert_element_type3A_100 = arith.sitofp %convert_element_type3A_99 : vector<72x64xi32> to vector<72x64xf32>
    %dot_general3A_101 = arith.constant dense<0.000000e+00> : vector<72x1xf32>
    %dot_general3A_102 = tpu.matmul %convert_element_type3A_100, %broadcast_in_dim3A_87, %dot_general3A_101 {dimension_numbers = #tpu.dot_dimension_numbers<[1], [0], [0], [1], [0, 0, 1, 1], [], []>, transpose_lhs_hint = false} : vector<72x64xf32>, vector<64x1xf32>, vector<72x1xf32> -> vector<72x1xf32>
    %broadcast_in_dim3A_103 = arith.constant 0.000000e+00 : f32
    %broadcast_in_dim3A_104 = vector.broadcast %broadcast_in_dim3A_103 : f32 to vector<72x2000xf32>
    %get3A_105 = arith.constant 0 : index
    %get3A_106 = arith.constant 0 : index
    %get3A_107 = vector.load %arg5[%get3A_105, %get3A_106] : memref<160x2000xf32, #tpu.memory_space<vmem>>, vector<1x2000xf32>
    %lt3A_108 = vector.broadcast %get3A_107 : vector<1x2000xf32> to vector<72x2000xf32>
    %lt3A_109 = vector.broadcast %dot_general3A_102 : vector<72x1xf32> to vector<72x2000xf32>
    %lt3A_110 = arith.cmpf olt, %lt3A_108, %lt3A_109 : vector<72x2000xf32>
    %convert_element_type3A_111 = arith.extui %lt3A_110 : vector<72x2000xi1> to vector<72x2000xi32>
    %convert_element_type3A_112 = arith.sitofp %convert_element_type3A_111 : vector<72x2000xi32> to vector<72x2000xf32>
    %add3A_113 = arith.addf %broadcast_in_dim3A_104, %convert_element_type3A_112 : vector<72x2000xf32>
    %get3A_114 = arith.constant 1 : index
    %get3A_115 = arith.constant 0 : index
    %get3A_116 = vector.load %arg5[%get3A_114, %get3A_115] : memref<160x2000xf32, #tpu.memory_space<vmem>>, vector<1x2000xf32>
    %lt3A_117 = vector.broadcast %get3A_116 : vector<1x2000xf32> to vector<72x2000xf32>
    %lt3A_118 = vector.broadcast %dot_general3A_102 : vector<72x1xf32> to vector<72x2000xf32>
    %lt3A_119 = arith.cmpf olt, %lt3A_117, %lt3A_118 : vector<72x2000xf32>
    %convert_element_type3A_120 = arith.extui %lt3A_119 : vector<72x2000xi1> to vector<72x2000xi32>
    %convert_element_type3A_121 = arith.sitofp %convert_element_type3A_120 : vector<72x2000xi32> to vector<72x2000xf32>
    %add3A_122 = arith.addf %add3A_113, %convert_element_type3A_121 : vector<72x2000xf32>
    %get3A_123 = arith.constant 2 : index
    %get3A_124 = arith.constant 0 : index
    %get3A_125 = vector.load %arg5[%get3A_123, %get3A_124] : memref<160x2000xf32, #tpu.memory_space<vmem>>, vector<1x2000xf32>
    %lt3A_126 = vector.broadcast %get3A_125 : vector<1x2000xf32> to vector<72x2000xf32>
    %lt3A_127 = vector.broadcast %dot_general3A_102 : vector<72x1xf32> to vector<72x2000xf32>
    %lt3A_128 = arith.cmpf olt, %lt3A_126, %lt3A_127 : vector<72x2000xf32>
    %convert_element_type3A_129 = arith.extui %lt3A_128 : vector<72x2000xi1> to vector<72x2000xi32>
    %convert_element_type3A_130 = arith.sitofp %convert_element_type3A_129 : vector<72x2000xi32> to vector<72x2000xf32>
    %add3A_131 = arith.addf %add3A_122, %convert_element_type3A_130 : vector<72x2000xf32>
    %get3A_132 = arith.constant 3 : index
    %get3A_133 = arith.constant 0 : index
    %get3A_134 = vector.load %arg5[%get3A_132, %get3A_133] : memref<160x2000xf32, #tpu.memory_space<vmem>>, vector<1x2000xf32>
    %lt3A_135 = vector.broadcast %get3A_134 : vector<1x2000xf32> to vector<72x2000xf32>
    %lt3A_136 = vector.broadcast %dot_general3A_102 : vector<72x1xf32> to vector<72x2000xf32>
    %lt3A_137 = arith.cmpf olt, %lt3A_135, %lt3A_136 : vector<72x2000xf32>
    %convert_element_type3A_138 = arith.extui %lt3A_137 : vector<72x2000xi1> to vector<72x2000xi32>
    %convert_element_type3A_139 = arith.sitofp %convert_element_type3A_138 : vector<72x2000xi32> to vector<72x2000xf32>
    %add3A_140 = arith.addf %add3A_131, %convert_element_type3A_139 : vector<72x2000xf32>
    %get3A_141 = arith.constant 4 : index
    %get3A_142 = arith.constant 0 : index
    %get3A_143 = vector.load %arg5[%get3A_141, %get3A_142] : memref<160x2000xf32, #tpu.memory_space<vmem>>, vector<1x2000xf32>
    %lt3A_144 = vector.broadcast %get3A_143 : vector<1x2000xf32> to vector<72x2000xf32>
    %lt3A_145 = vector.broadcast %dot_general3A_102 : vector<72x1xf32> to vector<72x2000xf32>
    %lt3A_146 = arith.cmpf olt, %lt3A_144, %lt3A_145 : vector<72x2000xf32>
    %convert_element_type3A_147 = arith.extui %lt3A_146 : vector<72x2000xi1> to vector<72x2000xi32>
    %convert_element_type3A_148 = arith.sitofp %convert_element_type3A_147 : vector<72x2000xi32> to vector<72x2000xf32>
    %add3A_149 = arith.addf %add3A_140, %convert_element_type3A_148 : vector<72x2000xf32>
    %get3A_150 = arith.constant 5 : index
    %get3A_151 = arith.constant 0 : index
    %get3A_152 = vector.load %arg5[%get3A_150, %get3A_151] : memref<160x2000xf32, #tpu.memory_space<vmem>>, vector<1x2000xf32>
    %lt3A_153 = vector.broadcast %get3A_152 : vector<1x2000xf32> to vector<72x2000xf32>
    %lt3A_154 = vector.broadcast %dot_general3A_102 : vector<72x1xf32> to vector<72x2000xf32>
    %lt3A_155 = arith.cmpf olt, %lt3A_153, %lt3A_154 : vector<72x2000xf32>
    %convert_element_type3A_156 = arith.extui %lt3A_155 : vector<72x2000xi1> to vector<72x2000xi32>
    %convert_element_type3A_157 = arith.sitofp %convert_element_type3A_156 : vector<72x2000xi32> to vector<72x2000xf32>
    %add3A_158 = arith.addf %add3A_149, %convert_element_type3A_157 : vector<72x2000xf32>
    %get3A_159 = arith.constant 6 : index
    %get3A_160 = arith.constant 0 : index
    %get3A_161 = vector.load %arg5[%get3A_159, %get3A_160] : memref<160x2000xf32, #tpu.memory_space<vmem>>, vector<1x2000xf32>
    %lt3A_162 = vector.broadcast %get3A_161 : vector<1x2000xf32> to vector<72x2000xf32>
    %lt3A_163 = vector.broadcast %dot_general3A_102 : vector<72x1xf32> to vector<72x2000xf32>
    %lt3A_164 = arith.cmpf olt, %lt3A_162, %lt3A_163 : vector<72x2000xf32>
    %convert_element_type3A_165 = arith.extui %lt3A_164 : vector<72x2000xi1> to vector<72x2000xi32>
    %convert_element_type3A_166 = arith.sitofp %convert_element_type3A_165 : vector<72x2000xi32> to vector<72x2000xf32>
    %add3A_167 = arith.addf %add3A_158, %convert_element_type3A_166 : vector<72x2000xf32>
    %get3A_168 = arith.constant 7 : index
    %get3A_169 = arith.constant 0 : index
    %get3A_170 = vector.load %arg5[%get3A_168, %get3A_169] : memref<160x2000xf32, #tpu.memory_space<vmem>>, vector<1x2000xf32>
    %lt3A_171 = vector.broadcast %get3A_170 : vector<1x2000xf32> to vector<72x2000xf32>
    %lt3A_172 = vector.broadcast %dot_general3A_102 : vector<72x1xf32> to vector<72x2000xf32>
    %lt3A_173 = arith.cmpf olt, %lt3A_171, %lt3A_172 : vector<72x2000xf32>
    %convert_element_type3A_174 = arith.extui %lt3A_173 : vector<72x2000xi1> to vector<72x2000xi32>
    %convert_element_type3A_175 = arith.sitofp %convert_element_type3A_174 : vector<72x2000xi32> to vector<72x2000xf32>
    %add3A_176 = arith.addf %add3A_167, %convert_element_type3A_175 : vector<72x2000xf32>
    %get3A_177 = arith.constant 8 : index
    %get3A_178 = arith.constant 0 : index
    %get3A_179 = vector.load %arg5[%get3A_177, %get3A_178] : memref<160x2000xf32, #tpu.memory_space<vmem>>, vector<1x2000xf32>
    %lt3A_180 = vector.broadcast %get3A_179 : vector<1x2000xf32> to vector<72x2000xf32>
    %lt3A_181 = vector.broadcast %dot_general3A_102 : vector<72x1xf32> to vector<72x2000xf32>
    %lt3A_182 = arith.cmpf olt, %lt3A_180, %lt3A_181 : vector<72x2000xf32>
    %convert_element_type3A_183 = arith.extui %lt3A_182 : vector<72x2000xi1> to vector<72x2000xi32>
    %convert_element_type3A_184 = arith.sitofp %convert_element_type3A_183 : vector<72x2000xi32> to vector<72x2000xf32>
    %add3A_185 = arith.addf %add3A_176, %convert_element_type3A_184 : vector<72x2000xf32>
    %get3A_186 = arith.constant 9 : index
    %get3A_187 = arith.constant 0 : index
    %get3A_188 = vector.load %arg5[%get3A_186, %get3A_187] : memref<160x2000xf32, #tpu.memory_space<vmem>>, vector<1x2000xf32>
    %lt3A_189 = vector.broadcast %get3A_188 : vector<1x2000xf32> to vector<72x2000xf32>
    %lt3A_190 = vector.broadcast %dot_general3A_102 : vector<72x1xf32> to vector<72x2000xf32>
    %lt3A_191 = arith.cmpf olt, %lt3A_189, %lt3A_190 : vector<72x2000xf32>
    %convert_element_type3A_192 = arith.extui %lt3A_191 : vector<72x2000xi1> to vector<72x2000xi32>
    %convert_element_type3A_193 = arith.sitofp %convert_element_type3A_192 : vector<72x2000xi32> to vector<72x2000xf32>
    %add3A_194 = arith.addf %add3A_185, %convert_element_type3A_193 : vector<72x2000xf32>
    %get3A_195 = arith.constant 10 : index
    %get3A_196 = arith.constant 0 : index
    %get3A_197 = vector.load %arg5[%get3A_195, %get3A_196] : memref<160x2000xf32, #tpu.memory_space<vmem>>, vector<1x2000xf32>
    %lt3A_198 = vector.broadcast %get3A_197 : vector<1x2000xf32> to vector<72x2000xf32>
    %lt3A_199 = vector.broadcast %dot_general3A_102 : vector<72x1xf32> to vector<72x2000xf32>
    %lt3A_200 = arith.cmpf olt, %lt3A_198, %lt3A_199 : vector<72x2000xf32>
    %convert_element_type3A_201 = arith.extui %lt3A_200 : vector<72x2000xi1> to vector<72x2000xi32>
    %convert_element_type3A_202 = arith.sitofp %convert_element_type3A_201 : vector<72x2000xi32> to vector<72x2000xf32>
    %add3A_203 = arith.addf %add3A_194, %convert_element_type3A_202 : vector<72x2000xf32>
    %get3A_204 = arith.constant 11 : index
    %get3A_205 = arith.constant 0 : index
    %get3A_206 = vector.load %arg5[%get3A_204, %get3A_205] : memref<160x2000xf32, #tpu.memory_space<vmem>>, vector<1x2000xf32>
    %lt3A_207 = vector.broadcast %get3A_206 : vector<1x2000xf32> to vector<72x2000xf32>
    %lt3A_208 = vector.broadcast %dot_general3A_102 : vector<72x1xf32> to vector<72x2000xf32>
    %lt3A_209 = arith.cmpf olt, %lt3A_207, %lt3A_208 : vector<72x2000xf32>
    %convert_element_type3A_210 = arith.extui %lt3A_209 : vector<72x2000xi1> to vector<72x2000xi32>
    %convert_element_type3A_211 = arith.sitofp %convert_element_type3A_210 : vector<72x2000xi32> to vector<72x2000xf32>
    %add3A_212 = arith.addf %add3A_203, %convert_element_type3A_211 : vector<72x2000xf32>
    %get3A_213 = arith.constant 12 : index
    %get3A_214 = arith.constant 0 : index
    %get3A_215 = vector.load %arg5[%get3A_213, %get3A_214] : memref<160x2000xf32, #tpu.memory_space<vmem>>, vector<1x2000xf32>
    %lt3A_216 = vector.broadcast %get3A_215 : vector<1x2000xf32> to vector<72x2000xf32>
    %lt3A_217 = vector.broadcast %dot_general3A_102 : vector<72x1xf32> to vector<72x2000xf32>
    %lt3A_218 = arith.cmpf olt, %lt3A_216, %lt3A_217 : vector<72x2000xf32>
    %convert_element_type3A_219 = arith.extui %lt3A_218 : vector<72x2000xi1> to vector<72x2000xi32>
    %convert_element_type3A_220 = arith.sitofp %convert_element_type3A_219 : vector<72x2000xi32> to vector<72x2000xf32>
    %add3A_221 = arith.addf %add3A_212, %convert_element_type3A_220 : vector<72x2000xf32>
    %get3A_222 = arith.constant 13 : index
    %get3A_223 = arith.constant 0 : index
    %get3A_224 = vector.load %arg5[%get3A_222, %get3A_223] : memref<160x2000xf32, #tpu.memory_space<vmem>>, vector<1x2000xf32>
    %lt3A_225 = vector.broadcast %get3A_224 : vector<1x2000xf32> to vector<72x2000xf32>
    %lt3A_226 = vector.broadcast %dot_general3A_102 : vector<72x1xf32> to vector<72x2000xf32>
    %lt3A_227 = arith.cmpf olt, %lt3A_225, %lt3A_226 : vector<72x2000xf32>
    %convert_element_type3A_228 = arith.extui %lt3A_227 : vector<72x2000xi1> to vector<72x2000xi32>
    %convert_element_type3A_229 = arith.sitofp %convert_element_type3A_228 : vector<72x2000xi32> to vector<72x2000xf32>
    %add3A_230 = arith.addf %add3A_221, %convert_element_type3A_229 : vector<72x2000xf32>
    %get3A_231 = arith.constant 14 : index
    %get3A_232 = arith.constant 0 : index
    %get3A_233 = vector.load %arg5[%get3A_231, %get3A_232] : memref<160x2000xf32, #tpu.memory_space<vmem>>, vector<1x2000xf32>
    %lt3A_234 = vector.broadcast %get3A_233 : vector<1x2000xf32> to vector<72x2000xf32>
    %lt3A_235 = vector.broadcast %dot_general3A_102 : vector<72x1xf32> to vector<72x2000xf32>
    %lt3A_236 = arith.cmpf olt, %lt3A_234, %lt3A_235 : vector<72x2000xf32>
    %convert_element_type3A_237 = arith.extui %lt3A_236 : vector<72x2000xi1> to vector<72x2000xi32>
    %convert_element_type3A_238 = arith.sitofp %convert_element_type3A_237 : vector<72x2000xi32> to vector<72x2000xf32>
    %add3A_239 = arith.addf %add3A_230, %convert_element_type3A_238 : vector<72x2000xf32>
    %get3A_240 = arith.constant 15 : index
    %get3A_241 = arith.constant 0 : index
    %get3A_242 = vector.load %arg5[%get3A_240, %get3A_241] : memref<160x2000xf32, #tpu.memory_space<vmem>>, vector<1x2000xf32>
    %lt3A_243 = vector.broadcast %get3A_242 : vector<1x2000xf32> to vector<72x2000xf32>
    %lt3A_244 = vector.broadcast %dot_general3A_102 : vector<72x1xf32> to vector<72x2000xf32>
    %lt3A_245 = arith.cmpf olt, %lt3A_243, %lt3A_244 : vector<72x2000xf32>
    %convert_element_type3A_246 = arith.extui %lt3A_245 : vector<72x2000xi1> to vector<72x2000xi32>
    %convert_element_type3A_247 = arith.sitofp %convert_element_type3A_246 : vector<72x2000xi32> to vector<72x2000xf32>
    %add3A_248 = arith.addf %add3A_239, %convert_element_type3A_247 : vector<72x2000xf32>
    %get3A_249 = arith.constant 16 : index
    %get3A_250 = arith.constant 0 : index
    %get3A_251 = vector.load %arg5[%get3A_249, %get3A_250] : memref<160x2000xf32, #tpu.memory_space<vmem>>, vector<1x2000xf32>
    %lt3A_252 = vector.broadcast %get3A_251 : vector<1x2000xf32> to vector<72x2000xf32>
    %lt3A_253 = vector.broadcast %dot_general3A_102 : vector<72x1xf32> to vector<72x2000xf32>
    %lt3A_254 = arith.cmpf olt, %lt3A_252, %lt3A_253 : vector<72x2000xf32>
    %convert_element_type3A_255 = arith.extui %lt3A_254 : vector<72x2000xi1> to vector<72x2000xi32>
    %convert_element_type3A_256 = arith.sitofp %convert_element_type3A_255 : vector<72x2000xi32> to vector<72x2000xf32>
    %add3A_257 = arith.addf %add3A_248, %convert_element_type3A_256 : vector<72x2000xf32>
    %get3A_258 = arith.constant 17 : index
    %get3A_259 = arith.constant 0 : index
    %get3A_260 = vector.load %arg5[%get3A_258, %get3A_259] : memref<160x2000xf32, #tpu.memory_space<vmem>>, vector<1x2000xf32>
    %lt3A_261 = vector.broadcast %get3A_260 : vector<1x2000xf32> to vector<72x2000xf32>
    %lt3A_262 = vector.broadcast %dot_general3A_102 : vector<72x1xf32> to vector<72x2000xf32>
    %lt3A_263 = arith.cmpf olt, %lt3A_261, %lt3A_262 : vector<72x2000xf32>
    %convert_element_type3A_264 = arith.extui %lt3A_263 : vector<72x2000xi1> to vector<72x2000xi32>
    %convert_element_type3A_265 = arith.sitofp %convert_element_type3A_264 : vector<72x2000xi32> to vector<72x2000xf32>
    %add3A_266 = arith.addf %add3A_257, %convert_element_type3A_265 : vector<72x2000xf32>
    %get3A_267 = arith.constant 18 : index
    %get3A_268 = arith.constant 0 : index
    %get3A_269 = vector.load %arg5[%get3A_267, %get3A_268] : memref<160x2000xf32, #tpu.memory_space<vmem>>, vector<1x2000xf32>
    %lt3A_270 = vector.broadcast %get3A_269 : vector<1x2000xf32> to vector<72x2000xf32>
    %lt3A_271 = vector.broadcast %dot_general3A_102 : vector<72x1xf32> to vector<72x2000xf32>
    %lt3A_272 = arith.cmpf olt, %lt3A_270, %lt3A_271 : vector<72x2000xf32>
    %convert_element_type3A_273 = arith.extui %lt3A_272 : vector<72x2000xi1> to vector<72x2000xi32>
    %convert_element_type3A_274 = arith.sitofp %convert_element_type3A_273 : vector<72x2000xi32> to vector<72x2000xf32>
    %add3A_275 = arith.addf %add3A_266, %convert_element_type3A_274 : vector<72x2000xf32>
    %get3A_276 = arith.constant 19 : index
    %get3A_277 = arith.constant 0 : index
    %get3A_278 = vector.load %arg5[%get3A_276, %get3A_277] : memref<160x2000xf32, #tpu.memory_space<vmem>>, vector<1x2000xf32>
    %lt3A_279 = vector.broadcast %get3A_278 : vector<1x2000xf32> to vector<72x2000xf32>
    %lt3A_280 = vector.broadcast %dot_general3A_102 : vector<72x1xf32> to vector<72x2000xf32>
    %lt3A_281 = arith.cmpf olt, %lt3A_279, %lt3A_280 : vector<72x2000xf32>
    %convert_element_type3A_282 = arith.extui %lt3A_281 : vector<72x2000xi1> to vector<72x2000xi32>
    %convert_element_type3A_283 = arith.sitofp %convert_element_type3A_282 : vector<72x2000xi32> to vector<72x2000xf32>
    %add3A_284 = arith.addf %add3A_275, %convert_element_type3A_283 : vector<72x2000xf32>
    %get3A_285 = arith.constant 20 : index
    %get3A_286 = arith.constant 0 : index
    %get3A_287 = vector.load %arg5[%get3A_285, %get3A_286] : memref<160x2000xf32, #tpu.memory_space<vmem>>, vector<1x2000xf32>
    %lt3A_288 = vector.broadcast %get3A_287 : vector<1x2000xf32> to vector<72x2000xf32>
    %lt3A_289 = vector.broadcast %dot_general3A_102 : vector<72x1xf32> to vector<72x2000xf32>
    %lt3A_290 = arith.cmpf olt, %lt3A_288, %lt3A_289 : vector<72x2000xf32>
    %convert_element_type3A_291 = arith.extui %lt3A_290 : vector<72x2000xi1> to vector<72x2000xi32>
    %convert_element_type3A_292 = arith.sitofp %convert_element_type3A_291 : vector<72x2000xi32> to vector<72x2000xf32>
    %add3A_293 = arith.addf %add3A_284, %convert_element_type3A_292 : vector<72x2000xf32>
    %get3A_294 = arith.constant 21 : index
    %get3A_295 = arith.constant 0 : index
    %get3A_296 = vector.load %arg5[%get3A_294, %get3A_295] : memref<160x2000xf32, #tpu.memory_space<vmem>>, vector<1x2000xf32>
    %lt3A_297 = vector.broadcast %get3A_296 : vector<1x2000xf32> to vector<72x2000xf32>
    %lt3A_298 = vector.broadcast %dot_general3A_102 : vector<72x1xf32> to vector<72x2000xf32>
    %lt3A_299 = arith.cmpf olt, %lt3A_297, %lt3A_298 : vector<72x2000xf32>
    %convert_element_type3A_300 = arith.extui %lt3A_299 : vector<72x2000xi1> to vector<72x2000xi32>
    %convert_element_type3A_301 = arith.sitofp %convert_element_type3A_300 : vector<72x2000xi32> to vector<72x2000xf32>
    %add3A_302 = arith.addf %add3A_293, %convert_element_type3A_301 : vector<72x2000xf32>
    %get3A_303 = arith.constant 22 : index
    %get3A_304 = arith.constant 0 : index
    %get3A_305 = vector.load %arg5[%get3A_303, %get3A_304] : memref<160x2000xf32, #tpu.memory_space<vmem>>, vector<1x2000xf32>
    %lt3A_306 = vector.broadcast %get3A_305 : vector<1x2000xf32> to vector<72x2000xf32>
    %lt3A_307 = vector.broadcast %dot_general3A_102 : vector<72x1xf32> to vector<72x2000xf32>
    %lt3A_308 = arith.cmpf olt, %lt3A_306, %lt3A_307 : vector<72x2000xf32>
    %convert_element_type3A_309 = arith.extui %lt3A_308 : vector<72x2000xi1> to vector<72x2000xi32>
    %convert_element_type3A_310 = arith.sitofp %convert_element_type3A_309 : vector<72x2000xi32> to vector<72x2000xf32>
    %add3A_311 = arith.addf %add3A_302, %convert_element_type3A_310 : vector<72x2000xf32>
    %get3A_312 = arith.constant 23 : index
    %get3A_313 = arith.constant 0 : index
    %get3A_314 = vector.load %arg5[%get3A_312, %get3A_313] : memref<160x2000xf32, #tpu.memory_space<vmem>>, vector<1x2000xf32>
    %lt3A_315 = vector.broadcast %get3A_314 : vector<1x2000xf32> to vector<72x2000xf32>
    %lt3A_316 = vector.broadcast %dot_general3A_102 : vector<72x1xf32> to vector<72x2000xf32>
    %lt3A_317 = arith.cmpf olt, %lt3A_315, %lt3A_316 : vector<72x2000xf32>
    %convert_element_type3A_318 = arith.extui %lt3A_317 : vector<72x2000xi1> to vector<72x2000xi32>
    %convert_element_type3A_319 = arith.sitofp %convert_element_type3A_318 : vector<72x2000xi32> to vector<72x2000xf32>
    %add3A_320 = arith.addf %add3A_311, %convert_element_type3A_319 : vector<72x2000xf32>
    %get3A_321 = arith.constant 24 : index
    %get3A_322 = arith.constant 0 : index
    %get3A_323 = vector.load %arg5[%get3A_321, %get3A_322] : memref<160x2000xf32, #tpu.memory_space<vmem>>, vector<1x2000xf32>
    %lt3A_324 = vector.broadcast %get3A_323 : vector<1x2000xf32> to vector<72x2000xf32>
    %lt3A_325 = vector.broadcast %dot_general3A_102 : vector<72x1xf32> to vector<72x2000xf32>
    %lt3A_326 = arith.cmpf olt, %lt3A_324, %lt3A_325 : vector<72x2000xf32>
    %convert_element_type3A_327 = arith.extui %lt3A_326 : vector<72x2000xi1> to vector<72x2000xi32>
    %convert_element_type3A_328 = arith.sitofp %convert_element_type3A_327 : vector<72x2000xi32> to vector<72x2000xf32>
    %add3A_329 = arith.addf %add3A_320, %convert_element_type3A_328 : vector<72x2000xf32>
    %get3A_330 = arith.constant 25 : index
    %get3A_331 = arith.constant 0 : index
    %get3A_332 = vector.load %arg5[%get3A_330, %get3A_331] : memref<160x2000xf32, #tpu.memory_space<vmem>>, vector<1x2000xf32>
    %lt3A_333 = vector.broadcast %get3A_332 : vector<1x2000xf32> to vector<72x2000xf32>
    %lt3A_334 = vector.broadcast %dot_general3A_102 : vector<72x1xf32> to vector<72x2000xf32>
    %lt3A_335 = arith.cmpf olt, %lt3A_333, %lt3A_334 : vector<72x2000xf32>
    %convert_element_type3A_336 = arith.extui %lt3A_335 : vector<72x2000xi1> to vector<72x2000xi32>
    %convert_element_type3A_337 = arith.sitofp %convert_element_type3A_336 : vector<72x2000xi32> to vector<72x2000xf32>
    %add3A_338 = arith.addf %add3A_329, %convert_element_type3A_337 : vector<72x2000xf32>
    %get3A_339 = arith.constant 26 : index
    %get3A_340 = arith.constant 0 : index
    %get3A_341 = vector.load %arg5[%get3A_339, %get3A_340] : memref<160x2000xf32, #tpu.memory_space<vmem>>, vector<1x2000xf32>
    %lt3A_342 = vector.broadcast %get3A_341 : vector<1x2000xf32> to vector<72x2000xf32>
    %lt3A_343 = vector.broadcast %dot_general3A_102 : vector<72x1xf32> to vector<72x2000xf32>
    %lt3A_344 = arith.cmpf olt, %lt3A_342, %lt3A_343 : vector<72x2000xf32>
    %convert_element_type3A_345 = arith.extui %lt3A_344 : vector<72x2000xi1> to vector<72x2000xi32>
    %convert_element_type3A_346 = arith.sitofp %convert_element_type3A_345 : vector<72x2000xi32> to vector<72x2000xf32>
    %add3A_347 = arith.addf %add3A_338, %convert_element_type3A_346 : vector<72x2000xf32>
    %get3A_348 = arith.constant 27 : index
    %get3A_349 = arith.constant 0 : index
    %get3A_350 = vector.load %arg5[%get3A_348, %get3A_349] : memref<160x2000xf32, #tpu.memory_space<vmem>>, vector<1x2000xf32>
    %lt3A_351 = vector.broadcast %get3A_350 : vector<1x2000xf32> to vector<72x2000xf32>
    %lt3A_352 = vector.broadcast %dot_general3A_102 : vector<72x1xf32> to vector<72x2000xf32>
    %lt3A_353 = arith.cmpf olt, %lt3A_351, %lt3A_352 : vector<72x2000xf32>
    %convert_element_type3A_354 = arith.extui %lt3A_353 : vector<72x2000xi1> to vector<72x2000xi32>
    %convert_element_type3A_355 = arith.sitofp %convert_element_type3A_354 : vector<72x2000xi32> to vector<72x2000xf32>
    %add3A_356 = arith.addf %add3A_347, %convert_element_type3A_355 : vector<72x2000xf32>
    %get3A_357 = arith.constant 28 : index
    %get3A_358 = arith.constant 0 : index
    %get3A_359 = vector.load %arg5[%get3A_357, %get3A_358] : memref<160x2000xf32, #tpu.memory_space<vmem>>, vector<1x2000xf32>
    %lt3A_360 = vector.broadcast %get3A_359 : vector<1x2000xf32> to vector<72x2000xf32>
    %lt3A_361 = vector.broadcast %dot_general3A_102 : vector<72x1xf32> to vector<72x2000xf32>
    %lt3A_362 = arith.cmpf olt, %lt3A_360, %lt3A_361 : vector<72x2000xf32>
    %convert_element_type3A_363 = arith.extui %lt3A_362 : vector<72x2000xi1> to vector<72x2000xi32>
    %convert_element_type3A_364 = arith.sitofp %convert_element_type3A_363 : vector<72x2000xi32> to vector<72x2000xf32>
    %add3A_365 = arith.addf %add3A_356, %convert_element_type3A_364 : vector<72x2000xf32>
    %get3A_366 = arith.constant 29 : index
    %get3A_367 = arith.constant 0 : index
    %get3A_368 = vector.load %arg5[%get3A_366, %get3A_367] : memref<160x2000xf32, #tpu.memory_space<vmem>>, vector<1x2000xf32>
    %lt3A_369 = vector.broadcast %get3A_368 : vector<1x2000xf32> to vector<72x2000xf32>
    %lt3A_370 = vector.broadcast %dot_general3A_102 : vector<72x1xf32> to vector<72x2000xf32>
    %lt3A_371 = arith.cmpf olt, %lt3A_369, %lt3A_370 : vector<72x2000xf32>
    %convert_element_type3A_372 = arith.extui %lt3A_371 : vector<72x2000xi1> to vector<72x2000xi32>
    %convert_element_type3A_373 = arith.sitofp %convert_element_type3A_372 : vector<72x2000xi32> to vector<72x2000xf32>
    %add3A_374 = arith.addf %add3A_365, %convert_element_type3A_373 : vector<72x2000xf32>
    %get3A_375 = arith.constant 30 : index
    %get3A_376 = arith.constant 0 : index
    %get3A_377 = vector.load %arg5[%get3A_375, %get3A_376] : memref<160x2000xf32, #tpu.memory_space<vmem>>, vector<1x2000xf32>
    %lt3A_378 = vector.broadcast %get3A_377 : vector<1x2000xf32> to vector<72x2000xf32>
    %lt3A_379 = vector.broadcast %dot_general3A_102 : vector<72x1xf32> to vector<72x2000xf32>
    %lt3A_380 = arith.cmpf olt, %lt3A_378, %lt3A_379 : vector<72x2000xf32>
    %convert_element_type3A_381 = arith.extui %lt3A_380 : vector<72x2000xi1> to vector<72x2000xi32>
    %convert_element_type3A_382 = arith.sitofp %convert_element_type3A_381 : vector<72x2000xi32> to vector<72x2000xf32>
    %add3A_383 = arith.addf %add3A_374, %convert_element_type3A_382 : vector<72x2000xf32>
    %get3A_384 = arith.constant 31 : index
    %get3A_385 = arith.constant 0 : index
    %get3A_386 = vector.load %arg5[%get3A_384, %get3A_385] : memref<160x2000xf32, #tpu.memory_space<vmem>>, vector<1x2000xf32>
    %lt3A_387 = vector.broadcast %get3A_386 : vector<1x2000xf32> to vector<72x2000xf32>
    %lt3A_388 = vector.broadcast %dot_general3A_102 : vector<72x1xf32> to vector<72x2000xf32>
    %lt3A_389 = arith.cmpf olt, %lt3A_387, %lt3A_388 : vector<72x2000xf32>
    %convert_element_type3A_390 = arith.extui %lt3A_389 : vector<72x2000xi1> to vector<72x2000xi32>
    %convert_element_type3A_391 = arith.sitofp %convert_element_type3A_390 : vector<72x2000xi32> to vector<72x2000xf32>
    %add3A_392 = arith.addf %add3A_383, %convert_element_type3A_391 : vector<72x2000xf32>
    %get3A_393 = arith.constant 32 : index
    %get3A_394 = arith.constant 0 : index
    %get3A_395 = vector.load %arg5[%get3A_393, %get3A_394] : memref<160x2000xf32, #tpu.memory_space<vmem>>, vector<1x2000xf32>
    %lt3A_396 = vector.broadcast %get3A_395 : vector<1x2000xf32> to vector<72x2000xf32>
    %lt3A_397 = vector.broadcast %dot_general3A_102 : vector<72x1xf32> to vector<72x2000xf32>
    %lt3A_398 = arith.cmpf olt, %lt3A_396, %lt3A_397 : vector<72x2000xf32>
    %convert_element_type3A_399 = arith.extui %lt3A_398 : vector<72x2000xi1> to vector<72x2000xi32>
    %convert_element_type3A_400 = arith.sitofp %convert_element_type3A_399 : vector<72x2000xi32> to vector<72x2000xf32>
    %add3A_401 = arith.addf %add3A_392, %convert_element_type3A_400 : vector<72x2000xf32>
    %get3A_402 = arith.constant 33 : index
    %get3A_403 = arith.constant 0 : index
    %get3A_404 = vector.load %arg5[%get3A_402, %get3A_403] : memref<160x2000xf32, #tpu.memory_space<vmem>>, vector<1x2000xf32>
    %lt3A_405 = vector.broadcast %get3A_404 : vector<1x2000xf32> to vector<72x2000xf32>
    %lt3A_406 = vector.broadcast %dot_general3A_102 : vector<72x1xf32> to vector<72x2000xf32>
    %lt3A_407 = arith.cmpf olt, %lt3A_405, %lt3A_406 : vector<72x2000xf32>
    %convert_element_type3A_408 = arith.extui %lt3A_407 : vector<72x2000xi1> to vector<72x2000xi32>
    %convert_element_type3A_409 = arith.sitofp %convert_element_type3A_408 : vector<72x2000xi32> to vector<72x2000xf32>
    %add3A_410 = arith.addf %add3A_401, %convert_element_type3A_409 : vector<72x2000xf32>
    %get3A_411 = arith.constant 34 : index
    %get3A_412 = arith.constant 0 : index
    %get3A_413 = vector.load %arg5[%get3A_411, %get3A_412] : memref<160x2000xf32, #tpu.memory_space<vmem>>, vector<1x2000xf32>
    %lt3A_414 = vector.broadcast %get3A_413 : vector<1x2000xf32> to vector<72x2000xf32>
    %lt3A_415 = vector.broadcast %dot_general3A_102 : vector<72x1xf32> to vector<72x2000xf32>
    %lt3A_416 = arith.cmpf olt, %lt3A_414, %lt3A_415 : vector<72x2000xf32>
    %convert_element_type3A_417 = arith.extui %lt3A_416 : vector<72x2000xi1> to vector<72x2000xi32>
    %convert_element_type3A_418 = arith.sitofp %convert_element_type3A_417 : vector<72x2000xi32> to vector<72x2000xf32>
    %add3A_419 = arith.addf %add3A_410, %convert_element_type3A_418 : vector<72x2000xf32>
    %get3A_420 = arith.constant 35 : index
    %get3A_421 = arith.constant 0 : index
    %get3A_422 = vector.load %arg5[%get3A_420, %get3A_421] : memref<160x2000xf32, #tpu.memory_space<vmem>>, vector<1x2000xf32>
    %lt3A_423 = vector.broadcast %get3A_422 : vector<1x2000xf32> to vector<72x2000xf32>
    %lt3A_424 = vector.broadcast %dot_general3A_102 : vector<72x1xf32> to vector<72x2000xf32>
    %lt3A_425 = arith.cmpf olt, %lt3A_423, %lt3A_424 : vector<72x2000xf32>
    %convert_element_type3A_426 = arith.extui %lt3A_425 : vector<72x2000xi1> to vector<72x2000xi32>
    %convert_element_type3A_427 = arith.sitofp %convert_element_type3A_426 : vector<72x2000xi32> to vector<72x2000xf32>
    %add3A_428 = arith.addf %add3A_419, %convert_element_type3A_427 : vector<72x2000xf32>
    %get3A_429 = arith.constant 36 : index
    %get3A_430 = arith.constant 0 : index
    %get3A_431 = vector.load %arg5[%get3A_429, %get3A_430] : memref<160x2000xf32, #tpu.memory_space<vmem>>, vector<1x2000xf32>
    %lt3A_432 = vector.broadcast %get3A_431 : vector<1x2000xf32> to vector<72x2000xf32>
    %lt3A_433 = vector.broadcast %dot_general3A_102 : vector<72x1xf32> to vector<72x2000xf32>
    %lt3A_434 = arith.cmpf olt, %lt3A_432, %lt3A_433 : vector<72x2000xf32>
    %convert_element_type3A_435 = arith.extui %lt3A_434 : vector<72x2000xi1> to vector<72x2000xi32>
    %convert_element_type3A_436 = arith.sitofp %convert_element_type3A_435 : vector<72x2000xi32> to vector<72x2000xf32>
    %add3A_437 = arith.addf %add3A_428, %convert_element_type3A_436 : vector<72x2000xf32>
    %get3A_438 = arith.constant 37 : index
    %get3A_439 = arith.constant 0 : index
    %get3A_440 = vector.load %arg5[%get3A_438, %get3A_439] : memref<160x2000xf32, #tpu.memory_space<vmem>>, vector<1x2000xf32>
    %lt3A_441 = vector.broadcast %get3A_440 : vector<1x2000xf32> to vector<72x2000xf32>
    %lt3A_442 = vector.broadcast %dot_general3A_102 : vector<72x1xf32> to vector<72x2000xf32>
    %lt3A_443 = arith.cmpf olt, %lt3A_441, %lt3A_442 : vector<72x2000xf32>
    %convert_element_type3A_444 = arith.extui %lt3A_443 : vector<72x2000xi1> to vector<72x2000xi32>
    %convert_element_type3A_445 = arith.sitofp %convert_element_type3A_444 : vector<72x2000xi32> to vector<72x2000xf32>
    %add3A_446 = arith.addf %add3A_437, %convert_element_type3A_445 : vector<72x2000xf32>
    %get3A_447 = arith.constant 38 : index
    %get3A_448 = arith.constant 0 : index
    %get3A_449 = vector.load %arg5[%get3A_447, %get3A_448] : memref<160x2000xf32, #tpu.memory_space<vmem>>, vector<1x2000xf32>
    %lt3A_450 = vector.broadcast %get3A_449 : vector<1x2000xf32> to vector<72x2000xf32>
    %lt3A_451 = vector.broadcast %dot_general3A_102 : vector<72x1xf32> to vector<72x2000xf32>
    %lt3A_452 = arith.cmpf olt, %lt3A_450, %lt3A_451 : vector<72x2000xf32>
    %convert_element_type3A_453 = arith.extui %lt3A_452 : vector<72x2000xi1> to vector<72x2000xi32>
    %convert_element_type3A_454 = arith.sitofp %convert_element_type3A_453 : vector<72x2000xi32> to vector<72x2000xf32>
    %add3A_455 = arith.addf %add3A_446, %convert_element_type3A_454 : vector<72x2000xf32>
    %get3A_456 = arith.constant 39 : index
    %get3A_457 = arith.constant 0 : index
    %get3A_458 = vector.load %arg5[%get3A_456, %get3A_457] : memref<160x2000xf32, #tpu.memory_space<vmem>>, vector<1x2000xf32>
    %lt3A_459 = vector.broadcast %get3A_458 : vector<1x2000xf32> to vector<72x2000xf32>
    %lt3A_460 = vector.broadcast %dot_general3A_102 : vector<72x1xf32> to vector<72x2000xf32>
    %lt3A_461 = arith.cmpf olt, %lt3A_459, %lt3A_460 : vector<72x2000xf32>
    %convert_element_type3A_462 = arith.extui %lt3A_461 : vector<72x2000xi1> to vector<72x2000xi32>
    %convert_element_type3A_463 = arith.sitofp %convert_element_type3A_462 : vector<72x2000xi32> to vector<72x2000xf32>
    %add3A_464 = arith.addf %add3A_455, %convert_element_type3A_463 : vector<72x2000xf32>
    %get3A_465 = arith.constant 40 : index
    %get3A_466 = arith.constant 0 : index
    %get3A_467 = vector.load %arg5[%get3A_465, %get3A_466] : memref<160x2000xf32, #tpu.memory_space<vmem>>, vector<1x2000xf32>
    %lt3A_468 = vector.broadcast %get3A_467 : vector<1x2000xf32> to vector<72x2000xf32>
    %lt3A_469 = vector.broadcast %dot_general3A_102 : vector<72x1xf32> to vector<72x2000xf32>
    %lt3A_470 = arith.cmpf olt, %lt3A_468, %lt3A_469 : vector<72x2000xf32>
    %convert_element_type3A_471 = arith.extui %lt3A_470 : vector<72x2000xi1> to vector<72x2000xi32>
    %convert_element_type3A_472 = arith.sitofp %convert_element_type3A_471 : vector<72x2000xi32> to vector<72x2000xf32>
    %add3A_473 = arith.addf %add3A_464, %convert_element_type3A_472 : vector<72x2000xf32>
    %get3A_474 = arith.constant 41 : index
    %get3A_475 = arith.constant 0 : index
    %get3A_476 = vector.load %arg5[%get3A_474, %get3A_475] : memref<160x2000xf32, #tpu.memory_space<vmem>>, vector<1x2000xf32>
    %lt3A_477 = vector.broadcast %get3A_476 : vector<1x2000xf32> to vector<72x2000xf32>
    %lt3A_478 = vector.broadcast %dot_general3A_102 : vector<72x1xf32> to vector<72x2000xf32>
    %lt3A_479 = arith.cmpf olt, %lt3A_477, %lt3A_478 : vector<72x2000xf32>
    %convert_element_type3A_480 = arith.extui %lt3A_479 : vector<72x2000xi1> to vector<72x2000xi32>
    %convert_element_type3A_481 = arith.sitofp %convert_element_type3A_480 : vector<72x2000xi32> to vector<72x2000xf32>
    %add3A_482 = arith.addf %add3A_473, %convert_element_type3A_481 : vector<72x2000xf32>
    %get3A_483 = arith.constant 42 : index
    %get3A_484 = arith.constant 0 : index
    %get3A_485 = vector.load %arg5[%get3A_483, %get3A_484] : memref<160x2000xf32, #tpu.memory_space<vmem>>, vector<1x2000xf32>
    %lt3A_486 = vector.broadcast %get3A_485 : vector<1x2000xf32> to vector<72x2000xf32>
    %lt3A_487 = vector.broadcast %dot_general3A_102 : vector<72x1xf32> to vector<72x2000xf32>
    %lt3A_488 = arith.cmpf olt, %lt3A_486, %lt3A_487 : vector<72x2000xf32>
    %convert_element_type3A_489 = arith.extui %lt3A_488 : vector<72x2000xi1> to vector<72x2000xi32>
    %convert_element_type3A_490 = arith.sitofp %convert_element_type3A_489 : vector<72x2000xi32> to vector<72x2000xf32>
    %add3A_491 = arith.addf %add3A_482, %convert_element_type3A_490 : vector<72x2000xf32>
    %get3A_492 = arith.constant 43 : index
    %get3A_493 = arith.constant 0 : index
    %get3A_494 = vector.load %arg5[%get3A_492, %get3A_493] : memref<160x2000xf32, #tpu.memory_space<vmem>>, vector<1x2000xf32>
    %lt3A_495 = vector.broadcast %get3A_494 : vector<1x2000xf32> to vector<72x2000xf32>
    %lt3A_496 = vector.broadcast %dot_general3A_102 : vector<72x1xf32> to vector<72x2000xf32>
    %lt3A_497 = arith.cmpf olt, %lt3A_495, %lt3A_496 : vector<72x2000xf32>
    %convert_element_type3A_498 = arith.extui %lt3A_497 : vector<72x2000xi1> to vector<72x2000xi32>
    %convert_element_type3A_499 = arith.sitofp %convert_element_type3A_498 : vector<72x2000xi32> to vector<72x2000xf32>
    %add3A_500 = arith.addf %add3A_491, %convert_element_type3A_499 : vector<72x2000xf32>
    %get3A_501 = arith.constant 44 : index
    %get3A_502 = arith.constant 0 : index
    %get3A_503 = vector.load %arg5[%get3A_501, %get3A_502] : memref<160x2000xf32, #tpu.memory_space<vmem>>, vector<1x2000xf32>
    %lt3A_504 = vector.broadcast %get3A_503 : vector<1x2000xf32> to vector<72x2000xf32>
    %lt3A_505 = vector.broadcast %dot_general3A_102 : vector<72x1xf32> to vector<72x2000xf32>
    %lt3A_506 = arith.cmpf olt, %lt3A_504, %lt3A_505 : vector<72x2000xf32>
    %convert_element_type3A_507 = arith.extui %lt3A_506 : vector<72x2000xi1> to vector<72x2000xi32>
    %convert_element_type3A_508 = arith.sitofp %convert_element_type3A_507 : vector<72x2000xi32> to vector<72x2000xf32>
    %add3A_509 = arith.addf %add3A_500, %convert_element_type3A_508 : vector<72x2000xf32>
    %get3A_510 = arith.constant 45 : index
    %get3A_511 = arith.constant 0 : index
    %get3A_512 = vector.load %arg5[%get3A_510, %get3A_511] : memref<160x2000xf32, #tpu.memory_space<vmem>>, vector<1x2000xf32>
    %lt3A_513 = vector.broadcast %get3A_512 : vector<1x2000xf32> to vector<72x2000xf32>
    %lt3A_514 = vector.broadcast %dot_general3A_102 : vector<72x1xf32> to vector<72x2000xf32>
    %lt3A_515 = arith.cmpf olt, %lt3A_513, %lt3A_514 : vector<72x2000xf32>
    %convert_element_type3A_516 = arith.extui %lt3A_515 : vector<72x2000xi1> to vector<72x2000xi32>
    %convert_element_type3A_517 = arith.sitofp %convert_element_type3A_516 : vector<72x2000xi32> to vector<72x2000xf32>
    %add3A_518 = arith.addf %add3A_509, %convert_element_type3A_517 : vector<72x2000xf32>
    %get3A_519 = arith.constant 46 : index
    %get3A_520 = arith.constant 0 : index
    %get3A_521 = vector.load %arg5[%get3A_519, %get3A_520] : memref<160x2000xf32, #tpu.memory_space<vmem>>, vector<1x2000xf32>
    %lt3A_522 = vector.broadcast %get3A_521 : vector<1x2000xf32> to vector<72x2000xf32>
    %lt3A_523 = vector.broadcast %dot_general3A_102 : vector<72x1xf32> to vector<72x2000xf32>
    %lt3A_524 = arith.cmpf olt, %lt3A_522, %lt3A_523 : vector<72x2000xf32>
    %convert_element_type3A_525 = arith.extui %lt3A_524 : vector<72x2000xi1> to vector<72x2000xi32>
    %convert_element_type3A_526 = arith.sitofp %convert_element_type3A_525 : vector<72x2000xi32> to vector<72x2000xf32>
    %add3A_527 = arith.addf %add3A_518, %convert_element_type3A_526 : vector<72x2000xf32>
    %get3A_528 = arith.constant 47 : index
    %get3A_529 = arith.constant 0 : index
    %get3A_530 = vector.load %arg5[%get3A_528, %get3A_529] : memref<160x2000xf32, #tpu.memory_space<vmem>>, vector<1x2000xf32>
    %lt3A_531 = vector.broadcast %get3A_530 : vector<1x2000xf32> to vector<72x2000xf32>
    %lt3A_532 = vector.broadcast %dot_general3A_102 : vector<72x1xf32> to vector<72x2000xf32>
    %lt3A_533 = arith.cmpf olt, %lt3A_531, %lt3A_532 : vector<72x2000xf32>
    %convert_element_type3A_534 = arith.extui %lt3A_533 : vector<72x2000xi1> to vector<72x2000xi32>
    %convert_element_type3A_535 = arith.sitofp %convert_element_type3A_534 : vector<72x2000xi32> to vector<72x2000xf32>
    %add3A_536 = arith.addf %add3A_527, %convert_element_type3A_535 : vector<72x2000xf32>
    %get3A_537 = arith.constant 48 : index
    %get3A_538 = arith.constant 0 : index
    %get3A_539 = vector.load %arg5[%get3A_537, %get3A_538] : memref<160x2000xf32, #tpu.memory_space<vmem>>, vector<1x2000xf32>
    %lt3A_540 = vector.broadcast %get3A_539 : vector<1x2000xf32> to vector<72x2000xf32>
    %lt3A_541 = vector.broadcast %dot_general3A_102 : vector<72x1xf32> to vector<72x2000xf32>
    %lt3A_542 = arith.cmpf olt, %lt3A_540, %lt3A_541 : vector<72x2000xf32>
    %convert_element_type3A_543 = arith.extui %lt3A_542 : vector<72x2000xi1> to vector<72x2000xi32>
    %convert_element_type3A_544 = arith.sitofp %convert_element_type3A_543 : vector<72x2000xi32> to vector<72x2000xf32>
    %add3A_545 = arith.addf %add3A_536, %convert_element_type3A_544 : vector<72x2000xf32>
    %get3A_546 = arith.constant 49 : index
    %get3A_547 = arith.constant 0 : index
    %get3A_548 = vector.load %arg5[%get3A_546, %get3A_547] : memref<160x2000xf32, #tpu.memory_space<vmem>>, vector<1x2000xf32>
    %lt3A_549 = vector.broadcast %get3A_548 : vector<1x2000xf32> to vector<72x2000xf32>
    %lt3A_550 = vector.broadcast %dot_general3A_102 : vector<72x1xf32> to vector<72x2000xf32>
    %lt3A_551 = arith.cmpf olt, %lt3A_549, %lt3A_550 : vector<72x2000xf32>
    %convert_element_type3A_552 = arith.extui %lt3A_551 : vector<72x2000xi1> to vector<72x2000xi32>
    %convert_element_type3A_553 = arith.sitofp %convert_element_type3A_552 : vector<72x2000xi32> to vector<72x2000xf32>
    %add3A_554 = arith.addf %add3A_545, %convert_element_type3A_553 : vector<72x2000xf32>
    %get3A_555 = arith.constant 50 : index
    %get3A_556 = arith.constant 0 : index
    %get3A_557 = vector.load %arg5[%get3A_555, %get3A_556] : memref<160x2000xf32, #tpu.memory_space<vmem>>, vector<1x2000xf32>
    %lt3A_558 = vector.broadcast %get3A_557 : vector<1x2000xf32> to vector<72x2000xf32>
    %lt3A_559 = vector.broadcast %dot_general3A_102 : vector<72x1xf32> to vector<72x2000xf32>
    %lt3A_560 = arith.cmpf olt, %lt3A_558, %lt3A_559 : vector<72x2000xf32>
    %convert_element_type3A_561 = arith.extui %lt3A_560 : vector<72x2000xi1> to vector<72x2000xi32>
    %convert_element_type3A_562 = arith.sitofp %convert_element_type3A_561 : vector<72x2000xi32> to vector<72x2000xf32>
    %add3A_563 = arith.addf %add3A_554, %convert_element_type3A_562 : vector<72x2000xf32>
    %get3A_564 = arith.constant 51 : index
    %get3A_565 = arith.constant 0 : index
    %get3A_566 = vector.load %arg5[%get3A_564, %get3A_565] : memref<160x2000xf32, #tpu.memory_space<vmem>>, vector<1x2000xf32>
    %lt3A_567 = vector.broadcast %get3A_566 : vector<1x2000xf32> to vector<72x2000xf32>
    %lt3A_568 = vector.broadcast %dot_general3A_102 : vector<72x1xf32> to vector<72x2000xf32>
    %lt3A_569 = arith.cmpf olt, %lt3A_567, %lt3A_568 : vector<72x2000xf32>
    %convert_element_type3A_570 = arith.extui %lt3A_569 : vector<72x2000xi1> to vector<72x2000xi32>
    %convert_element_type3A_571 = arith.sitofp %convert_element_type3A_570 : vector<72x2000xi32> to vector<72x2000xf32>
    %add3A_572 = arith.addf %add3A_563, %convert_element_type3A_571 : vector<72x2000xf32>
    %get3A_573 = arith.constant 52 : index
    %get3A_574 = arith.constant 0 : index
    %get3A_575 = vector.load %arg5[%get3A_573, %get3A_574] : memref<160x2000xf32, #tpu.memory_space<vmem>>, vector<1x2000xf32>
    %lt3A_576 = vector.broadcast %get3A_575 : vector<1x2000xf32> to vector<72x2000xf32>
    %lt3A_577 = vector.broadcast %dot_general3A_102 : vector<72x1xf32> to vector<72x2000xf32>
    %lt3A_578 = arith.cmpf olt, %lt3A_576, %lt3A_577 : vector<72x2000xf32>
    %convert_element_type3A_579 = arith.extui %lt3A_578 : vector<72x2000xi1> to vector<72x2000xi32>
    %convert_element_type3A_580 = arith.sitofp %convert_element_type3A_579 : vector<72x2000xi32> to vector<72x2000xf32>
    %add3A_581 = arith.addf %add3A_572, %convert_element_type3A_580 : vector<72x2000xf32>
    %get3A_582 = arith.constant 53 : index
    %get3A_583 = arith.constant 0 : index
    %get3A_584 = vector.load %arg5[%get3A_582, %get3A_583] : memref<160x2000xf32, #tpu.memory_space<vmem>>, vector<1x2000xf32>
    %lt3A_585 = vector.broadcast %get3A_584 : vector<1x2000xf32> to vector<72x2000xf32>
    %lt3A_586 = vector.broadcast %dot_general3A_102 : vector<72x1xf32> to vector<72x2000xf32>
    %lt3A_587 = arith.cmpf olt, %lt3A_585, %lt3A_586 : vector<72x2000xf32>
    %convert_element_type3A_588 = arith.extui %lt3A_587 : vector<72x2000xi1> to vector<72x2000xi32>
    %convert_element_type3A_589 = arith.sitofp %convert_element_type3A_588 : vector<72x2000xi32> to vector<72x2000xf32>
    %add3A_590 = arith.addf %add3A_581, %convert_element_type3A_589 : vector<72x2000xf32>
    %get3A_591 = arith.constant 54 : index
    %get3A_592 = arith.constant 0 : index
    %get3A_593 = vector.load %arg5[%get3A_591, %get3A_592] : memref<160x2000xf32, #tpu.memory_space<vmem>>, vector<1x2000xf32>
    %lt3A_594 = vector.broadcast %get3A_593 : vector<1x2000xf32> to vector<72x2000xf32>
    %lt3A_595 = vector.broadcast %dot_general3A_102 : vector<72x1xf32> to vector<72x2000xf32>
    %lt3A_596 = arith.cmpf olt, %lt3A_594, %lt3A_595 : vector<72x2000xf32>
    %convert_element_type3A_597 = arith.extui %lt3A_596 : vector<72x2000xi1> to vector<72x2000xi32>
    %convert_element_type3A_598 = arith.sitofp %convert_element_type3A_597 : vector<72x2000xi32> to vector<72x2000xf32>
    %add3A_599 = arith.addf %add3A_590, %convert_element_type3A_598 : vector<72x2000xf32>
    %get3A_600 = arith.constant 55 : index
    %get3A_601 = arith.constant 0 : index
    %get3A_602 = vector.load %arg5[%get3A_600, %get3A_601] : memref<160x2000xf32, #tpu.memory_space<vmem>>, vector<1x2000xf32>
    %lt3A_603 = vector.broadcast %get3A_602 : vector<1x2000xf32> to vector<72x2000xf32>
    %lt3A_604 = vector.broadcast %dot_general3A_102 : vector<72x1xf32> to vector<72x2000xf32>
    %lt3A_605 = arith.cmpf olt, %lt3A_603, %lt3A_604 : vector<72x2000xf32>
    %convert_element_type3A_606 = arith.extui %lt3A_605 : vector<72x2000xi1> to vector<72x2000xi32>
    %convert_element_type3A_607 = arith.sitofp %convert_element_type3A_606 : vector<72x2000xi32> to vector<72x2000xf32>
    %add3A_608 = arith.addf %add3A_599, %convert_element_type3A_607 : vector<72x2000xf32>
    %get3A_609 = arith.constant 56 : index
    %get3A_610 = arith.constant 0 : index
    %get3A_611 = vector.load %arg5[%get3A_609, %get3A_610] : memref<160x2000xf32, #tpu.memory_space<vmem>>, vector<1x2000xf32>
    %lt3A_612 = vector.broadcast %get3A_611 : vector<1x2000xf32> to vector<72x2000xf32>
    %lt3A_613 = vector.broadcast %dot_general3A_102 : vector<72x1xf32> to vector<72x2000xf32>
    %lt3A_614 = arith.cmpf olt, %lt3A_612, %lt3A_613 : vector<72x2000xf32>
    %convert_element_type3A_615 = arith.extui %lt3A_614 : vector<72x2000xi1> to vector<72x2000xi32>
    %convert_element_type3A_616 = arith.sitofp %convert_element_type3A_615 : vector<72x2000xi32> to vector<72x2000xf32>
    %add3A_617 = arith.addf %add3A_608, %convert_element_type3A_616 : vector<72x2000xf32>
    %get3A_618 = arith.constant 57 : index
    %get3A_619 = arith.constant 0 : index
    %get3A_620 = vector.load %arg5[%get3A_618, %get3A_619] : memref<160x2000xf32, #tpu.memory_space<vmem>>, vector<1x2000xf32>
    %lt3A_621 = vector.broadcast %get3A_620 : vector<1x2000xf32> to vector<72x2000xf32>
    %lt3A_622 = vector.broadcast %dot_general3A_102 : vector<72x1xf32> to vector<72x2000xf32>
    %lt3A_623 = arith.cmpf olt, %lt3A_621, %lt3A_622 : vector<72x2000xf32>
    %convert_element_type3A_624 = arith.extui %lt3A_623 : vector<72x2000xi1> to vector<72x2000xi32>
    %convert_element_type3A_625 = arith.sitofp %convert_element_type3A_624 : vector<72x2000xi32> to vector<72x2000xf32>
    %add3A_626 = arith.addf %add3A_617, %convert_element_type3A_625 : vector<72x2000xf32>
    %get3A_627 = arith.constant 58 : index
    %get3A_628 = arith.constant 0 : index
    %get3A_629 = vector.load %arg5[%get3A_627, %get3A_628] : memref<160x2000xf32, #tpu.memory_space<vmem>>, vector<1x2000xf32>
    %lt3A_630 = vector.broadcast %get3A_629 : vector<1x2000xf32> to vector<72x2000xf32>
    %lt3A_631 = vector.broadcast %dot_general3A_102 : vector<72x1xf32> to vector<72x2000xf32>
    %lt3A_632 = arith.cmpf olt, %lt3A_630, %lt3A_631 : vector<72x2000xf32>
    %convert_element_type3A_633 = arith.extui %lt3A_632 : vector<72x2000xi1> to vector<72x2000xi32>
    %convert_element_type3A_634 = arith.sitofp %convert_element_type3A_633 : vector<72x2000xi32> to vector<72x2000xf32>
    %add3A_635 = arith.addf %add3A_626, %convert_element_type3A_634 : vector<72x2000xf32>
    %get3A_636 = arith.constant 59 : index
    %get3A_637 = arith.constant 0 : index
    %get3A_638 = vector.load %arg5[%get3A_636, %get3A_637] : memref<160x2000xf32, #tpu.memory_space<vmem>>, vector<1x2000xf32>
    %lt3A_639 = vector.broadcast %get3A_638 : vector<1x2000xf32> to vector<72x2000xf32>
    %lt3A_640 = vector.broadcast %dot_general3A_102 : vector<72x1xf32> to vector<72x2000xf32>
    %lt3A_641 = arith.cmpf olt, %lt3A_639, %lt3A_640 : vector<72x2000xf32>
    %convert_element_type3A_642 = arith.extui %lt3A_641 : vector<72x2000xi1> to vector<72x2000xi32>
    %convert_element_type3A_643 = arith.sitofp %convert_element_type3A_642 : vector<72x2000xi32> to vector<72x2000xf32>
    %add3A_644 = arith.addf %add3A_635, %convert_element_type3A_643 : vector<72x2000xf32>
    %get3A_645 = arith.constant 60 : index
    %get3A_646 = arith.constant 0 : index
    %get3A_647 = vector.load %arg5[%get3A_645, %get3A_646] : memref<160x2000xf32, #tpu.memory_space<vmem>>, vector<1x2000xf32>
    %lt3A_648 = vector.broadcast %get3A_647 : vector<1x2000xf32> to vector<72x2000xf32>
    %lt3A_649 = vector.broadcast %dot_general3A_102 : vector<72x1xf32> to vector<72x2000xf32>
    %lt3A_650 = arith.cmpf olt, %lt3A_648, %lt3A_649 : vector<72x2000xf32>
    %convert_element_type3A_651 = arith.extui %lt3A_650 : vector<72x2000xi1> to vector<72x2000xi32>
    %convert_element_type3A_652 = arith.sitofp %convert_element_type3A_651 : vector<72x2000xi32> to vector<72x2000xf32>
    %add3A_653 = arith.addf %add3A_644, %convert_element_type3A_652 : vector<72x2000xf32>
    %get3A_654 = arith.constant 61 : index
    %get3A_655 = arith.constant 0 : index
    %get3A_656 = vector.load %arg5[%get3A_654, %get3A_655] : memref<160x2000xf32, #tpu.memory_space<vmem>>, vector<1x2000xf32>
    %lt3A_657 = vector.broadcast %get3A_656 : vector<1x2000xf32> to vector<72x2000xf32>
    %lt3A_658 = vector.broadcast %dot_general3A_102 : vector<72x1xf32> to vector<72x2000xf32>
    %lt3A_659 = arith.cmpf olt, %lt3A_657, %lt3A_658 : vector<72x2000xf32>
    %convert_element_type3A_660 = arith.extui %lt3A_659 : vector<72x2000xi1> to vector<72x2000xi32>
    %convert_element_type3A_661 = arith.sitofp %convert_element_type3A_660 : vector<72x2000xi32> to vector<72x2000xf32>
    %add3A_662 = arith.addf %add3A_653, %convert_element_type3A_661 : vector<72x2000xf32>
    %get3A_663 = arith.constant 62 : index
    %get3A_664 = arith.constant 0 : index
    %get3A_665 = vector.load %arg5[%get3A_663, %get3A_664] : memref<160x2000xf32, #tpu.memory_space<vmem>>, vector<1x2000xf32>
    %lt3A_666 = vector.broadcast %get3A_665 : vector<1x2000xf32> to vector<72x2000xf32>
    %lt3A_667 = vector.broadcast %dot_general3A_102 : vector<72x1xf32> to vector<72x2000xf32>
    %lt3A_668 = arith.cmpf olt, %lt3A_666, %lt3A_667 : vector<72x2000xf32>
    %convert_element_type3A_669 = arith.extui %lt3A_668 : vector<72x2000xi1> to vector<72x2000xi32>
    %convert_element_type3A_670 = arith.sitofp %convert_element_type3A_669 : vector<72x2000xi32> to vector<72x2000xf32>
    %add3A_671 = arith.addf %add3A_662, %convert_element_type3A_670 : vector<72x2000xf32>
    %get3A_672 = arith.constant 63 : index
    %get3A_673 = arith.constant 0 : index
    %get3A_674 = vector.load %arg5[%get3A_672, %get3A_673] : memref<160x2000xf32, #tpu.memory_space<vmem>>, vector<1x2000xf32>
    %lt3A_675 = vector.broadcast %get3A_674 : vector<1x2000xf32> to vector<72x2000xf32>
    %lt3A_676 = vector.broadcast %dot_general3A_102 : vector<72x1xf32> to vector<72x2000xf32>
    %lt3A_677 = arith.cmpf olt, %lt3A_675, %lt3A_676 : vector<72x2000xf32>
    %convert_element_type3A_678 = arith.extui %lt3A_677 : vector<72x2000xi1> to vector<72x2000xi32>
    %convert_element_type3A_679 = arith.sitofp %convert_element_type3A_678 : vector<72x2000xi32> to vector<72x2000xf32>
    %add3A_680 = arith.addf %add3A_671, %convert_element_type3A_679 : vector<72x2000xf32>
    %get3A_681 = arith.constant 64 : index
    %get3A_682 = arith.constant 0 : index
    %get3A_683 = vector.load %arg5[%get3A_681, %get3A_682] : memref<160x2000xf32, #tpu.memory_space<vmem>>, vector<1x2000xf32>
    %lt3A_684 = vector.broadcast %get3A_683 : vector<1x2000xf32> to vector<72x2000xf32>
    %lt3A_685 = vector.broadcast %dot_general3A_102 : vector<72x1xf32> to vector<72x2000xf32>
    %lt3A_686 = arith.cmpf olt, %lt3A_684, %lt3A_685 : vector<72x2000xf32>
    %convert_element_type3A_687 = arith.extui %lt3A_686 : vector<72x2000xi1> to vector<72x2000xi32>
    %convert_element_type3A_688 = arith.sitofp %convert_element_type3A_687 : vector<72x2000xi32> to vector<72x2000xf32>
    %add3A_689 = arith.addf %add3A_680, %convert_element_type3A_688 : vector<72x2000xf32>
    %get3A_690 = arith.constant 65 : index
    %get3A_691 = arith.constant 0 : index
    %get3A_692 = vector.load %arg5[%get3A_690, %get3A_691] : memref<160x2000xf32, #tpu.memory_space<vmem>>, vector<1x2000xf32>
    %lt3A_693 = vector.broadcast %get3A_692 : vector<1x2000xf32> to vector<72x2000xf32>
    %lt3A_694 = vector.broadcast %dot_general3A_102 : vector<72x1xf32> to vector<72x2000xf32>
    %lt3A_695 = arith.cmpf olt, %lt3A_693, %lt3A_694 : vector<72x2000xf32>
    %convert_element_type3A_696 = arith.extui %lt3A_695 : vector<72x2000xi1> to vector<72x2000xi32>
    %convert_element_type3A_697 = arith.sitofp %convert_element_type3A_696 : vector<72x2000xi32> to vector<72x2000xf32>
    %add3A_698 = arith.addf %add3A_689, %convert_element_type3A_697 : vector<72x2000xf32>
    %get3A_699 = arith.constant 66 : index
    %get3A_700 = arith.constant 0 : index
    %get3A_701 = vector.load %arg5[%get3A_699, %get3A_700] : memref<160x2000xf32, #tpu.memory_space<vmem>>, vector<1x2000xf32>
    %lt3A_702 = vector.broadcast %get3A_701 : vector<1x2000xf32> to vector<72x2000xf32>
    %lt3A_703 = vector.broadcast %dot_general3A_102 : vector<72x1xf32> to vector<72x2000xf32>
    %lt3A_704 = arith.cmpf olt, %lt3A_702, %lt3A_703 : vector<72x2000xf32>
    %convert_element_type3A_705 = arith.extui %lt3A_704 : vector<72x2000xi1> to vector<72x2000xi32>
    %convert_element_type3A_706 = arith.sitofp %convert_element_type3A_705 : vector<72x2000xi32> to vector<72x2000xf32>
    %add3A_707 = arith.addf %add3A_698, %convert_element_type3A_706 : vector<72x2000xf32>
    %get3A_708 = arith.constant 67 : index
    %get3A_709 = arith.constant 0 : index
    %get3A_710 = vector.load %arg5[%get3A_708, %get3A_709] : memref<160x2000xf32, #tpu.memory_space<vmem>>, vector<1x2000xf32>
    %lt3A_711 = vector.broadcast %get3A_710 : vector<1x2000xf32> to vector<72x2000xf32>
    %lt3A_712 = vector.broadcast %dot_general3A_102 : vector<72x1xf32> to vector<72x2000xf32>
    %lt3A_713 = arith.cmpf olt, %lt3A_711, %lt3A_712 : vector<72x2000xf32>
    %convert_element_type3A_714 = arith.extui %lt3A_713 : vector<72x2000xi1> to vector<72x2000xi32>
    %convert_element_type3A_715 = arith.sitofp %convert_element_type3A_714 : vector<72x2000xi32> to vector<72x2000xf32>
    %add3A_716 = arith.addf %add3A_707, %convert_element_type3A_715 : vector<72x2000xf32>
    %get3A_717 = arith.constant 68 : index
    %get3A_718 = arith.constant 0 : index
    %get3A_719 = vector.load %arg5[%get3A_717, %get3A_718] : memref<160x2000xf32, #tpu.memory_space<vmem>>, vector<1x2000xf32>
    %lt3A_720 = vector.broadcast %get3A_719 : vector<1x2000xf32> to vector<72x2000xf32>
    %lt3A_721 = vector.broadcast %dot_general3A_102 : vector<72x1xf32> to vector<72x2000xf32>
    %lt3A_722 = arith.cmpf olt, %lt3A_720, %lt3A_721 : vector<72x2000xf32>
    %convert_element_type3A_723 = arith.extui %lt3A_722 : vector<72x2000xi1> to vector<72x2000xi32>
    %convert_element_type3A_724 = arith.sitofp %convert_element_type3A_723 : vector<72x2000xi32> to vector<72x2000xf32>
    %add3A_725 = arith.addf %add3A_716, %convert_element_type3A_724 : vector<72x2000xf32>
    %get3A_726 = arith.constant 69 : index
    %get3A_727 = arith.constant 0 : index
    %get3A_728 = vector.load %arg5[%get3A_726, %get3A_727] : memref<160x2000xf32, #tpu.memory_space<vmem>>, vector<1x2000xf32>
    %lt3A_729 = vector.broadcast %get3A_728 : vector<1x2000xf32> to vector<72x2000xf32>
    %lt3A_730 = vector.broadcast %dot_general3A_102 : vector<72x1xf32> to vector<72x2000xf32>
    %lt3A_731 = arith.cmpf olt, %lt3A_729, %lt3A_730 : vector<72x2000xf32>
    %convert_element_type3A_732 = arith.extui %lt3A_731 : vector<72x2000xi1> to vector<72x2000xi32>
    %convert_element_type3A_733 = arith.sitofp %convert_element_type3A_732 : vector<72x2000xi32> to vector<72x2000xf32>
    %add3A_734 = arith.addf %add3A_725, %convert_element_type3A_733 : vector<72x2000xf32>
    %get3A_735 = arith.constant 70 : index
    %get3A_736 = arith.constant 0 : index
    %get3A_737 = vector.load %arg5[%get3A_735, %get3A_736] : memref<160x2000xf32, #tpu.memory_space<vmem>>, vector<1x2000xf32>
    %lt3A_738 = vector.broadcast %get3A_737 : vector<1x2000xf32> to vector<72x2000xf32>
    %lt3A_739 = vector.broadcast %dot_general3A_102 : vector<72x1xf32> to vector<72x2000xf32>
    %lt3A_740 = arith.cmpf olt, %lt3A_738, %lt3A_739 : vector<72x2000xf32>
    %convert_element_type3A_741 = arith.extui %lt3A_740 : vector<72x2000xi1> to vector<72x2000xi32>
    %convert_element_type3A_742 = arith.sitofp %convert_element_type3A_741 : vector<72x2000xi32> to vector<72x2000xf32>
    %add3A_743 = arith.addf %add3A_734, %convert_element_type3A_742 : vector<72x2000xf32>
    %get3A_744 = arith.constant 71 : index
    %get3A_745 = arith.constant 0 : index
    %get3A_746 = vector.load %arg5[%get3A_744, %get3A_745] : memref<160x2000xf32, #tpu.memory_space<vmem>>, vector<1x2000xf32>
    %lt3A_747 = vector.broadcast %get3A_746 : vector<1x2000xf32> to vector<72x2000xf32>
    %lt3A_748 = vector.broadcast %dot_general3A_102 : vector<72x1xf32> to vector<72x2000xf32>
    %lt3A_749 = arith.cmpf olt, %lt3A_747, %lt3A_748 : vector<72x2000xf32>
    %convert_element_type3A_750 = arith.extui %lt3A_749 : vector<72x2000xi1> to vector<72x2000xi32>
    %convert_element_type3A_751 = arith.sitofp %convert_element_type3A_750 : vector<72x2000xi32> to vector<72x2000xf32>
    %add3A_752 = arith.addf %add3A_743, %convert_element_type3A_751 : vector<72x2000xf32>
    %get3A_753 = arith.constant 72 : index
    %get3A_754 = arith.constant 0 : index
    %get3A_755 = vector.load %arg5[%get3A_753, %get3A_754] : memref<160x2000xf32, #tpu.memory_space<vmem>>, vector<1x2000xf32>
    %lt3A_756 = vector.broadcast %get3A_755 : vector<1x2000xf32> to vector<72x2000xf32>
    %lt3A_757 = vector.broadcast %dot_general3A_102 : vector<72x1xf32> to vector<72x2000xf32>
    %lt3A_758 = arith.cmpf olt, %lt3A_756, %lt3A_757 : vector<72x2000xf32>
    %convert_element_type3A_759 = arith.extui %lt3A_758 : vector<72x2000xi1> to vector<72x2000xi32>
    %convert_element_type3A_760 = arith.sitofp %convert_element_type3A_759 : vector<72x2000xi32> to vector<72x2000xf32>
    %add3A_761 = arith.addf %add3A_752, %convert_element_type3A_760 : vector<72x2000xf32>
    %get3A_762 = arith.constant 73 : index
    %get3A_763 = arith.constant 0 : index
    %get3A_764 = vector.load %arg5[%get3A_762, %get3A_763] : memref<160x2000xf32, #tpu.memory_space<vmem>>, vector<1x2000xf32>
    %lt3A_765 = vector.broadcast %get3A_764 : vector<1x2000xf32> to vector<72x2000xf32>
    %lt3A_766 = vector.broadcast %dot_general3A_102 : vector<72x1xf32> to vector<72x2000xf32>
    %lt3A_767 = arith.cmpf olt, %lt3A_765, %lt3A_766 : vector<72x2000xf32>
    %convert_element_type3A_768 = arith.extui %lt3A_767 : vector<72x2000xi1> to vector<72x2000xi32>
    %convert_element_type3A_769 = arith.sitofp %convert_element_type3A_768 : vector<72x2000xi32> to vector<72x2000xf32>
    %add3A_770 = arith.addf %add3A_761, %convert_element_type3A_769 : vector<72x2000xf32>
    %get3A_771 = arith.constant 74 : index
    %get3A_772 = arith.constant 0 : index
    %get3A_773 = vector.load %arg5[%get3A_771, %get3A_772] : memref<160x2000xf32, #tpu.memory_space<vmem>>, vector<1x2000xf32>
    %lt3A_774 = vector.broadcast %get3A_773 : vector<1x2000xf32> to vector<72x2000xf32>
    %lt3A_775 = vector.broadcast %dot_general3A_102 : vector<72x1xf32> to vector<72x2000xf32>
    %lt3A_776 = arith.cmpf olt, %lt3A_774, %lt3A_775 : vector<72x2000xf32>
    %convert_element_type3A_777 = arith.extui %lt3A_776 : vector<72x2000xi1> to vector<72x2000xi32>
    %convert_element_type3A_778 = arith.sitofp %convert_element_type3A_777 : vector<72x2000xi32> to vector<72x2000xf32>
    %add3A_779 = arith.addf %add3A_770, %convert_element_type3A_778 : vector<72x2000xf32>
    %get3A_780 = arith.constant 75 : index
    %get3A_781 = arith.constant 0 : index
    %get3A_782 = vector.load %arg5[%get3A_780, %get3A_781] : memref<160x2000xf32, #tpu.memory_space<vmem>>, vector<1x2000xf32>
    %lt3A_783 = vector.broadcast %get3A_782 : vector<1x2000xf32> to vector<72x2000xf32>
    %lt3A_784 = vector.broadcast %dot_general3A_102 : vector<72x1xf32> to vector<72x2000xf32>
    %lt3A_785 = arith.cmpf olt, %lt3A_783, %lt3A_784 : vector<72x2000xf32>
    %convert_element_type3A_786 = arith.extui %lt3A_785 : vector<72x2000xi1> to vector<72x2000xi32>
    %convert_element_type3A_787 = arith.sitofp %convert_element_type3A_786 : vector<72x2000xi32> to vector<72x2000xf32>
    %add3A_788 = arith.addf %add3A_779, %convert_element_type3A_787 : vector<72x2000xf32>
    %get3A_789 = arith.constant 76 : index
    %get3A_790 = arith.constant 0 : index
    %get3A_791 = vector.load %arg5[%get3A_789, %get3A_790] : memref<160x2000xf32, #tpu.memory_space<vmem>>, vector<1x2000xf32>
    %lt3A_792 = vector.broadcast %get3A_791 : vector<1x2000xf32> to vector<72x2000xf32>
    %lt3A_793 = vector.broadcast %dot_general3A_102 : vector<72x1xf32> to vector<72x2000xf32>
    %lt3A_794 = arith.cmpf olt, %lt3A_792, %lt3A_793 : vector<72x2000xf32>
    %convert_element_type3A_795 = arith.extui %lt3A_794 : vector<72x2000xi1> to vector<72x2000xi32>
    %convert_element_type3A_796 = arith.sitofp %convert_element_type3A_795 : vector<72x2000xi32> to vector<72x2000xf32>
    %add3A_797 = arith.addf %add3A_788, %convert_element_type3A_796 : vector<72x2000xf32>
    %get3A_798 = arith.constant 77 : index
    %get3A_799 = arith.constant 0 : index
    %get3A_800 = vector.load %arg5[%get3A_798, %get3A_799] : memref<160x2000xf32, #tpu.memory_space<vmem>>, vector<1x2000xf32>
    %lt3A_801 = vector.broadcast %get3A_800 : vector<1x2000xf32> to vector<72x2000xf32>
    %lt3A_802 = vector.broadcast %dot_general3A_102 : vector<72x1xf32> to vector<72x2000xf32>
    %lt3A_803 = arith.cmpf olt, %lt3A_801, %lt3A_802 : vector<72x2000xf32>
    %convert_element_type3A_804 = arith.extui %lt3A_803 : vector<72x2000xi1> to vector<72x2000xi32>
    %convert_element_type3A_805 = arith.sitofp %convert_element_type3A_804 : vector<72x2000xi32> to vector<72x2000xf32>
    %add3A_806 = arith.addf %add3A_797, %convert_element_type3A_805 : vector<72x2000xf32>
    %get3A_807 = arith.constant 78 : index
    %get3A_808 = arith.constant 0 : index
    %get3A_809 = vector.load %arg5[%get3A_807, %get3A_808] : memref<160x2000xf32, #tpu.memory_space<vmem>>, vector<1x2000xf32>
    %lt3A_810 = vector.broadcast %get3A_809 : vector<1x2000xf32> to vector<72x2000xf32>
    %lt3A_811 = vector.broadcast %dot_general3A_102 : vector<72x1xf32> to vector<72x2000xf32>
    %lt3A_812 = arith.cmpf olt, %lt3A_810, %lt3A_811 : vector<72x2000xf32>
    %convert_element_type3A_813 = arith.extui %lt3A_812 : vector<72x2000xi1> to vector<72x2000xi32>
    %convert_element_type3A_814 = arith.sitofp %convert_element_type3A_813 : vector<72x2000xi32> to vector<72x2000xf32>
    %add3A_815 = arith.addf %add3A_806, %convert_element_type3A_814 : vector<72x2000xf32>
    %get3A_816 = arith.constant 79 : index
    %get3A_817 = arith.constant 0 : index
    %get3A_818 = vector.load %arg5[%get3A_816, %get3A_817] : memref<160x2000xf32, #tpu.memory_space<vmem>>, vector<1x2000xf32>
    %lt3A_819 = vector.broadcast %get3A_818 : vector<1x2000xf32> to vector<72x2000xf32>
    %lt3A_820 = vector.broadcast %dot_general3A_102 : vector<72x1xf32> to vector<72x2000xf32>
    %lt3A_821 = arith.cmpf olt, %lt3A_819, %lt3A_820 : vector<72x2000xf32>
    %convert_element_type3A_822 = arith.extui %lt3A_821 : vector<72x2000xi1> to vector<72x2000xi32>
    %convert_element_type3A_823 = arith.sitofp %convert_element_type3A_822 : vector<72x2000xi32> to vector<72x2000xf32>
    %add3A_824 = arith.addf %add3A_815, %convert_element_type3A_823 : vector<72x2000xf32>
    %get3A_825 = arith.constant 80 : index
    %get3A_826 = arith.constant 0 : index
    %get3A_827 = vector.load %arg5[%get3A_825, %get3A_826] : memref<160x2000xf32, #tpu.memory_space<vmem>>, vector<1x2000xf32>
    %lt3A_828 = vector.broadcast %get3A_827 : vector<1x2000xf32> to vector<72x2000xf32>
    %lt3A_829 = vector.broadcast %dot_general3A_102 : vector<72x1xf32> to vector<72x2000xf32>
    %lt3A_830 = arith.cmpf olt, %lt3A_828, %lt3A_829 : vector<72x2000xf32>
    %convert_element_type3A_831 = arith.extui %lt3A_830 : vector<72x2000xi1> to vector<72x2000xi32>
    %convert_element_type3A_832 = arith.sitofp %convert_element_type3A_831 : vector<72x2000xi32> to vector<72x2000xf32>
    %add3A_833 = arith.addf %add3A_824, %convert_element_type3A_832 : vector<72x2000xf32>
    %get3A_834 = arith.constant 81 : index
    %get3A_835 = arith.constant 0 : index
    %get3A_836 = vector.load %arg5[%get3A_834, %get3A_835] : memref<160x2000xf32, #tpu.memory_space<vmem>>, vector<1x2000xf32>
    %lt3A_837 = vector.broadcast %get3A_836 : vector<1x2000xf32> to vector<72x2000xf32>
    %lt3A_838 = vector.broadcast %dot_general3A_102 : vector<72x1xf32> to vector<72x2000xf32>
    %lt3A_839 = arith.cmpf olt, %lt3A_837, %lt3A_838 : vector<72x2000xf32>
    %convert_element_type3A_840 = arith.extui %lt3A_839 : vector<72x2000xi1> to vector<72x2000xi32>
    %convert_element_type3A_841 = arith.sitofp %convert_element_type3A_840 : vector<72x2000xi32> to vector<72x2000xf32>
    %add3A_842 = arith.addf %add3A_833, %convert_element_type3A_841 : vector<72x2000xf32>
    %get3A_843 = arith.constant 82 : index
    %get3A_844 = arith.constant 0 : index
    %get3A_845 = vector.load %arg5[%get3A_843, %get3A_844] : memref<160x2000xf32, #tpu.memory_space<vmem>>, vector<1x2000xf32>
    %lt3A_846 = vector.broadcast %get3A_845 : vector<1x2000xf32> to vector<72x2000xf32>
    %lt3A_847 = vector.broadcast %dot_general3A_102 : vector<72x1xf32> to vector<72x2000xf32>
    %lt3A_848 = arith.cmpf olt, %lt3A_846, %lt3A_847 : vector<72x2000xf32>
    %convert_element_type3A_849 = arith.extui %lt3A_848 : vector<72x2000xi1> to vector<72x2000xi32>
    %convert_element_type3A_850 = arith.sitofp %convert_element_type3A_849 : vector<72x2000xi32> to vector<72x2000xf32>
    %add3A_851 = arith.addf %add3A_842, %convert_element_type3A_850 : vector<72x2000xf32>
    %get3A_852 = arith.constant 83 : index
    %get3A_853 = arith.constant 0 : index
    %get3A_854 = vector.load %arg5[%get3A_852, %get3A_853] : memref<160x2000xf32, #tpu.memory_space<vmem>>, vector<1x2000xf32>
    %lt3A_855 = vector.broadcast %get3A_854 : vector<1x2000xf32> to vector<72x2000xf32>
    %lt3A_856 = vector.broadcast %dot_general3A_102 : vector<72x1xf32> to vector<72x2000xf32>
    %lt3A_857 = arith.cmpf olt, %lt3A_855, %lt3A_856 : vector<72x2000xf32>
    %convert_element_type3A_858 = arith.extui %lt3A_857 : vector<72x2000xi1> to vector<72x2000xi32>
    %convert_element_type3A_859 = arith.sitofp %convert_element_type3A_858 : vector<72x2000xi32> to vector<72x2000xf32>
    %add3A_860 = arith.addf %add3A_851, %convert_element_type3A_859 : vector<72x2000xf32>
    %get3A_861 = arith.constant 84 : index
    %get3A_862 = arith.constant 0 : index
    %get3A_863 = vector.load %arg5[%get3A_861, %get3A_862] : memref<160x2000xf32, #tpu.memory_space<vmem>>, vector<1x2000xf32>
    %lt3A_864 = vector.broadcast %get3A_863 : vector<1x2000xf32> to vector<72x2000xf32>
    %lt3A_865 = vector.broadcast %dot_general3A_102 : vector<72x1xf32> to vector<72x2000xf32>
    %lt3A_866 = arith.cmpf olt, %lt3A_864, %lt3A_865 : vector<72x2000xf32>
    %convert_element_type3A_867 = arith.extui %lt3A_866 : vector<72x2000xi1> to vector<72x2000xi32>
    %convert_element_type3A_868 = arith.sitofp %convert_element_type3A_867 : vector<72x2000xi32> to vector<72x2000xf32>
    %add3A_869 = arith.addf %add3A_860, %convert_element_type3A_868 : vector<72x2000xf32>
    %get3A_870 = arith.constant 85 : index
    %get3A_871 = arith.constant 0 : index
    %get3A_872 = vector.load %arg5[%get3A_870, %get3A_871] : memref<160x2000xf32, #tpu.memory_space<vmem>>, vector<1x2000xf32>
    %lt3A_873 = vector.broadcast %get3A_872 : vector<1x2000xf32> to vector<72x2000xf32>
    %lt3A_874 = vector.broadcast %dot_general3A_102 : vector<72x1xf32> to vector<72x2000xf32>
    %lt3A_875 = arith.cmpf olt, %lt3A_873, %lt3A_874 : vector<72x2000xf32>
    %convert_element_type3A_876 = arith.extui %lt3A_875 : vector<72x2000xi1> to vector<72x2000xi32>
    %convert_element_type3A_877 = arith.sitofp %convert_element_type3A_876 : vector<72x2000xi32> to vector<72x2000xf32>
    %add3A_878 = arith.addf %add3A_869, %convert_element_type3A_877 : vector<72x2000xf32>
    %get3A_879 = arith.constant 86 : index
    %get3A_880 = arith.constant 0 : index
    %get3A_881 = vector.load %arg5[%get3A_879, %get3A_880] : memref<160x2000xf32, #tpu.memory_space<vmem>>, vector<1x2000xf32>
    %lt3A_882 = vector.broadcast %get3A_881 : vector<1x2000xf32> to vector<72x2000xf32>
    %lt3A_883 = vector.broadcast %dot_general3A_102 : vector<72x1xf32> to vector<72x2000xf32>
    %lt3A_884 = arith.cmpf olt, %lt3A_882, %lt3A_883 : vector<72x2000xf32>
    %convert_element_type3A_885 = arith.extui %lt3A_884 : vector<72x2000xi1> to vector<72x2000xi32>
    %convert_element_type3A_886 = arith.sitofp %convert_element_type3A_885 : vector<72x2000xi32> to vector<72x2000xf32>
    %add3A_887 = arith.addf %add3A_878, %convert_element_type3A_886 : vector<72x2000xf32>
    %get3A_888 = arith.constant 87 : index
    %get3A_889 = arith.constant 0 : index
    %get3A_890 = vector.load %arg5[%get3A_888, %get3A_889] : memref<160x2000xf32, #tpu.memory_space<vmem>>, vector<1x2000xf32>
    %lt3A_891 = vector.broadcast %get3A_890 : vector<1x2000xf32> to vector<72x2000xf32>
    %lt3A_892 = vector.broadcast %dot_general3A_102 : vector<72x1xf32> to vector<72x2000xf32>
    %lt3A_893 = arith.cmpf olt, %lt3A_891, %lt3A_892 : vector<72x2000xf32>
    %convert_element_type3A_894 = arith.extui %lt3A_893 : vector<72x2000xi1> to vector<72x2000xi32>
    %convert_element_type3A_895 = arith.sitofp %convert_element_type3A_894 : vector<72x2000xi32> to vector<72x2000xf32>
    %add3A_896 = arith.addf %add3A_887, %convert_element_type3A_895 : vector<72x2000xf32>
    %get3A_897 = arith.constant 88 : index
    %get3A_898 = arith.constant 0 : index
    %get3A_899 = vector.load %arg5[%get3A_897, %get3A_898] : memref<160x2000xf32, #tpu.memory_space<vmem>>, vector<1x2000xf32>
    %lt3A_900 = vector.broadcast %get3A_899 : vector<1x2000xf32> to vector<72x2000xf32>
    %lt3A_901 = vector.broadcast %dot_general3A_102 : vector<72x1xf32> to vector<72x2000xf32>
    %lt3A_902 = arith.cmpf olt, %lt3A_900, %lt3A_901 : vector<72x2000xf32>
    %convert_element_type3A_903 = arith.extui %lt3A_902 : vector<72x2000xi1> to vector<72x2000xi32>
    %convert_element_type3A_904 = arith.sitofp %convert_element_type3A_903 : vector<72x2000xi32> to vector<72x2000xf32>
    %add3A_905 = arith.addf %add3A_896, %convert_element_type3A_904 : vector<72x2000xf32>
    %get3A_906 = arith.constant 89 : index
    %get3A_907 = arith.constant 0 : index
    %get3A_908 = vector.load %arg5[%get3A_906, %get3A_907] : memref<160x2000xf32, #tpu.memory_space<vmem>>, vector<1x2000xf32>
    %lt3A_909 = vector.broadcast %get3A_908 : vector<1x2000xf32> to vector<72x2000xf32>
    %lt3A_910 = vector.broadcast %dot_general3A_102 : vector<72x1xf32> to vector<72x2000xf32>
    %lt3A_911 = arith.cmpf olt, %lt3A_909, %lt3A_910 : vector<72x2000xf32>
    %convert_element_type3A_912 = arith.extui %lt3A_911 : vector<72x2000xi1> to vector<72x2000xi32>
    %convert_element_type3A_913 = arith.sitofp %convert_element_type3A_912 : vector<72x2000xi32> to vector<72x2000xf32>
    %add3A_914 = arith.addf %add3A_905, %convert_element_type3A_913 : vector<72x2000xf32>
    %get3A_915 = arith.constant 90 : index
    %get3A_916 = arith.constant 0 : index
    %get3A_917 = vector.load %arg5[%get3A_915, %get3A_916] : memref<160x2000xf32, #tpu.memory_space<vmem>>, vector<1x2000xf32>
    %lt3A_918 = vector.broadcast %get3A_917 : vector<1x2000xf32> to vector<72x2000xf32>
    %lt3A_919 = vector.broadcast %dot_general3A_102 : vector<72x1xf32> to vector<72x2000xf32>
    %lt3A_920 = arith.cmpf olt, %lt3A_918, %lt3A_919 : vector<72x2000xf32>
    %convert_element_type3A_921 = arith.extui %lt3A_920 : vector<72x2000xi1> to vector<72x2000xi32>
    %convert_element_type3A_922 = arith.sitofp %convert_element_type3A_921 : vector<72x2000xi32> to vector<72x2000xf32>
    %add3A_923 = arith.addf %add3A_914, %convert_element_type3A_922 : vector<72x2000xf32>
    %get3A_924 = arith.constant 91 : index
    %get3A_925 = arith.constant 0 : index
    %get3A_926 = vector.load %arg5[%get3A_924, %get3A_925] : memref<160x2000xf32, #tpu.memory_space<vmem>>, vector<1x2000xf32>
    %lt3A_927 = vector.broadcast %get3A_926 : vector<1x2000xf32> to vector<72x2000xf32>
    %lt3A_928 = vector.broadcast %dot_general3A_102 : vector<72x1xf32> to vector<72x2000xf32>
    %lt3A_929 = arith.cmpf olt, %lt3A_927, %lt3A_928 : vector<72x2000xf32>
    %convert_element_type3A_930 = arith.extui %lt3A_929 : vector<72x2000xi1> to vector<72x2000xi32>
    %convert_element_type3A_931 = arith.sitofp %convert_element_type3A_930 : vector<72x2000xi32> to vector<72x2000xf32>
    %add3A_932 = arith.addf %add3A_923, %convert_element_type3A_931 : vector<72x2000xf32>
    %get3A_933 = arith.constant 92 : index
    %get3A_934 = arith.constant 0 : index
    %get3A_935 = vector.load %arg5[%get3A_933, %get3A_934] : memref<160x2000xf32, #tpu.memory_space<vmem>>, vector<1x2000xf32>
    %lt3A_936 = vector.broadcast %get3A_935 : vector<1x2000xf32> to vector<72x2000xf32>
    %lt3A_937 = vector.broadcast %dot_general3A_102 : vector<72x1xf32> to vector<72x2000xf32>
    %lt3A_938 = arith.cmpf olt, %lt3A_936, %lt3A_937 : vector<72x2000xf32>
    %convert_element_type3A_939 = arith.extui %lt3A_938 : vector<72x2000xi1> to vector<72x2000xi32>
    %convert_element_type3A_940 = arith.sitofp %convert_element_type3A_939 : vector<72x2000xi32> to vector<72x2000xf32>
    %add3A_941 = arith.addf %add3A_932, %convert_element_type3A_940 : vector<72x2000xf32>
    %get3A_942 = arith.constant 93 : index
    %get3A_943 = arith.constant 0 : index
    %get3A_944 = vector.load %arg5[%get3A_942, %get3A_943] : memref<160x2000xf32, #tpu.memory_space<vmem>>, vector<1x2000xf32>
    %lt3A_945 = vector.broadcast %get3A_944 : vector<1x2000xf32> to vector<72x2000xf32>
    %lt3A_946 = vector.broadcast %dot_general3A_102 : vector<72x1xf32> to vector<72x2000xf32>
    %lt3A_947 = arith.cmpf olt, %lt3A_945, %lt3A_946 : vector<72x2000xf32>
    %convert_element_type3A_948 = arith.extui %lt3A_947 : vector<72x2000xi1> to vector<72x2000xi32>
    %convert_element_type3A_949 = arith.sitofp %convert_element_type3A_948 : vector<72x2000xi32> to vector<72x2000xf32>
    %add3A_950 = arith.addf %add3A_941, %convert_element_type3A_949 : vector<72x2000xf32>
    %get3A_951 = arith.constant 94 : index
    %get3A_952 = arith.constant 0 : index
    %get3A_953 = vector.load %arg5[%get3A_951, %get3A_952] : memref<160x2000xf32, #tpu.memory_space<vmem>>, vector<1x2000xf32>
    %lt3A_954 = vector.broadcast %get3A_953 : vector<1x2000xf32> to vector<72x2000xf32>
    %lt3A_955 = vector.broadcast %dot_general3A_102 : vector<72x1xf32> to vector<72x2000xf32>
    %lt3A_956 = arith.cmpf olt, %lt3A_954, %lt3A_955 : vector<72x2000xf32>
    %convert_element_type3A_957 = arith.extui %lt3A_956 : vector<72x2000xi1> to vector<72x2000xi32>
    %convert_element_type3A_958 = arith.sitofp %convert_element_type3A_957 : vector<72x2000xi32> to vector<72x2000xf32>
    %add3A_959 = arith.addf %add3A_950, %convert_element_type3A_958 : vector<72x2000xf32>
    %get3A_960 = arith.constant 95 : index
    %get3A_961 = arith.constant 0 : index
    %get3A_962 = vector.load %arg5[%get3A_960, %get3A_961] : memref<160x2000xf32, #tpu.memory_space<vmem>>, vector<1x2000xf32>
    %lt3A_963 = vector.broadcast %get3A_962 : vector<1x2000xf32> to vector<72x2000xf32>
    %lt3A_964 = vector.broadcast %dot_general3A_102 : vector<72x1xf32> to vector<72x2000xf32>
    %lt3A_965 = arith.cmpf olt, %lt3A_963, %lt3A_964 : vector<72x2000xf32>
    %convert_element_type3A_966 = arith.extui %lt3A_965 : vector<72x2000xi1> to vector<72x2000xi32>
    %convert_element_type3A_967 = arith.sitofp %convert_element_type3A_966 : vector<72x2000xi32> to vector<72x2000xf32>
    %add3A_968 = arith.addf %add3A_959, %convert_element_type3A_967 : vector<72x2000xf32>
    %get3A_969 = arith.constant 96 : index
    %get3A_970 = arith.constant 0 : index
    %get3A_971 = vector.load %arg5[%get3A_969, %get3A_970] : memref<160x2000xf32, #tpu.memory_space<vmem>>, vector<1x2000xf32>
    %lt3A_972 = vector.broadcast %get3A_971 : vector<1x2000xf32> to vector<72x2000xf32>
    %lt3A_973 = vector.broadcast %dot_general3A_102 : vector<72x1xf32> to vector<72x2000xf32>
    %lt3A_974 = arith.cmpf olt, %lt3A_972, %lt3A_973 : vector<72x2000xf32>
    %convert_element_type3A_975 = arith.extui %lt3A_974 : vector<72x2000xi1> to vector<72x2000xi32>
    %convert_element_type3A_976 = arith.sitofp %convert_element_type3A_975 : vector<72x2000xi32> to vector<72x2000xf32>
    %add3A_977 = arith.addf %add3A_968, %convert_element_type3A_976 : vector<72x2000xf32>
    %get3A_978 = arith.constant 97 : index
    %get3A_979 = arith.constant 0 : index
    %get3A_980 = vector.load %arg5[%get3A_978, %get3A_979] : memref<160x2000xf32, #tpu.memory_space<vmem>>, vector<1x2000xf32>
    %lt3A_981 = vector.broadcast %get3A_980 : vector<1x2000xf32> to vector<72x2000xf32>
    %lt3A_982 = vector.broadcast %dot_general3A_102 : vector<72x1xf32> to vector<72x2000xf32>
    %lt3A_983 = arith.cmpf olt, %lt3A_981, %lt3A_982 : vector<72x2000xf32>
    %convert_element_type3A_984 = arith.extui %lt3A_983 : vector<72x2000xi1> to vector<72x2000xi32>
    %convert_element_type3A_985 = arith.sitofp %convert_element_type3A_984 : vector<72x2000xi32> to vector<72x2000xf32>
    %add3A_986 = arith.addf %add3A_977, %convert_element_type3A_985 : vector<72x2000xf32>
    %get3A_987 = arith.constant 98 : index
    %get3A_988 = arith.constant 0 : index
    %get3A_989 = vector.load %arg5[%get3A_987, %get3A_988] : memref<160x2000xf32, #tpu.memory_space<vmem>>, vector<1x2000xf32>
    %lt3A_990 = vector.broadcast %get3A_989 : vector<1x2000xf32> to vector<72x2000xf32>
    %lt3A_991 = vector.broadcast %dot_general3A_102 : vector<72x1xf32> to vector<72x2000xf32>
    %lt3A_992 = arith.cmpf olt, %lt3A_990, %lt3A_991 : vector<72x2000xf32>
    %convert_element_type3A_993 = arith.extui %lt3A_992 : vector<72x2000xi1> to vector<72x2000xi32>
    %convert_element_type3A_994 = arith.sitofp %convert_element_type3A_993 : vector<72x2000xi32> to vector<72x2000xf32>
    %add3A_995 = arith.addf %add3A_986, %convert_element_type3A_994 : vector<72x2000xf32>
    %get3A_996 = arith.constant 99 : index
    %get3A_997 = arith.constant 0 : index
    %get3A_998 = vector.load %arg5[%get3A_996, %get3A_997] : memref<160x2000xf32, #tpu.memory_space<vmem>>, vector<1x2000xf32>
    %lt3A_999 = vector.broadcast %get3A_998 : vector<1x2000xf32> to vector<72x2000xf32>
    %lt3A_1000 = vector.broadcast %dot_general3A_102 : vector<72x1xf32> to vector<72x2000xf32>
    %lt3A_1001 = arith.cmpf olt, %lt3A_999, %lt3A_1000 : vector<72x2000xf32>
    %convert_element_type3A_1002 = arith.extui %lt3A_1001 : vector<72x2000xi1> to vector<72x2000xi32>
    %convert_element_type3A_1003 = arith.sitofp %convert_element_type3A_1002 : vector<72x2000xi32> to vector<72x2000xf32>
    %add3A_1004 = arith.addf %add3A_995, %convert_element_type3A_1003 : vector<72x2000xf32>
    %get3A_1005 = arith.constant 100 : index
    %get3A_1006 = arith.constant 0 : index
    %get3A_1007 = vector.load %arg5[%get3A_1005, %get3A_1006] : memref<160x2000xf32, #tpu.memory_space<vmem>>, vector<1x2000xf32>
    %lt3A_1008 = vector.broadcast %get3A_1007 : vector<1x2000xf32> to vector<72x2000xf32>
    %lt3A_1009 = vector.broadcast %dot_general3A_102 : vector<72x1xf32> to vector<72x2000xf32>
    %lt3A_1010 = arith.cmpf olt, %lt3A_1008, %lt3A_1009 : vector<72x2000xf32>
    %convert_element_type3A_1011 = arith.extui %lt3A_1010 : vector<72x2000xi1> to vector<72x2000xi32>
    %convert_element_type3A_1012 = arith.sitofp %convert_element_type3A_1011 : vector<72x2000xi32> to vector<72x2000xf32>
    %add3A_1013 = arith.addf %add3A_1004, %convert_element_type3A_1012 : vector<72x2000xf32>
    %get3A_1014 = arith.constant 101 : index
    %get3A_1015 = arith.constant 0 : index
    %get3A_1016 = vector.load %arg5[%get3A_1014, %get3A_1015] : memref<160x2000xf32, #tpu.memory_space<vmem>>, vector<1x2000xf32>
    %lt3A_1017 = vector.broadcast %get3A_1016 : vector<1x2000xf32> to vector<72x2000xf32>
    %lt3A_1018 = vector.broadcast %dot_general3A_102 : vector<72x1xf32> to vector<72x2000xf32>
    %lt3A_1019 = arith.cmpf olt, %lt3A_1017, %lt3A_1018 : vector<72x2000xf32>
    %convert_element_type3A_1020 = arith.extui %lt3A_1019 : vector<72x2000xi1> to vector<72x2000xi32>
    %convert_element_type3A_1021 = arith.sitofp %convert_element_type3A_1020 : vector<72x2000xi32> to vector<72x2000xf32>
    %add3A_1022 = arith.addf %add3A_1013, %convert_element_type3A_1021 : vector<72x2000xf32>
    %get3A_1023 = arith.constant 102 : index
    %get3A_1024 = arith.constant 0 : index
    %get3A_1025 = vector.load %arg5[%get3A_1023, %get3A_1024] : memref<160x2000xf32, #tpu.memory_space<vmem>>, vector<1x2000xf32>
    %lt3A_1026 = vector.broadcast %get3A_1025 : vector<1x2000xf32> to vector<72x2000xf32>
    %lt3A_1027 = vector.broadcast %dot_general3A_102 : vector<72x1xf32> to vector<72x2000xf32>
    %lt3A_1028 = arith.cmpf olt, %lt3A_1026, %lt3A_1027 : vector<72x2000xf32>
    %convert_element_type3A_1029 = arith.extui %lt3A_1028 : vector<72x2000xi1> to vector<72x2000xi32>
    %convert_element_type3A_1030 = arith.sitofp %convert_element_type3A_1029 : vector<72x2000xi32> to vector<72x2000xf32>
    %add3A_1031 = arith.addf %add3A_1022, %convert_element_type3A_1030 : vector<72x2000xf32>
    %get3A_1032 = arith.constant 103 : index
    %get3A_1033 = arith.constant 0 : index
    %get3A_1034 = vector.load %arg5[%get3A_1032, %get3A_1033] : memref<160x2000xf32, #tpu.memory_space<vmem>>, vector<1x2000xf32>
    %lt3A_1035 = vector.broadcast %get3A_1034 : vector<1x2000xf32> to vector<72x2000xf32>
    %lt3A_1036 = vector.broadcast %dot_general3A_102 : vector<72x1xf32> to vector<72x2000xf32>
    %lt3A_1037 = arith.cmpf olt, %lt3A_1035, %lt3A_1036 : vector<72x2000xf32>
    %convert_element_type3A_1038 = arith.extui %lt3A_1037 : vector<72x2000xi1> to vector<72x2000xi32>
    %convert_element_type3A_1039 = arith.sitofp %convert_element_type3A_1038 : vector<72x2000xi32> to vector<72x2000xf32>
    %add3A_1040 = arith.addf %add3A_1031, %convert_element_type3A_1039 : vector<72x2000xf32>
    %get3A_1041 = arith.constant 104 : index
    %get3A_1042 = arith.constant 0 : index
    %get3A_1043 = vector.load %arg5[%get3A_1041, %get3A_1042] : memref<160x2000xf32, #tpu.memory_space<vmem>>, vector<1x2000xf32>
    %lt3A_1044 = vector.broadcast %get3A_1043 : vector<1x2000xf32> to vector<72x2000xf32>
    %lt3A_1045 = vector.broadcast %dot_general3A_102 : vector<72x1xf32> to vector<72x2000xf32>
    %lt3A_1046 = arith.cmpf olt, %lt3A_1044, %lt3A_1045 : vector<72x2000xf32>
    %convert_element_type3A_1047 = arith.extui %lt3A_1046 : vector<72x2000xi1> to vector<72x2000xi32>
    %convert_element_type3A_1048 = arith.sitofp %convert_element_type3A_1047 : vector<72x2000xi32> to vector<72x2000xf32>
    %add3A_1049 = arith.addf %add3A_1040, %convert_element_type3A_1048 : vector<72x2000xf32>
    %get3A_1050 = arith.constant 105 : index
    %get3A_1051 = arith.constant 0 : index
    %get3A_1052 = vector.load %arg5[%get3A_1050, %get3A_1051] : memref<160x2000xf32, #tpu.memory_space<vmem>>, vector<1x2000xf32>
    %lt3A_1053 = vector.broadcast %get3A_1052 : vector<1x2000xf32> to vector<72x2000xf32>
    %lt3A_1054 = vector.broadcast %dot_general3A_102 : vector<72x1xf32> to vector<72x2000xf32>
    %lt3A_1055 = arith.cmpf olt, %lt3A_1053, %lt3A_1054 : vector<72x2000xf32>
    %convert_element_type3A_1056 = arith.extui %lt3A_1055 : vector<72x2000xi1> to vector<72x2000xi32>
    %convert_element_type3A_1057 = arith.sitofp %convert_element_type3A_1056 : vector<72x2000xi32> to vector<72x2000xf32>
    %add3A_1058 = arith.addf %add3A_1049, %convert_element_type3A_1057 : vector<72x2000xf32>
    %get3A_1059 = arith.constant 106 : index
    %get3A_1060 = arith.constant 0 : index
    %get3A_1061 = vector.load %arg5[%get3A_1059, %get3A_1060] : memref<160x2000xf32, #tpu.memory_space<vmem>>, vector<1x2000xf32>
    %lt3A_1062 = vector.broadcast %get3A_1061 : vector<1x2000xf32> to vector<72x2000xf32>
    %lt3A_1063 = vector.broadcast %dot_general3A_102 : vector<72x1xf32> to vector<72x2000xf32>
    %lt3A_1064 = arith.cmpf olt, %lt3A_1062, %lt3A_1063 : vector<72x2000xf32>
    %convert_element_type3A_1065 = arith.extui %lt3A_1064 : vector<72x2000xi1> to vector<72x2000xi32>
    %convert_element_type3A_1066 = arith.sitofp %convert_element_type3A_1065 : vector<72x2000xi32> to vector<72x2000xf32>
    %add3A_1067 = arith.addf %add3A_1058, %convert_element_type3A_1066 : vector<72x2000xf32>
    %get3A_1068 = arith.constant 107 : index
    %get3A_1069 = arith.constant 0 : index
    %get3A_1070 = vector.load %arg5[%get3A_1068, %get3A_1069] : memref<160x2000xf32, #tpu.memory_space<vmem>>, vector<1x2000xf32>
    %lt3A_1071 = vector.broadcast %get3A_1070 : vector<1x2000xf32> to vector<72x2000xf32>
    %lt3A_1072 = vector.broadcast %dot_general3A_102 : vector<72x1xf32> to vector<72x2000xf32>
    %lt3A_1073 = arith.cmpf olt, %lt3A_1071, %lt3A_1072 : vector<72x2000xf32>
    %convert_element_type3A_1074 = arith.extui %lt3A_1073 : vector<72x2000xi1> to vector<72x2000xi32>
    %convert_element_type3A_1075 = arith.sitofp %convert_element_type3A_1074 : vector<72x2000xi32> to vector<72x2000xf32>
    %add3A_1076 = arith.addf %add3A_1067, %convert_element_type3A_1075 : vector<72x2000xf32>
    %get3A_1077 = arith.constant 108 : index
    %get3A_1078 = arith.constant 0 : index
    %get3A_1079 = vector.load %arg5[%get3A_1077, %get3A_1078] : memref<160x2000xf32, #tpu.memory_space<vmem>>, vector<1x2000xf32>
    %lt3A_1080 = vector.broadcast %get3A_1079 : vector<1x2000xf32> to vector<72x2000xf32>
    %lt3A_1081 = vector.broadcast %dot_general3A_102 : vector<72x1xf32> to vector<72x2000xf32>
    %lt3A_1082 = arith.cmpf olt, %lt3A_1080, %lt3A_1081 : vector<72x2000xf32>
    %convert_element_type3A_1083 = arith.extui %lt3A_1082 : vector<72x2000xi1> to vector<72x2000xi32>
    %convert_element_type3A_1084 = arith.sitofp %convert_element_type3A_1083 : vector<72x2000xi32> to vector<72x2000xf32>
    %add3A_1085 = arith.addf %add3A_1076, %convert_element_type3A_1084 : vector<72x2000xf32>
    %get3A_1086 = arith.constant 109 : index
    %get3A_1087 = arith.constant 0 : index
    %get3A_1088 = vector.load %arg5[%get3A_1086, %get3A_1087] : memref<160x2000xf32, #tpu.memory_space<vmem>>, vector<1x2000xf32>
    %lt3A_1089 = vector.broadcast %get3A_1088 : vector<1x2000xf32> to vector<72x2000xf32>
    %lt3A_1090 = vector.broadcast %dot_general3A_102 : vector<72x1xf32> to vector<72x2000xf32>
    %lt3A_1091 = arith.cmpf olt, %lt3A_1089, %lt3A_1090 : vector<72x2000xf32>
    %convert_element_type3A_1092 = arith.extui %lt3A_1091 : vector<72x2000xi1> to vector<72x2000xi32>
    %convert_element_type3A_1093 = arith.sitofp %convert_element_type3A_1092 : vector<72x2000xi32> to vector<72x2000xf32>
    %add3A_1094 = arith.addf %add3A_1085, %convert_element_type3A_1093 : vector<72x2000xf32>
    %get3A_1095 = arith.constant 110 : index
    %get3A_1096 = arith.constant 0 : index
    %get3A_1097 = vector.load %arg5[%get3A_1095, %get3A_1096] : memref<160x2000xf32, #tpu.memory_space<vmem>>, vector<1x2000xf32>
    %lt3A_1098 = vector.broadcast %get3A_1097 : vector<1x2000xf32> to vector<72x2000xf32>
    %lt3A_1099 = vector.broadcast %dot_general3A_102 : vector<72x1xf32> to vector<72x2000xf32>
    %lt3A_1100 = arith.cmpf olt, %lt3A_1098, %lt3A_1099 : vector<72x2000xf32>
    %convert_element_type3A_1101 = arith.extui %lt3A_1100 : vector<72x2000xi1> to vector<72x2000xi32>
    %convert_element_type3A_1102 = arith.sitofp %convert_element_type3A_1101 : vector<72x2000xi32> to vector<72x2000xf32>
    %add3A_1103 = arith.addf %add3A_1094, %convert_element_type3A_1102 : vector<72x2000xf32>
    %get3A_1104 = arith.constant 111 : index
    %get3A_1105 = arith.constant 0 : index
    %get3A_1106 = vector.load %arg5[%get3A_1104, %get3A_1105] : memref<160x2000xf32, #tpu.memory_space<vmem>>, vector<1x2000xf32>
    %lt3A_1107 = vector.broadcast %get3A_1106 : vector<1x2000xf32> to vector<72x2000xf32>
    %lt3A_1108 = vector.broadcast %dot_general3A_102 : vector<72x1xf32> to vector<72x2000xf32>
    %lt3A_1109 = arith.cmpf olt, %lt3A_1107, %lt3A_1108 : vector<72x2000xf32>
    %convert_element_type3A_1110 = arith.extui %lt3A_1109 : vector<72x2000xi1> to vector<72x2000xi32>
    %convert_element_type3A_1111 = arith.sitofp %convert_element_type3A_1110 : vector<72x2000xi32> to vector<72x2000xf32>
    %add3A_1112 = arith.addf %add3A_1103, %convert_element_type3A_1111 : vector<72x2000xf32>
    %get3A_1113 = arith.constant 112 : index
    %get3A_1114 = arith.constant 0 : index
    %get3A_1115 = vector.load %arg5[%get3A_1113, %get3A_1114] : memref<160x2000xf32, #tpu.memory_space<vmem>>, vector<1x2000xf32>
    %lt3A_1116 = vector.broadcast %get3A_1115 : vector<1x2000xf32> to vector<72x2000xf32>
    %lt3A_1117 = vector.broadcast %dot_general3A_102 : vector<72x1xf32> to vector<72x2000xf32>
    %lt3A_1118 = arith.cmpf olt, %lt3A_1116, %lt3A_1117 : vector<72x2000xf32>
    %convert_element_type3A_1119 = arith.extui %lt3A_1118 : vector<72x2000xi1> to vector<72x2000xi32>
    %convert_element_type3A_1120 = arith.sitofp %convert_element_type3A_1119 : vector<72x2000xi32> to vector<72x2000xf32>
    %add3A_1121 = arith.addf %add3A_1112, %convert_element_type3A_1120 : vector<72x2000xf32>
    %get3A_1122 = arith.constant 113 : index
    %get3A_1123 = arith.constant 0 : index
    %get3A_1124 = vector.load %arg5[%get3A_1122, %get3A_1123] : memref<160x2000xf32, #tpu.memory_space<vmem>>, vector<1x2000xf32>
    %lt3A_1125 = vector.broadcast %get3A_1124 : vector<1x2000xf32> to vector<72x2000xf32>
    %lt3A_1126 = vector.broadcast %dot_general3A_102 : vector<72x1xf32> to vector<72x2000xf32>
    %lt3A_1127 = arith.cmpf olt, %lt3A_1125, %lt3A_1126 : vector<72x2000xf32>
    %convert_element_type3A_1128 = arith.extui %lt3A_1127 : vector<72x2000xi1> to vector<72x2000xi32>
    %convert_element_type3A_1129 = arith.sitofp %convert_element_type3A_1128 : vector<72x2000xi32> to vector<72x2000xf32>
    %add3A_1130 = arith.addf %add3A_1121, %convert_element_type3A_1129 : vector<72x2000xf32>
    %get3A_1131 = arith.constant 114 : index
    %get3A_1132 = arith.constant 0 : index
    %get3A_1133 = vector.load %arg5[%get3A_1131, %get3A_1132] : memref<160x2000xf32, #tpu.memory_space<vmem>>, vector<1x2000xf32>
    %lt3A_1134 = vector.broadcast %get3A_1133 : vector<1x2000xf32> to vector<72x2000xf32>
    %lt3A_1135 = vector.broadcast %dot_general3A_102 : vector<72x1xf32> to vector<72x2000xf32>
    %lt3A_1136 = arith.cmpf olt, %lt3A_1134, %lt3A_1135 : vector<72x2000xf32>
    %convert_element_type3A_1137 = arith.extui %lt3A_1136 : vector<72x2000xi1> to vector<72x2000xi32>
    %convert_element_type3A_1138 = arith.sitofp %convert_element_type3A_1137 : vector<72x2000xi32> to vector<72x2000xf32>
    %add3A_1139 = arith.addf %add3A_1130, %convert_element_type3A_1138 : vector<72x2000xf32>
    %get3A_1140 = arith.constant 115 : index
    %get3A_1141 = arith.constant 0 : index
    %get3A_1142 = vector.load %arg5[%get3A_1140, %get3A_1141] : memref<160x2000xf32, #tpu.memory_space<vmem>>, vector<1x2000xf32>
    %lt3A_1143 = vector.broadcast %get3A_1142 : vector<1x2000xf32> to vector<72x2000xf32>
    %lt3A_1144 = vector.broadcast %dot_general3A_102 : vector<72x1xf32> to vector<72x2000xf32>
    %lt3A_1145 = arith.cmpf olt, %lt3A_1143, %lt3A_1144 : vector<72x2000xf32>
    %convert_element_type3A_1146 = arith.extui %lt3A_1145 : vector<72x2000xi1> to vector<72x2000xi32>
    %convert_element_type3A_1147 = arith.sitofp %convert_element_type3A_1146 : vector<72x2000xi32> to vector<72x2000xf32>
    %add3A_1148 = arith.addf %add3A_1139, %convert_element_type3A_1147 : vector<72x2000xf32>
    %get3A_1149 = arith.constant 116 : index
    %get3A_1150 = arith.constant 0 : index
    %get3A_1151 = vector.load %arg5[%get3A_1149, %get3A_1150] : memref<160x2000xf32, #tpu.memory_space<vmem>>, vector<1x2000xf32>
    %lt3A_1152 = vector.broadcast %get3A_1151 : vector<1x2000xf32> to vector<72x2000xf32>
    %lt3A_1153 = vector.broadcast %dot_general3A_102 : vector<72x1xf32> to vector<72x2000xf32>
    %lt3A_1154 = arith.cmpf olt, %lt3A_1152, %lt3A_1153 : vector<72x2000xf32>
    %convert_element_type3A_1155 = arith.extui %lt3A_1154 : vector<72x2000xi1> to vector<72x2000xi32>
    %convert_element_type3A_1156 = arith.sitofp %convert_element_type3A_1155 : vector<72x2000xi32> to vector<72x2000xf32>
    %add3A_1157 = arith.addf %add3A_1148, %convert_element_type3A_1156 : vector<72x2000xf32>
    %get3A_1158 = arith.constant 117 : index
    %get3A_1159 = arith.constant 0 : index
    %get3A_1160 = vector.load %arg5[%get3A_1158, %get3A_1159] : memref<160x2000xf32, #tpu.memory_space<vmem>>, vector<1x2000xf32>
    %lt3A_1161 = vector.broadcast %get3A_1160 : vector<1x2000xf32> to vector<72x2000xf32>
    %lt3A_1162 = vector.broadcast %dot_general3A_102 : vector<72x1xf32> to vector<72x2000xf32>
    %lt3A_1163 = arith.cmpf olt, %lt3A_1161, %lt3A_1162 : vector<72x2000xf32>
    %convert_element_type3A_1164 = arith.extui %lt3A_1163 : vector<72x2000xi1> to vector<72x2000xi32>
    %convert_element_type3A_1165 = arith.sitofp %convert_element_type3A_1164 : vector<72x2000xi32> to vector<72x2000xf32>
    %add3A_1166 = arith.addf %add3A_1157, %convert_element_type3A_1165 : vector<72x2000xf32>
    %get3A_1167 = arith.constant 118 : index
    %get3A_1168 = arith.constant 0 : index
    %get3A_1169 = vector.load %arg5[%get3A_1167, %get3A_1168] : memref<160x2000xf32, #tpu.memory_space<vmem>>, vector<1x2000xf32>
    %lt3A_1170 = vector.broadcast %get3A_1169 : vector<1x2000xf32> to vector<72x2000xf32>
    %lt3A_1171 = vector.broadcast %dot_general3A_102 : vector<72x1xf32> to vector<72x2000xf32>
    %lt3A_1172 = arith.cmpf olt, %lt3A_1170, %lt3A_1171 : vector<72x2000xf32>
    %convert_element_type3A_1173 = arith.extui %lt3A_1172 : vector<72x2000xi1> to vector<72x2000xi32>
    %convert_element_type3A_1174 = arith.sitofp %convert_element_type3A_1173 : vector<72x2000xi32> to vector<72x2000xf32>
    %add3A_1175 = arith.addf %add3A_1166, %convert_element_type3A_1174 : vector<72x2000xf32>
    %get3A_1176 = arith.constant 119 : index
    %get3A_1177 = arith.constant 0 : index
    %get3A_1178 = vector.load %arg5[%get3A_1176, %get3A_1177] : memref<160x2000xf32, #tpu.memory_space<vmem>>, vector<1x2000xf32>
    %lt3A_1179 = vector.broadcast %get3A_1178 : vector<1x2000xf32> to vector<72x2000xf32>
    %lt3A_1180 = vector.broadcast %dot_general3A_102 : vector<72x1xf32> to vector<72x2000xf32>
    %lt3A_1181 = arith.cmpf olt, %lt3A_1179, %lt3A_1180 : vector<72x2000xf32>
    %convert_element_type3A_1182 = arith.extui %lt3A_1181 : vector<72x2000xi1> to vector<72x2000xi32>
    %convert_element_type3A_1183 = arith.sitofp %convert_element_type3A_1182 : vector<72x2000xi32> to vector<72x2000xf32>
    %add3A_1184 = arith.addf %add3A_1175, %convert_element_type3A_1183 : vector<72x2000xf32>
    %get3A_1185 = arith.constant 120 : index
    %get3A_1186 = arith.constant 0 : index
    %get3A_1187 = vector.load %arg5[%get3A_1185, %get3A_1186] : memref<160x2000xf32, #tpu.memory_space<vmem>>, vector<1x2000xf32>
    %lt3A_1188 = vector.broadcast %get3A_1187 : vector<1x2000xf32> to vector<72x2000xf32>
    %lt3A_1189 = vector.broadcast %dot_general3A_102 : vector<72x1xf32> to vector<72x2000xf32>
    %lt3A_1190 = arith.cmpf olt, %lt3A_1188, %lt3A_1189 : vector<72x2000xf32>
    %convert_element_type3A_1191 = arith.extui %lt3A_1190 : vector<72x2000xi1> to vector<72x2000xi32>
    %convert_element_type3A_1192 = arith.sitofp %convert_element_type3A_1191 : vector<72x2000xi32> to vector<72x2000xf32>
    %add3A_1193 = arith.addf %add3A_1184, %convert_element_type3A_1192 : vector<72x2000xf32>
    %get3A_1194 = arith.constant 121 : index
    %get3A_1195 = arith.constant 0 : index
    %get3A_1196 = vector.load %arg5[%get3A_1194, %get3A_1195] : memref<160x2000xf32, #tpu.memory_space<vmem>>, vector<1x2000xf32>
    %lt3A_1197 = vector.broadcast %get3A_1196 : vector<1x2000xf32> to vector<72x2000xf32>
    %lt3A_1198 = vector.broadcast %dot_general3A_102 : vector<72x1xf32> to vector<72x2000xf32>
    %lt3A_1199 = arith.cmpf olt, %lt3A_1197, %lt3A_1198 : vector<72x2000xf32>
    %convert_element_type3A_1200 = arith.extui %lt3A_1199 : vector<72x2000xi1> to vector<72x2000xi32>
    %convert_element_type3A_1201 = arith.sitofp %convert_element_type3A_1200 : vector<72x2000xi32> to vector<72x2000xf32>
    %add3A_1202 = arith.addf %add3A_1193, %convert_element_type3A_1201 : vector<72x2000xf32>
    %get3A_1203 = arith.constant 122 : index
    %get3A_1204 = arith.constant 0 : index
    %get3A_1205 = vector.load %arg5[%get3A_1203, %get3A_1204] : memref<160x2000xf32, #tpu.memory_space<vmem>>, vector<1x2000xf32>
    %lt3A_1206 = vector.broadcast %get3A_1205 : vector<1x2000xf32> to vector<72x2000xf32>
    %lt3A_1207 = vector.broadcast %dot_general3A_102 : vector<72x1xf32> to vector<72x2000xf32>
    %lt3A_1208 = arith.cmpf olt, %lt3A_1206, %lt3A_1207 : vector<72x2000xf32>
    %convert_element_type3A_1209 = arith.extui %lt3A_1208 : vector<72x2000xi1> to vector<72x2000xi32>
    %convert_element_type3A_1210 = arith.sitofp %convert_element_type3A_1209 : vector<72x2000xi32> to vector<72x2000xf32>
    %add3A_1211 = arith.addf %add3A_1202, %convert_element_type3A_1210 : vector<72x2000xf32>
    %get3A_1212 = arith.constant 123 : index
    %get3A_1213 = arith.constant 0 : index
    %get3A_1214 = vector.load %arg5[%get3A_1212, %get3A_1213] : memref<160x2000xf32, #tpu.memory_space<vmem>>, vector<1x2000xf32>
    %lt3A_1215 = vector.broadcast %get3A_1214 : vector<1x2000xf32> to vector<72x2000xf32>
    %lt3A_1216 = vector.broadcast %dot_general3A_102 : vector<72x1xf32> to vector<72x2000xf32>
    %lt3A_1217 = arith.cmpf olt, %lt3A_1215, %lt3A_1216 : vector<72x2000xf32>
    %convert_element_type3A_1218 = arith.extui %lt3A_1217 : vector<72x2000xi1> to vector<72x2000xi32>
    %convert_element_type3A_1219 = arith.sitofp %convert_element_type3A_1218 : vector<72x2000xi32> to vector<72x2000xf32>
    %add3A_1220 = arith.addf %add3A_1211, %convert_element_type3A_1219 : vector<72x2000xf32>
    %get3A_1221 = arith.constant 124 : index
    %get3A_1222 = arith.constant 0 : index
    %get3A_1223 = vector.load %arg5[%get3A_1221, %get3A_1222] : memref<160x2000xf32, #tpu.memory_space<vmem>>, vector<1x2000xf32>
    %lt3A_1224 = vector.broadcast %get3A_1223 : vector<1x2000xf32> to vector<72x2000xf32>
    %lt3A_1225 = vector.broadcast %dot_general3A_102 : vector<72x1xf32> to vector<72x2000xf32>
    %lt3A_1226 = arith.cmpf olt, %lt3A_1224, %lt3A_1225 : vector<72x2000xf32>
    %convert_element_type3A_1227 = arith.extui %lt3A_1226 : vector<72x2000xi1> to vector<72x2000xi32>
    %convert_element_type3A_1228 = arith.sitofp %convert_element_type3A_1227 : vector<72x2000xi32> to vector<72x2000xf32>
    %add3A_1229 = arith.addf %add3A_1220, %convert_element_type3A_1228 : vector<72x2000xf32>
    %get3A_1230 = arith.constant 125 : index
    %get3A_1231 = arith.constant 0 : index
    %get3A_1232 = vector.load %arg5[%get3A_1230, %get3A_1231] : memref<160x2000xf32, #tpu.memory_space<vmem>>, vector<1x2000xf32>
    %lt3A_1233 = vector.broadcast %get3A_1232 : vector<1x2000xf32> to vector<72x2000xf32>
    %lt3A_1234 = vector.broadcast %dot_general3A_102 : vector<72x1xf32> to vector<72x2000xf32>
    %lt3A_1235 = arith.cmpf olt, %lt3A_1233, %lt3A_1234 : vector<72x2000xf32>
    %convert_element_type3A_1236 = arith.extui %lt3A_1235 : vector<72x2000xi1> to vector<72x2000xi32>
    %convert_element_type3A_1237 = arith.sitofp %convert_element_type3A_1236 : vector<72x2000xi32> to vector<72x2000xf32>
    %add3A_1238 = arith.addf %add3A_1229, %convert_element_type3A_1237 : vector<72x2000xf32>
    %get3A_1239 = arith.constant 126 : index
    %get3A_1240 = arith.constant 0 : index
    %get3A_1241 = vector.load %arg5[%get3A_1239, %get3A_1240] : memref<160x2000xf32, #tpu.memory_space<vmem>>, vector<1x2000xf32>
    %lt3A_1242 = vector.broadcast %get3A_1241 : vector<1x2000xf32> to vector<72x2000xf32>
    %lt3A_1243 = vector.broadcast %dot_general3A_102 : vector<72x1xf32> to vector<72x2000xf32>
    %lt3A_1244 = arith.cmpf olt, %lt3A_1242, %lt3A_1243 : vector<72x2000xf32>
    %convert_element_type3A_1245 = arith.extui %lt3A_1244 : vector<72x2000xi1> to vector<72x2000xi32>
    %convert_element_type3A_1246 = arith.sitofp %convert_element_type3A_1245 : vector<72x2000xi32> to vector<72x2000xf32>
    %add3A_1247 = arith.addf %add3A_1238, %convert_element_type3A_1246 : vector<72x2000xf32>
    %get3A_1248 = arith.constant 127 : index
    %get3A_1249 = arith.constant 0 : index
    %get3A_1250 = vector.load %arg5[%get3A_1248, %get3A_1249] : memref<160x2000xf32, #tpu.memory_space<vmem>>, vector<1x2000xf32>
    %lt3A_1251 = vector.broadcast %get3A_1250 : vector<1x2000xf32> to vector<72x2000xf32>
    %lt3A_1252 = vector.broadcast %dot_general3A_102 : vector<72x1xf32> to vector<72x2000xf32>
    %lt3A_1253 = arith.cmpf olt, %lt3A_1251, %lt3A_1252 : vector<72x2000xf32>
    %convert_element_type3A_1254 = arith.extui %lt3A_1253 : vector<72x2000xi1> to vector<72x2000xi32>
    %convert_element_type3A_1255 = arith.sitofp %convert_element_type3A_1254 : vector<72x2000xi32> to vector<72x2000xf32>
    %add3A_1256 = arith.addf %add3A_1247, %convert_element_type3A_1255 : vector<72x2000xf32>
    %get3A_1257 = arith.constant 128 : index
    %get3A_1258 = arith.constant 0 : index
    %get3A_1259 = vector.load %arg5[%get3A_1257, %get3A_1258] : memref<160x2000xf32, #tpu.memory_space<vmem>>, vector<1x2000xf32>
    %lt3A_1260 = vector.broadcast %get3A_1259 : vector<1x2000xf32> to vector<72x2000xf32>
    %lt3A_1261 = vector.broadcast %dot_general3A_102 : vector<72x1xf32> to vector<72x2000xf32>
    %lt3A_1262 = arith.cmpf olt, %lt3A_1260, %lt3A_1261 : vector<72x2000xf32>
    %convert_element_type3A_1263 = arith.extui %lt3A_1262 : vector<72x2000xi1> to vector<72x2000xi32>
    %convert_element_type3A_1264 = arith.sitofp %convert_element_type3A_1263 : vector<72x2000xi32> to vector<72x2000xf32>
    %add3A_1265 = arith.addf %add3A_1256, %convert_element_type3A_1264 : vector<72x2000xf32>
    %get3A_1266 = arith.constant 129 : index
    %get3A_1267 = arith.constant 0 : index
    %get3A_1268 = vector.load %arg5[%get3A_1266, %get3A_1267] : memref<160x2000xf32, #tpu.memory_space<vmem>>, vector<1x2000xf32>
    %lt3A_1269 = vector.broadcast %get3A_1268 : vector<1x2000xf32> to vector<72x2000xf32>
    %lt3A_1270 = vector.broadcast %dot_general3A_102 : vector<72x1xf32> to vector<72x2000xf32>
    %lt3A_1271 = arith.cmpf olt, %lt3A_1269, %lt3A_1270 : vector<72x2000xf32>
    %convert_element_type3A_1272 = arith.extui %lt3A_1271 : vector<72x2000xi1> to vector<72x2000xi32>
    %convert_element_type3A_1273 = arith.sitofp %convert_element_type3A_1272 : vector<72x2000xi32> to vector<72x2000xf32>
    %add3A_1274 = arith.addf %add3A_1265, %convert_element_type3A_1273 : vector<72x2000xf32>
    %get3A_1275 = arith.constant 130 : index
    %get3A_1276 = arith.constant 0 : index
    %get3A_1277 = vector.load %arg5[%get3A_1275, %get3A_1276] : memref<160x2000xf32, #tpu.memory_space<vmem>>, vector<1x2000xf32>
    %lt3A_1278 = vector.broadcast %get3A_1277 : vector<1x2000xf32> to vector<72x2000xf32>
    %lt3A_1279 = vector.broadcast %dot_general3A_102 : vector<72x1xf32> to vector<72x2000xf32>
    %lt3A_1280 = arith.cmpf olt, %lt3A_1278, %lt3A_1279 : vector<72x2000xf32>
    %convert_element_type3A_1281 = arith.extui %lt3A_1280 : vector<72x2000xi1> to vector<72x2000xi32>
    %convert_element_type3A_1282 = arith.sitofp %convert_element_type3A_1281 : vector<72x2000xi32> to vector<72x2000xf32>
    %add3A_1283 = arith.addf %add3A_1274, %convert_element_type3A_1282 : vector<72x2000xf32>
    %get3A_1284 = arith.constant 131 : index
    %get3A_1285 = arith.constant 0 : index
    %get3A_1286 = vector.load %arg5[%get3A_1284, %get3A_1285] : memref<160x2000xf32, #tpu.memory_space<vmem>>, vector<1x2000xf32>
    %lt3A_1287 = vector.broadcast %get3A_1286 : vector<1x2000xf32> to vector<72x2000xf32>
    %lt3A_1288 = vector.broadcast %dot_general3A_102 : vector<72x1xf32> to vector<72x2000xf32>
    %lt3A_1289 = arith.cmpf olt, %lt3A_1287, %lt3A_1288 : vector<72x2000xf32>
    %convert_element_type3A_1290 = arith.extui %lt3A_1289 : vector<72x2000xi1> to vector<72x2000xi32>
    %convert_element_type3A_1291 = arith.sitofp %convert_element_type3A_1290 : vector<72x2000xi32> to vector<72x2000xf32>
    %add3A_1292 = arith.addf %add3A_1283, %convert_element_type3A_1291 : vector<72x2000xf32>
    %get3A_1293 = arith.constant 132 : index
    %get3A_1294 = arith.constant 0 : index
    %get3A_1295 = vector.load %arg5[%get3A_1293, %get3A_1294] : memref<160x2000xf32, #tpu.memory_space<vmem>>, vector<1x2000xf32>
    %lt3A_1296 = vector.broadcast %get3A_1295 : vector<1x2000xf32> to vector<72x2000xf32>
    %lt3A_1297 = vector.broadcast %dot_general3A_102 : vector<72x1xf32> to vector<72x2000xf32>
    %lt3A_1298 = arith.cmpf olt, %lt3A_1296, %lt3A_1297 : vector<72x2000xf32>
    %convert_element_type3A_1299 = arith.extui %lt3A_1298 : vector<72x2000xi1> to vector<72x2000xi32>
    %convert_element_type3A_1300 = arith.sitofp %convert_element_type3A_1299 : vector<72x2000xi32> to vector<72x2000xf32>
    %add3A_1301 = arith.addf %add3A_1292, %convert_element_type3A_1300 : vector<72x2000xf32>
    %get3A_1302 = arith.constant 133 : index
    %get3A_1303 = arith.constant 0 : index
    %get3A_1304 = vector.load %arg5[%get3A_1302, %get3A_1303] : memref<160x2000xf32, #tpu.memory_space<vmem>>, vector<1x2000xf32>
    %lt3A_1305 = vector.broadcast %get3A_1304 : vector<1x2000xf32> to vector<72x2000xf32>
    %lt3A_1306 = vector.broadcast %dot_general3A_102 : vector<72x1xf32> to vector<72x2000xf32>
    %lt3A_1307 = arith.cmpf olt, %lt3A_1305, %lt3A_1306 : vector<72x2000xf32>
    %convert_element_type3A_1308 = arith.extui %lt3A_1307 : vector<72x2000xi1> to vector<72x2000xi32>
    %convert_element_type3A_1309 = arith.sitofp %convert_element_type3A_1308 : vector<72x2000xi32> to vector<72x2000xf32>
    %add3A_1310 = arith.addf %add3A_1301, %convert_element_type3A_1309 : vector<72x2000xf32>
    %get3A_1311 = arith.constant 134 : index
    %get3A_1312 = arith.constant 0 : index
    %get3A_1313 = vector.load %arg5[%get3A_1311, %get3A_1312] : memref<160x2000xf32, #tpu.memory_space<vmem>>, vector<1x2000xf32>
    %lt3A_1314 = vector.broadcast %get3A_1313 : vector<1x2000xf32> to vector<72x2000xf32>
    %lt3A_1315 = vector.broadcast %dot_general3A_102 : vector<72x1xf32> to vector<72x2000xf32>
    %lt3A_1316 = arith.cmpf olt, %lt3A_1314, %lt3A_1315 : vector<72x2000xf32>
    %convert_element_type3A_1317 = arith.extui %lt3A_1316 : vector<72x2000xi1> to vector<72x2000xi32>
    %convert_element_type3A_1318 = arith.sitofp %convert_element_type3A_1317 : vector<72x2000xi32> to vector<72x2000xf32>
    %add3A_1319 = arith.addf %add3A_1310, %convert_element_type3A_1318 : vector<72x2000xf32>
    %get3A_1320 = arith.constant 135 : index
    %get3A_1321 = arith.constant 0 : index
    %get3A_1322 = vector.load %arg5[%get3A_1320, %get3A_1321] : memref<160x2000xf32, #tpu.memory_space<vmem>>, vector<1x2000xf32>
    %lt3A_1323 = vector.broadcast %get3A_1322 : vector<1x2000xf32> to vector<72x2000xf32>
    %lt3A_1324 = vector.broadcast %dot_general3A_102 : vector<72x1xf32> to vector<72x2000xf32>
    %lt3A_1325 = arith.cmpf olt, %lt3A_1323, %lt3A_1324 : vector<72x2000xf32>
    %convert_element_type3A_1326 = arith.extui %lt3A_1325 : vector<72x2000xi1> to vector<72x2000xi32>
    %convert_element_type3A_1327 = arith.sitofp %convert_element_type3A_1326 : vector<72x2000xi32> to vector<72x2000xf32>
    %add3A_1328 = arith.addf %add3A_1319, %convert_element_type3A_1327 : vector<72x2000xf32>
    %get3A_1329 = arith.constant 136 : index
    %get3A_1330 = arith.constant 0 : index
    %get3A_1331 = vector.load %arg5[%get3A_1329, %get3A_1330] : memref<160x2000xf32, #tpu.memory_space<vmem>>, vector<1x2000xf32>
    %lt3A_1332 = vector.broadcast %get3A_1331 : vector<1x2000xf32> to vector<72x2000xf32>
    %lt3A_1333 = vector.broadcast %dot_general3A_102 : vector<72x1xf32> to vector<72x2000xf32>
    %lt3A_1334 = arith.cmpf olt, %lt3A_1332, %lt3A_1333 : vector<72x2000xf32>
    %convert_element_type3A_1335 = arith.extui %lt3A_1334 : vector<72x2000xi1> to vector<72x2000xi32>
    %convert_element_type3A_1336 = arith.sitofp %convert_element_type3A_1335 : vector<72x2000xi32> to vector<72x2000xf32>
    %add3A_1337 = arith.addf %add3A_1328, %convert_element_type3A_1336 : vector<72x2000xf32>
    %get3A_1338 = arith.constant 137 : index
    %get3A_1339 = arith.constant 0 : index
    %get3A_1340 = vector.load %arg5[%get3A_1338, %get3A_1339] : memref<160x2000xf32, #tpu.memory_space<vmem>>, vector<1x2000xf32>
    %lt3A_1341 = vector.broadcast %get3A_1340 : vector<1x2000xf32> to vector<72x2000xf32>
    %lt3A_1342 = vector.broadcast %dot_general3A_102 : vector<72x1xf32> to vector<72x2000xf32>
    %lt3A_1343 = arith.cmpf olt, %lt3A_1341, %lt3A_1342 : vector<72x2000xf32>
    %convert_element_type3A_1344 = arith.extui %lt3A_1343 : vector<72x2000xi1> to vector<72x2000xi32>
    %convert_element_type3A_1345 = arith.sitofp %convert_element_type3A_1344 : vector<72x2000xi32> to vector<72x2000xf32>
    %add3A_1346 = arith.addf %add3A_1337, %convert_element_type3A_1345 : vector<72x2000xf32>
    %get3A_1347 = arith.constant 138 : index
    %get3A_1348 = arith.constant 0 : index
    %get3A_1349 = vector.load %arg5[%get3A_1347, %get3A_1348] : memref<160x2000xf32, #tpu.memory_space<vmem>>, vector<1x2000xf32>
    %lt3A_1350 = vector.broadcast %get3A_1349 : vector<1x2000xf32> to vector<72x2000xf32>
    %lt3A_1351 = vector.broadcast %dot_general3A_102 : vector<72x1xf32> to vector<72x2000xf32>
    %lt3A_1352 = arith.cmpf olt, %lt3A_1350, %lt3A_1351 : vector<72x2000xf32>
    %convert_element_type3A_1353 = arith.extui %lt3A_1352 : vector<72x2000xi1> to vector<72x2000xi32>
    %convert_element_type3A_1354 = arith.sitofp %convert_element_type3A_1353 : vector<72x2000xi32> to vector<72x2000xf32>
    %add3A_1355 = arith.addf %add3A_1346, %convert_element_type3A_1354 : vector<72x2000xf32>
    %get3A_1356 = arith.constant 139 : index
    %get3A_1357 = arith.constant 0 : index
    %get3A_1358 = vector.load %arg5[%get3A_1356, %get3A_1357] : memref<160x2000xf32, #tpu.memory_space<vmem>>, vector<1x2000xf32>
    %lt3A_1359 = vector.broadcast %get3A_1358 : vector<1x2000xf32> to vector<72x2000xf32>
    %lt3A_1360 = vector.broadcast %dot_general3A_102 : vector<72x1xf32> to vector<72x2000xf32>
    %lt3A_1361 = arith.cmpf olt, %lt3A_1359, %lt3A_1360 : vector<72x2000xf32>
    %convert_element_type3A_1362 = arith.extui %lt3A_1361 : vector<72x2000xi1> to vector<72x2000xi32>
    %convert_element_type3A_1363 = arith.sitofp %convert_element_type3A_1362 : vector<72x2000xi32> to vector<72x2000xf32>
    %add3A_1364 = arith.addf %add3A_1355, %convert_element_type3A_1363 : vector<72x2000xf32>
    %get3A_1365 = arith.constant 140 : index
    %get3A_1366 = arith.constant 0 : index
    %get3A_1367 = vector.load %arg5[%get3A_1365, %get3A_1366] : memref<160x2000xf32, #tpu.memory_space<vmem>>, vector<1x2000xf32>
    %lt3A_1368 = vector.broadcast %get3A_1367 : vector<1x2000xf32> to vector<72x2000xf32>
    %lt3A_1369 = vector.broadcast %dot_general3A_102 : vector<72x1xf32> to vector<72x2000xf32>
    %lt3A_1370 = arith.cmpf olt, %lt3A_1368, %lt3A_1369 : vector<72x2000xf32>
    %convert_element_type3A_1371 = arith.extui %lt3A_1370 : vector<72x2000xi1> to vector<72x2000xi32>
    %convert_element_type3A_1372 = arith.sitofp %convert_element_type3A_1371 : vector<72x2000xi32> to vector<72x2000xf32>
    %add3A_1373 = arith.addf %add3A_1364, %convert_element_type3A_1372 : vector<72x2000xf32>
    %get3A_1374 = arith.constant 141 : index
    %get3A_1375 = arith.constant 0 : index
    %get3A_1376 = vector.load %arg5[%get3A_1374, %get3A_1375] : memref<160x2000xf32, #tpu.memory_space<vmem>>, vector<1x2000xf32>
    %lt3A_1377 = vector.broadcast %get3A_1376 : vector<1x2000xf32> to vector<72x2000xf32>
    %lt3A_1378 = vector.broadcast %dot_general3A_102 : vector<72x1xf32> to vector<72x2000xf32>
    %lt3A_1379 = arith.cmpf olt, %lt3A_1377, %lt3A_1378 : vector<72x2000xf32>
    %convert_element_type3A_1380 = arith.extui %lt3A_1379 : vector<72x2000xi1> to vector<72x2000xi32>
    %convert_element_type3A_1381 = arith.sitofp %convert_element_type3A_1380 : vector<72x2000xi32> to vector<72x2000xf32>
    %add3A_1382 = arith.addf %add3A_1373, %convert_element_type3A_1381 : vector<72x2000xf32>
    %get3A_1383 = arith.constant 142 : index
    %get3A_1384 = arith.constant 0 : index
    %get3A_1385 = vector.load %arg5[%get3A_1383, %get3A_1384] : memref<160x2000xf32, #tpu.memory_space<vmem>>, vector<1x2000xf32>
    %lt3A_1386 = vector.broadcast %get3A_1385 : vector<1x2000xf32> to vector<72x2000xf32>
    %lt3A_1387 = vector.broadcast %dot_general3A_102 : vector<72x1xf32> to vector<72x2000xf32>
    %lt3A_1388 = arith.cmpf olt, %lt3A_1386, %lt3A_1387 : vector<72x2000xf32>
    %convert_element_type3A_1389 = arith.extui %lt3A_1388 : vector<72x2000xi1> to vector<72x2000xi32>
    %convert_element_type3A_1390 = arith.sitofp %convert_element_type3A_1389 : vector<72x2000xi32> to vector<72x2000xf32>
    %add3A_1391 = arith.addf %add3A_1382, %convert_element_type3A_1390 : vector<72x2000xf32>
    %get3A_1392 = arith.constant 143 : index
    %get3A_1393 = arith.constant 0 : index
    %get3A_1394 = vector.load %arg5[%get3A_1392, %get3A_1393] : memref<160x2000xf32, #tpu.memory_space<vmem>>, vector<1x2000xf32>
    %lt3A_1395 = vector.broadcast %get3A_1394 : vector<1x2000xf32> to vector<72x2000xf32>
    %lt3A_1396 = vector.broadcast %dot_general3A_102 : vector<72x1xf32> to vector<72x2000xf32>
    %lt3A_1397 = arith.cmpf olt, %lt3A_1395, %lt3A_1396 : vector<72x2000xf32>
    %convert_element_type3A_1398 = arith.extui %lt3A_1397 : vector<72x2000xi1> to vector<72x2000xi32>
    %convert_element_type3A_1399 = arith.sitofp %convert_element_type3A_1398 : vector<72x2000xi32> to vector<72x2000xf32>
    %add3A_1400 = arith.addf %add3A_1391, %convert_element_type3A_1399 : vector<72x2000xf32>
    %get3A_1401 = arith.constant 144 : index
    %get3A_1402 = arith.constant 0 : index
    %get3A_1403 = vector.load %arg5[%get3A_1401, %get3A_1402] : memref<160x2000xf32, #tpu.memory_space<vmem>>, vector<1x2000xf32>
    %lt3A_1404 = vector.broadcast %get3A_1403 : vector<1x2000xf32> to vector<72x2000xf32>
    %lt3A_1405 = vector.broadcast %dot_general3A_102 : vector<72x1xf32> to vector<72x2000xf32>
    %lt3A_1406 = arith.cmpf olt, %lt3A_1404, %lt3A_1405 : vector<72x2000xf32>
    %convert_element_type3A_1407 = arith.extui %lt3A_1406 : vector<72x2000xi1> to vector<72x2000xi32>
    %convert_element_type3A_1408 = arith.sitofp %convert_element_type3A_1407 : vector<72x2000xi32> to vector<72x2000xf32>
    %add3A_1409 = arith.addf %add3A_1400, %convert_element_type3A_1408 : vector<72x2000xf32>
    %get3A_1410 = arith.constant 145 : index
    %get3A_1411 = arith.constant 0 : index
    %get3A_1412 = vector.load %arg5[%get3A_1410, %get3A_1411] : memref<160x2000xf32, #tpu.memory_space<vmem>>, vector<1x2000xf32>
    %lt3A_1413 = vector.broadcast %get3A_1412 : vector<1x2000xf32> to vector<72x2000xf32>
    %lt3A_1414 = vector.broadcast %dot_general3A_102 : vector<72x1xf32> to vector<72x2000xf32>
    %lt3A_1415 = arith.cmpf olt, %lt3A_1413, %lt3A_1414 : vector<72x2000xf32>
    %convert_element_type3A_1416 = arith.extui %lt3A_1415 : vector<72x2000xi1> to vector<72x2000xi32>
    %convert_element_type3A_1417 = arith.sitofp %convert_element_type3A_1416 : vector<72x2000xi32> to vector<72x2000xf32>
    %add3A_1418 = arith.addf %add3A_1409, %convert_element_type3A_1417 : vector<72x2000xf32>
    %get3A_1419 = arith.constant 146 : index
    %get3A_1420 = arith.constant 0 : index
    %get3A_1421 = vector.load %arg5[%get3A_1419, %get3A_1420] : memref<160x2000xf32, #tpu.memory_space<vmem>>, vector<1x2000xf32>
    %lt3A_1422 = vector.broadcast %get3A_1421 : vector<1x2000xf32> to vector<72x2000xf32>
    %lt3A_1423 = vector.broadcast %dot_general3A_102 : vector<72x1xf32> to vector<72x2000xf32>
    %lt3A_1424 = arith.cmpf olt, %lt3A_1422, %lt3A_1423 : vector<72x2000xf32>
    %convert_element_type3A_1425 = arith.extui %lt3A_1424 : vector<72x2000xi1> to vector<72x2000xi32>
    %convert_element_type3A_1426 = arith.sitofp %convert_element_type3A_1425 : vector<72x2000xi32> to vector<72x2000xf32>
    %add3A_1427 = arith.addf %add3A_1418, %convert_element_type3A_1426 : vector<72x2000xf32>
    %get3A_1428 = arith.constant 147 : index
    %get3A_1429 = arith.constant 0 : index
    %get3A_1430 = vector.load %arg5[%get3A_1428, %get3A_1429] : memref<160x2000xf32, #tpu.memory_space<vmem>>, vector<1x2000xf32>
    %lt3A_1431 = vector.broadcast %get3A_1430 : vector<1x2000xf32> to vector<72x2000xf32>
    %lt3A_1432 = vector.broadcast %dot_general3A_102 : vector<72x1xf32> to vector<72x2000xf32>
    %lt3A_1433 = arith.cmpf olt, %lt3A_1431, %lt3A_1432 : vector<72x2000xf32>
    %convert_element_type3A_1434 = arith.extui %lt3A_1433 : vector<72x2000xi1> to vector<72x2000xi32>
    %convert_element_type3A_1435 = arith.sitofp %convert_element_type3A_1434 : vector<72x2000xi32> to vector<72x2000xf32>
    %add3A_1436 = arith.addf %add3A_1427, %convert_element_type3A_1435 : vector<72x2000xf32>
    %get3A_1437 = arith.constant 148 : index
    %get3A_1438 = arith.constant 0 : index
    %get3A_1439 = vector.load %arg5[%get3A_1437, %get3A_1438] : memref<160x2000xf32, #tpu.memory_space<vmem>>, vector<1x2000xf32>
    %lt3A_1440 = vector.broadcast %get3A_1439 : vector<1x2000xf32> to vector<72x2000xf32>
    %lt3A_1441 = vector.broadcast %dot_general3A_102 : vector<72x1xf32> to vector<72x2000xf32>
    %lt3A_1442 = arith.cmpf olt, %lt3A_1440, %lt3A_1441 : vector<72x2000xf32>
    %convert_element_type3A_1443 = arith.extui %lt3A_1442 : vector<72x2000xi1> to vector<72x2000xi32>
    %convert_element_type3A_1444 = arith.sitofp %convert_element_type3A_1443 : vector<72x2000xi32> to vector<72x2000xf32>
    %add3A_1445 = arith.addf %add3A_1436, %convert_element_type3A_1444 : vector<72x2000xf32>
    %get3A_1446 = arith.constant 149 : index
    %get3A_1447 = arith.constant 0 : index
    %get3A_1448 = vector.load %arg5[%get3A_1446, %get3A_1447] : memref<160x2000xf32, #tpu.memory_space<vmem>>, vector<1x2000xf32>
    %lt3A_1449 = vector.broadcast %get3A_1448 : vector<1x2000xf32> to vector<72x2000xf32>
    %lt3A_1450 = vector.broadcast %dot_general3A_102 : vector<72x1xf32> to vector<72x2000xf32>
    %lt3A_1451 = arith.cmpf olt, %lt3A_1449, %lt3A_1450 : vector<72x2000xf32>
    %convert_element_type3A_1452 = arith.extui %lt3A_1451 : vector<72x2000xi1> to vector<72x2000xi32>
    %convert_element_type3A_1453 = arith.sitofp %convert_element_type3A_1452 : vector<72x2000xi32> to vector<72x2000xf32>
    %add3A_1454 = arith.addf %add3A_1445, %convert_element_type3A_1453 : vector<72x2000xf32>
    %get3A_1455 = arith.constant 150 : index
    %get3A_1456 = arith.constant 0 : index
    %get3A_1457 = vector.load %arg5[%get3A_1455, %get3A_1456] : memref<160x2000xf32, #tpu.memory_space<vmem>>, vector<1x2000xf32>
    %lt3A_1458 = vector.broadcast %get3A_1457 : vector<1x2000xf32> to vector<72x2000xf32>
    %lt3A_1459 = vector.broadcast %dot_general3A_102 : vector<72x1xf32> to vector<72x2000xf32>
    %lt3A_1460 = arith.cmpf olt, %lt3A_1458, %lt3A_1459 : vector<72x2000xf32>
    %convert_element_type3A_1461 = arith.extui %lt3A_1460 : vector<72x2000xi1> to vector<72x2000xi32>
    %convert_element_type3A_1462 = arith.sitofp %convert_element_type3A_1461 : vector<72x2000xi32> to vector<72x2000xf32>
    %add3A_1463 = arith.addf %add3A_1454, %convert_element_type3A_1462 : vector<72x2000xf32>
    %get3A_1464 = arith.constant 151 : index
    %get3A_1465 = arith.constant 0 : index
    %get3A_1466 = vector.load %arg5[%get3A_1464, %get3A_1465] : memref<160x2000xf32, #tpu.memory_space<vmem>>, vector<1x2000xf32>
    %lt3A_1467 = vector.broadcast %get3A_1466 : vector<1x2000xf32> to vector<72x2000xf32>
    %lt3A_1468 = vector.broadcast %dot_general3A_102 : vector<72x1xf32> to vector<72x2000xf32>
    %lt3A_1469 = arith.cmpf olt, %lt3A_1467, %lt3A_1468 : vector<72x2000xf32>
    %convert_element_type3A_1470 = arith.extui %lt3A_1469 : vector<72x2000xi1> to vector<72x2000xi32>
    %convert_element_type3A_1471 = arith.sitofp %convert_element_type3A_1470 : vector<72x2000xi32> to vector<72x2000xf32>
    %add3A_1472 = arith.addf %add3A_1463, %convert_element_type3A_1471 : vector<72x2000xf32>
    %get3A_1473 = arith.constant 152 : index
    %get3A_1474 = arith.constant 0 : index
    %get3A_1475 = vector.load %arg5[%get3A_1473, %get3A_1474] : memref<160x2000xf32, #tpu.memory_space<vmem>>, vector<1x2000xf32>
    %lt3A_1476 = vector.broadcast %get3A_1475 : vector<1x2000xf32> to vector<72x2000xf32>
    %lt3A_1477 = vector.broadcast %dot_general3A_102 : vector<72x1xf32> to vector<72x2000xf32>
    %lt3A_1478 = arith.cmpf olt, %lt3A_1476, %lt3A_1477 : vector<72x2000xf32>
    %convert_element_type3A_1479 = arith.extui %lt3A_1478 : vector<72x2000xi1> to vector<72x2000xi32>
    %convert_element_type3A_1480 = arith.sitofp %convert_element_type3A_1479 : vector<72x2000xi32> to vector<72x2000xf32>
    %add3A_1481 = arith.addf %add3A_1472, %convert_element_type3A_1480 : vector<72x2000xf32>
    %get3A_1482 = arith.constant 153 : index
    %get3A_1483 = arith.constant 0 : index
    %get3A_1484 = vector.load %arg5[%get3A_1482, %get3A_1483] : memref<160x2000xf32, #tpu.memory_space<vmem>>, vector<1x2000xf32>
    %lt3A_1485 = vector.broadcast %get3A_1484 : vector<1x2000xf32> to vector<72x2000xf32>
    %lt3A_1486 = vector.broadcast %dot_general3A_102 : vector<72x1xf32> to vector<72x2000xf32>
    %lt3A_1487 = arith.cmpf olt, %lt3A_1485, %lt3A_1486 : vector<72x2000xf32>
    %convert_element_type3A_1488 = arith.extui %lt3A_1487 : vector<72x2000xi1> to vector<72x2000xi32>
    %convert_element_type3A_1489 = arith.sitofp %convert_element_type3A_1488 : vector<72x2000xi32> to vector<72x2000xf32>
    %add3A_1490 = arith.addf %add3A_1481, %convert_element_type3A_1489 : vector<72x2000xf32>
    %get3A_1491 = arith.constant 154 : index
    %get3A_1492 = arith.constant 0 : index
    %get3A_1493 = vector.load %arg5[%get3A_1491, %get3A_1492] : memref<160x2000xf32, #tpu.memory_space<vmem>>, vector<1x2000xf32>
    %lt3A_1494 = vector.broadcast %get3A_1493 : vector<1x2000xf32> to vector<72x2000xf32>
    %lt3A_1495 = vector.broadcast %dot_general3A_102 : vector<72x1xf32> to vector<72x2000xf32>
    %lt3A_1496 = arith.cmpf olt, %lt3A_1494, %lt3A_1495 : vector<72x2000xf32>
    %convert_element_type3A_1497 = arith.extui %lt3A_1496 : vector<72x2000xi1> to vector<72x2000xi32>
    %convert_element_type3A_1498 = arith.sitofp %convert_element_type3A_1497 : vector<72x2000xi32> to vector<72x2000xf32>
    %add3A_1499 = arith.addf %add3A_1490, %convert_element_type3A_1498 : vector<72x2000xf32>
    %get3A_1500 = arith.constant 155 : index
    %get3A_1501 = arith.constant 0 : index
    %get3A_1502 = vector.load %arg5[%get3A_1500, %get3A_1501] : memref<160x2000xf32, #tpu.memory_space<vmem>>, vector<1x2000xf32>
    %lt3A_1503 = vector.broadcast %get3A_1502 : vector<1x2000xf32> to vector<72x2000xf32>
    %lt3A_1504 = vector.broadcast %dot_general3A_102 : vector<72x1xf32> to vector<72x2000xf32>
    %lt3A_1505 = arith.cmpf olt, %lt3A_1503, %lt3A_1504 : vector<72x2000xf32>
    %convert_element_type3A_1506 = arith.extui %lt3A_1505 : vector<72x2000xi1> to vector<72x2000xi32>
    %convert_element_type3A_1507 = arith.sitofp %convert_element_type3A_1506 : vector<72x2000xi32> to vector<72x2000xf32>
    %add3A_1508 = arith.addf %add3A_1499, %convert_element_type3A_1507 : vector<72x2000xf32>
    %get3A_1509 = arith.constant 156 : index
    %get3A_1510 = arith.constant 0 : index
    %get3A_1511 = vector.load %arg5[%get3A_1509, %get3A_1510] : memref<160x2000xf32, #tpu.memory_space<vmem>>, vector<1x2000xf32>
    %lt3A_1512 = vector.broadcast %get3A_1511 : vector<1x2000xf32> to vector<72x2000xf32>
    %lt3A_1513 = vector.broadcast %dot_general3A_102 : vector<72x1xf32> to vector<72x2000xf32>
    %lt3A_1514 = arith.cmpf olt, %lt3A_1512, %lt3A_1513 : vector<72x2000xf32>
    %convert_element_type3A_1515 = arith.extui %lt3A_1514 : vector<72x2000xi1> to vector<72x2000xi32>
    %convert_element_type3A_1516 = arith.sitofp %convert_element_type3A_1515 : vector<72x2000xi32> to vector<72x2000xf32>
    %add3A_1517 = arith.addf %add3A_1508, %convert_element_type3A_1516 : vector<72x2000xf32>
    %get3A_1518 = arith.constant 157 : index
    %get3A_1519 = arith.constant 0 : index
    %get3A_1520 = vector.load %arg5[%get3A_1518, %get3A_1519] : memref<160x2000xf32, #tpu.memory_space<vmem>>, vector<1x2000xf32>
    %lt3A_1521 = vector.broadcast %get3A_1520 : vector<1x2000xf32> to vector<72x2000xf32>
    %lt3A_1522 = vector.broadcast %dot_general3A_102 : vector<72x1xf32> to vector<72x2000xf32>
    %lt3A_1523 = arith.cmpf olt, %lt3A_1521, %lt3A_1522 : vector<72x2000xf32>
    %convert_element_type3A_1524 = arith.extui %lt3A_1523 : vector<72x2000xi1> to vector<72x2000xi32>
    %convert_element_type3A_1525 = arith.sitofp %convert_element_type3A_1524 : vector<72x2000xi32> to vector<72x2000xf32>
    %add3A_1526 = arith.addf %add3A_1517, %convert_element_type3A_1525 : vector<72x2000xf32>
    %get3A_1527 = arith.constant 158 : index
    %get3A_1528 = arith.constant 0 : index
    %get3A_1529 = vector.load %arg5[%get3A_1527, %get3A_1528] : memref<160x2000xf32, #tpu.memory_space<vmem>>, vector<1x2000xf32>
    %lt3A_1530 = vector.broadcast %get3A_1529 : vector<1x2000xf32> to vector<72x2000xf32>
    %lt3A_1531 = vector.broadcast %dot_general3A_102 : vector<72x1xf32> to vector<72x2000xf32>
    %lt3A_1532 = arith.cmpf olt, %lt3A_1530, %lt3A_1531 : vector<72x2000xf32>
    %convert_element_type3A_1533 = arith.extui %lt3A_1532 : vector<72x2000xi1> to vector<72x2000xi32>
    %convert_element_type3A_1534 = arith.sitofp %convert_element_type3A_1533 : vector<72x2000xi32> to vector<72x2000xf32>
    %add3A_1535 = arith.addf %add3A_1526, %convert_element_type3A_1534 : vector<72x2000xf32>
    %get3A_1536 = arith.constant 159 : index
    %get3A_1537 = arith.constant 0 : index
    %get3A_1538 = vector.load %arg5[%get3A_1536, %get3A_1537] : memref<160x2000xf32, #tpu.memory_space<vmem>>, vector<1x2000xf32>
    %lt3A_1539 = vector.broadcast %get3A_1538 : vector<1x2000xf32> to vector<72x2000xf32>
    %lt3A_1540 = vector.broadcast %dot_general3A_102 : vector<72x1xf32> to vector<72x2000xf32>
    %lt3A_1541 = arith.cmpf olt, %lt3A_1539, %lt3A_1540 : vector<72x2000xf32>
    %convert_element_type3A_1542 = arith.extui %lt3A_1541 : vector<72x2000xi1> to vector<72x2000xi32>
    %convert_element_type3A_1543 = arith.sitofp %convert_element_type3A_1542 : vector<72x2000xi32> to vector<72x2000xf32>
    %add3A_1544 = arith.addf %add3A_1535, %convert_element_type3A_1543 : vector<72x2000xf32>
    %reduce_sum3A_1545 = arith.constant dense<0.000000e+00> : vector<72xf32>
    %reduce_sum3A_1546 = vector.multi_reduction <add>, %add3A_1544, %reduce_sum3A_1545 [1] : vector<72x2000xf32> to vector<72xf32>
    %broadcast_in_dim3A_1547 = vector.shape_cast %reduce_sum3A_1546 : vector<72xf32> to vector<72x1xf32>
    %slice3A = vector.extract_strided_slice %broadcast_in_dim3A_1547 {offsets = [1, 0], sizes = [64, 1], strides = [1, 1]} : vector<72x1xf32> to vector<64x1xf32>
    %slice3A_1548 = vector.extract_strided_slice %broadcast_in_dim3A_1547 {offsets = [0, 0], sizes = [64, 1], strides = [1, 1]} : vector<72x1xf32> to vector<64x1xf32>
    %sub3A_1549 = arith.subf %slice3A, %slice3A_1548 : vector<64x1xf32>
    %max3A_1550 = arith.constant 1.000000e+00 : f32
    %max3A_1551 = vector.broadcast %max3A_1550 : f32 to vector<64x1xf32>
    %max3A_1552 = arith.maximumf %sub3A_1549, %max3A_1551 : vector<64x1xf32>
    %div3A_1553 = vector.broadcast %max3A_1552 : vector<64x1xf32> to vector<64x128xf32>
    %div3A_1554 = arith.divf %dot_general3A_96, %div3A_1553 : vector<64x128xf32>
    %get3A_1555 = arith.constant 0 : index
    %get3A_1556 = arith.constant 0 : index
    %get3A_1557 = vector.load %arg12[%get3A_1555, %get3A_1556] : memref<272x128xf32, #tpu.memory_space<vmem>>, vector<16x128xf32>
    %dot_general3A_1558 = arith.constant dense<0.000000e+00> : vector<64x128xf32>
    %dot_general3A_1559 = tpu.matmul %get3A_4, %get3A_1557, %dot_general3A_1558 {dimension_numbers = #tpu.dot_dimension_numbers<[1], [0], [0], [1], [0, 0, 1, 1], [], []>, transpose_lhs_hint = false} : vector<64x16xf32>, vector<16x128xf32>, vector<64x128xf32> -> vector<64x128xf32>
    %get3A_1560 = arith.constant 16 : index
    %get3A_1561 = arith.constant 0 : index
    %get3A_1562 = vector.load %arg12[%get3A_1560, %get3A_1561] : memref<272x128xf32, #tpu.memory_space<vmem>>, vector<128x128xf32>
    %dot_general3A_1563 = arith.constant dense<0.000000e+00> : vector<64x128xf32>
    %dot_general3A_1564 = tpu.matmul %div3A_94, %get3A_1562, %dot_general3A_1563 {dimension_numbers = #tpu.dot_dimension_numbers<[1], [0], [0], [1], [0, 0, 1, 1], [], []>, transpose_lhs_hint = false} : vector<64x128xf32>, vector<128x128xf32>, vector<64x128xf32> -> vector<64x128xf32>
    %add3A_1565 = arith.addf %dot_general3A_1559, %dot_general3A_1564 : vector<64x128xf32>
    %get3A_1566 = arith.constant 144 : index
    %get3A_1567 = arith.constant 0 : index
    %get3A_1568 = vector.load %arg12[%get3A_1566, %get3A_1567] : memref<272x128xf32, #tpu.memory_space<vmem>>, vector<128x128xf32>
    %dot_general3A_1569 = arith.constant dense<0.000000e+00> : vector<64x128xf32>
    %dot_general3A_1570 = tpu.matmul %div3A_1554, %get3A_1568, %dot_general3A_1569 {dimension_numbers = #tpu.dot_dimension_numbers<[1], [0], [0], [1], [0, 0, 1, 1], [], []>, transpose_lhs_hint = false} : vector<64x128xf32>, vector<128x128xf32>, vector<64x128xf32> -> vector<64x128xf32>
    %add3A_1571 = arith.addf %add3A_1565, %dot_general3A_1570 : vector<64x128xf32>
    %get3A_1572 = arith.constant 0 : index
    %get3A_1573 = arith.constant 0 : index
    %get3A_1574 = vector.load %arg13[%get3A_1572, %get3A_1573] : memref<1x128xf32, #tpu.memory_space<vmem>>, vector<1x128xf32>
    %add3A_1575 = vector.broadcast %get3A_1574 : vector<1x128xf32> to vector<64x128xf32>
    %add3A_1576 = arith.addf %add3A_1571, %add3A_1575 : vector<64x128xf32>
    %max3A_1577 = arith.constant 0.000000e+00 : f32
    %max3A_1578 = vector.broadcast %max3A_1577 : f32 to vector<64x128xf32>
    %max3A_1579 = arith.maximumf %add3A_1576, %max3A_1578 : vector<64x128xf32>
    %get3A_1580 = arith.constant 0 : index
    %get3A_1581 = arith.constant 0 : index
    %get3A_1582 = vector.load %arg14[%get3A_1580, %get3A_1581] : memref<128x128xf32, #tpu.memory_space<vmem>>, vector<128x128xf32>
    %dot_general3A_1583 = arith.constant dense<0.000000e+00> : vector<64x128xf32>
    %dot_general3A_1584 = tpu.matmul %max3A_1579, %get3A_1582, %dot_general3A_1583 {dimension_numbers = #tpu.dot_dimension_numbers<[1], [0], [0], [1], [0, 0, 1, 1], [], []>, transpose_lhs_hint = false} : vector<64x128xf32>, vector<128x128xf32>, vector<64x128xf32> -> vector<64x128xf32>
    %get3A_1585 = arith.constant 0 : index
    %get3A_1586 = arith.constant 0 : index
    %get3A_1587 = vector.load %arg15[%get3A_1585, %get3A_1586] : memref<1x128xf32, #tpu.memory_space<vmem>>, vector<1x128xf32>
    %add3A_1588 = vector.broadcast %get3A_1587 : vector<1x128xf32> to vector<64x128xf32>
    %add3A_1589 = arith.addf %dot_general3A_1584, %add3A_1588 : vector<64x128xf32>
    %swap3A_1590 = arith.constant 0 : index
    %swap3A_1591 = arith.constant 0 : index
    %swap3A_1592 = vector.load %arg17[%swap3A_1590, %swap3A_1591] : memref<64x128xf32, #tpu.memory_space<vmem>>, vector<64x128xf32>
    tpu.vector_store %arg17[%swap3A_1590, %swap3A_1591], %add3A_1589 {strides = array<i32>} : memref<64x128xf32, #tpu.memory_space<vmem>>, vector<64x128xf32>,
    return
  }
}

</mosaic_0001>

<sc_bundles>
// kernel: kernel.10.cloned.1.call-start
scs
__scs_entry_jumppad:
0x0: {  	(pc) =	sbr.rel $0x88, $3  }
0x1: {  	(tag) =	ssettag $0x0;
	lr =	simm.s32 $0x1  }
0x2: {  	[smem:$0x3F8E] =	sst lr;
	_ =	strace $0xD0000000  }
0x3: {  	_ = 	snop  }
0x4: {  	_ = 	snop  }
0x5: {  	_ = 	snop  }
0x6: {  	_ = 	snop  }
0x7: {  	_ = 	snop  }
__scs_overlays_trampoline_lowered:
0x8: {  	[smem:$0x3F9D] =	sst s0  }
0x9: {  	[smem:$0x3F9E] =	sst s1  }
0xa: {  	[smem:$0x3F9F] =	sst s2  }
0xb: {  	[smem:$0x3FA0] =	sst s3  }
0xc: {  	[smem:$0x3FA1] =	sst s4  }
0xd: {  	[smem:$0x3FA2] =	sst s5  }
0xe: {  	[smem:$0x3FA3] =	sst s6  }
0xf: {  	[smem:$0x3FA4] =	sst s7  }
0x10: {  	[smem:$0x3FA5] =	sst s8  }
0x11: {  	[smem:$0x3FA6] =	sst s9;
	s0 =	simm.s32 @!p0 $0x0  }
0x12: {  	s1 =	sld [smem:$0x3F8C];
	s0 =	simm.s32 @p0 $0x1  }
0x13: {  	[smem:$0x3FA7] =	sst s0;
	s0 =	simm.s32 @!p1 $0x0  }
0x14: {  	s2 =	sld [smem:$0x3F8B];
	s0 =	simm.s32 @p1 $0x1  }
0x15: {  	[smem:$0x3FA8] =	sst s0;
	s0 =	simm.s32 @!p2 $0x0  }
0x16: {  	s3 =	sld [smem:$0x3FDB];
	s0 =	simm.s32 @p2 $0x1  }
0x17: {  	s4 =	simm.s32 $0x1BF5;
	[smem:$0x3FAA] =	sst s0  }
0x18: {  	s0 =	sld [smem:$0x3F8D];
	_ =	swait.ge [sflag:s4], $0x0  }
0x19: {  	s7 =	sld [smem:$0x3F8E]  }
0x1a: {  	s8 =	sadd.s32 $0xFFFFE003, lr  }
0x1b: {  	s9 =	sadd.s32 $0xFFFFFEF7, lr;
	s5 =	simm.s32 $0xFFFFFFFF;
	p2 =	slt.u32 s8, $0xFFFFF086  }
0x1c: {  	p1 =	slt.u32 s9, $0xF7A;
	s5 =	simm.s32 @!p2 $0x0  }
0x1d: {  	s5 =	simm.s32 @p1 $0x1;
	p0 =	seq.s32 s7, s2  }
0x1e: {  	s7 =	smul.u32 @!p0 $0xF7A, s2;
	p2 =	seq.s32 @!p0 s5, $0x0  }
0x1f: {  	s9 =	smul.u32 $0xF7A, s1;
	s8 =	simm.s32 @!p0 $0x1BF5;
	p2 =	por !p2, p0  }
0x20: {  	[sflag:s8] =	ssyncset.s32 @!p0 $0xFFFFF086;
	s6 =	sadd.s32 @!p0 s3, s7;
	s7 =	simm.s32 @!p0 $0x108  }
0x21: {  	s3 =	sadd.s32 s3, s9;
	s6 =	sadd.s32 @!p0 $0x88, s6;
	s7 =	simm.s32 @p2 $0x1082  }
0x22: {  	[simem:s7], [sflag:s8] =	dma.local @!p0 [hbm:s6], $0xF7A  }
0x23: {  	s9 =	sor.u32 $0xD0000000, s2;
	s6 =	simm.s32 $0x108;
	_ =	swait.ge @!p0 [sflag:s8], $0x0  }
0x24: {  	s3 =	sadd.s32 $0x88, s3;
	s6 =	simm.s32 @!p1 $0x1082;
	[sflag:s4] =	ssyncset.s32 $0xFFFFF086  }
0x25: {  	[simem:s6], [sflag:s4] =	dma.local [hbm:s3], $0xF7A  }
0x26: {  	[smem:$0x3F8E] =	sst s1;
	(tag) =	ssettag s2;
	_ =	strace s9  }
0x27: {  	s1 =	sld [smem:$0x3F9E]  }
0x28: {  	s2 =	sld [smem:$0x3F9F]  }
0x29: {  	s4 =	sld [smem:$0x3FA1]  }
0x2a: {  	p0 =	seq.s32 s5, $0x0;
	s5 =	sld [smem:$0x3FA2]  }
0x2b: {  	s6 =	sld [smem:$0x3FA3]  }
0x2c: {  	s7 =	sld [smem:$0x3FA4]  }
0x2d: {  	s3 =	simm.s32 $0x108;
	s8 =	sld [smem:$0x3FA5]  }
0x2e: {  	s3 =	simm.s32 @!p0 $0x1082;
	s9 =	sld [smem:$0x3FA6]  }
0x2f: {  	lr =	sadd.s32 s0, s3;
	s0 =	sld [smem:$0x3F9D]  }
0x30: {  	s3 =	sld [smem:$0x3FA0]  }
0x31: {  	[smem:$0x3FA9] =	sst s10  }
0x32: {  	s10 =	sld [smem:$0x3FA7];
	_ =	sdelay $0x3  }
0x33: {  	p0 =	seq.s32 s10, $0x1;
	s10 =	sld [smem:$0x3FA9];
	_ =	sdelay $0x3  }
0x34: {  	[smem:$0x3FA9] =	sst s10  }
0x35: {  	s10 =	sld [smem:$0x3FA8];
	_ =	sdelay $0x3  }
0x36: {  	p1 =	seq.s32 s10, $0x1;
	s10 =	sld [smem:$0x3FA9];
	_ =	sdelay $0x3  }
0x37: {  	[smem:$0x3FA9] =	sst s10  }
0x38: {  	s10 =	sld [smem:$0x3FAA]  }
0x39: {  	_ = 	snop;
	(pc) =	sbr.ind lr, $3  }
0x3a: {  	_ = 	snop  }
0x3b: {  	_ = 	snop  }
0x3c: {  	p2 =	seq.s32 s10, $0x1;
	s10 =	sld [smem:$0x3FA9]  }
0x3d: {  	_ =	shalt  }
0x3e: {  	_ =	shalt  }
0x3f: {  	_ =	shalt  }
0x40: {  	_ =	shalt  }
0x41: {  	_ =	shalt  }
0x42: {  	_ =	shalt  }
0x43: {  	_ =	shalt  }
0x44: {  	_ =	shalt  }
0x45: {  	_ =	shalt  }
0x46: {  	_ =	shalt  }
0x47: {  	_ =	shalt  }
0x48: {  	_ =	shalt  }
0x49: {  	_ =	shalt  }
0x4a: {  	_ =	shalt  }
0x4b: {  	_ =	shalt  }
0x4c: {  	_ =	shalt  }
0x4d: {  	_ =	shalt  }
0x4e: {  	_ =	shalt  }
0x4f: {  	_ =	shalt  }
0x50: {  	_ =	shalt  }
0x51: {  	_ =	shalt  }
0x52: {  	_ =	shalt  }
0x53: {  	_ =	shalt  }
0x54: {  	_ =	shalt  }
0x55: {  	_ =	shalt  }
0x56: {  	_ =	shalt  }
0x57: {  	_ =	shalt  }
0x58: {  	_ =	shalt  }
0x59: {  	_ =	shalt  }
0x5a: {  	_ =	shalt  }
0x5b: {  	_ =	shalt  }
0x5c: {  	_ =	shalt  }
0x5d: {  	_ =	shalt  }
0x5e: {  	_ =	shalt  }
0x5f: {  	_ =	shalt  }
0x60: {  	_ =	shalt  }
0x61: {  	_ =	shalt  }
0x62: {  	_ =	shalt  }
0x63: {  	_ =	shalt  }
0x64: {  	_ =	shalt  }
0x65: {  	_ =	shalt  }
0x66: {  	_ =	shalt  }
0x67: {  	_ =	shalt  }
0x68: {  	_ =	shalt  }
0x69: {  	_ =	shalt  }
0x6a: {  	_ =	shalt  }
0x6b: {  	_ =	shalt  }
0x6c: {  	_ =	shalt  }
0x6d: {  	_ =	shalt  }
0x6e: {  	_ =	shalt  }
0x6f: {  	_ =	shalt  }
0x70: {  	_ =	shalt  }
0x71: {  	_ =	shalt  }
0x72: {  	_ =	shalt  }
0x73: {  	_ =	shalt  }
0x74: {  	_ =	shalt  }
0x75: {  	_ =	shalt  }
0x76: {  	_ =	shalt  }
0x77: {  	_ =	shalt  }
0x78: {  	_ =	shalt  }
0x79: {  	_ =	shalt  }
0x7a: {  	_ =	shalt  }
0x7b: {  	_ =	shalt  }
0x7c: {  	_ =	shalt  }
0x7d: {  	_ =	shalt  }
0x7e: {  	_ =	shalt  }
0x7f: {  	_ =	shalt  }
0x80: {  	_ =	shalt  }
0x81: {  	_ =	shalt  }
0x82: {  	_ =	shalt  }
0x83: {  	_ =	shalt  }
0x84: {  	_ =	shalt  }
0x85: {  	_ =	shalt  }
0x86: {  	_ =	shalt  }
0x87: {  	_ =	shalt  }
.Lfunc_end0:
.L_simem_size_0:
called_computation.1_lowered:
.L_overlay_start_0:
0x88: {  	s2 =	sld [smem:$0x3FD9]  }
0x89: {  	s3 =	sld [smem:$0x3FFE];
	_ =	sdelay $0x1  }
0x8a: {  	s1 =	srdreg.scid  }
0x8b: {  	s0 =	sand.u32 $0x1, s1  }
0x8c: {  	s14 =	sshll.u32 s0, $0xA;
	s2 =	sadd.s32 s3, s2  }
0x8d: {  	s2 =	sadd.s32 s2, s14  }
0x8e: {  	[smem:$0x3FB5] =	sst s2  }
0x8f: {  	_ = 	snop  }
0x90: {  	s2 =	sld [smem:$0x3FD0];
	_ =	sdelay $0x2  }
0x91: {  	s15 =	simm.s32 $0xA;
	s4 =	simm.s32 $0x10  }
0x92: {  	[smem:s4], [sflag:s15] =	dma.local [hbm:s2], $0x1  }
0x93: {  	_ =	swait.eq [sflag:s15], $0x1  }
0x94: {  	[sflag:s15] =	ssyncset.done $0x0  }
0x95: {  	[sflag:s15] =	ssyncadd.s32 $0xFFFFFFFF  }
0x96: {  	s16 =	sld [smem:$0x11];
	(tm) =	ssettm $0x1  }
0x97: {  	s17 =	sld [smem:$0x3FFB];
	_ =	sdelay $0x3  }
0x98: {  	_ =	strace s17  }
0x99: {  	s3 =	sld [smem:$0x3FFC];
	_ =	sdelay $0x3  }
0x9a: {  	_ =	strace s3  }
0x9b: {  	s3 =	sld [smem:$0x3FFD];
	_ =	sdelay $0x3  }
0x9c: {  	_ =	strace s3  }
0x9d: {  	_ =	strace $0x8FFFFFFF  }
0x9e: {  	s18 =	sld [smem:$0x3FDB];
	_ =	sdelay $0x1  }
0x9f: {  	s19 =	simm.s32 $_scs_section_size  }
0xa0: {  	s5 =	simm.s32 $_size__tile_overlayer_lowered;
	s6 =	simm.s32 $_tile_overlayer_lowered  }
0xa1: {  	s22 =	simm.s32 $0x1BFF;
	s21 =	sshll.u32 s6, $0x1;
	s3 =	sadd.s32 s19, s18  }
0xa2: {  	s7 =	simm.s32 $0x0;
	s20 =	sshll.u32 s5, $0x1;
	s5 =	sadd.s32 s21, s3  }
0xa3: {  	[timem:s7], [sflag:s22] =	dma.local [hbm:s5], s20  }
0xa4: {  	_ =	swait.ge [sflag:s22], s20  }
0xa5: {  	s4 =	ssub.s32 $0x0, s20;
	[sflag:s22] =	ssyncset.done $0x0  }
0xa6: {  	[sflag:s22] =	ssyncadd.s32 s4;
	_ =	sdelay $0x1  }
0xa7: {  	s23 =	simm.s32 $0x1B8B  }
0xa8: {  	_ =	swait.ge [sflag:s23], $0x1  }
0xa9: {  	[sflag:s23] =	ssyncset.done $0x0  }
0xaa: {  	s25 =	simm.s32 $0x1B8E;
	s24 =	sld [smem:$0x3FFE];
	[sflag:s23] =	ssyncadd.s32 $0xFFFFFFFF  }
0xab: {  	s26 =	simm.s32 $execute0_lowered;
	[smem:$0x3FD2] =	sst s25  }
0xac: {  	s5 =	sshll.u32 s26, $0x1;
	_ =	strace $0x80000049;
	[dreg:$0x1] =	wrdreg $0xFFFFFFFF  }
0xad: {  	s28 =	simm.s32 $_size_execute0_lowered;
	s3 =	sadd.s32 s3, s5;
	[dreg:$0x0] =	wrdreg $0x0  }
0xae: {  	s5 =	sshll.u32 s28, $0x1;
	[dreg:$0x2] =	wrdreg s3  }
0xaf: {  	[dreg:$0x3] =	wrdreg s5  }
0xb0: {  	[dreg:$0x4] =	wrdreg $0xC0  }
0xb1: {  	_ =	task [dreg:s7], $0x5FFFF  }
0xb2: {  	[dreg:$0x1] =	wrdreg $0xFFFFFFFF  }
0xb3: {  	[dreg:$0x0] =	wrdreg $0x60  }
0xb4: {  	[dreg:$0x2] =	wrdreg s16  }
0xb5: {  	[dreg:$0x3] =	wrdreg s24  }
0xb6: {  	[dreg:$0x4] =	wrdreg $0x90000  }
0xb7: {  	[dreg:$0x5] =	wrdreg $0x9  }
0xb8: {  	_ =	task.clear_ibuf [dreg:s7], $0x6FFFF;
	_ =	strace $0x90000049  }
0xb9: {  	s29 =	simm.s32 $0x9;
	_ =	strace $0x8000004B  }
0xba: {  	_ =	swait.ge [sflag:s29], $0x1  }
0xbb: {  	[sflag:s29] =	ssyncadd.s32 $0xFFFFFFFF  }
0xbc: {  	_ =	strace $0x9000004B  }
0xbd: {  	_ =	sfence  }
0xbe: {  	s30 =	sld [smem:$0x0];
	_ =	sdelay $0x2  }
0xbf: {  	s31 =	sshll.u32 s1, $0xD;
	s1 =	sshrl.u32 s1, $0x2  }
0xc0: {  	s3 =	sand.u32 $0x4000, s31;
	s1 =	sadd.s32 s1, s30  }
0xc1: {  	s0 =	sor.u32 s3, s0;
	s1 =	sshll.u32 s1, $0x11  }
0xc2: {  	s0 =	sor.u32 s1, s0  }
0xc3: {  	s0 =	sadd.s32 $0x8F2B, s0  }
0xc4: {  	[sflag:s0] =	ssyncadd.remote.s32 $0x1  }
0xc5: {  	_ =	sfence.sel $0xFFFF  }
0xc6: {  	[dreg:$0x0] =	wrdreg $0xFFFFFFFF;
	(pc) =	sbr.abs _section_cstart, $3  }
0xc7: {  	[dreg:$0x1] =	wrdreg $0xFFFFFFFF  }
0xc8: {  	_ =	task.clear_ibuf [dreg:s7], $0x2FFFF;
	_ =	strace $0x9FFFFFFF  }
0xc9: {  	(tm) =	ssettm $0x7FFFFFFF  }
tec
execute0_lowered:
.L_overlay_start_1:
0x0: {  	(tag) =	ssettag $0x1  }
0x1: {  	s0 =	rddreg [dreg:$0x0]  }
0x2: {  	s1 =	rddreg [dreg:$0x1]  }
0x3: {  	s2 =	rddreg [dreg:$0x2];
	s3 =	simm.s32 $0x0  }
0x4: {  	s22 =	stileid.u32;
	s4 =	srdreg.scid;
	s23 =	simm.s32 $0x6800  }
0x5: {  	s24 =	simm.s32 $0x1;
	s25 =	simm.s32 $0x50;
	s7 =	smul.u32 $0x4E000, s22  }
0x6: {  	s28 =	simm.s32 $0x3;
	s29 =	simm.s32 $0x4;
	s9 =	smul.u32 $0x2710, s22  }
0x7: {  	[smem:$0x7FF] =	sst s3;
	s5 =	sshll.u32 s22, $0xB;
	s20 =	smul.u32 $0x13800, s22  }
0x8: {  	s17 =	sand.u32 $0x1, s4;
	s21 =	smul.u32 $0x27100, s22;
	p0 =	sne.s32 s22, $0xF  }
0x9: {  	s22 =	simm.s32 $0x4000;
	_ =	strace $0x8000004A;
	s30 =	smul.u32 $0x27100, s17  }
0xa: {  	s26 =	sadd.s32 s5, s1;
	s1 =	sadd.s32 $0x3600, s1;
	s18 =	smul.u32 $0x138800, s17  }
0xb: {  	s6 =	ssub.s32 $0x2, s17;
	s10 =	sshll.u32 s17, $0xF;
	s17 =	smul.u32 $0x271000, s17  }
0xc: {  	s8 =	sshrl.u32 s6, $0x1;
	s4 =	sadd.s32 s10, s26;
	s31 =	sshrl.u32 s7, $0x2  }
0xd: {  	s26 =	simm.s32 $0x2;
	s19 =	ssub.s32 s6, s8;
	s13 =	sadd.s32 s9, s30  }
0xe: {  	s4 =	sadd.s32 $0x520400, s4;
	s5 =	sadd.s32 s31, s2;
	s20 =	sadd.s32 s20, s18  }
0xf: {  	s18 =	sshrl.u32 s18, $0x3;
	[dreg:$0x4] =	wrdreg s4;
	s6 =	sadd.s32 $0x2800, s5  }
0x10: {  	s7 =	sadd.s32 $0x5000, s5;
	s8 =	sadd.s32 $0x7800, s5;
	s9 =	sadd.s32 $0xA000, s5  }
0x11: {  	s10 =	sadd.s32 $0xC800, s5;
	s11 =	sadd.s32 $0xF000, s5;
	s12 =	sadd.s32 $0x11800, s5  }
0x12: {  	s14 =	sshll.u32 s13, $0x4;
	s13 =	sadd.s32 $0x138000, s2;
	s20 =	sshrl.u32 s20, $0x3  }
0x13: {  	s18 =	sadd.s32 s1, s18;
	s19 =	smax.u32 s19, $0x1;
	s14 =	sadd.s32 s0, s14  }
0x14: {  	s0 =	sadd.s32 s17, s0;
	s17 =	sadd.s32 s1, s20;
	s18 =	sadd.s32 $0x27000, s18  }
0x15: {  	s1 =	simm.s32 $0x0;
	s15 =	sadd.s32 $0x500, s14;
	s0 =	sadd.s32 s21, s0  }
0x16: {  	v0 =	vimm.f32 $0.0e+00;
	s16 =	sadd.s32 $0x26C00, s14;
	s21 =	simm.s32 $0x5;
	s0 =	sadd.s32 $0xF00, s0  }
.LBB2_1:
0x17: {  	s4 =	rddreg [dreg:$0x4]  }
0x18: {  	[tilespmem:s3], [sflag:$0x5] =	stream.linear.gather [hbm4b:s4+s3], $0x3E80, $0x38;
	[tilespmem:$0x1C880] =	vst v63  }
0x19: {  	_ =	swait.ge [sflag:s21], $0x3E80  }
0x1a: {  	[sflag:s21] =	ssyncset.done $0x0  }
0x1b: {  	s20 =	simm.s32 $0x0;
	s30 =	simm.s32 $0x200;
	[sflag:s21] =	ssyncadd.s32 $0xFFFFC180  }
.LBB2_2:
0x1c: {  	p1 =	sne.s32 s30, $0x9E00;
	[tilespmem:s20+$0x4070] =	vst v0  }
0x1d: {  	[tilespmem:s20+$0x4000] =	vst v0  }
0x1e: {  	[tilespmem:s20+$0x4010] =	vst v0  }
.Ltmp0:
0x1f: {  	[tilespmem:s20+$0x4020] =	vst v0;
	(pc) =	sbr.rel @p1 .LBB2_2-.Ltmp0, $4  }
0x20: {  	[tilespmem:s20+$0x4030] =	vst v0  }
0x21: {  	[tilespmem:s20+$0x4040] =	vst v0  }
0x22: {  	[tilespmem:s20+$0x4050] =	vst v0  }
0x23: {  	[tilespmem:s20+$0x4060] =	vst v0;
	s20 =	sshra.s32 s30, $0x2;
	s30 =	sadd.s32 $0x200, s30  }
0x24: {  	[tilespmem:s20+$0x4070] =	vst v0  }
0x25: {  	[tilespmem:s20+$0x4000] =	vst v0  }
0x26: {  	[tilespmem:s20+$0x4010] =	vst v0  }
0x27: {  	[tilespmem:s20+$0x4020] =	vst v0  }
0x28: {  	[tilespmem:s20+$0x4030] =	vst v0  }
0x29: {  	[tilespmem:s20+$0x4040] =	vst v0  }
0x2a: {  	[tilespmem:s20+$0x4050] =	vst v0  }
0x2b: {  	[tilespmem:s20+$0x4060] =	vst v0  }
0x2c: {  	[spmem:s5] =	stream.linear.scatter [tilespmem:s22], [sflag:$0x5], $0x2800, $0x38;
	[tilespmem:$0x1C880] =	vst v63  }
0x2d: {  	_ =	swait.ge [sflag:s21], $0x2800  }
0x2e: {  	[sflag:s21] =	ssyncset.done $0x0  }
0x2f: {  	[sflag:s21] =	ssyncadd.s32 $0xFFFFD800  }
0x30: {  	[spmem:s6] =	stream.linear.scatter [tilespmem:s22], [sflag:$0x5], $0x2800, $0x38;
	[tilespmem:$0x1C880] =	vst v63  }
0x31: {  	_ =	swait.ge [sflag:s21], $0x2800  }
0x32: {  	[sflag:s21] =	ssyncset.done $0x0  }
0x33: {  	[sflag:s21] =	ssyncadd.s32 $0xFFFFD800  }
0x34: {  	[spmem:s7] =	stream.linear.scatter [tilespmem:s22], [sflag:$0x5], $0x2800, $0x38;
	[tilespmem:$0x1C880] =	vst v63  }
0x35: {  	_ =	swait.ge [sflag:s21], $0x2800  }
0x36: {  	[sflag:s21] =	ssyncset.done $0x0  }
0x37: {  	[sflag:s21] =	ssyncadd.s32 $0xFFFFD800  }
0x38: {  	[spmem:s8] =	stream.linear.scatter [tilespmem:s22], [sflag:$0x5], $0x2800, $0x38;
	[tilespmem:$0x1C880] =	vst v63  }
0x39: {  	_ =	swait.ge [sflag:s21], $0x2800  }
0x3a: {  	[sflag:s21] =	ssyncset.done $0x0  }
0x3b: {  	[sflag:s21] =	ssyncadd.s32 $0xFFFFD800  }
0x3c: {  	[spmem:s9] =	stream.linear.scatter [tilespmem:s22], [sflag:$0x5], $0x2800, $0x38;
	[tilespmem:$0x1C880] =	vst v63  }
0x3d: {  	_ =	swait.ge [sflag:s21], $0x2800  }
0x3e: {  	[sflag:s21] =	ssyncset.done $0x0  }
0x3f: {  	[sflag:s21] =	ssyncadd.s32 $0xFFFFD800  }
0x40: {  	[spmem:s10] =	stream.linear.scatter [tilespmem:s22], [sflag:$0x5], $0x2800, $0x38;
	[tilespmem:$0x1C880] =	vst v63  }
0x41: {  	_ =	swait.ge [sflag:s21], $0x2800  }
0x42: {  	[sflag:s21] =	ssyncset.done $0x0  }
0x43: {  	[sflag:s21] =	ssyncadd.s32 $0xFFFFD800  }
0x44: {  	[spmem:s11] =	stream.linear.scatter [tilespmem:s22], [sflag:$0x5], $0x2800, $0x38;
	[tilespmem:$0x1C880] =	vst v63  }
0x45: {  	_ =	swait.ge [sflag:s21], $0x2800  }
0x46: {  	[sflag:s21] =	ssyncset.done $0x0  }
0x47: {  	[sflag:s21] =	ssyncadd.s32 $0xFFFFD800  }
0x48: {  	[spmem:s12] =	stream.linear.scatter [tilespmem:s22], [sflag:$0x5], $0x2000, $0x38;
	[tilespmem:$0x1C880] =	vst v63  }
0x49: {  	_ =	swait.ge [sflag:s21], $0x2000  }
0x4a: {  	[sflag:s21] =	ssyncset.done $0x0  }
0x4b: {  	s20 =	simm.s32 @!p0 $0x4000;
	[sflag:s21] =	ssyncadd.s32 $0xFFFFE000  }
0x4c: {  	[spmem:s13] =	stream.linear.scatter @!p0 [tilespmem:s20], [sflag:$0x5], $0x800, $0x38;
	[tilespmem:$0x1C880] =	vst v63  }
0x4d: {  	s20 =	simm.s32 @!p0 $0x5  }
0x4e: {  	_ =	swait.ge @!p0 [sflag:s20], $0x800  }
0x4f: {  	[sflag:s20] =	ssyncset.done @!p0 $0x0  }
0x50: {  	[sflag:s20] =	ssyncadd.s32 @!p0 $0xFFFFF800  }
0x51: {  	s4 =	simm.s32 $0x0;
	[bflag:$0x0] =	sbarrier.arrive $0xFFFF  }
0x52: {  	[tilespmem:s22], [sflag:$0x1] =	stream.linear.gather [hbm4b:s14+s4], $0x2800, $0x38;
	[tilespmem:$0x1C880] =	vst v63  }
0x53: {  	_ = 	snop  }
0x54: {  	[tilespmem:s23], [sflag:$0x2] =	stream.linear.gather [hbm4b:s15+s4], $0x2800, $0x38;
	[tilespmem:$0x1C880] =	vst v63  }
0x55: {  	_ =	swait.ge [sflag:s24], $0x2800  }
0x56: {  	[sflag:s24] =	ssyncset.done $0x0  }
0x57: {  	s4 =	simm.s32 $0x0;
	[sflag:s24] =	ssyncadd.s32 $0xFFFFD800  }
0x58: {  	[spmem:s2] =	stream.indirect.scatter.add.f32 [tilespmem:s22], [sflag:$0x3], $0x80, s4, s25, $0xb8;
	[tilespmem:$0x1C880] =	vst v63  }
0x59: {  	_ =	swait.ge [sflag:s26], $0x2800  }
0x5a: {  	[sflag:s26] =	ssyncset.done $0x0  }
0x5b: {  	s4 =	simm.s32 $0x80;
	[sflag:s26] =	ssyncadd.s32 $0xFFFFD800  }
0x5c: {  	[spmem:s2] =	stream.indirect.scatter.add.f32 [tilespmem:s23], [sflag:$0x4], $0x80, s4, s25, $0xb8;
	[tilespmem:$0x1C880] =	vst v63  }
0x5d: {  	_ =	swait.ge [sflag:s28], $0x2800  }
0x5e: {  	[sflag:s28] =	ssyncset.done $0x0  }
0x5f: {  	s4 =	sadd.s32 $0xFFFFFB00, s0;
	[sflag:s28] =	ssyncadd.s32 $0xFFFFD800  }
0x60: {  	[tilespmem:s22], [sflag:$0x1] =	stream.linear.gather [hbm4b:s4+s3], $0x2800, $0x38;
	[tilespmem:$0x1C880] =	vst v63  }
0x61: {  	_ =	swait.ge [sflag:s29], $0x2800  }
0x62: {  	s30 =	simm.s32 $0x400;
	[sflag:s29] =	ssyncset.done $0x0  }
0x63: {  	s31 =	sadd.s32 $0xA00, s0;
	s20 =	smov.u32 s0;
	[sflag:s29] =	ssyncadd.s32 $0xFFFFD800  }
.LBB2_4:
0x64: {  	[tilespmem:s23], [sflag:$0x2] =	stream.linear.gather [hbm4b:s20+s3], $0x2800, $0x38;
	[tilespmem:$0x1C880] =	vst v63  }
0x65: {  	s4 =	smov.u32 s30;
	s20 =	smov.u32 s31  }
0x66: {  	p1 =	sne.s32 s30, $0xF000;
	s30 =	sadd.s32 $0x400, s30;
	_ =	swait.ge [sflag:s24], $0x2800  }
0x67: {  	[sflag:s24] =	ssyncset.done $0x0  }
0x68: {  	s4 =	sshra.s32 s4, $0x2;
	[sflag:s24] =	ssyncadd.s32 $0xFFFFD800  }
0x69: {  	[spmem:s2] =	stream.indirect.scatter.add.f32 [tilespmem:s22], [sflag:$0x3], $0x80, s4, s25, $0xb8;
	[tilespmem:$0x1C880] =	vst v63  }
0x6a: {  	_ =	swait.ge [sflag:s26], $0x2800  }
0x6b: {  	[sflag:s26] =	ssyncset.done $0x0  }
0x6c: {  	s4 =	sadd.s32 $0x80, s4;
	[sflag:s26] =	ssyncadd.s32 $0xFFFFD800  }
0x6d: {  	[spmem:s2] =	stream.indirect.scatter.add.f32 [tilespmem:s23], [sflag:$0x4], $0x80, s4, s25, $0xb8;
	[tilespmem:$0x1C880] =	vst v63  }
0x6e: {  	_ =	swait.ge [sflag:s28], $0x2800  }
0x6f: {  	[sflag:s28] =	ssyncset.done $0x0  }
.Ltmp1:
0x70: {  	s4 =	sadd.s32 $0xFFFFFB00, s31;
	[sflag:s28] =	ssyncadd.s32 $0xFFFFD800;
	(pc) =	sbr.rel @p1 .LBB2_4-.Ltmp1, $4  }
0x71: {  	[tilespmem:s22], [sflag:$0x1] =	stream.linear.gather [hbm4b:s4+s3], $0x2800, $0x38;
	[tilespmem:$0x1C880] =	vst v63  }
0x72: {  	_ =	swait.ge [sflag:s29], $0x2800  }
0x73: {  	[sflag:s29] =	ssyncset.done $0x0  }
0x74: {  	s31 =	sadd.s32 $0xA00, s31;
	[sflag:s29] =	ssyncadd.s32 $0xFFFFD800  }
0x75: {  	[tilespmem:s23], [sflag:$0x2] =	stream.linear.gather [hbm4b:s20+s3], $0x2800, $0x38;
	[tilespmem:$0x1C880] =	vst v63  }
0x76: {  	_ =	swait.ge [sflag:s24], $0x2800  }
0x77: {  	[sflag:s24] =	ssyncset.done $0x0  }
0x78: {  	s4 =	simm.s32 $0x3D00;
	[sflag:s24] =	ssyncadd.s32 $0xFFFFD800  }
0x79: {  	[spmem:s2] =	stream.indirect.scatter.add.f32 [tilespmem:s22], [sflag:$0x3], $0x80, s4, s25, $0xb8;
	[tilespmem:$0x1C880] =	vst v63  }
0x7a: {  	_ =	swait.ge [sflag:s26], $0x2800  }
0x7b: {  	[sflag:s26] =	ssyncset.done $0x0  }
0x7c: {  	s31 =	simm.s32 $0x3D80;
	[sflag:s26] =	ssyncadd.s32 $0xFFFFD800  }
0x7d: {  	[spmem:s2] =	stream.indirect.scatter.add.f32 [tilespmem:s23], [sflag:$0x4], $0x80, s31, s25, $0xb8;
	[tilespmem:$0x1C880] =	vst v63  }
0x7e: {  	_ =	swait.ge [sflag:s28], $0x2800  }
0x7f: {  	[sflag:s28] =	ssyncset.done $0x0  }
0x80: {  	[sflag:s28] =	ssyncadd.s32 $0xFFFFD800  }
0x81: {  	[tilespmem:s22], [sflag:$0x1] =	stream.linear.gather [hbm4b:s16+s3], $0x2800, $0x38;
	[tilespmem:$0x1C880] =	vst v63  }
0x82: {  	_ =	swait.ge [sflag:s29], $0x2800  }
0x83: {  	[sflag:s29] =	ssyncset.done $0x0  }
0x84: {  	[sflag:s29] =	ssyncadd.s32 $0xFFFFD800  }
0x85: {  	_ =	swait.ge [sflag:s24], $0x2800  }
0x86: {  	[sflag:s24] =	ssyncset.done $0x0  }
0x87: {  	s20 =	simm.s32 $0x3E00;
	[sflag:s24] =	ssyncadd.s32 $0xFFFFD800  }
0x88: {  	[spmem:s2] =	stream.indirect.scatter.add.f32 [tilespmem:s22], [sflag:$0x3], $0x80, s20, s25, $0xb8;
	[tilespmem:$0x1C880] =	vst v63  }
0x89: {  	_ =	swait.ge [sflag:s28], $0x2800  }
0x8a: {  	s30 =	stileid.u32;
	[sflag:s28] =	ssyncset.done $0x0  }
0x8b: {  	s4 =	sshll.u32 s30, $0x6;
	[sflag:s28] =	ssyncadd.s32 $0xFFFFD800  }
0x8c: {  	s4 =	sor.u32 $0x1C05, s4;
	s31 =	sshrl.u32 s5, $0x3;
	[bflag:$0x0] =	sbarrier.arrive $0xFFFF  }
0x8d: {  	[hbm:s17], [sflag:s4] =	dma.local [spmem:s31], $0x2700  }
0x8e: {  	_ =	swait.ge [sflag:s21], $0x2700  }
0x8f: {  	s1 =	sadd.s32 $0x1, s1;
	[sflag:s21] =	ssyncset.done $0x0  }
0x90: {  	p1 =	sne.s32 s1, s19;
	s20 =	sshrl.u32 @!p0 s13, $0x3;
	[sflag:s21] =	ssyncadd.s32 $0xFFFFD900  }
0x91: {  	[hbm:s18], [sflag:s4] =	dma.local @!p0 [spmem:s20], $0x100  }
.Ltmp2:
0x92: {  	_ = 	snop;
	(pc) =	sbr.rel @p1 .LBB2_1-.Ltmp2, $4  }
0x93: {  	s4 =	simm.s32 @!p0 $0x5  }
0x94: {  	_ =	swait.ge @!p0 [sflag:s4], $0x100  }
0x95: {  	[sflag:s4] =	ssyncset.done @!p0 $0x0  }
0x96: {  	[sflag:s4] =	ssyncadd.s32 @!p0 $0xFFFFFF00  }
0x97: {  	_ =	sfence.sel $0x180000  }
0x98: {  	[bflag:$0x0] =	sbarrier.arrive $0xFFFF  }
0x99: {  	_ =	strace $0x9000004A  }
0x9a: {  	s0 =	stileid.u32;
	[bflag:$0x2] =	sbarrier.arrive $0xFFFF  }
0x9b: {  	p0 =	sne.s32 s0, $0x0;
	s0 =	rddreg [dreg:$0x3]  }
0x9c: {  	s0 =	sadd.s32 @!p0 $0x100000, s0  }
0x9d: {  	[sflag:s0] =	ssyncadd.tile.s32 @!p0 $0x1;
	_ =	shalt  }
.Lfunc_end2:
_tile_overlayer_lowered:
.L_overlay_start_2:
0x9e: {  	(tag) =	ssettag $0x2  }
0x9f: {  	s0 =	rddreg [dreg:$0x0];
	s2 =	stileid.u32  }
0xa0: {  	s1 =	rddreg [dreg:$0x1];
	p0 =	sne.s32 s2, $0x0  }
0xa1: {  	s3 =	rddreg [dreg:$0x2];
	[bflag:$0x3] =	sbarrier.arrive $0xFFFF;
	s2 =	simm.s32 @!p0 $0x1C05  }
0xa2: {  	[timem:s3], [sflag:s2] =	dma.local @!p0 [hbm:s0], s1  }
0xa3: {  	s0 =	simm.s32 @!p0 $0x5  }
0xa4: {  	_ =	swait.ge @!p0 [sflag:s0], s1  }
0xa5: {  	s1 =	ssub.s32 @!p0 $0x0, s1;
	[sflag:s0] =	ssyncset.done @!p0 $0x0  }
0xa6: {  	[sflag:s0] =	ssyncadd.s32 @!p0 s1  }
0xa7: {  	[bflag:$0x3] =	sbarrier.arrive $0xFFFF  }
0xa8: {  	_ =	shalt  }

// kernel: kernel.7.cloned.1.call-start
scs
__scs_entry_jumppad:
0x0: {  	(pc) =	sbr.rel $0x88, $3  }
0x1: {  	(tag) =	ssettag $0x0;
	lr =	simm.s32 $0x1  }
0x2: {  	[smem:$0x3F8E] =	sst lr;
	_ =	strace $0xD0000000  }
0x3: {  	_ = 	snop  }
0x4: {  	_ = 	snop  }
0x5: {  	_ = 	snop  }
0x6: {  	_ = 	snop  }
0x7: {  	_ = 	snop  }
__scs_overlays_trampoline_lowered:
0x8: {  	[smem:$0x3F9D] =	sst s0  }
0x9: {  	[smem:$0x3F9E] =	sst s1  }
0xa: {  	[smem:$0x3F9F] =	sst s2  }
0xb: {  	[smem:$0x3FA0] =	sst s3  }
0xc: {  	[smem:$0x3FA1] =	sst s4  }
0xd: {  	[smem:$0x3FA2] =	sst s5  }
0xe: {  	[smem:$0x3FA3] =	sst s6  }
0xf: {  	[smem:$0x3FA4] =	sst s7  }
0x10: {  	[smem:$0x3FA5] =	sst s8  }
0x11: {  	[smem:$0x3FA6] =	sst s9;
	s0 =	simm.s32 @!p0 $0x0  }
0x12: {  	s1 =	sld [smem:$0x3F8C];
	s0 =	simm.s32 @p0 $0x1  }
0x13: {  	[smem:$0x3FA7] =	sst s0;
	s0 =	simm.s32 @!p1 $0x0  }
0x14: {  	s2 =	sld [smem:$0x3F8B];
	s0 =	simm.s32 @p1 $0x1  }
0x15: {  	[smem:$0x3FA8] =	sst s0;
	s0 =	simm.s32 @!p2 $0x0  }
0x16: {  	s3 =	sld [smem:$0x3FDB];
	s0 =	simm.s32 @p2 $0x1  }
0x17: {  	s4 =	simm.s32 $0x1BF5;
	[smem:$0x3FAA] =	sst s0  }
0x18: {  	s0 =	sld [smem:$0x3F8D];
	_ =	swait.ge [sflag:s4], $0x0  }
0x19: {  	s7 =	sld [smem:$0x3F8E]  }
0x1a: {  	s8 =	sadd.s32 $0xFFFFE003, lr  }
0x1b: {  	s9 =	sadd.s32 $0xFFFFFEF7, lr;
	s5 =	simm.s32 $0xFFFFFFFF;
	p2 =	slt.u32 s8, $0xFFFFF086  }
0x1c: {  	p1 =	slt.u32 s9, $0xF7A;
	s5 =	simm.s32 @!p2 $0x0  }
0x1d: {  	s5 =	simm.s32 @p1 $0x1;
	p0 =	seq.s32 s7, s2  }
0x1e: {  	s7 =	smul.u32 @!p0 $0xF7A, s2;
	p2 =	seq.s32 @!p0 s5, $0x0  }
0x1f: {  	s9 =	smul.u32 $0xF7A, s1;
	s8 =	simm.s32 @!p0 $0x1BF5;
	p2 =	por !p2, p0  }
0x20: {  	[sflag:s8] =	ssyncset.s32 @!p0 $0xFFFFF086;
	s6 =	sadd.s32 @!p0 s3, s7;
	s7 =	simm.s32 @!p0 $0x108  }
0x21: {  	s3 =	sadd.s32 s3, s9;
	s6 =	sadd.s32 @!p0 $0x88, s6;
	s7 =	simm.s32 @p2 $0x1082  }
0x22: {  	[simem:s7], [sflag:s8] =	dma.local @!p0 [hbm:s6], $0xF7A  }
0x23: {  	s9 =	sor.u32 $0xD0000000, s2;
	s6 =	simm.s32 $0x108;
	_ =	swait.ge @!p0 [sflag:s8], $0x0  }
0x24: {  	s3 =	sadd.s32 $0x88, s3;
	s6 =	simm.s32 @!p1 $0x1082;
	[sflag:s4] =	ssyncset.s32 $0xFFFFF086  }
0x25: {  	[simem:s6], [sflag:s4] =	dma.local [hbm:s3], $0xF7A  }
0x26: {  	[smem:$0x3F8E] =	sst s1;
	(tag) =	ssettag s2;
	_ =	strace s9  }
0x27: {  	s1 =	sld [smem:$0x3F9E]  }
0x28: {  	s2 =	sld [smem:$0x3F9F]  }
0x29: {  	s4 =	sld [smem:$0x3FA1]  }
0x2a: {  	p0 =	seq.s32 s5, $0x0;
	s5 =	sld [smem:$0x3FA2]  }
0x2b: {  	s6 =	sld [smem:$0x3FA3]  }
0x2c: {  	s7 =	sld [smem:$0x3FA4]  }
0x2d: {  	s3 =	simm.s32 $0x108;
	s8 =	sld [smem:$0x3FA5]  }
0x2e: {  	s3 =	simm.s32 @!p0 $0x1082;
	s9 =	sld [smem:$0x3FA6]  }
0x2f: {  	lr =	sadd.s32 s0, s3;
	s0 =	sld [smem:$0x3F9D]  }
0x30: {  	s3 =	sld [smem:$0x3FA0]  }
0x31: {  	[smem:$0x3FA9] =	sst s10  }
0x32: {  	s10 =	sld [smem:$0x3FA7];
	_ =	sdelay $0x3  }
0x33: {  	p0 =	seq.s32 s10, $0x1;
	s10 =	sld [smem:$0x3FA9];
	_ =	sdelay $0x3  }
0x34: {  	[smem:$0x3FA9] =	sst s10  }
0x35: {  	s10 =	sld [smem:$0x3FA8];
	_ =	sdelay $0x3  }
0x36: {  	p1 =	seq.s32 s10, $0x1;
	s10 =	sld [smem:$0x3FA9];
	_ =	sdelay $0x3  }
0x37: {  	[smem:$0x3FA9] =	sst s10  }
0x38: {  	s10 =	sld [smem:$0x3FAA]  }
0x39: {  	_ = 	snop;
	(pc) =	sbr.ind lr, $3  }
0x3a: {  	_ = 	snop  }
0x3b: {  	_ = 	snop  }
0x3c: {  	p2 =	seq.s32 s10, $0x1;
	s10 =	sld [smem:$0x3FA9]  }
0x3d: {  	_ =	shalt  }
0x3e: {  	_ =	shalt  }
0x3f: {  	_ =	shalt  }
0x40: {  	_ =	shalt  }
0x41: {  	_ =	shalt  }
0x42: {  	_ =	shalt  }
0x43: {  	_ =	shalt  }
0x44: {  	_ =	shalt  }
0x45: {  	_ =	shalt  }
0x46: {  	_ =	shalt  }
0x47: {  	_ =	shalt  }
0x48: {  	_ =	shalt  }
0x49: {  	_ =	shalt  }
0x4a: {  	_ =	shalt  }
0x4b: {  	_ =	shalt  }
0x4c: {  	_ =	shalt  }
0x4d: {  	_ =	shalt  }
0x4e: {  	_ =	shalt  }
0x4f: {  	_ =	shalt  }
0x50: {  	_ =	shalt  }
0x51: {  	_ =	shalt  }
0x52: {  	_ =	shalt  }
0x53: {  	_ =	shalt  }
0x54: {  	_ =	shalt  }
0x55: {  	_ =	shalt  }
0x56: {  	_ =	shalt  }
0x57: {  	_ =	shalt  }
0x58: {  	_ =	shalt  }
0x59: {  	_ =	shalt  }
0x5a: {  	_ =	shalt  }
0x5b: {  	_ =	shalt  }
0x5c: {  	_ =	shalt  }
0x5d: {  	_ =	shalt  }
0x5e: {  	_ =	shalt  }
0x5f: {  	_ =	shalt  }
0x60: {  	_ =	shalt  }
0x61: {  	_ =	shalt  }
0x62: {  	_ =	shalt  }
0x63: {  	_ =	shalt  }
0x64: {  	_ =	shalt  }
0x65: {  	_ =	shalt  }
0x66: {  	_ =	shalt  }
0x67: {  	_ =	shalt  }
0x68: {  	_ =	shalt  }
0x69: {  	_ =	shalt  }
0x6a: {  	_ =	shalt  }
0x6b: {  	_ =	shalt  }
0x6c: {  	_ =	shalt  }
0x6d: {  	_ =	shalt  }
0x6e: {  	_ =	shalt  }
0x6f: {  	_ =	shalt  }
0x70: {  	_ =	shalt  }
0x71: {  	_ =	shalt  }
0x72: {  	_ =	shalt  }
0x73: {  	_ =	shalt  }
0x74: {  	_ =	shalt  }
0x75: {  	_ =	shalt  }
0x76: {  	_ =	shalt  }
0x77: {  	_ =	shalt  }
0x78: {  	_ =	shalt  }
0x79: {  	_ =	shalt  }
0x7a: {  	_ =	shalt  }
0x7b: {  	_ =	shalt  }
0x7c: {  	_ =	shalt  }
0x7d: {  	_ =	shalt  }
0x7e: {  	_ =	shalt  }
0x7f: {  	_ =	shalt  }
0x80: {  	_ =	shalt  }
0x81: {  	_ =	shalt  }
0x82: {  	_ =	shalt  }
0x83: {  	_ =	shalt  }
0x84: {  	_ =	shalt  }
0x85: {  	_ =	shalt  }
0x86: {  	_ =	shalt  }
0x87: {  	_ =	shalt  }
.Lfunc_end0:
.L_simem_size_0:
called_computation_lowered:
.L_overlay_start_0:
0x88: {  	s2 =	sld [smem:$0x3FD9]  }
0x89: {  	s3 =	sld [smem:$0x3FFE];
	_ =	sdelay $0x1  }
0x8a: {  	s1 =	srdreg.scid  }
0x8b: {  	s0 =	sand.u32 $0x1, s1  }
0x8c: {  	s14 =	sshll.u32 s0, $0xA;
	s2 =	sadd.s32 s3, s2  }
0x8d: {  	s2 =	sadd.s32 s2, s14  }
0x8e: {  	[smem:$0x3FB5] =	sst s2  }
0x8f: {  	_ = 	snop  }
0x90: {  	s2 =	sld [smem:$0x3FD0];
	_ =	sdelay $0x2  }
0x91: {  	s15 =	simm.s32 $0xA;
	s4 =	simm.s32 $0x10  }
0x92: {  	[smem:s4], [sflag:s15] =	dma.local [hbm:s2], $0x1  }
0x93: {  	_ =	swait.eq [sflag:s15], $0x1  }
0x94: {  	[sflag:s15] =	ssyncset.done $0x0  }
0x95: {  	[sflag:s15] =	ssyncadd.s32 $0xFFFFFFFF  }
0x96: {  	s16 =	sld [smem:$0x11];
	(tm) =	ssettm $0x1  }
0x97: {  	s17 =	sld [smem:$0x3FFB];
	_ =	sdelay $0x3  }
0x98: {  	_ =	strace s17  }
0x99: {  	s3 =	sld [smem:$0x3FFC];
	_ =	sdelay $0x3  }
0x9a: {  	_ =	strace s3  }
0x9b: {  	s3 =	sld [smem:$0x3FFD];
	_ =	sdelay $0x3  }
0x9c: {  	_ =	strace s3  }
0x9d: {  	_ =	strace $0x8FFFFFFF  }
0x9e: {  	s18 =	sld [smem:$0x3FDB];
	_ =	sdelay $0x1  }
0x9f: {  	s19 =	simm.s32 $_scs_section_size  }
0xa0: {  	s5 =	simm.s32 $_size__tile_overlayer_lowered;
	s6 =	simm.s32 $_tile_overlayer_lowered  }
0xa1: {  	s22 =	simm.s32 $0x1BFF;
	s21 =	sshll.u32 s6, $0x1;
	s3 =	sadd.s32 s19, s18  }
0xa2: {  	s7 =	simm.s32 $0x0;
	s20 =	sshll.u32 s5, $0x1;
	s5 =	sadd.s32 s21, s3  }
0xa3: {  	[timem:s7], [sflag:s22] =	dma.local [hbm:s5], s20  }
0xa4: {  	_ =	swait.ge [sflag:s22], s20  }
0xa5: {  	s4 =	ssub.s32 $0x0, s20;
	[sflag:s22] =	ssyncset.done $0x0  }
0xa6: {  	[sflag:s22] =	ssyncadd.s32 s4;
	_ =	sdelay $0x1  }
0xa7: {  	s23 =	simm.s32 $0x1B8B  }
0xa8: {  	_ =	swait.ge [sflag:s23], $0x1  }
0xa9: {  	[sflag:s23] =	ssyncset.done $0x0  }
0xaa: {  	s25 =	simm.s32 $0x1B8E;
	s24 =	sld [smem:$0x3FFE];
	[sflag:s23] =	ssyncadd.s32 $0xFFFFFFFF  }
0xab: {  	s26 =	simm.s32 $execute0_lowered;
	[smem:$0x3FD2] =	sst s25  }
0xac: {  	s5 =	sshll.u32 s26, $0x1;
	_ =	strace $0x80000046;
	[dreg:$0x1] =	wrdreg $0xFFFFFFFF  }
0xad: {  	s28 =	simm.s32 $_size_execute0_lowered;
	s3 =	sadd.s32 s3, s5;
	[dreg:$0x0] =	wrdreg $0x0  }
0xae: {  	s5 =	sshll.u32 s28, $0x1;
	[dreg:$0x2] =	wrdreg s3  }
0xaf: {  	[dreg:$0x3] =	wrdreg s5  }
0xb0: {  	[dreg:$0x4] =	wrdreg $0xC0  }
0xb1: {  	_ =	task [dreg:s7], $0x5FFFF  }
0xb2: {  	[dreg:$0x1] =	wrdreg $0xFFFFFFFF  }
0xb3: {  	[dreg:$0x0] =	wrdreg $0x60  }
0xb4: {  	[dreg:$0x2] =	wrdreg s16  }
0xb5: {  	[dreg:$0x3] =	wrdreg s24  }
0xb6: {  	[dreg:$0x4] =	wrdreg $0x9  }
0xb7: {  	_ =	task.clear_ibuf [dreg:s7], $0x5FFFF;
	_ =	strace $0x90000046  }
0xb8: {  	s29 =	simm.s32 $0x9;
	_ =	strace $0x80000048  }
0xb9: {  	_ =	swait.ge [sflag:s29], $0x1  }
0xba: {  	[sflag:s29] =	ssyncadd.s32 $0xFFFFFFFF  }
0xbb: {  	_ =	strace $0x90000048  }
0xbc: {  	_ =	sfence  }
0xbd: {  	s30 =	sld [smem:$0x0];
	_ =	sdelay $0x2  }
0xbe: {  	s31 =	sshll.u32 s1, $0xD;
	s1 =	sshrl.u32 s1, $0x2  }
0xbf: {  	s3 =	sand.u32 $0x4000, s31;
	s1 =	sadd.s32 s1, s30  }
0xc0: {  	s0 =	sor.u32 s3, s0;
	s1 =	sshll.u32 s1, $0x11  }
0xc1: {  	s0 =	sor.u32 s1, s0  }
0xc2: {  	s0 =	sadd.s32 $0x8F2B, s0  }
0xc3: {  	[sflag:s0] =	ssyncadd.remote.s32 $0x1  }
0xc4: {  	_ =	sfence.sel $0xFFFF  }
0xc5: {  	[dreg:$0x0] =	wrdreg $0xFFFFFFFF;
	(pc) =	sbr.abs _section_cstart, $3  }
0xc6: {  	[dreg:$0x1] =	wrdreg $0xFFFFFFFF  }
0xc7: {  	_ =	task.clear_ibuf [dreg:s7], $0x2FFFF;
	_ =	strace $0x9FFFFFFF  }
0xc8: {  	(tm) =	ssettm $0x7FFFFFFF  }
0xc9: {  	_ =	shalt  }
tec
execute0_lowered:
.L_overlay_start_1:
0x0: {  	(tag) =	ssettag $0x1  }
0x1: {  	s2 =	rddreg [dreg:$0x0];
	s0 =	srdreg.scid  }
0x2: {  	s3 =	stileid.u32;
	s1 =	rddreg [dreg:$0x1]  }
0x3: {  	s14 =	simm.s32 $0xA;
	s16 =	simm.s32 $0x50;
	s17 =	simm.s32 $0x4F00  }
0x4: {  	s18 =	simm.s32 $0xC700;
	s19 =	simm.s32 $0x7700;
	s21 =	simm.s32 $0xEF00  }
0x5: {  	s28 =	simm.s32 $0x4;
	s29 =	simm.s32 $0x2;
	s30 =	simm.s32 $0x5  }
0x6: {  	s31 =	simm.s32 $0x3;
	s0 =	sand.u32 $0x1, s0;
	s4 =	sshll.u32 s3, $0x1  }
0x7: {  	s20 =	simm.s32 $0x8;
	s22 =	simm.s32 $0x9;
	s5 =	sor.u32 s0, s4  }
0x8: {  	s3 =	simm.s32 $0x0;
	s0 =	ssub.s32 $0x2, s0;
	s4 =	smul.u32 $0x2710, s5  }
0x9: {  	[smem:$0x7FF] =	sst s3;
	s7 =	smul.u32 $0x138800, s5;
	s9 =	sshrl.u32 s0, $0x1  }
0xa: {  	_ =	strace $0x80000047;
	s5 =	sadd.s32 $0x17200, s1;
	s0 =	ssub.s32 s0, s9  }
0xb: {  	s6 =	sshrl.u32 s4, $0x3;
	s23 =	sshrl.u32 s7, $0x3;
	s9 =	sadd.s32 $0x50, s4  }
0xc: {  	s10 =	sadd.s32 $0xA0, s4;
	s13 =	smax.u32 s0, $0x1;
	s8 =	sadd.s32 s6, s1  }
0xd: {  	s0 =	simm.s32 $0x7;
	s6 =	sadd.s32 $0x3E400, s1;
	s24 =	sadd.s32 $0xD400, s8  }
0xe: {  	s25 =	sadd.s32 $0x3600, s8;
	s1 =	sadd.s32 s6, s23;
	[dreg:$0x3] =	wrdreg s24  }
0xf: {  	s23 =	simm.s32 $0x9F00;
	[dreg:$0x4] =	wrdreg s25;
	s26 =	sadd.s32 $0x26700, s1  }
0x10: {  	s12 =	sadd.s32 $0x26C00, s1;
	s25 =	simm.s32 $0x11700;
	s1 =	simm.s32 $0x6  }
0x11: {  	s24 =	simm.s32 $0x0;
	[dreg:$0x5] =	wrdreg s26;
	s26 =	simm.s32 $0x1  }
.LBB2_1:
0x12: {  	s7 =	rddreg [dreg:$0x3]  }
0x13: {  	[tilespmem:s3], [sflag:$0xA] =	stream.linear.gather [hbm4b:s7+s3], $0x2710, $0x38;
	[tilespmem:$0x13F00] =	vst v63  }
0x14: {  	_ =	swait.ge [sflag:s14], $0x2710  }
0x15: {  	[sflag:s14] =	ssyncset.done $0x0  }
0x16: {  	s8 =	simm.s32 $0x2780;
	s15 =	rddreg [dreg:$0x4];
	[sflag:s14] =	ssyncadd.s32 $0xFFFFD8F0  }
0x17: {  	[tilespmem:s8], [sflag:$0xA] =	stream.linear.gather [hbm4b:s15+s3], $0x2710, $0x38;
	[tilespmem:$0x13F00] =	vst v63  }
0x18: {  	_ =	swait.ge [sflag:s14], $0x2710  }
0x19: {  	[sflag:s14] =	ssyncset.done $0x0  }
0x1a: {  	[sflag:s14] =	ssyncadd.s32 $0xFFFFD8F0  }
0x1b: {  	[tilespmem:s17], [sflag:$0x1] =	stream.indirect.gather [hbm4b:s2+s16], $0x80, s3, s16, $0xb8;
	[tilespmem:$0x13F00] =	vst v63  }
0x1c: {  	_ = 	snop  }
0x1d: {  	[tilespmem:s18], [sflag:$0x4] =	stream.indirect.gather [hbm4b:s5+s16], $0x80, s8, s16, $0xb8;
	[tilespmem:$0x13F00] =	vst v63  }
0x1e: {  	_ = 	snop  }
0x1f: {  	[tilespmem:s19], [sflag:$0x2] =	stream.indirect.gather [hbm4b:s2+s16], $0x80, s16, s16, $0xb8;
	[tilespmem:$0x13F00] =	vst v63  }
0x20: {  	s8 =	simm.s32 $0x27D0  }
0x21: {  	[tilespmem:s21], [sflag:$0x5] =	stream.indirect.gather [hbm4b:s5+s16], $0x80, s8, s16, $0xb8;
	[tilespmem:$0x13F00] =	vst v63  }
0x22: {  	s11 =	simm.s32 $0xA0  }
0x23: {  	[tilespmem:s23], [sflag:$0x3] =	stream.indirect.gather [hbm4b:s2+s16], $0x80, s11, s16, $0xb8;
	[tilespmem:$0x13F00] =	vst v63  }
0x24: {  	s15 =	simm.s32 $0x2820  }
0x25: {  	[tilespmem:s25], [sflag:$0x6] =	stream.indirect.gather [hbm4b:s5+s16], $0x80, s15, s16, $0xb8;
	[tilespmem:$0x13F00] =	vst v63  }
0x26: {  	s15 =	simm.s32 $0x0  }
.LBB2_2:
0x27: {  	_ =	swait.ge [sflag:s26], $0x2800  }
0x28: {  	[sflag:s26] =	ssyncset.done $0x0  }
0x29: {  	[sflag:s26] =	ssyncadd.s32 $0xFFFFD800  }
0x2a: {  	_ =	swait.ge [sflag:s28], $0x2800  }
0x2b: {  	[sflag:s28] =	ssyncset.done $0x0  }
0x2c: {  	s8 =	simm.s32 $0x0;
	s7 =	simm.s32 $0x400;
	[sflag:s28] =	ssyncadd.s32 $0xFFFFD800  }
.LBB2_3:
0x2d: {  	p0 =	sne.s32 s7, $0x9C00;
	v0 =	vld [tilespmem:s8+$0xC7F0]  }
0x2e: {  	v1 =	vld [tilespmem:s8+$0xC700]  }
0x2f: {  	v2 =	vld [tilespmem:s8+$0xC710]  }
0x30: {  	v3 =	vld [tilespmem:s8+$0xC720]  }
0x31: {  	v4 =	vld [tilespmem:s8+$0xC730]  }
0x32: {  	[tilespmem:s8+$0x4FF0] =	vst.add.f32.msk $0xffff, v0  }
0x33: {  	v0 =	vld [tilespmem:s8+$0xC740]  }
0x34: {  	v5 =	vld [tilespmem:s8+$0xC750]  }
0x35: {  	v6 =	vld [tilespmem:s8+$0xC760]  }
0x36: {  	v7 =	vld [tilespmem:s8+$0xC770]  }
0x37: {  	v8 =	vld [tilespmem:s8+$0xC780]  }
0x38: {  	v9 =	vld [tilespmem:s8+$0xC790]  }
0x39: {  	v10 =	vld [tilespmem:s8+$0xC7A0]  }
0x3a: {  	v11 =	vld [tilespmem:s8+$0xC7B0]  }
0x3b: {  	v12 =	vld [tilespmem:s8+$0xC7C0]  }
0x3c: {  	v13 =	vld [tilespmem:s8+$0xC7D0]  }
0x3d: {  	v14 =	vld [tilespmem:s8+$0xC7E0]  }
0x3e: {  	[tilespmem:s8+$0x4F00] =	vst.add.f32.msk $0xffff, v1  }
0x3f: {  	[tilespmem:s8+$0x4F10] =	vst.add.f32.msk $0xffff, v2  }
0x40: {  	[tilespmem:s8+$0x4F20] =	vst.add.f32.msk $0xffff, v3  }
0x41: {  	[tilespmem:s8+$0x4F30] =	vst.add.f32.msk $0xffff, v4  }
0x42: {  	[tilespmem:s8+$0x4F40] =	vst.add.f32.msk $0xffff, v0  }
0x43: {  	[tilespmem:s8+$0x4F50] =	vst.add.f32.msk $0xffff, v5  }
0x44: {  	[tilespmem:s8+$0x4F60] =	vst.add.f32.msk $0xffff, v6  }
0x45: {  	[tilespmem:s8+$0x4F70] =	vst.add.f32.msk $0xffff, v7  }
0x46: {  	[tilespmem:s8+$0x4F80] =	vst.add.f32.msk $0xffff, v8  }
0x47: {  	[tilespmem:s8+$0x4F90] =	vst.add.f32.msk $0xffff, v9  }
.Ltmp0:
0x48: {  	[tilespmem:s8+$0x4FA0] =	vst.add.f32.msk $0xffff, v10;
	(pc) =	sbr.rel @p0 .LBB2_3-.Ltmp0, $4  }
0x49: {  	[tilespmem:s8+$0x4FB0] =	vst.add.f32.msk $0xffff, v11  }
0x4a: {  	[tilespmem:s8+$0x4FC0] =	vst.add.f32.msk $0xffff, v12  }
0x4b: {  	[tilespmem:s8+$0x4FD0] =	vst.add.f32.msk $0xffff, v13  }
0x4c: {  	[tilespmem:s8+$0x4FE0] =	vst.add.f32.msk $0xffff, v14;
	s8 =	sshra.s32 s7, $0x2;
	s7 =	sadd.s32 $0x400, s7  }
0x4d: {  	v0 =	vld [tilespmem:s8+$0xC7F0]  }
0x4e: {  	v1 =	vld [tilespmem:s8+$0xC700]  }
0x4f: {  	v2 =	vld [tilespmem:s8+$0xC710]  }
0x50: {  	v3 =	vld [tilespmem:s8+$0xC720]  }
0x51: {  	v4 =	vld [tilespmem:s8+$0xC730]  }
0x52: {  	v63 =	vld [tilespmem:s8+$0xC740]  }
0x53: {  	v5 =	vld [tilespmem:s8+$0xC750]  }
0x54: {  	v6 =	vld [tilespmem:s8+$0xC760]  }
0x55: {  	v7 =	vld [tilespmem:s8+$0xC770]  }
0x56: {  	v8 =	vld [tilespmem:s8+$0xC780]  }
0x57: {  	v9 =	vld [tilespmem:s8+$0xC790]  }
0x58: {  	v10 =	vld [tilespmem:s8+$0xC7A0]  }
0x59: {  	v11 =	vld [tilespmem:s8+$0xC7B0]  }
0x5a: {  	v12 =	vld [tilespmem:s8+$0xC7C0]  }
0x5b: {  	v13 =	vld [tilespmem:s8+$0xC7D0]  }
0x5c: {  	v14 =	vld [tilespmem:s8+$0xC7E0]  }
0x5d: {  	[tilespmem:s8+$0x4FF0] =	vst.add.f32.msk $0xffff, v0  }
0x5e: {  	[tilespmem:s8+$0x4F00] =	vst.add.f32.msk $0xffff, v1  }
0x5f: {  	[tilespmem:s8+$0x4F10] =	vst.add.f32.msk $0xffff, v2  }
0x60: {  	[tilespmem:s8+$0x4F20] =	vst.add.f32.msk $0xffff, v3  }
0x61: {  	[tilespmem:s8+$0x4F30] =	vst.add.f32.msk $0xffff, v4  }
0x62: {  	[tilespmem:s8+$0x4F40] =	vst.add.f32.msk $0xffff, v63  }
0x63: {  	[tilespmem:s8+$0x4F50] =	vst.add.f32.msk $0xffff, v5  }
0x64: {  	[tilespmem:s8+$0x4F60] =	vst.add.f32.msk $0xffff, v6  }
0x65: {  	[tilespmem:s8+$0x4F70] =	vst.add.f32.msk $0xffff, v7  }
0x66: {  	[tilespmem:s8+$0x4F80] =	vst.add.f32.msk $0xffff, v8  }
0x67: {  	[tilespmem:s8+$0x4F90] =	vst.add.f32.msk $0xffff, v9  }
0x68: {  	s7 =	smul.u32 $0xF0, s15;
	[tilespmem:s8+$0x4FA0] =	vst.add.f32.msk $0xffff, v10  }
0x69: {  	[tilespmem:s8+$0x4FB0] =	vst.add.f32.msk $0xffff, v11  }
0x6a: {  	s11 =	sadd.s32 s4, s7;
	[tilespmem:s8+$0x4FC0] =	vst.add.f32.msk $0xffff, v12  }
0x6b: {  	s11 =	sshll.u32 s11, $0x4;
	[tilespmem:s8+$0x4FD0] =	vst.add.f32.msk $0xffff, v13  }
0x6c: {  	[tilespmem:s8+$0x4FE0] =	vst.add.f32.msk $0xffff, v14;
	s8 =	sadd.s32 s6, s11;
	s11 =	simm.s32 $0x0  }
0x6d: {  	[hbm4b:s8+s11] =	stream.linear.scatter [tilespmem:s17], [sflag:$0x7], $0x2800, $0x38;
	[tilespmem:$0x13F00] =	vst v63  }
0x6e: {  	_ =	swait.ge [sflag:s29], $0x2800  }
0x6f: {  	[sflag:s29] =	ssyncset.done $0x0  }
0x70: {  	[sflag:s29] =	ssyncadd.s32 $0xFFFFD800  }
0x71: {  	_ =	swait.ge [sflag:s30], $0x2800  }
0x72: {  	[sflag:s30] =	ssyncset.done $0x0  }
0x73: {  	s8 =	simm.s32 $0x0;
	s11 =	simm.s32 $0x400;
	[sflag:s30] =	ssyncadd.s32 $0xFFFFD800  }
.LBB2_5:
0x74: {  	p0 =	sne.s32 s11, $0x9C00;
	v0 =	vld [tilespmem:s8+$0xEFF0]  }
0x75: {  	v1 =	vld [tilespmem:s8+$0xEF00]  }
0x76: {  	v2 =	vld [tilespmem:s8+$0xEF10]  }
0x77: {  	v3 =	vld [tilespmem:s8+$0xEF20]  }
0x78: {  	v4 =	vld [tilespmem:s8+$0xEF30]  }
0x79: {  	[tilespmem:s8+$0x77F0] =	vst.add.f32.msk $0xffff, v0  }
0x7a: {  	v0 =	vld [tilespmem:s8+$0xEF40]  }
0x7b: {  	v5 =	vld [tilespmem:s8+$0xEF50]  }
0x7c: {  	v6 =	vld [tilespmem:s8+$0xEF60]  }
0x7d: {  	v7 =	vld [tilespmem:s8+$0xEF70]  }
0x7e: {  	v8 =	vld [tilespmem:s8+$0xEF80]  }
0x7f: {  	v9 =	vld [tilespmem:s8+$0xEF90]  }
0x80: {  	v10 =	vld [tilespmem:s8+$0xEFA0]  }
0x81: {  	v11 =	vld [tilespmem:s8+$0xEFB0]  }
0x82: {  	v12 =	vld [tilespmem:s8+$0xEFC0]  }
0x83: {  	v13 =	vld [tilespmem:s8+$0xEFD0]  }
0x84: {  	v14 =	vld [tilespmem:s8+$0xEFE0]  }
0x85: {  	[tilespmem:s8+$0x7700] =	vst.add.f32.msk $0xffff, v1  }
0x86: {  	[tilespmem:s8+$0x7710] =	vst.add.f32.msk $0xffff, v2  }
0x87: {  	[tilespmem:s8+$0x7720] =	vst.add.f32.msk $0xffff, v3  }
0x88: {  	[tilespmem:s8+$0x7730] =	vst.add.f32.msk $0xffff, v4  }
0x89: {  	[tilespmem:s8+$0x7740] =	vst.add.f32.msk $0xffff, v0  }
0x8a: {  	[tilespmem:s8+$0x7750] =	vst.add.f32.msk $0xffff, v5  }
0x8b: {  	[tilespmem:s8+$0x7760] =	vst.add.f32.msk $0xffff, v6  }
0x8c: {  	[tilespmem:s8+$0x7770] =	vst.add.f32.msk $0xffff, v7  }
0x8d: {  	[tilespmem:s8+$0x7780] =	vst.add.f32.msk $0xffff, v8  }
0x8e: {  	[tilespmem:s8+$0x7790] =	vst.add.f32.msk $0xffff, v9  }
.Ltmp1:
0x8f: {  	[tilespmem:s8+$0x77A0] =	vst.add.f32.msk $0xffff, v10;
	(pc) =	sbr.rel @p0 .LBB2_5-.Ltmp1, $4  }
0x90: {  	[tilespmem:s8+$0x77B0] =	vst.add.f32.msk $0xffff, v11  }
0x91: {  	[tilespmem:s8+$0x77C0] =	vst.add.f32.msk $0xffff, v12  }
0x92: {  	[tilespmem:s8+$0x77D0] =	vst.add.f32.msk $0xffff, v13  }
0x93: {  	[tilespmem:s8+$0x77E0] =	vst.add.f32.msk $0xffff, v14;
	s8 =	sshra.s32 s11, $0x2;
	s11 =	sadd.s32 $0x400, s11  }
0x94: {  	v0 =	vld [tilespmem:s8+$0xEFF0]  }
0x95: {  	v1 =	vld [tilespmem:s8+$0xEF00]  }
0x96: {  	v2 =	vld [tilespmem:s8+$0xEF10]  }
0x97: {  	v3 =	vld [tilespmem:s8+$0xEF20]  }
0x98: {  	v4 =	vld [tilespmem:s8+$0xEF30]  }
0x99: {  	v63 =	vld [tilespmem:s8+$0xEF40]  }
0x9a: {  	v5 =	vld [tilespmem:s8+$0xEF50]  }
0x9b: {  	v6 =	vld [tilespmem:s8+$0xEF60]  }
0x9c: {  	v7 =	vld [tilespmem:s8+$0xEF70]  }
0x9d: {  	v8 =	vld [tilespmem:s8+$0xEF80]  }
0x9e: {  	v9 =	vld [tilespmem:s8+$0xEF90]  }
0x9f: {  	v10 =	vld [tilespmem:s8+$0xEFA0]  }
0xa0: {  	v11 =	vld [tilespmem:s8+$0xEFB0]  }
0xa1: {  	v12 =	vld [tilespmem:s8+$0xEFC0]  }
0xa2: {  	v13 =	vld [tilespmem:s8+$0xEFD0]  }
0xa3: {  	v14 =	vld [tilespmem:s8+$0xEFE0]  }
0xa4: {  	[tilespmem:s8+$0x77F0] =	vst.add.f32.msk $0xffff, v0  }
0xa5: {  	[tilespmem:s8+$0x7700] =	vst.add.f32.msk $0xffff, v1  }
0xa6: {  	[tilespmem:s8+$0x7710] =	vst.add.f32.msk $0xffff, v2  }
0xa7: {  	[tilespmem:s8+$0x7720] =	vst.add.f32.msk $0xffff, v3  }
0xa8: {  	[tilespmem:s8+$0x7730] =	vst.add.f32.msk $0xffff, v4  }
0xa9: {  	[tilespmem:s8+$0x7740] =	vst.add.f32.msk $0xffff, v63  }
0xaa: {  	[tilespmem:s8+$0x7750] =	vst.add.f32.msk $0xffff, v5  }
0xab: {  	[tilespmem:s8+$0x7760] =	vst.add.f32.msk $0xffff, v6  }
0xac: {  	[tilespmem:s8+$0x7770] =	vst.add.f32.msk $0xffff, v7  }
0xad: {  	[tilespmem:s8+$0x7780] =	vst.add.f32.msk $0xffff, v8  }
0xae: {  	[tilespmem:s8+$0x7790] =	vst.add.f32.msk $0xffff, v9  }
0xaf: {  	[tilespmem:s8+$0x77A0] =	vst.add.f32.msk $0xffff, v10  }
0xb0: {  	[tilespmem:s8+$0x77B0] =	vst.add.f32.msk $0xffff, v11  }
0xb1: {  	s11 =	sadd.s32 s7, s9;
	[tilespmem:s8+$0x77C0] =	vst.add.f32.msk $0xffff, v12  }
0xb2: {  	s11 =	sshll.u32 s11, $0x4;
	[tilespmem:s8+$0x77D0] =	vst.add.f32.msk $0xffff, v13  }
0xb3: {  	[tilespmem:s8+$0x77E0] =	vst.add.f32.msk $0xffff, v14;
	s8 =	sadd.s32 s6, s11;
	s11 =	simm.s32 $0x0  }
0xb4: {  	[hbm4b:s8+s11] =	stream.linear.scatter [tilespmem:s19], [sflag:$0x8], $0x2800, $0x38;
	[tilespmem:$0x13F00] =	vst v63  }
0xb5: {  	_ =	swait.ge [sflag:s31], $0x2800  }
0xb6: {  	[sflag:s31] =	ssyncset.done $0x0  }
0xb7: {  	[sflag:s31] =	ssyncadd.s32 $0xFFFFD800  }
0xb8: {  	_ =	swait.ge [sflag:s1], $0x2800  }
0xb9: {  	[sflag:s1] =	ssyncset.done $0x0  }
0xba: {  	s8 =	simm.s32 $0x0;
	s11 =	simm.s32 $0x400;
	[sflag:s1] =	ssyncadd.s32 $0xFFFFD800  }
.LBB2_7:
0xbb: {  	p0 =	sne.s32 s11, $0x9C00;
	v0 =	vld [tilespmem:s8+$0x117F0]  }
0xbc: {  	v1 =	vld [tilespmem:s8+$0x11700]  }
0xbd: {  	v2 =	vld [tilespmem:s8+$0x11710]  }
0xbe: {  	v3 =	vld [tilespmem:s8+$0x11720]  }
0xbf: {  	v4 =	vld [tilespmem:s8+$0x11730]  }
0xc0: {  	[tilespmem:s8+$0x9FF0] =	vst.add.f32.msk $0xffff, v0  }
0xc1: {  	v0 =	vld [tilespmem:s8+$0x11740]  }
0xc2: {  	v5 =	vld [tilespmem:s8+$0x11750]  }
0xc3: {  	v6 =	vld [tilespmem:s8+$0x11760]  }
0xc4: {  	v7 =	vld [tilespmem:s8+$0x11770]  }
0xc5: {  	v8 =	vld [tilespmem:s8+$0x11780]  }
0xc6: {  	v9 =	vld [tilespmem:s8+$0x11790]  }
0xc7: {  	v10 =	vld [tilespmem:s8+$0x117A0]  }
0xc8: {  	v11 =	vld [tilespmem:s8+$0x117B0]  }
0xc9: {  	v12 =	vld [tilespmem:s8+$0x117C0]  }
0xca: {  	v13 =	vld [tilespmem:s8+$0x117D0]  }
0xcb: {  	v14 =	vld [tilespmem:s8+$0x117E0]  }
0xcc: {  	[tilespmem:s8+$0x9F00] =	vst.add.f32.msk $0xffff, v1  }
0xcd: {  	[tilespmem:s8+$0x9F10] =	vst.add.f32.msk $0xffff, v2  }
0xce: {  	[tilespmem:s8+$0x9F20] =	vst.add.f32.msk $0xffff, v3  }
0xcf: {  	[tilespmem:s8+$0x9F30] =	vst.add.f32.msk $0xffff, v4  }
0xd0: {  	[tilespmem:s8+$0x9F40] =	vst.add.f32.msk $0xffff, v0  }
0xd1: {  	[tilespmem:s8+$0x9F50] =	vst.add.f32.msk $0xffff, v5  }
0xd2: {  	[tilespmem:s8+$0x9F60] =	vst.add.f32.msk $0xffff, v6  }
0xd3: {  	[tilespmem:s8+$0x9F70] =	vst.add.f32.msk $0xffff, v7  }
0xd4: {  	[tilespmem:s8+$0x9F80] =	vst.add.f32.msk $0xffff, v8  }
0xd5: {  	[tilespmem:s8+$0x9F90] =	vst.add.f32.msk $0xffff, v9  }
.Ltmp2:
0xd6: {  	[tilespmem:s8+$0x9FA0] =	vst.add.f32.msk $0xffff, v10;
	(pc) =	sbr.rel @p0 .LBB2_7-.Ltmp2, $4  }
0xd7: {  	[tilespmem:s8+$0x9FB0] =	vst.add.f32.msk $0xffff, v11  }
0xd8: {  	[tilespmem:s8+$0x9FC0] =	vst.add.f32.msk $0xffff, v12  }
0xd9: {  	[tilespmem:s8+$0x9FD0] =	vst.add.f32.msk $0xffff, v13  }
0xda: {  	[tilespmem:s8+$0x9FE0] =	vst.add.f32.msk $0xffff, v14;
	s8 =	sshra.s32 s11, $0x2;
	s11 =	sadd.s32 $0x400, s11  }
0xdb: {  	v0 =	vld [tilespmem:s8+$0x117F0]  }
0xdc: {  	v1 =	vld [tilespmem:s8+$0x11700]  }
0xdd: {  	v2 =	vld [tilespmem:s8+$0x11710]  }
0xde: {  	v3 =	vld [tilespmem:s8+$0x11720]  }
0xdf: {  	v4 =	vld [tilespmem:s8+$0x11730]  }
0xe0: {  	v63 =	vld [tilespmem:s8+$0x11740]  }
0xe1: {  	v5 =	vld [tilespmem:s8+$0x11750]  }
0xe2: {  	v6 =	vld [tilespmem:s8+$0x11760]  }
0xe3: {  	v7 =	vld [tilespmem:s8+$0x11770]  }
0xe4: {  	v8 =	vld [tilespmem:s8+$0x11780]  }
0xe5: {  	v9 =	vld [tilespmem:s8+$0x11790]  }
0xe6: {  	v10 =	vld [tilespmem:s8+$0x117A0]  }
0xe7: {  	v11 =	vld [tilespmem:s8+$0x117B0]  }
0xe8: {  	v12 =	vld [tilespmem:s8+$0x117C0]  }
0xe9: {  	v13 =	vld [tilespmem:s8+$0x117D0]  }
0xea: {  	v14 =	vld [tilespmem:s8+$0x117E0]  }
0xeb: {  	[tilespmem:s8+$0x9FF0] =	vst.add.f32.msk $0xffff, v0  }
0xec: {  	[tilespmem:s8+$0x9F00] =	vst.add.f32.msk $0xffff, v1  }
0xed: {  	[tilespmem:s8+$0x9F10] =	vst.add.f32.msk $0xffff, v2  }
0xee: {  	[tilespmem:s8+$0x9F20] =	vst.add.f32.msk $0xffff, v3  }
0xef: {  	[tilespmem:s8+$0x9F30] =	vst.add.f32.msk $0xffff, v4  }
0xf0: {  	[tilespmem:s8+$0x9F40] =	vst.add.f32.msk $0xffff, v63  }
0xf1: {  	[tilespmem:s8+$0x9F50] =	vst.add.f32.msk $0xffff, v5  }
0xf2: {  	[tilespmem:s8+$0x9F60] =	vst.add.f32.msk $0xffff, v6  }
0xf3: {  	[tilespmem:s8+$0x9F70] =	vst.add.f32.msk $0xffff, v7  }
0xf4: {  	[tilespmem:s8+$0x9F80] =	vst.add.f32.msk $0xffff, v8  }
0xf5: {  	[tilespmem:s8+$0x9F90] =	vst.add.f32.msk $0xffff, v9  }
0xf6: {  	[tilespmem:s8+$0x9FA0] =	vst.add.f32.msk $0xffff, v10  }
0xf7: {  	[tilespmem:s8+$0x9FB0] =	vst.add.f32.msk $0xffff, v11  }
0xf8: {  	s11 =	sadd.s32 s7, s10;
	[tilespmem:s8+$0x9FC0] =	vst.add.f32.msk $0xffff, v12  }
0xf9: {  	s11 =	sshll.u32 s11, $0x4;
	[tilespmem:s8+$0x9FD0] =	vst.add.f32.msk $0xffff, v13  }
0xfa: {  	s11 =	sadd.s32 s6, s11;
	[tilespmem:s8+$0x9FE0] =	vst.add.f32.msk $0xffff, v14  }
0xfb: {  	[hbm4b:s11+s3] =	stream.linear.scatter [tilespmem:s23], [sflag:$0x9], $0x2800, $0x38;
	[tilespmem:$0x13F00] =	vst v63  }
0xfc: {  	_ =	swait.ge [sflag:s0], $0x2800  }
0xfd: {  	[sflag:s0] =	ssyncset.done $0x0  }
0xfe: {  	s11 =	sadd.s32 $0xF0, s7;
	[sflag:s0] =	ssyncadd.s32 $0xFFFFD800  }
0xff: {  	[tilespmem:s17], [sflag:$0x1] =	stream.indirect.gather [hbm4b:s2+s16], $0x80, s11, s16, $0xb8;
	[tilespmem:$0x13F00] =	vst v63  }
0x100: {  	s11 =	sadd.s32 $0x2870, s7  }
0x101: {  	[tilespmem:s18], [sflag:$0x4] =	stream.indirect.gather [hbm4b:s5+s16], $0x80, s11, s16, $0xb8;
	[tilespmem:$0x13F00] =	vst v63  }
0x102: {  	_ =	swait.ge [sflag:s20], $0x2800  }
0x103: {  	[sflag:s20] =	ssyncset.done $0x0  }
0x104: {  	p0 =	seq.s32 s15, $0x28;
	s11 =	sadd.s32 $0x140, s7;
	[sflag:s20] =	ssyncadd.s32 $0xFFFFD800  }
0x105: {  	[tilespmem:s19], [sflag:$0x2] =	stream.indirect.gather [hbm4b:s2+s16], $0x80, s11, s16, $0xb8;
	[tilespmem:$0x13F00] =	vst v63  }
.Ltmp3:
0x106: {  	s11 =	sadd.s32 $0x28C0, s7;
	(pc) =	sbr.rel @p0 .LBB2_10-.Ltmp3, $4  }
0x107: {  	[tilespmem:s21], [sflag:$0x5] =	stream.indirect.gather [hbm4b:s5+s16], $0x80, s11, s16, $0xb8;
	[tilespmem:$0x13F00] =	vst v63  }
0x108: {  	_ =	swait.ge [sflag:s22], $0x2800  }
0x109: {  	[sflag:s22] =	ssyncset.done $0x0  }
0x10a: {  	[sflag:s22] =	ssyncadd.s32 $0xFFFFD800  }
.Ltmp4:
0x10b: {  	(pc) =	sbr.rel .LBB2_2-.Ltmp4, $4  }
0x10c: {  	s8 =	sadd.s32 $0x190, s7  }
0x10d: {  	[tilespmem:s23], [sflag:$0x3] =	stream.indirect.gather [hbm4b:s2+s16], $0x80, s8, s16, $0xb8;
	[tilespmem:$0x13F00] =	vst v63  }
0x10e: {  	s11 =	sadd.s32 $0x2910, s7;
	s15 =	sadd.s32 $0x1, s15  }
0x10f: {  	[tilespmem:s25], [sflag:$0x6] =	stream.indirect.gather [hbm4b:s5+s16], $0x80, s11, s16, $0xb8;
	[tilespmem:$0x13F00] =	vst v63  }
.LBB2_10:
0x110: {  	_ =	swait.ge [sflag:s26], $0x2800  }
0x111: {  	[sflag:s26] =	ssyncset.done $0x0  }
0x112: {  	[sflag:s26] =	ssyncadd.s32 $0xFFFFD800  }
0x113: {  	_ =	swait.ge [sflag:s28], $0x2800  }
0x114: {  	[sflag:s28] =	ssyncset.done $0x0  }
0x115: {  	s7 =	simm.s32 $0x0;
	s8 =	simm.s32 $0x400;
	[sflag:s28] =	ssyncadd.s32 $0xFFFFD800  }
.LBB2_11:
0x116: {  	p0 =	sne.s32 s8, $0x9C00;
	v0 =	vld [tilespmem:s7+$0xC7F0]  }
0x117: {  	v1 =	vld [tilespmem:s7+$0xC700]  }
0x118: {  	v2 =	vld [tilespmem:s7+$0xC710]  }
0x119: {  	v3 =	vld [tilespmem:s7+$0xC720]  }
0x11a: {  	v4 =	vld [tilespmem:s7+$0xC730]  }
0x11b: {  	[tilespmem:s7+$0x4FF0] =	vst.add.f32.msk $0xffff, v0  }
0x11c: {  	v0 =	vld [tilespmem:s7+$0xC740]  }
0x11d: {  	v5 =	vld [tilespmem:s7+$0xC750]  }
0x11e: {  	v6 =	vld [tilespmem:s7+$0xC760]  }
0x11f: {  	v7 =	vld [tilespmem:s7+$0xC770]  }
0x120: {  	v8 =	vld [tilespmem:s7+$0xC780]  }
0x121: {  	v9 =	vld [tilespmem:s7+$0xC790]  }
0x122: {  	v10 =	vld [tilespmem:s7+$0xC7A0]  }
0x123: {  	v11 =	vld [tilespmem:s7+$0xC7B0]  }
0x124: {  	v12 =	vld [tilespmem:s7+$0xC7C0]  }
0x125: {  	v13 =	vld [tilespmem:s7+$0xC7D0]  }
0x126: {  	v14 =	vld [tilespmem:s7+$0xC7E0]  }
0x127: {  	[tilespmem:s7+$0x4F00] =	vst.add.f32.msk $0xffff, v1  }
0x128: {  	[tilespmem:s7+$0x4F10] =	vst.add.f32.msk $0xffff, v2  }
0x129: {  	[tilespmem:s7+$0x4F20] =	vst.add.f32.msk $0xffff, v3  }
0x12a: {  	[tilespmem:s7+$0x4F30] =	vst.add.f32.msk $0xffff, v4  }
0x12b: {  	[tilespmem:s7+$0x4F40] =	vst.add.f32.msk $0xffff, v0  }
0x12c: {  	[tilespmem:s7+$0x4F50] =	vst.add.f32.msk $0xffff, v5  }
0x12d: {  	[tilespmem:s7+$0x4F60] =	vst.add.f32.msk $0xffff, v6  }
0x12e: {  	[tilespmem:s7+$0x4F70] =	vst.add.f32.msk $0xffff, v7  }
0x12f: {  	[tilespmem:s7+$0x4F80] =	vst.add.f32.msk $0xffff, v8  }
0x130: {  	[tilespmem:s7+$0x4F90] =	vst.add.f32.msk $0xffff, v9  }
.Ltmp5:
0x131: {  	[tilespmem:s7+$0x4FA0] =	vst.add.f32.msk $0xffff, v10;
	(pc) =	sbr.rel @p0 .LBB2_11-.Ltmp5, $4  }
0x132: {  	[tilespmem:s7+$0x4FB0] =	vst.add.f32.msk $0xffff, v11  }
0x133: {  	[tilespmem:s7+$0x4FC0] =	vst.add.f32.msk $0xffff, v12  }
0x134: {  	[tilespmem:s7+$0x4FD0] =	vst.add.f32.msk $0xffff, v13  }
0x135: {  	[tilespmem:s7+$0x4FE0] =	vst.add.f32.msk $0xffff, v14;
	s7 =	sshra.s32 s8, $0x2;
	s8 =	sadd.s32 $0x400, s8  }
0x136: {  	v0 =	vld [tilespmem:s7+$0xC7F0]  }
0x137: {  	v1 =	vld [tilespmem:s7+$0xC700]  }
0x138: {  	v2 =	vld [tilespmem:s7+$0xC710]  }
0x139: {  	v3 =	vld [tilespmem:s7+$0xC720]  }
0x13a: {  	v4 =	vld [tilespmem:s7+$0xC730]  }
0x13b: {  	v63 =	vld [tilespmem:s7+$0xC740]  }
0x13c: {  	v5 =	vld [tilespmem:s7+$0xC750]  }
0x13d: {  	v6 =	vld [tilespmem:s7+$0xC760]  }
0x13e: {  	v7 =	vld [tilespmem:s7+$0xC770]  }
0x13f: {  	v8 =	vld [tilespmem:s7+$0xC780]  }
0x140: {  	v9 =	vld [tilespmem:s7+$0xC790]  }
0x141: {  	v10 =	vld [tilespmem:s7+$0xC7A0]  }
0x142: {  	v11 =	vld [tilespmem:s7+$0xC7B0]  }
0x143: {  	v12 =	vld [tilespmem:s7+$0xC7C0]  }
0x144: {  	v13 =	vld [tilespmem:s7+$0xC7D0]  }
0x145: {  	v14 =	vld [tilespmem:s7+$0xC7E0]  }
0x146: {  	[tilespmem:s7+$0x4FF0] =	vst.add.f32.msk $0xffff, v0  }
0x147: {  	[tilespmem:s7+$0x4F00] =	vst.add.f32.msk $0xffff, v1  }
0x148: {  	[tilespmem:s7+$0x4F10] =	vst.add.f32.msk $0xffff, v2  }
0x149: {  	[tilespmem:s7+$0x4F20] =	vst.add.f32.msk $0xffff, v3  }
0x14a: {  	[tilespmem:s7+$0x4F30] =	vst.add.f32.msk $0xffff, v4  }
0x14b: {  	[tilespmem:s7+$0x4F40] =	vst.add.f32.msk $0xffff, v63  }
0x14c: {  	[tilespmem:s7+$0x4F50] =	vst.add.f32.msk $0xffff, v5  }
0x14d: {  	[tilespmem:s7+$0x4F60] =	vst.add.f32.msk $0xffff, v6  }
0x14e: {  	[tilespmem:s7+$0x4F70] =	vst.add.f32.msk $0xffff, v7  }
0x14f: {  	[tilespmem:s7+$0x4F80] =	vst.add.f32.msk $0xffff, v8  }
0x150: {  	[tilespmem:s7+$0x4F90] =	vst.add.f32.msk $0xffff, v9  }
0x151: {  	[tilespmem:s7+$0x4FA0] =	vst.add.f32.msk $0xffff, v10  }
0x152: {  	[tilespmem:s7+$0x4FB0] =	vst.add.f32.msk $0xffff, v11  }
0x153: {  	[tilespmem:s7+$0x4FC0] =	vst.add.f32.msk $0xffff, v12  }
0x154: {  	[tilespmem:s7+$0x4FD0] =	vst.add.f32.msk $0xffff, v13  }
0x155: {  	s15 =	simm.s32 $0x0;
	s8 =	rddreg [dreg:$0x5];
	[tilespmem:s7+$0x4FE0] =	vst.add.f32.msk $0xffff, v14  }
0x156: {  	[hbm4b:s8+s15] =	stream.linear.scatter [tilespmem:s17], [sflag:$0x7], $0x2800, $0x38;
	[tilespmem:$0x13F00] =	vst v63  }
0x157: {  	_ =	swait.ge [sflag:s29], $0x2800  }
0x158: {  	[sflag:s29] =	ssyncset.done $0x0  }
0x159: {  	[sflag:s29] =	ssyncadd.s32 $0xFFFFD800  }
0x15a: {  	_ =	swait.ge [sflag:s30], $0x2800  }
0x15b: {  	[sflag:s30] =	ssyncset.done $0x0  }
0x15c: {  	s7 =	simm.s32 $0x0;
	s8 =	simm.s32 $0x400;
	[sflag:s30] =	ssyncadd.s32 $0xFFFFD800  }
.LBB2_13:
0x15d: {  	p0 =	sne.s32 s8, $0x9C00;
	v0 =	vld [tilespmem:s7+$0xEFF0]  }
0x15e: {  	v1 =	vld [tilespmem:s7+$0xEF00]  }
0x15f: {  	v2 =	vld [tilespmem:s7+$0xEF10]  }
0x160: {  	v3 =	vld [tilespmem:s7+$0xEF20]  }
0x161: {  	v4 =	vld [tilespmem:s7+$0xEF30]  }
0x162: {  	[tilespmem:s7+$0x77F0] =	vst.add.f32.msk $0xffff, v0  }
0x163: {  	v0 =	vld [tilespmem:s7+$0xEF40]  }
0x164: {  	v5 =	vld [tilespmem:s7+$0xEF50]  }
0x165: {  	v6 =	vld [tilespmem:s7+$0xEF60]  }
0x166: {  	v7 =	vld [tilespmem:s7+$0xEF70]  }
0x167: {  	v8 =	vld [tilespmem:s7+$0xEF80]  }
0x168: {  	v9 =	vld [tilespmem:s7+$0xEF90]  }
0x169: {  	v10 =	vld [tilespmem:s7+$0xEFA0]  }
0x16a: {  	v11 =	vld [tilespmem:s7+$0xEFB0]  }
0x16b: {  	v12 =	vld [tilespmem:s7+$0xEFC0]  }
0x16c: {  	v13 =	vld [tilespmem:s7+$0xEFD0]  }
0x16d: {  	v14 =	vld [tilespmem:s7+$0xEFE0]  }
0x16e: {  	[tilespmem:s7+$0x7700] =	vst.add.f32.msk $0xffff, v1  }
0x16f: {  	[tilespmem:s7+$0x7710] =	vst.add.f32.msk $0xffff, v2  }
0x170: {  	[tilespmem:s7+$0x7720] =	vst.add.f32.msk $0xffff, v3  }
0x171: {  	[tilespmem:s7+$0x7730] =	vst.add.f32.msk $0xffff, v4  }
0x172: {  	[tilespmem:s7+$0x7740] =	vst.add.f32.msk $0xffff, v0  }
0x173: {  	[tilespmem:s7+$0x7750] =	vst.add.f32.msk $0xffff, v5  }
0x174: {  	[tilespmem:s7+$0x7760] =	vst.add.f32.msk $0xffff, v6  }
0x175: {  	[tilespmem:s7+$0x7770] =	vst.add.f32.msk $0xffff, v7  }
0x176: {  	[tilespmem:s7+$0x7780] =	vst.add.f32.msk $0xffff, v8  }
0x177: {  	[tilespmem:s7+$0x7790] =	vst.add.f32.msk $0xffff, v9  }
.Ltmp6:
0x178: {  	[tilespmem:s7+$0x77A0] =	vst.add.f32.msk $0xffff, v10;
	(pc) =	sbr.rel @p0 .LBB2_13-.Ltmp6, $4  }
0x179: {  	[tilespmem:s7+$0x77B0] =	vst.add.f32.msk $0xffff, v11  }
0x17a: {  	[tilespmem:s7+$0x77C0] =	vst.add.f32.msk $0xffff, v12  }
0x17b: {  	[tilespmem:s7+$0x77D0] =	vst.add.f32.msk $0xffff, v13  }
0x17c: {  	[tilespmem:s7+$0x77E0] =	vst.add.f32.msk $0xffff, v14;
	s7 =	sshra.s32 s8, $0x2;
	s8 =	sadd.s32 $0x400, s8  }
0x17d: {  	v0 =	vld [tilespmem:s7+$0xEFF0]  }
0x17e: {  	v1 =	vld [tilespmem:s7+$0xEF00]  }
0x17f: {  	v2 =	vld [tilespmem:s7+$0xEF10]  }
0x180: {  	v3 =	vld [tilespmem:s7+$0xEF20]  }
0x181: {  	v4 =	vld [tilespmem:s7+$0xEF30]  }
0x182: {  	v63 =	vld [tilespmem:s7+$0xEF40]  }
0x183: {  	v5 =	vld [tilespmem:s7+$0xEF50]  }
0x184: {  	v6 =	vld [tilespmem:s7+$0xEF60]  }
0x185: {  	v7 =	vld [tilespmem:s7+$0xEF70]  }
0x186: {  	v8 =	vld [tilespmem:s7+$0xEF80]  }
0x187: {  	v9 =	vld [tilespmem:s7+$0xEF90]  }
0x188: {  	v10 =	vld [tilespmem:s7+$0xEFA0]  }
0x189: {  	v11 =	vld [tilespmem:s7+$0xEFB0]  }
0x18a: {  	v12 =	vld [tilespmem:s7+$0xEFC0]  }
0x18b: {  	v13 =	vld [tilespmem:s7+$0xEFD0]  }
0x18c: {  	v14 =	vld [tilespmem:s7+$0xEFE0]  }
0x18d: {  	[tilespmem:s7+$0x77F0] =	vst.add.f32.msk $0xffff, v0  }
0x18e: {  	[tilespmem:s7+$0x7700] =	vst.add.f32.msk $0xffff, v1  }
0x18f: {  	[tilespmem:s7+$0x7710] =	vst.add.f32.msk $0xffff, v2  }
0x190: {  	[tilespmem:s7+$0x7720] =	vst.add.f32.msk $0xffff, v3  }
0x191: {  	[tilespmem:s7+$0x7730] =	vst.add.f32.msk $0xffff, v4  }
0x192: {  	[tilespmem:s7+$0x7740] =	vst.add.f32.msk $0xffff, v63  }
0x193: {  	[tilespmem:s7+$0x7750] =	vst.add.f32.msk $0xffff, v5  }
0x194: {  	[tilespmem:s7+$0x7760] =	vst.add.f32.msk $0xffff, v6  }
0x195: {  	[tilespmem:s7+$0x7770] =	vst.add.f32.msk $0xffff, v7  }
0x196: {  	[tilespmem:s7+$0x7780] =	vst.add.f32.msk $0xffff, v8  }
0x197: {  	[tilespmem:s7+$0x7790] =	vst.add.f32.msk $0xffff, v9  }
0x198: {  	[tilespmem:s7+$0x77A0] =	vst.add.f32.msk $0xffff, v10  }
0x199: {  	[tilespmem:s7+$0x77B0] =	vst.add.f32.msk $0xffff, v11  }
0x19a: {  	[tilespmem:s7+$0x77C0] =	vst.add.f32.msk $0xffff, v12  }
0x19b: {  	[tilespmem:s7+$0x77D0] =	vst.add.f32.msk $0xffff, v13  }
0x19c: {  	s24 =	sadd.s32 $0x1, s24;
	[tilespmem:s7+$0x77E0] =	vst.add.f32.msk $0xffff, v14  }
0x19d: {  	[hbm4b:s12+s3] =	stream.linear.scatter [tilespmem:s19], [sflag:$0x8], $0x2800, $0x38;
	[tilespmem:$0x13F00] =	vst v63  }
0x19e: {  	p0 =	sne.s32 s24, s13;
	_ =	swait.ge [sflag:s0], $0x2800  }
.Ltmp7:
0x19f: {  	[sflag:s0] =	ssyncset.done $0x0;
	(pc) =	sbr.rel @p0 .LBB2_1-.Ltmp7, $4  }
0x1a0: {  	[sflag:s0] =	ssyncadd.s32 $0xFFFFD800  }
0x1a1: {  	_ =	swait.ge [sflag:s20], $0x2800  }
0x1a2: {  	[sflag:s20] =	ssyncset.done $0x0  }
0x1a3: {  	[sflag:s20] =	ssyncadd.s32 $0xFFFFD800  }
0x1a4: {  	_ =	sfence.sel $0x180000  }
0x1a5: {  	[bflag:$0x0] =	sbarrier.arrive $0xFFFF  }
0x1a6: {  	_ =	strace $0x90000047  }
0x1a7: {  	s0 =	stileid.u32;
	[bflag:$0x2] =	sbarrier.arrive $0xFFFF  }
0x1a8: {  	p0 =	sne.s32 s0, $0x0;
	s0 =	rddreg [dreg:$0x2]  }
0x1a9: {  	s0 =	sadd.s32 @!p0 $0x100000, s0  }
0x1aa: {  	[sflag:s0] =	ssyncadd.tile.s32 @!p0 $0x1;
	_ =	shalt  }
.Lfunc_end2:
_tile_overlayer_lowered:
.L_overlay_start_2:
0x1ab: {  	(tag) =	ssettag $0x2  }
0x1ac: {  	s0 =	rddreg [dreg:$0x0];
	s2 =	stileid.u32  }
0x1ad: {  	s1 =	rddreg [dreg:$0x1];
	p0 =	sne.s32 s2, $0x0  }
0x1ae: {  	s3 =	rddreg [dreg:$0x2];
	[bflag:$0x3] =	sbarrier.arrive $0xFFFF;
	s2 =	simm.s32 @!p0 $0x1C0A  }
0x1af: {  	[timem:s3], [sflag:s2] =	dma.local @!p0 [hbm:s0], s1  }
0x1b0: {  	s0 =	simm.s32 @!p0 $0xA  }
0x1b1: {  	_ =	swait.ge @!p0 [sflag:s0], s1  }
0x1b2: {  	s1 =	ssub.s32 @!p0 $0x0, s1;
	[sflag:s0] =	ssyncset.done @!p0 $0x0  }
0x1b3: {  	[sflag:s0] =	ssyncadd.s32 @!p0 s1  }
0x1b4: {  	[bflag:$0x3] =	sbarrier.arrive $0xFFFF  }
0x1b5: {  	_ =	shalt  }

</sc_bundles>
